<compile_context>
chip_gen: v7x
topology: tpu7x:2x2x1
jax: 0.10.2.dev20260603
libtpu: 0.0.44.dev20260713+nightly
codegen_flags: <defaults>
</compile_context>

<pallas_src>
import functools

import jax
import jax.numpy as jnp
from jax import lax
from jax.experimental import pallas as pl
from jax.experimental.pallas import tpu as pltpu
from jax.experimental.pallas import tpu_sc as plsc

N = 10000
E = 320000
D = 128
H = 4
DH = 32

NC = 2
NS = 16
L = 16
NW = NC * NS
C = 32
G = C // L
NPW = 316
NQ = NPW // 4
E_PAD = NW * NPW * C
E_IDX = NW * (NPW + 2) * C
NA = N + 8
SW = 16
RPT = 624
TAIL_OFF = RPT * NS
TAIL_Z = NA - TAIL_OFF
TAIL_D = N - TAIL_OFF

_MESH = plsc.VectorSubcoreMesh(
    core_axis_name="c", subcore_axis_name="s", num_cores=NC, num_subcores=NS
)



_PROJ_BN = 1000


def _proj_body(x_ref, wt_ref, b_ref, q_ref, k_ref, v_ref, r_ref):
    x = x_ref[...]
    hi = lax.Precision.HIGHEST
    q_ref[...] = jnp.dot(x, wt_ref[0], preferred_element_type=jnp.float32, precision=hi) + b_ref[0:1, :]
    k_ref[...] = jnp.dot(x, wt_ref[1], preferred_element_type=jnp.float32, precision=hi) + b_ref[1:2, :]
    v_ref[...] = jnp.dot(x, wt_ref[2], preferred_element_type=jnp.float32, precision=hi) + b_ref[2:3, :]
    r_ref[...] = jnp.dot(x, wt_ref[3], preferred_element_type=jnp.float32, precision=hi) + b_ref[3:4, :]


def _project(feat, wt, b):
    out = jax.ShapeDtypeStruct((N, D), jnp.float32)
    return pl.pallas_call(
        _proj_body,
        grid=(N // _PROJ_BN,),
        in_specs=[
            pl.BlockSpec((_PROJ_BN, D), lambda i: (i, 0)),
            pl.BlockSpec((4, D, D), lambda i: (0, 0, 0)),
            pl.BlockSpec((4, D), lambda i: (0, 0)),
        ],
        out_specs=[pl.BlockSpec((_PROJ_BN, D), lambda i: (i, 0))] * 4,
        out_shape=[out, out, out, out],
    )(feat, wt, b)



@functools.partial(
    pl.kernel,
    out_type=[
        jax.ShapeDtypeStruct((NC * N, SW), jnp.float32),
        jax.ShapeDtypeStruct((NC * N, D), jnp.float32),
    ],
    mesh=_MESH,
    compiler_params=pltpu.CompilerParams(
        needs_layout_passes=False, use_tc_tiling_on_sc=False),
    scratch_types=(
        [pltpu.VMEM((C,), jnp.int32) for _ in range(4)]
        + [pltpu.VMEM((C,), jnp.int32) for _ in range(4)]
        + [pltpu.VMEM((C, D), jnp.float32) for _ in range(2)]
        + [pltpu.VMEM((C, D), jnp.float32) for _ in range(2)]
        + [pltpu.VMEM((C, D), jnp.float32) for _ in range(2)]
        + [pltpu.VMEM((C, SW), jnp.float32) for _ in range(2)]
        + [
            pltpu.VMEM_SHARED((NA, SW), jnp.float32),
            pltpu.VMEM_SHARED((NA, D), jnp.float32),
        ]
        + [pltpu.SemaphoreType.DMA for _ in range(14)]
    ),
)
def _edge_pass(k_hbm, q_hbm, v_hbm, src_hbm, dst_hbm, zeros16_hbm, zeros128_hbm,
               spart_hbm, outp_hbm,
               s0, s1, s2, s3, d0, d1, d2, d3,
               kr0, kr1, qr0, qr1, vr0, vr1, eb0, eb1,
               s_acc, out_acc,
               si0, si1, si2, si3, gk0, gk1, gq0, gq1, gv0, gv1,
               ss0, ss1, sm0, sm1):
    cid = lax.axis_index("c")
    sid = lax.axis_index("s")
    wid = cid * NS + sid

    srcs = [s0, s1, s2, s3]
    dsts = [d0, d1, d2, d3]
    krs = [kr0, kr1]
    qrs = [qr0, qr1]
    vrs = [vr0, vr1]
    ebs = [eb0, eb1]
    sis = [si0, si1, si2, si3]
    gks = [gk0, gk1]
    gqs = [gq0, gq1]
    gvs = [gv0, gv1]
    sss = [ss0, ss1]
    sms = [sm0, sm1]

    pltpu.sync_copy(zeros16_hbm.at[pl.ds(sid * RPT, RPT)],
                    s_acc.at[pl.ds(sid * RPT, RPT)])
    pltpu.sync_copy(zeros128_hbm.at[pl.ds(sid * RPT, RPT)],
                    out_acc.at[pl.ds(sid * RPT, RPT)])
    pltpu.sync_copy(zeros16_hbm.at[pl.ds(0, C)], eb0)
    pltpu.sync_copy(zeros16_hbm.at[pl.ds(0, C)], eb1)

    @pl.when(sid == NS - 1)
    def _():
        pltpu.sync_copy(zeros16_hbm.at[pl.ds(TAIL_OFF, TAIL_Z)],
                        s_acc.at[pl.ds(TAIL_OFF, TAIL_Z)])
        pltpu.sync_copy(zeros128_hbm.at[pl.ds(TAIL_OFF, TAIL_Z)],
                        out_acc.at[pl.ds(TAIL_OFF, TAIL_Z)])

    plsc.subcore_barrier()

    lanes = lax.iota(jnp.int32, L)

    def fire_idx(j, b):
        base = (wid + NW * j) * C
        pltpu.async_copy(src_hbm.at[pl.ds(base, C)], srcs[b], sis[b])
        pltpu.async_copy(dst_hbm.at[pl.ds(base, C)], dsts[b], sis[b])

    def wait_idx(b):
        pltpu.make_async_copy(src_hbm.at[pl.ds(0, C)], srcs[b], sis[b]).wait()
        pltpu.make_async_copy(dst_hbm.at[pl.ds(0, C)], dsts[b], sis[b]).wait()

    def fire_gathers(ib, pb):
        pltpu.async_copy(k_hbm.at[srcs[ib]], krs[pb], gks[pb])
        pltpu.async_copy(q_hbm.at[dsts[ib]], qrs[pb], gqs[pb])
        pltpu.async_copy(v_hbm.at[srcs[ib]], vrs[pb], gvs[pb])

    def wait_gathers_kq(pb):
        pltpu.make_async_copy(k_hbm.at[srcs[0]], krs[pb], gks[pb]).wait()
        pltpu.make_async_copy(q_hbm.at[dsts[0]], qrs[pb], gqs[pb]).wait()

    def wait_gather_v(pb):
        pltpu.make_async_copy(v_hbm.at[srcs[0]], vrs[pb], gvs[pb]).wait()

    def fire_scatters(ib, pb):
        pltpu.async_copy(ebs[pb], s_acc.at[dsts[ib]], sss[pb], add=True)
        pltpu.async_copy(vrs[pb], out_acc.at[dsts[ib]], sms[pb], add=True)

    def wait_scatters(pb):
        pltpu.make_async_copy(ebs[pb], s_acc.at[dsts[0]], sss[pb]).wait()
        pltpu.make_async_copy(vrs[pb], out_acc.at[dsts[0]], sms[pb]).wait()

    def compute(pb):
        kr, qr, vr, eb = krs[pb], qrs[pb], vrs[pb], ebs[pb]

        @pl.loop(0, G)
        def _group(g):
            ev = g * L + lanes

            def sc_body(d, accs):
                rot = (d + lanes) & (DH - 1)
                out = []
                for h in range(H):
                    dv = rot + h * DH
                    kv = plsc.load_gather(kr, [ev, dv])
                    qv = plsc.load_gather(qr, [ev, dv])
                    out.append(accs[h] + kv * qv)
                return tuple(out)

            z = jnp.zeros((L,), jnp.float32)
            accs = pl.loop(0, DH, init_carry=(z, z, z, z), unroll=4)(sc_body)
            escs = [jnp.exp(a) for a in accs]
            for h in range(H):
                hv = jnp.full((L,), h, jnp.int32)
                plsc.store_scatter(eb, [ev, hv], escs[h])

            @pl.when(g == 0)
            def _():
                wait_gather_v(pb)

            @pl.loop(0, DH, unroll=4)
            def sv_body(d):
                rot = (d + lanes) & (DH - 1)
                for h in range(H):
                    dv = rot + h * DH
                    vv = plsc.load_gather(vr, [ev, dv])
                    plsc.store_scatter(vr, [ev, dv], vv * escs[h])

    fire_idx(0, 0)
    fire_idx(1, 1)
    wait_idx(0)
    fire_gathers(0, 0)

    @pl.loop(0, NQ)
    def _quad(qi):
        for q in range(4):
            j = qi * 4 + q
            pb = q % 2
            prev_pb = (q - 1) % 2
            if q == 0:
                @pl.when(j >= 1)
                def _():
                    wait_scatters(prev_pb)
            else:
                wait_scatters(prev_pb)
            wait_idx((q + 1) % 4)
            fire_gathers((q + 1) % 4, (q + 1) % 2)
            fire_idx(j + 2, (q + 2) % 4)
            wait_gathers_kq(pb)
            compute(pb)
            fire_scatters(q, pb)

    wait_scatters((NPW - 1) % 2)
    wait_gathers_kq(NPW % 2)
    wait_gather_v(NPW % 2)
    wait_idx((NPW + 1) % 4)

    plsc.subcore_barrier()
    pltpu.sync_copy(s_acc.at[pl.ds(sid * RPT, RPT)],
                    spart_hbm.at[pl.ds(cid * N + sid * RPT, RPT)])
    pltpu.sync_copy(out_acc.at[pl.ds(sid * RPT, RPT)],
                    outp_hbm.at[pl.ds(cid * N + sid * RPT, RPT)])

    @pl.when(sid == NS - 1)
    def _():
        pltpu.sync_copy(s_acc.at[pl.ds(TAIL_OFF, TAIL_D)],
                        spart_hbm.at[pl.ds(cid * N + TAIL_OFF, TAIL_D)])
        pltpu.sync_copy(out_acc.at[pl.ds(TAIL_OFF, TAIL_D)],
                        outp_hbm.at[pl.ds(cid * N + TAIL_OFF, TAIL_D)])



_FIN_BN = 1000


def _fin_body(p_ref, s_ref, e_ref, r_ref, o_ref):
    p = p_ref[0] + p_ref[1]
    s = s_ref[0, :, :H] + s_ref[1, :, :H]
    rs = jnp.where(s > 0.0, 1.0 / s, 0.0)
    rsx = jnp.dot(rs, e_ref[...], preferred_element_type=jnp.float32,
                  precision=lax.Precision.HIGHEST)
    o_ref[...] = p * rsx + r_ref[...]


def _finalize(outp, spart, expander, r):
    return pl.pallas_call(
        _fin_body,
        grid=(N // _FIN_BN,),
        in_specs=[
            pl.BlockSpec((NC, _FIN_BN, D), lambda i: (0, i, 0)),
            pl.BlockSpec((NC, _FIN_BN, SW), lambda i: (0, i, 0)),
            pl.BlockSpec((H, D), lambda i: (0, 0)),
            pl.BlockSpec((_FIN_BN, D), lambda i: (i, 0)),
        ],
        out_specs=pl.BlockSpec((_FIN_BN, D), lambda i: (i, 0)),
        out_shape=jax.ShapeDtypeStruct((N, D), jnp.float32),
    )(outp.reshape(NC, N, D), spart.reshape(NC, N, SW), expander, r)



@jax.jit
def kernel(feat, edge_index, Wq, bq, Wk, bk, Wv, bv, Ws, bs):
    wt = jnp.stack([
        Wq.reshape(D, D).T,
        Wk.reshape(D, D).T,
        Wv.reshape(D, D).T,
        Ws.T,
    ])
    b = jnp.stack([bq.reshape(D), bk.reshape(D), bv.reshape(D), bs])
    q, k, v, r = _project(feat, wt, b)
    q = jnp.concatenate([q, jnp.zeros((NA - N, D), jnp.float32)], axis=0)

    src = jnp.concatenate([edge_index[0], jnp.zeros((E_IDX - E,), jnp.int32)])
    dst = jnp.concatenate([
        edge_index[1],
        jnp.full((E_PAD - E,), N, jnp.int32),
        jnp.zeros((E_IDX - E_PAD,), jnp.int32),
    ])

    zeros16 = jnp.zeros((NA, SW), jnp.float32)
    zeros128 = jnp.zeros((NA, D), jnp.float32)
    expander = jnp.repeat(jnp.eye(H, dtype=jnp.float32), DH, axis=1)

    spart, outp = _edge_pass(k, q, v, src, dst, zeros16, zeros128)
    return _finalize(outp, spart, expander, r)

# --- scband reference (transcript-rebuilt; emitter-appended) ---
"""Pipeline reference for scband-transformer-22179211116711 (READ-ONLY COPY).

The authoritative reference and input builder live on the scoring server;
editing this copy changes nothing except your own understanding.
"""

import jax, jax.numpy as jnp
import numpy as np

N = 10000
E = 320000
D = 128
H = 4
DH = D // H


def setup_inputs(seed: int = 0) -> dict:
    key = jax.random.key(seed)
    ks = jax.random.split(key, 10)
    feat = jax.random.normal(ks[0], (N, D), dtype=jnp.float32)
    edge_index = jax.random.randint(ks[1], (2, E), 0, N, dtype=jnp.int32)
    # per-head projection weights (stacked over heads), xavier-like scale
    sc_qkv = float(np.sqrt(6.0 / (D + DH)))
    Wq = jax.random.uniform(ks[2], (H, DH, D), dtype=jnp.float32, minval=-sc_qkv, maxval=sc_qkv)
    Wk = jax.random.uniform(ks[3], (H, DH, D), dtype=jnp.float32, minval=-sc_qkv, maxval=sc_qkv)
    Wv = jax.random.uniform(ks[4], (H, DH, D), dtype=jnp.float32, minval=-sc_qkv, maxval=sc_qkv)
    bq = jnp.zeros((H, DH), dtype=jnp.float32)
    bk = jnp.zeros((H, DH), dtype=jnp.float32)
    bv = jnp.zeros((H, DH), dtype=jnp.float32)
    sc_s = float(np.sqrt(6.0 / (D + D)))
    Ws = jax.random.uniform(ks[5], (D, D), dtype=jnp.float32, minval=-sc_s, maxval=sc_s)
    bs = jnp.zeros((D,), dtype=jnp.float32)
    return {"feat": feat, "edge_index": edge_index, "Wq": Wq, "bq": bq, "Wk": Wk, "bk": bk, "Wv": Wv, "bv": bv, "Ws": Ws, "bs": bs}


def reference(feat, edge_index, Wq, bq, Wk, bk, Wv, bv, Ws, bs):
    src = edge_index[0]
    dst = edge_index[1]
    outs = []
    for i in range(H):
        q = feat @ Wq[i].T + bq[i]  # [N, DH] (dst features)
        k = feat @ Wk[i].T + bk[i]  # [N, DH] (src features)
        v = feat @ Wv[i].T + bv[i]  # [N, DH]
        # apply_edges u_mul_v then sum over feature dim -> per-edge score
        score = jnp.sum(k[src] * q[dst], axis=1)  # [E]
        # edge_softmax: normalize over incoming edges of each dst node
        m = jax.ops.segment_max(score, dst, num_segments=N)  # [N]
        m = jnp.where(jnp.isfinite(m), m, 0.0)
        e = jnp.exp(score - m[dst])
        s = jax.ops.segment_sum(e, dst, num_segments=N)  # [N]
        attn = e / s[dst]
        # update_all: u_mul_e then sum-aggregate at dst
        msg = v[src] * attn[:, None]  # [E, DH]
        h = jax.ops.segment_sum(msg, dst, num_segments=N)  # [N, DH]
        outs.append(h)
    rst = jnp.concatenate(outs, axis=-1)  # [N, D]
    # residual=True
    rst = rst + (feat @ Ws.T + bs)
    return rst

if __name__ == "__main__":
    import jax
    _d = setup_inputs()
    print(jax.jit(kernel)(*tuple(_d.values())))

</pallas_src>

<mosaic_0001>
#map = affine_map<(d0, d1) -> (0, 0)>
#map1 = affine_map<(d0, d1) -> (0)>
module attributes {stable_mosaic.version = 14 : i64} {
  func.func @_edge_pass(%arg0: i32, %arg1: i32, %arg2: memref<10000x128xf32, #tpu.memory_space<hbm>>, %arg3: memref<10008x128xf32, #tpu.memory_space<hbm>>, %arg4: memref<10000x128xf32, #tpu.memory_space<hbm>>, %arg5: memref<325632xi32, #tpu.memory_space<hbm>>, %arg6: memref<325632xi32, #tpu.memory_space<hbm>>, %arg7: memref<10008x16xf32, #tpu.memory_space<hbm>>, %arg8: memref<10008x128xf32, #tpu.memory_space<hbm>>, %arg9: memref<20000x16xf32, #tpu.memory_space<hbm>>, %arg10: memref<20000x128xf32, #tpu.memory_space<hbm>>, %arg11: memref<32xi32, #tpu.memory_space<vmem>>, %arg12: memref<32xi32, #tpu.memory_space<vmem>>, %arg13: memref<32xi32, #tpu.memory_space<vmem>>, %arg14: memref<32xi32, #tpu.memory_space<vmem>>, %arg15: memref<32xi32, #tpu.memory_space<vmem>>, %arg16: memref<32xi32, #tpu.memory_space<vmem>>, %arg17: memref<32xi32, #tpu.memory_space<vmem>>, %arg18: memref<32xi32, #tpu.memory_space<vmem>>, %arg19: memref<32x128xf32, #tpu.memory_space<vmem>>, %arg20: memref<32x128xf32, #tpu.memory_space<vmem>>, %arg21: memref<32x128xf32, #tpu.memory_space<vmem>>, %arg22: memref<32x128xf32, #tpu.memory_space<vmem>>, %arg23: memref<32x128xf32, #tpu.memory_space<vmem>>, %arg24: memref<32x128xf32, #tpu.memory_space<vmem>>, %arg25: memref<32x16xf32, #tpu.memory_space<vmem>>, %arg26: memref<32x16xf32, #tpu.memory_space<vmem>>, %arg27: memref<10008x16xf32, #tpu.memory_space<vmem_shared>>, %arg28: memref<10008x128xf32, #tpu.memory_space<vmem_shared>>, %arg29: memref<!tpu.dma_semaphore, #tpu.memory_space<semaphore_mem>>, %arg30: memref<!tpu.dma_semaphore, #tpu.memory_space<semaphore_mem>>, %arg31: memref<!tpu.dma_semaphore, #tpu.memory_space<semaphore_mem>>, %arg32: memref<!tpu.dma_semaphore, #tpu.memory_space<semaphore_mem>>, %arg33: memref<!tpu.dma_semaphore, #tpu.memory_space<semaphore_mem>>, %arg34: memref<!tpu.dma_semaphore, #tpu.memory_space<semaphore_mem>>, %arg35: memref<!tpu.dma_semaphore, #tpu.memory_space<semaphore_mem>>, %arg36: memref<!tpu.dma_semaphore, #tpu.memory_space<semaphore_mem>>, %arg37: memref<!tpu.dma_semaphore, #tpu.memory_space<semaphore_mem>>, %arg38: memref<!tpu.dma_semaphore, #tpu.memory_space<semaphore_mem>>, %arg39: memref<!tpu.dma_semaphore, #tpu.memory_space<semaphore_mem>>, %arg40: memref<!tpu.dma_semaphore, #tpu.memory_space<semaphore_mem>>, %arg41: memref<!tpu.dma_semaphore, #tpu.memory_space<semaphore_mem>>, %arg42: memref<!tpu.dma_semaphore, #tpu.memory_space<semaphore_mem>>) attributes {dimension_semantics = [#tpu.dimension_semantics<core_parallel>, #tpu.dimension_semantics<subcore_parallel>], iteration_bounds = array<i64: 2, 16>, scalar_prefetch = 0 : i64, scratch_operands = 32 : i64, tpu.core_type = #tpu.core_type<sc_vector_subcore>, window_params = [{transform_indices = #map}, {transform_indices = #map}, {transform_indices = #map}, {transform_indices = #map1}, {transform_indices = #map1}, {transform_indices = #map}, {transform_indices = #map}, {transform_indices = #map}, {transform_indices = #map}]} {
    %mul3A = arith.constant 16 : i32
    %mul3A_0 = arith.muli %arg0, %mul3A : i32
    %add3A = arith.addi %mul3A_0, %arg1 : i32
    %mul3A_1 = arith.constant 624 : i32
    %mul3A_2 = arith.muli %arg1, %mul3A_1 : i32
    %mul3A_3 = arith.constant 624 : i32
    %mul3A_4 = arith.muli %arg1, %mul3A_3 : i32
    "tpu.region"() ({
      %run_scoped3A = tpu.sem_alloc : memref<!tpu.dma_semaphore, #tpu.memory_space<semaphore_mem>>
      %dma_start3A_89 = arith.constant 0 : i32
      %dma_start3A_90 = tpu.memref_slice %arg27[%mul3A_4, %dma_start3A_89] : memref<10008x16xf32, #tpu.memory_space<vmem_shared>> -> memref<624x16xf32, #tpu.memory_space<vmem_shared>>
      %dma_start3A_91 = arith.constant 0 : i32
      %dma_start3A_92 = tpu.memref_slice %arg7[%mul3A_2, %dma_start3A_91] : memref<10008x16xf32, #tpu.memory_space<hbm>> -> memref<624x16xf32, #tpu.memory_space<hbm>>
      tpu.enqueue_dma source(%dma_start3A_92 : memref<624x16xf32, #tpu.memory_space<hbm>>) target(%dma_start3A_90 : memref<624x16xf32, #tpu.memory_space<vmem_shared>>) target_semaphore(%run_scoped3A : memref<!tpu.dma_semaphore, #tpu.memory_space<semaphore_mem>>)
      %dma_wait3A_93 = arith.constant 0 : i32
      %dma_wait3A_94 = tpu.memref_slice %arg27[%mul3A_4, %dma_wait3A_93] : memref<10008x16xf32, #tpu.memory_space<vmem_shared>> -> memref<624x16xf32, #tpu.memory_space<vmem_shared>>
      %dma_wait3A_95 = arith.constant 0 : i32
      %dma_wait3A_96 = tpu.memref_slice %arg7[%mul3A_2, %dma_wait3A_95] : memref<10008x16xf32, #tpu.memory_space<hbm>> -> memref<624x16xf32, #tpu.memory_space<hbm>>
      tpu.wait_dma2 semaphore(%run_scoped3A : memref<!tpu.dma_semaphore, #tpu.memory_space<semaphore_mem>>) src(%dma_wait3A_96 : memref<624x16xf32, #tpu.memory_space<hbm>>) dst(%dma_wait3A_94 : memref<624x16xf32, #tpu.memory_space<vmem_shared>>)
      tpu.yield
    }) : () -> ()
    %mul3A_5 = arith.constant 624 : i32
    %mul3A_6 = arith.muli %arg1, %mul3A_5 : i32
    %mul3A_7 = arith.constant 624 : i32
    %mul3A_8 = arith.muli %arg1, %mul3A_7 : i32
    "tpu.region"() ({
      %run_scoped3A = tpu.sem_alloc : memref<!tpu.dma_semaphore, #tpu.memory_space<semaphore_mem>>
      %dma_start3A_89 = arith.constant 0 : i32
      %dma_start3A_90 = tpu.memref_slice %arg28[%mul3A_8, %dma_start3A_89] : memref<10008x128xf32, #tpu.memory_space<vmem_shared>> -> memref<624x128xf32, #tpu.memory_space<vmem_shared>>
      %dma_start3A_91 = arith.constant 0 : i32
      %dma_start3A_92 = tpu.memref_slice %arg8[%mul3A_6, %dma_start3A_91] : memref<10008x128xf32, #tpu.memory_space<hbm>> -> memref<624x128xf32, #tpu.memory_space<hbm>>
      tpu.enqueue_dma source(%dma_start3A_92 : memref<624x128xf32, #tpu.memory_space<hbm>>) target(%dma_start3A_90 : memref<624x128xf32, #tpu.memory_space<vmem_shared>>) target_semaphore(%run_scoped3A : memref<!tpu.dma_semaphore, #tpu.memory_space<semaphore_mem>>)
      %dma_wait3A_93 = arith.constant 0 : i32
      %dma_wait3A_94 = tpu.memref_slice %arg28[%mul3A_8, %dma_wait3A_93] : memref<10008x128xf32, #tpu.memory_space<vmem_shared>> -> memref<624x128xf32, #tpu.memory_space<vmem_shared>>
      %dma_wait3A_95 = arith.constant 0 : i32
      %dma_wait3A_96 = tpu.memref_slice %arg8[%mul3A_6, %dma_wait3A_95] : memref<10008x128xf32, #tpu.memory_space<hbm>> -> memref<624x128xf32, #tpu.memory_space<hbm>>
      tpu.wait_dma2 semaphore(%run_scoped3A : memref<!tpu.dma_semaphore, #tpu.memory_space<semaphore_mem>>) src(%dma_wait3A_96 : memref<624x128xf32, #tpu.memory_space<hbm>>) dst(%dma_wait3A_94 : memref<624x128xf32, #tpu.memory_space<vmem_shared>>)
      tpu.yield
    }) : () -> ()
    "tpu.region"() ({
      %run_scoped3A = tpu.sem_alloc : memref<!tpu.dma_semaphore, #tpu.memory_space<semaphore_mem>>
      %dma_start3A_89 = arith.constant 0 : i32
      %dma_start3A_90 = arith.constant 0 : i32
      %dma_start3A_91 = tpu.memref_slice %arg7[%dma_start3A_89, %dma_start3A_90] : memref<10008x16xf32, #tpu.memory_space<hbm>> -> memref<32x16xf32, #tpu.memory_space<hbm>>
      %dma_start3A_92 = arith.constant 0 : i32
      %dma_start3A_93 = arith.constant 0 : i32
      %dma_start3A_94 = tpu.memref_slice %arg7[%dma_start3A_92, %dma_start3A_93] : memref<10008x16xf32, #tpu.memory_space<hbm>> -> memref<32x16xf32, #tpu.memory_space<hbm>>
      tpu.enqueue_dma source(%dma_start3A_94 : memref<32x16xf32, #tpu.memory_space<hbm>>) target(%arg25 : memref<32x16xf32, #tpu.memory_space<vmem>>) target_semaphore(%run_scoped3A : memref<!tpu.dma_semaphore, #tpu.memory_space<semaphore_mem>>)
      %dma_wait3A_95 = arith.constant 0 : i32
      %dma_wait3A_96 = arith.constant 0 : i32
      %dma_wait3A_97 = tpu.memref_slice %arg7[%dma_wait3A_95, %dma_wait3A_96] : memref<10008x16xf32, #tpu.memory_space<hbm>> -> memref<32x16xf32, #tpu.memory_space<hbm>>
      %dma_wait3A_98 = arith.constant 0 : i32
      %dma_wait3A_99 = arith.constant 0 : i32
      %dma_wait3A_100 = tpu.memref_slice %arg7[%dma_wait3A_98, %dma_wait3A_99] : memref<10008x16xf32, #tpu.memory_space<hbm>> -> memref<32x16xf32, #tpu.memory_space<hbm>>
      tpu.wait_dma2 semaphore(%run_scoped3A : memref<!tpu.dma_semaphore, #tpu.memory_space<semaphore_mem>>) src(%dma_wait3A_100 : memref<32x16xf32, #tpu.memory_space<hbm>>) dst(%arg25 : memref<32x16xf32, #tpu.memory_space<vmem>>)
      tpu.yield
    }) : () -> ()
    "tpu.region"() ({
      %run_scoped3A = tpu.sem_alloc : memref<!tpu.dma_semaphore, #tpu.memory_space<semaphore_mem>>
      %dma_start3A_89 = arith.constant 0 : i32
      %dma_start3A_90 = arith.constant 0 : i32
      %dma_start3A_91 = tpu.memref_slice %arg7[%dma_start3A_89, %dma_start3A_90] : memref<10008x16xf32, #tpu.memory_space<hbm>> -> memref<32x16xf32, #tpu.memory_space<hbm>>
      %dma_start3A_92 = arith.constant 0 : i32
      %dma_start3A_93 = arith.constant 0 : i32
      %dma_start3A_94 = tpu.memref_slice %arg7[%dma_start3A_92, %dma_start3A_93] : memref<10008x16xf32, #tpu.memory_space<hbm>> -> memref<32x16xf32, #tpu.memory_space<hbm>>
      tpu.enqueue_dma source(%dma_start3A_94 : memref<32x16xf32, #tpu.memory_space<hbm>>) target(%arg26 : memref<32x16xf32, #tpu.memory_space<vmem>>) target_semaphore(%run_scoped3A : memref<!tpu.dma_semaphore, #tpu.memory_space<semaphore_mem>>)
      %dma_wait3A_95 = arith.constant 0 : i32
      %dma_wait3A_96 = arith.constant 0 : i32
      %dma_wait3A_97 = tpu.memref_slice %arg7[%dma_wait3A_95, %dma_wait3A_96] : memref<10008x16xf32, #tpu.memory_space<hbm>> -> memref<32x16xf32, #tpu.memory_space<hbm>>
      %dma_wait3A_98 = arith.constant 0 : i32
      %dma_wait3A_99 = arith.constant 0 : i32
      %dma_wait3A_100 = tpu.memref_slice %arg7[%dma_wait3A_98, %dma_wait3A_99] : memref<10008x16xf32, #tpu.memory_space<hbm>> -> memref<32x16xf32, #tpu.memory_space<hbm>>
      tpu.wait_dma2 semaphore(%run_scoped3A : memref<!tpu.dma_semaphore, #tpu.memory_space<semaphore_mem>>) src(%dma_wait3A_100 : memref<32x16xf32, #tpu.memory_space<hbm>>) dst(%arg26 : memref<32x16xf32, #tpu.memory_space<vmem>>)
      tpu.yield
    }) : () -> ()
    %eq3A = arith.constant 15 : i32
    %eq3A_9 = arith.cmpi eq, %arg1, %eq3A : i32
    %convert_element_type3A = arith.extui %eq3A_9 : i1 to i32
    %cond3A = arith.constant 0 : i32
    %cond3A_10 = arith.cmpi ne, %convert_element_type3A, %cond3A : i32
    scf.if %cond3A_10 {
      "tpu.region"() ({
        %run_scoped3A = tpu.sem_alloc : memref<!tpu.dma_semaphore, #tpu.memory_space<semaphore_mem>>
        %dma_start3A_89 = arith.constant 9984 : i32
        %dma_start3A_90 = arith.constant 0 : i32
        %dma_start3A_91 = tpu.memref_slice %arg27[%dma_start3A_89, %dma_start3A_90] : memref<10008x16xf32, #tpu.memory_space<vmem_shared>> -> memref<24x16xf32, #tpu.memory_space<vmem_shared>>
        %dma_start3A_92 = arith.constant 9984 : i32
        %dma_start3A_93 = arith.constant 0 : i32
        %dma_start3A_94 = tpu.memref_slice %arg7[%dma_start3A_92, %dma_start3A_93] : memref<10008x16xf32, #tpu.memory_space<hbm>> -> memref<24x16xf32, #tpu.memory_space<hbm>>
        tpu.enqueue_dma source(%dma_start3A_94 : memref<24x16xf32, #tpu.memory_space<hbm>>) target(%dma_start3A_91 : memref<24x16xf32, #tpu.memory_space<vmem_shared>>) target_semaphore(%run_scoped3A : memref<!tpu.dma_semaphore, #tpu.memory_space<semaphore_mem>>)
        %dma_wait3A_95 = arith.constant 9984 : i32
        %dma_wait3A_96 = arith.constant 0 : i32
        %dma_wait3A_97 = tpu.memref_slice %arg27[%dma_wait3A_95, %dma_wait3A_96] : memref<10008x16xf32, #tpu.memory_space<vmem_shared>> -> memref<24x16xf32, #tpu.memory_space<vmem_shared>>
        %dma_wait3A_98 = arith.constant 9984 : i32
        %dma_wait3A_99 = arith.constant 0 : i32
        %dma_wait3A_100 = tpu.memref_slice %arg7[%dma_wait3A_98, %dma_wait3A_99] : memref<10008x16xf32, #tpu.memory_space<hbm>> -> memref<24x16xf32, #tpu.memory_space<hbm>>
        tpu.wait_dma2 semaphore(%run_scoped3A : memref<!tpu.dma_semaphore, #tpu.memory_space<semaphore_mem>>) src(%dma_wait3A_100 : memref<24x16xf32, #tpu.memory_space<hbm>>) dst(%dma_wait3A_97 : memref<24x16xf32, #tpu.memory_space<vmem_shared>>)
        tpu.yield
      }) : () -> ()
      "tpu.region"() ({
        %run_scoped3A = tpu.sem_alloc : memref<!tpu.dma_semaphore, #tpu.memory_space<semaphore_mem>>
        %dma_start3A_89 = arith.constant 9984 : i32
        %dma_start3A_90 = arith.constant 0 : i32
        %dma_start3A_91 = tpu.memref_slice %arg28[%dma_start3A_89, %dma_start3A_90] : memref<10008x128xf32, #tpu.memory_space<vmem_shared>> -> memref<24x128xf32, #tpu.memory_space<vmem_shared>>
        %dma_start3A_92 = arith.constant 9984 : i32
        %dma_start3A_93 = arith.constant 0 : i32
        %dma_start3A_94 = tpu.memref_slice %arg8[%dma_start3A_92, %dma_start3A_93] : memref<10008x128xf32, #tpu.memory_space<hbm>> -> memref<24x128xf32, #tpu.memory_space<hbm>>
        tpu.enqueue_dma source(%dma_start3A_94 : memref<24x128xf32, #tpu.memory_space<hbm>>) target(%dma_start3A_91 : memref<24x128xf32, #tpu.memory_space<vmem_shared>>) target_semaphore(%run_scoped3A : memref<!tpu.dma_semaphore, #tpu.memory_space<semaphore_mem>>)
        %dma_wait3A_95 = arith.constant 9984 : i32
        %dma_wait3A_96 = arith.constant 0 : i32
        %dma_wait3A_97 = tpu.memref_slice %arg28[%dma_wait3A_95, %dma_wait3A_96] : memref<10008x128xf32, #tpu.memory_space<vmem_shared>> -> memref<24x128xf32, #tpu.memory_space<vmem_shared>>
        %dma_wait3A_98 = arith.constant 9984 : i32
        %dma_wait3A_99 = arith.constant 0 : i32
        %dma_wait3A_100 = tpu.memref_slice %arg8[%dma_wait3A_98, %dma_wait3A_99] : memref<10008x128xf32, #tpu.memory_space<hbm>> -> memref<24x128xf32, #tpu.memory_space<hbm>>
        tpu.wait_dma2 semaphore(%run_scoped3A : memref<!tpu.dma_semaphore, #tpu.memory_space<semaphore_mem>>) src(%dma_wait3A_100 : memref<24x128xf32, #tpu.memory_space<hbm>>) dst(%dma_wait3A_97 : memref<24x128xf32, #tpu.memory_space<vmem_shared>>)
        tpu.yield
      }) : () -> ()
    } else {
    }
    %barrier3A = arith.constant 0 : index
    tpu.barrier barrier_id(%barrier3A)
    %iota3A = tpu.iota {dimensions = array<i32: 0>} : vector<16xi32>
    %add3A_11 = arith.constant 0 : i32
    %add3A_12 = arith.addi %add3A, %add3A_11 : i32
    %mul3A_13 = arith.constant 32 : i32
    %mul3A_14 = arith.muli %add3A_12, %mul3A_13 : i32
    %dma_start3A = tpu.memref_slice %arg5[%mul3A_14] : memref<325632xi32, #tpu.memory_space<hbm>> -> memref<32xi32, #tpu.memory_space<hbm>>
    %dma_start3A_15 = tpu.memref_slice %arg5[%mul3A_14] : memref<325632xi32, #tpu.memory_space<hbm>> -> memref<32xi32, #tpu.memory_space<hbm>>
    tpu.enqueue_dma source(%dma_start3A_15 : memref<32xi32, #tpu.memory_space<hbm>>) target(%arg11 : memref<32xi32, #tpu.memory_space<vmem>>) target_semaphore(%arg29 : memref<!tpu.dma_semaphore, #tpu.memory_space<semaphore_mem>>)
    %dma_start3A_16 = tpu.memref_slice %arg6[%mul3A_14] : memref<325632xi32, #tpu.memory_space<hbm>> -> memref<32xi32, #tpu.memory_space<hbm>>
    %dma_start3A_17 = tpu.memref_slice %arg6[%mul3A_14] : memref<325632xi32, #tpu.memory_space<hbm>> -> memref<32xi32, #tpu.memory_space<hbm>>
    tpu.enqueue_dma source(%dma_start3A_17 : memref<32xi32, #tpu.memory_space<hbm>>) target(%arg15 : memref<32xi32, #tpu.memory_space<vmem>>) target_semaphore(%arg29 : memref<!tpu.dma_semaphore, #tpu.memory_space<semaphore_mem>>)
    %add3A_18 = arith.constant 32 : i32
    %add3A_19 = arith.addi %add3A, %add3A_18 : i32
    %mul3A_20 = arith.constant 32 : i32
    %mul3A_21 = arith.muli %add3A_19, %mul3A_20 : i32
    %dma_start3A_22 = tpu.memref_slice %arg5[%mul3A_21] : memref<325632xi32, #tpu.memory_space<hbm>> -> memref<32xi32, #tpu.memory_space<hbm>>
    %dma_start3A_23 = tpu.memref_slice %arg5[%mul3A_21] : memref<325632xi32, #tpu.memory_space<hbm>> -> memref<32xi32, #tpu.memory_space<hbm>>
    tpu.enqueue_dma source(%dma_start3A_23 : memref<32xi32, #tpu.memory_space<hbm>>) target(%arg12 : memref<32xi32, #tpu.memory_space<vmem>>) target_semaphore(%arg30 : memref<!tpu.dma_semaphore, #tpu.memory_space<semaphore_mem>>)
    %dma_start3A_24 = tpu.memref_slice %arg6[%mul3A_21] : memref<325632xi32, #tpu.memory_space<hbm>> -> memref<32xi32, #tpu.memory_space<hbm>>
    %dma_start3A_25 = tpu.memref_slice %arg6[%mul3A_21] : memref<325632xi32, #tpu.memory_space<hbm>> -> memref<32xi32, #tpu.memory_space<hbm>>
    tpu.enqueue_dma source(%dma_start3A_25 : memref<32xi32, #tpu.memory_space<hbm>>) target(%arg16 : memref<32xi32, #tpu.memory_space<vmem>>) target_semaphore(%arg30 : memref<!tpu.dma_semaphore, #tpu.memory_space<semaphore_mem>>)
    %dma_wait3A = arith.constant 0 : i32
    %dma_wait3A_26 = tpu.memref_slice %arg5[%dma_wait3A] : memref<325632xi32, #tpu.memory_space<hbm>> -> memref<32xi32, #tpu.memory_space<hbm>>
    %dma_wait3A_27 = arith.constant 0 : i32
    %dma_wait3A_28 = tpu.memref_slice %arg5[%dma_wait3A_27] : memref<325632xi32, #tpu.memory_space<hbm>> -> memref<32xi32, #tpu.memory_space<hbm>>
    tpu.wait_dma2 semaphore(%arg29 : memref<!tpu.dma_semaphore, #tpu.memory_space<semaphore_mem>>) src(%dma_wait3A_28 : memref<32xi32, #tpu.memory_space<hbm>>) dst(%arg11 : memref<32xi32, #tpu.memory_space<vmem>>)
    %dma_wait3A_29 = arith.constant 0 : i32
    %dma_wait3A_30 = tpu.memref_slice %arg6[%dma_wait3A_29] : memref<325632xi32, #tpu.memory_space<hbm>> -> memref<32xi32, #tpu.memory_space<hbm>>
    %dma_wait3A_31 = arith.constant 0 : i32
    %dma_wait3A_32 = tpu.memref_slice %arg6[%dma_wait3A_31] : memref<325632xi32, #tpu.memory_space<hbm>> -> memref<32xi32, #tpu.memory_space<hbm>>
    tpu.wait_dma2 semaphore(%arg29 : memref<!tpu.dma_semaphore, #tpu.memory_space<semaphore_mem>>) src(%dma_wait3A_32 : memref<32xi32, #tpu.memory_space<hbm>>) dst(%arg15 : memref<32xi32, #tpu.memory_space<vmem>>)
    %dma_start3A_33 = arith.constant 0 : i32
    %dma_start3A_34 = arith.constant 0 : i32
    %dma_start3A_35 = tpu.memref_slice %arg2[%dma_start3A_33, %dma_start3A_34] : memref<10000x128xf32, #tpu.memory_space<hbm>> -> memref<10000x128xf32, #tpu.memory_space<hbm>>
    tpu.enqueue_indirect_dma source(%dma_start3A_35 : memref<10000x128xf32, #tpu.memory_space<hbm>>) target(%arg19 : memref<32x128xf32, #tpu.memory_space<vmem>>) offsets(%arg11 : memref<32xi32, #tpu.memory_space<vmem>>) semaphore(%arg33 : memref<!tpu.dma_semaphore, #tpu.memory_space<semaphore_mem>>)
    %dma_start3A_36 = arith.constant 0 : i32
    %dma_start3A_37 = arith.constant 0 : i32
    %dma_start3A_38 = tpu.memref_slice %arg3[%dma_start3A_36, %dma_start3A_37] : memref<10008x128xf32, #tpu.memory_space<hbm>> -> memref<10008x128xf32, #tpu.memory_space<hbm>>
    tpu.enqueue_indirect_dma source(%dma_start3A_38 : memref<10008x128xf32, #tpu.memory_space<hbm>>) target(%arg21 : memref<32x128xf32, #tpu.memory_space<vmem>>) offsets(%arg15 : memref<32xi32, #tpu.memory_space<vmem>>) semaphore(%arg35 : memref<!tpu.dma_semaphore, #tpu.memory_space<semaphore_mem>>)
    %dma_start3A_39 = arith.constant 0 : i32
    %dma_start3A_40 = arith.constant 0 : i32
    %dma_start3A_41 = tpu.memref_slice %arg4[%dma_start3A_39, %dma_start3A_40] : memref<10000x128xf32, #tpu.memory_space<hbm>> -> memref<10000x128xf32, #tpu.memory_space<hbm>>
    tpu.enqueue_indirect_dma source(%dma_start3A_41 : memref<10000x128xf32, #tpu.memory_space<hbm>>) target(%arg23 : memref<32x128xf32, #tpu.memory_space<vmem>>) offsets(%arg11 : memref<32xi32, #tpu.memory_space<vmem>>) semaphore(%arg37 : memref<!tpu.dma_semaphore, #tpu.memory_space<semaphore_mem>>)
    %scan3A = arith.constant 0 : i32
    %scan3A_42 = arith.constant 79 : i32
    %scan3A_43 = arith.addi %scan3A, %scan3A_42 : i32
    %scan3A_44 = arith.constant 1 : i32
    scf.for %scan3A_89 = %scan3A to %scan3A_43 step %scan3A_44  : i32 {
      %mul3A_90 = arith.constant 1 : i32
      %mul3A_91 = arith.muli %scan3A_89, %mul3A_90 : i32
      %add3A_92 = arith.constant 0 : i32
      %add3A_93 = arith.addi %add3A_92, %mul3A_91 : i32
      %mul3A_94 = arith.constant 4 : i32
      %mul3A_95 = arith.muli %add3A_93, %mul3A_94 : i32
      %add3A_96 = arith.constant 0 : i32
      %add3A_97 = arith.addi %mul3A_95, %add3A_96 : i32
      %ge3A = arith.constant 1 : i32
      %ge3A_98 = arith.cmpi sge, %add3A_97, %ge3A : i32
      %convert_element_type3A_99 = arith.extui %ge3A_98 : i1 to i32
      %cond3A_100 = arith.constant 0 : i32
      %cond3A_101 = arith.cmpi ne, %convert_element_type3A_99, %cond3A_100 : i32
      scf.if %cond3A_101 {
        %dma_wait3A_312 = arith.constant 0 : i32
        %dma_wait3A_313 = arith.constant 0 : i32
        %dma_wait3A_314 = tpu.memref_slice %arg27[%dma_wait3A_312, %dma_wait3A_313] : memref<10008x16xf32, #tpu.memory_space<vmem_shared>> -> memref<10008x16xf32, #tpu.memory_space<vmem_shared>>
        tpu.wait_indirect_dma semaphore(%arg40 : memref<!tpu.dma_semaphore, #tpu.memory_space<semaphore_mem>>) src(%arg26 : memref<32x16xf32, #tpu.memory_space<vmem>>) dst(%dma_wait3A_314 : memref<10008x16xf32, #tpu.memory_space<vmem_shared>>)
        %dma_wait3A_315 = arith.constant 0 : i32
        %dma_wait3A_316 = arith.constant 0 : i32
        %dma_wait3A_317 = tpu.memref_slice %arg28[%dma_wait3A_315, %dma_wait3A_316] : memref<10008x128xf32, #tpu.memory_space<vmem_shared>> -> memref<10008x128xf32, #tpu.memory_space<vmem_shared>>
        tpu.wait_indirect_dma semaphore(%arg42 : memref<!tpu.dma_semaphore, #tpu.memory_space<semaphore_mem>>) src(%arg24 : memref<32x128xf32, #tpu.memory_space<vmem>>) dst(%dma_wait3A_317 : memref<10008x128xf32, #tpu.memory_space<vmem_shared>>)
      } else {
      }
      %dma_wait3A_102 = arith.constant 0 : i32
      %dma_wait3A_103 = tpu.memref_slice %arg5[%dma_wait3A_102] : memref<325632xi32, #tpu.memory_space<hbm>> -> memref<32xi32, #tpu.memory_space<hbm>>
      %dma_wait3A_104 = arith.constant 0 : i32
      %dma_wait3A_105 = tpu.memref_slice %arg5[%dma_wait3A_104] : memref<325632xi32, #tpu.memory_space<hbm>> -> memref<32xi32, #tpu.memory_space<hbm>>
      tpu.wait_dma2 semaphore(%arg30 : memref<!tpu.dma_semaphore, #tpu.memory_space<semaphore_mem>>) src(%dma_wait3A_105 : memref<32xi32, #tpu.memory_space<hbm>>) dst(%arg12 : memref<32xi32, #tpu.memory_space<vmem>>)
      %dma_wait3A_106 = arith.constant 0 : i32
      %dma_wait3A_107 = tpu.memref_slice %arg6[%dma_wait3A_106] : memref<325632xi32, #tpu.memory_space<hbm>> -> memref<32xi32, #tpu.memory_space<hbm>>
      %dma_wait3A_108 = arith.constant 0 : i32
      %dma_wait3A_109 = tpu.memref_slice %arg6[%dma_wait3A_108] : memref<325632xi32, #tpu.memory_space<hbm>> -> memref<32xi32, #tpu.memory_space<hbm>>
      tpu.wait_dma2 semaphore(%arg30 : memref<!tpu.dma_semaphore, #tpu.memory_space<semaphore_mem>>) src(%dma_wait3A_109 : memref<32xi32, #tpu.memory_space<hbm>>) dst(%arg16 : memref<32xi32, #tpu.memory_space<vmem>>)
      %dma_start3A_110 = arith.constant 0 : i32
      %dma_start3A_111 = arith.constant 0 : i32
      %dma_start3A_112 = tpu.memref_slice %arg2[%dma_start3A_110, %dma_start3A_111] : memref<10000x128xf32, #tpu.memory_space<hbm>> -> memref<10000x128xf32, #tpu.memory_space<hbm>>
      tpu.enqueue_indirect_dma source(%dma_start3A_112 : memref<10000x128xf32, #tpu.memory_space<hbm>>) target(%arg20 : memref<32x128xf32, #tpu.memory_space<vmem>>) offsets(%arg12 : memref<32xi32, #tpu.memory_space<vmem>>) semaphore(%arg34 : memref<!tpu.dma_semaphore, #tpu.memory_space<semaphore_mem>>)
      %dma_start3A_113 = arith.constant 0 : i32
      %dma_start3A_114 = arith.constant 0 : i32
      %dma_start3A_115 = tpu.memref_slice %arg3[%dma_start3A_113, %dma_start3A_114] : memref<10008x128xf32, #tpu.memory_space<hbm>> -> memref<10008x128xf32, #tpu.memory_space<hbm>>
      tpu.enqueue_indirect_dma source(%dma_start3A_115 : memref<10008x128xf32, #tpu.memory_space<hbm>>) target(%arg22 : memref<32x128xf32, #tpu.memory_space<vmem>>) offsets(%arg16 : memref<32xi32, #tpu.memory_space<vmem>>) semaphore(%arg36 : memref<!tpu.dma_semaphore, #tpu.memory_space<semaphore_mem>>)
      %dma_start3A_116 = arith.constant 0 : i32
      %dma_start3A_117 = arith.constant 0 : i32
      %dma_start3A_118 = tpu.memref_slice %arg4[%dma_start3A_116, %dma_start3A_117] : memref<10000x128xf32, #tpu.memory_space<hbm>> -> memref<10000x128xf32, #tpu.memory_space<hbm>>
      tpu.enqueue_indirect_dma source(%dma_start3A_118 : memref<10000x128xf32, #tpu.memory_space<hbm>>) target(%arg24 : memref<32x128xf32, #tpu.memory_space<vmem>>) offsets(%arg12 : memref<32xi32, #tpu.memory_space<vmem>>) semaphore(%arg38 : memref<!tpu.dma_semaphore, #tpu.memory_space<semaphore_mem>>)
      %add3A_119 = arith.constant 2 : i32
      %add3A_120 = arith.addi %add3A_97, %add3A_119 : i32
      %mul3A_121 = arith.constant 32 : i32
      %mul3A_122 = arith.muli %mul3A_121, %add3A_120 : i32
      %add3A_123 = arith.addi %add3A, %mul3A_122 : i32
      %mul3A_124 = arith.constant 32 : i32
      %mul3A_125 = arith.muli %add3A_123, %mul3A_124 : i32
      %dma_start3A_126 = tpu.memref_slice %arg5[%mul3A_125] : memref<325632xi32, #tpu.memory_space<hbm>> -> memref<32xi32, #tpu.memory_space<hbm>>
      %dma_start3A_127 = tpu.memref_slice %arg5[%mul3A_125] : memref<325632xi32, #tpu.memory_space<hbm>> -> memref<32xi32, #tpu.memory_space<hbm>>
      tpu.enqueue_dma source(%dma_start3A_127 : memref<32xi32, #tpu.memory_space<hbm>>) target(%arg13 : memref<32xi32, #tpu.memory_space<vmem>>) target_semaphore(%arg31 : memref<!tpu.dma_semaphore, #tpu.memory_space<semaphore_mem>>)
      %dma_start3A_128 = tpu.memref_slice %arg6[%mul3A_125] : memref<325632xi32, #tpu.memory_space<hbm>> -> memref<32xi32, #tpu.memory_space<hbm>>
      %dma_start3A_129 = tpu.memref_slice %arg6[%mul3A_125] : memref<325632xi32, #tpu.memory_space<hbm>> -> memref<32xi32, #tpu.memory_space<hbm>>
      tpu.enqueue_dma source(%dma_start3A_129 : memref<32xi32, #tpu.memory_space<hbm>>) target(%arg17 : memref<32xi32, #tpu.memory_space<vmem>>) target_semaphore(%arg31 : memref<!tpu.dma_semaphore, #tpu.memory_space<semaphore_mem>>)
      %dma_wait3A_130 = arith.constant 0 : i32
      %dma_wait3A_131 = arith.constant 0 : i32
      %dma_wait3A_132 = tpu.memref_slice %arg2[%dma_wait3A_130, %dma_wait3A_131] : memref<10000x128xf32, #tpu.memory_space<hbm>> -> memref<10000x128xf32, #tpu.memory_space<hbm>>
      tpu.wait_indirect_dma semaphore(%arg33 : memref<!tpu.dma_semaphore, #tpu.memory_space<semaphore_mem>>) src(%dma_wait3A_132 : memref<10000x128xf32, #tpu.memory_space<hbm>>) dst(%arg19 : memref<32x128xf32, #tpu.memory_space<vmem>>)
      %dma_wait3A_133 = arith.constant 0 : i32
      %dma_wait3A_134 = arith.constant 0 : i32
      %dma_wait3A_135 = tpu.memref_slice %arg3[%dma_wait3A_133, %dma_wait3A_134] : memref<10008x128xf32, #tpu.memory_space<hbm>> -> memref<10008x128xf32, #tpu.memory_space<hbm>>
      tpu.wait_indirect_dma semaphore(%arg35 : memref<!tpu.dma_semaphore, #tpu.memory_space<semaphore_mem>>) src(%dma_wait3A_135 : memref<10008x128xf32, #tpu.memory_space<hbm>>) dst(%arg21 : memref<32x128xf32, #tpu.memory_space<vmem>>)
      %scan3A_136 = arith.constant 0 : i32
      %scan3A_137 = arith.constant 2 : i32
      %scan3A_138 = arith.addi %scan3A_136, %scan3A_137 : i32
      %scan3A_139 = arith.constant 1 : i32
      scf.for %scan3A_312 = %scan3A_136 to %scan3A_138 step %scan3A_139  : i32 {
        %mul3A_313 = arith.constant 1 : i32
        %mul3A_314 = arith.muli %scan3A_312, %mul3A_313 : i32
        %add3A_315 = arith.constant 0 : i32
        %add3A_316 = arith.addi %add3A_315, %mul3A_314 : i32
        %mul3A_317 = arith.constant 16 : i32
        %mul3A_318 = arith.muli %add3A_316, %mul3A_317 : i32
        %add3A_319 = vector.broadcast %mul3A_318 : i32 to vector<16xi32>
        %add3A_320 = arith.addi %add3A_319, %iota3A : vector<16xi32>
        %broadcast_in_dim3A = arith.constant 0.000000e+00 : f32
        %broadcast_in_dim3A_321 = vector.broadcast %broadcast_in_dim3A : f32 to vector<16xf32>
        %scan3A_322 = arith.constant 0 : i32
        %scan3A_323 = arith.constant 32 : i32
        %scan3A_324 = arith.addi %scan3A_322, %scan3A_323 : i32
        %scan3A_325 = arith.constant 4 : i32
        %scan3A_326:4 = scf.for %scan3A_349 = %scan3A_322 to %scan3A_324 step %scan3A_325 iter_args(%scan3A_350 = %broadcast_in_dim3A_321, %scan3A_351 = %broadcast_in_dim3A_321, %scan3A_352 = %broadcast_in_dim3A_321, %scan3A_353 = %broadcast_in_dim3A_321) -> (vector<16xf32>, vector<16xf32>, vector<16xf32>, vector<16xf32>)  : i32 {
          %mul3A_354 = arith.constant 1 : i32
          %mul3A_355 = arith.muli %scan3A_349, %mul3A_354 : i32
          %add3A_356 = arith.constant 0 : i32
          %add3A_357 = arith.addi %add3A_356, %mul3A_355 : i32
          %add3A_358 = vector.broadcast %add3A_357 : i32 to vector<16xi32>
          %add3A_359 = arith.addi %add3A_358, %iota3A : vector<16xi32>
          %and3A = arith.constant 31 : i32
          %and3A_360 = vector.broadcast %and3A : i32 to vector<16xi32>
          %and3A_361 = arith.andi %add3A_359, %and3A_360 : vector<16xi32>
          %add3A_362 = arith.constant 0 : i32
          %add3A_363 = vector.broadcast %add3A_362 : i32 to vector<16xi32>
          %add3A_364 = arith.addi %and3A_361, %add3A_363 : vector<16xi32>
          %gather3A = tpu.vector_load_idx %arg19[%add3A_320, %add3A_364] : memref<32x128xf32, #tpu.memory_space<vmem>>[vector<16xi32>, vector<16xi32>], vector<16xf32>,
          %gather3A_365 = tpu.vector_load_idx %arg21[%add3A_320, %add3A_364] : memref<32x128xf32, #tpu.memory_space<vmem>>[vector<16xi32>, vector<16xi32>], vector<16xf32>,
          %mul3A_366 = arith.mulf %gather3A, %gather3A_365 : vector<16xf32>
          %add3A_367 = arith.addf %scan3A_350, %mul3A_366 : vector<16xf32>
          %add3A_368 = arith.constant 32 : i32
          %add3A_369 = vector.broadcast %add3A_368 : i32 to vector<16xi32>
          %add3A_370 = arith.addi %and3A_361, %add3A_369 : vector<16xi32>
          %gather3A_371 = tpu.vector_load_idx %arg19[%add3A_320, %add3A_370] : memref<32x128xf32, #tpu.memory_space<vmem>>[vector<16xi32>, vector<16xi32>], vector<16xf32>,
          %gather3A_372 = tpu.vector_load_idx %arg21[%add3A_320, %add3A_370] : memref<32x128xf32, #tpu.memory_space<vmem>>[vector<16xi32>, vector<16xi32>], vector<16xf32>,
          %mul3A_373 = arith.mulf %gather3A_371, %gather3A_372 : vector<16xf32>
          %add3A_374 = arith.addf %scan3A_351, %mul3A_373 : vector<16xf32>
          %add3A_375 = arith.constant 64 : i32
          %add3A_376 = vector.broadcast %add3A_375 : i32 to vector<16xi32>
          %add3A_377 = arith.addi %and3A_361, %add3A_376 : vector<16xi32>
          %gather3A_378 = tpu.vector_load_idx %arg19[%add3A_320, %add3A_377] : memref<32x128xf32, #tpu.memory_space<vmem>>[vector<16xi32>, vector<16xi32>], vector<16xf32>,
          %gather3A_379 = tpu.vector_load_idx %arg21[%add3A_320, %add3A_377] : memref<32x128xf32, #tpu.memory_space<vmem>>[vector<16xi32>, vector<16xi32>], vector<16xf32>,
          %mul3A_380 = arith.mulf %gather3A_378, %gather3A_379 : vector<16xf32>
          %add3A_381 = arith.addf %scan3A_352, %mul3A_380 : vector<16xf32>
          %add3A_382 = arith.constant 96 : i32
          %add3A_383 = vector.broadcast %add3A_382 : i32 to vector<16xi32>
          %add3A_384 = arith.addi %and3A_361, %add3A_383 : vector<16xi32>
          %gather3A_385 = tpu.vector_load_idx %arg19[%add3A_320, %add3A_384] : memref<32x128xf32, #tpu.memory_space<vmem>>[vector<16xi32>, vector<16xi32>], vector<16xf32>,
          %gather3A_386 = tpu.vector_load_idx %arg21[%add3A_320, %add3A_384] : memref<32x128xf32, #tpu.memory_space<vmem>>[vector<16xi32>, vector<16xi32>], vector<16xf32>,
          %mul3A_387 = arith.mulf %gather3A_385, %gather3A_386 : vector<16xf32>
          %add3A_388 = arith.addf %scan3A_353, %mul3A_387 : vector<16xf32>
          %scan3A_389 = arith.constant 1 : i32
          %scan3A_390 = arith.addi %scan3A_349, %scan3A_389 : i32
          %mul3A_391 = arith.constant 1 : i32
          %mul3A_392 = arith.muli %scan3A_390, %mul3A_391 : i32
          %add3A_393 = arith.constant 0 : i32
          %add3A_394 = arith.addi %add3A_393, %mul3A_392 : i32
          %add3A_395 = vector.broadcast %add3A_394 : i32 to vector<16xi32>
          %add3A_396 = arith.addi %add3A_395, %iota3A : vector<16xi32>
          %and3A_397 = arith.constant 31 : i32
          %and3A_398 = vector.broadcast %and3A_397 : i32 to vector<16xi32>
          %and3A_399 = arith.andi %add3A_396, %and3A_398 : vector<16xi32>
          %add3A_400 = arith.constant 0 : i32
          %add3A_401 = vector.broadcast %add3A_400 : i32 to vector<16xi32>
          %add3A_402 = arith.addi %and3A_399, %add3A_401 : vector<16xi32>
          %gather3A_403 = tpu.vector_load_idx %arg19[%add3A_320, %add3A_402] : memref<32x128xf32, #tpu.memory_space<vmem>>[vector<16xi32>, vector<16xi32>], vector<16xf32>,
          %gather3A_404 = tpu.vector_load_idx %arg21[%add3A_320, %add3A_402] : memref<32x128xf32, #tpu.memory_space<vmem>>[vector<16xi32>, vector<16xi32>], vector<16xf32>,
          %mul3A_405 = arith.mulf %gather3A_403, %gather3A_404 : vector<16xf32>
          %add3A_406 = arith.addf %add3A_367, %mul3A_405 : vector<16xf32>
          %add3A_407 = arith.constant 32 : i32
          %add3A_408 = vector.broadcast %add3A_407 : i32 to vector<16xi32>
          %add3A_409 = arith.addi %and3A_399, %add3A_408 : vector<16xi32>
          %gather3A_410 = tpu.vector_load_idx %arg19[%add3A_320, %add3A_409] : memref<32x128xf32, #tpu.memory_space<vmem>>[vector<16xi32>, vector<16xi32>], vector<16xf32>,
          %gather3A_411 = tpu.vector_load_idx %arg21[%add3A_320, %add3A_409] : memref<32x128xf32, #tpu.memory_space<vmem>>[vector<16xi32>, vector<16xi32>], vector<16xf32>,
          %mul3A_412 = arith.mulf %gather3A_410, %gather3A_411 : vector<16xf32>
          %add3A_413 = arith.addf %add3A_374, %mul3A_412 : vector<16xf32>
          %add3A_414 = arith.constant 64 : i32
          %add3A_415 = vector.broadcast %add3A_414 : i32 to vector<16xi32>
          %add3A_416 = arith.addi %and3A_399, %add3A_415 : vector<16xi32>
          %gather3A_417 = tpu.vector_load_idx %arg19[%add3A_320, %add3A_416] : memref<32x128xf32, #tpu.memory_space<vmem>>[vector<16xi32>, vector<16xi32>], vector<16xf32>,
          %gather3A_418 = tpu.vector_load_idx %arg21[%add3A_320, %add3A_416] : memref<32x128xf32, #tpu.memory_space<vmem>>[vector<16xi32>, vector<16xi32>], vector<16xf32>,
          %mul3A_419 = arith.mulf %gather3A_417, %gather3A_418 : vector<16xf32>
          %add3A_420 = arith.addf %add3A_381, %mul3A_419 : vector<16xf32>
          %add3A_421 = arith.constant 96 : i32
          %add3A_422 = vector.broadcast %add3A_421 : i32 to vector<16xi32>
          %add3A_423 = arith.addi %and3A_399, %add3A_422 : vector<16xi32>
          %gather3A_424 = tpu.vector_load_idx %arg19[%add3A_320, %add3A_423] : memref<32x128xf32, #tpu.memory_space<vmem>>[vector<16xi32>, vector<16xi32>], vector<16xf32>,
          %gather3A_425 = tpu.vector_load_idx %arg21[%add3A_320, %add3A_423] : memref<32x128xf32, #tpu.memory_space<vmem>>[vector<16xi32>, vector<16xi32>], vector<16xf32>,
          %mul3A_426 = arith.mulf %gather3A_424, %gather3A_425 : vector<16xf32>
          %add3A_427 = arith.addf %add3A_388, %mul3A_426 : vector<16xf32>
          %scan3A_428 = arith.constant 2 : i32
          %scan3A_429 = arith.addi %scan3A_349, %scan3A_428 : i32
          %mul3A_430 = arith.constant 1 : i32
          %mul3A_431 = arith.muli %scan3A_429, %mul3A_430 : i32
          %add3A_432 = arith.constant 0 : i32
          %add3A_433 = arith.addi %add3A_432, %mul3A_431 : i32
          %add3A_434 = vector.broadcast %add3A_433 : i32 to vector<16xi32>
          %add3A_435 = arith.addi %add3A_434, %iota3A : vector<16xi32>
          %and3A_436 = arith.constant 31 : i32
          %and3A_437 = vector.broadcast %and3A_436 : i32 to vector<16xi32>
          %and3A_438 = arith.andi %add3A_435, %and3A_437 : vector<16xi32>
          %add3A_439 = arith.constant 0 : i32
          %add3A_440 = vector.broadcast %add3A_439 : i32 to vector<16xi32>
          %add3A_441 = arith.addi %and3A_438, %add3A_440 : vector<16xi32>
          %gather3A_442 = tpu.vector_load_idx %arg19[%add3A_320, %add3A_441] : memref<32x128xf32, #tpu.memory_space<vmem>>[vector<16xi32>, vector<16xi32>], vector<16xf32>,
          %gather3A_443 = tpu.vector_load_idx %arg21[%add3A_320, %add3A_441] : memref<32x128xf32, #tpu.memory_space<vmem>>[vector<16xi32>, vector<16xi32>], vector<16xf32>,
          %mul3A_444 = arith.mulf %gather3A_442, %gather3A_443 : vector<16xf32>
          %add3A_445 = arith.addf %add3A_406, %mul3A_444 : vector<16xf32>
          %add3A_446 = arith.constant 32 : i32
          %add3A_447 = vector.broadcast %add3A_446 : i32 to vector<16xi32>
          %add3A_448 = arith.addi %and3A_438, %add3A_447 : vector<16xi32>
          %gather3A_449 = tpu.vector_load_idx %arg19[%add3A_320, %add3A_448] : memref<32x128xf32, #tpu.memory_space<vmem>>[vector<16xi32>, vector<16xi32>], vector<16xf32>,
          %gather3A_450 = tpu.vector_load_idx %arg21[%add3A_320, %add3A_448] : memref<32x128xf32, #tpu.memory_space<vmem>>[vector<16xi32>, vector<16xi32>], vector<16xf32>,
          %mul3A_451 = arith.mulf %gather3A_449, %gather3A_450 : vector<16xf32>
          %add3A_452 = arith.addf %add3A_413, %mul3A_451 : vector<16xf32>
          %add3A_453 = arith.constant 64 : i32
          %add3A_454 = vector.broadcast %add3A_453 : i32 to vector<16xi32>
          %add3A_455 = arith.addi %and3A_438, %add3A_454 : vector<16xi32>
          %gather3A_456 = tpu.vector_load_idx %arg19[%add3A_320, %add3A_455] : memref<32x128xf32, #tpu.memory_space<vmem>>[vector<16xi32>, vector<16xi32>], vector<16xf32>,
          %gather3A_457 = tpu.vector_load_idx %arg21[%add3A_320, %add3A_455] : memref<32x128xf32, #tpu.memory_space<vmem>>[vector<16xi32>, vector<16xi32>], vector<16xf32>,
          %mul3A_458 = arith.mulf %gather3A_456, %gather3A_457 : vector<16xf32>
          %add3A_459 = arith.addf %add3A_420, %mul3A_458 : vector<16xf32>
          %add3A_460 = arith.constant 96 : i32
          %add3A_461 = vector.broadcast %add3A_460 : i32 to vector<16xi32>
          %add3A_462 = arith.addi %and3A_438, %add3A_461 : vector<16xi32>
          %gather3A_463 = tpu.vector_load_idx %arg19[%add3A_320, %add3A_462] : memref<32x128xf32, #tpu.memory_space<vmem>>[vector<16xi32>, vector<16xi32>], vector<16xf32>,
          %gather3A_464 = tpu.vector_load_idx %arg21[%add3A_320, %add3A_462] : memref<32x128xf32, #tpu.memory_space<vmem>>[vector<16xi32>, vector<16xi32>], vector<16xf32>,
          %mul3A_465 = arith.mulf %gather3A_463, %gather3A_464 : vector<16xf32>
          %add3A_466 = arith.addf %add3A_427, %mul3A_465 : vector<16xf32>
          %scan3A_467 = arith.constant 3 : i32
          %scan3A_468 = arith.addi %scan3A_349, %scan3A_467 : i32
          %mul3A_469 = arith.constant 1 : i32
          %mul3A_470 = arith.muli %scan3A_468, %mul3A_469 : i32
          %add3A_471 = arith.constant 0 : i32
          %add3A_472 = arith.addi %add3A_471, %mul3A_470 : i32
          %add3A_473 = vector.broadcast %add3A_472 : i32 to vector<16xi32>
          %add3A_474 = arith.addi %add3A_473, %iota3A : vector<16xi32>
          %and3A_475 = arith.constant 31 : i32
          %and3A_476 = vector.broadcast %and3A_475 : i32 to vector<16xi32>
          %and3A_477 = arith.andi %add3A_474, %and3A_476 : vector<16xi32>
          %add3A_478 = arith.constant 0 : i32
          %add3A_479 = vector.broadcast %add3A_478 : i32 to vector<16xi32>
          %add3A_480 = arith.addi %and3A_477, %add3A_479 : vector<16xi32>
          %gather3A_481 = tpu.vector_load_idx %arg19[%add3A_320, %add3A_480] : memref<32x128xf32, #tpu.memory_space<vmem>>[vector<16xi32>, vector<16xi32>], vector<16xf32>,
          %gather3A_482 = tpu.vector_load_idx %arg21[%add3A_320, %add3A_480] : memref<32x128xf32, #tpu.memory_space<vmem>>[vector<16xi32>, vector<16xi32>], vector<16xf32>,
          %mul3A_483 = arith.mulf %gather3A_481, %gather3A_482 : vector<16xf32>
          %add3A_484 = arith.addf %add3A_445, %mul3A_483 : vector<16xf32>
          %add3A_485 = arith.constant 32 : i32
          %add3A_486 = vector.broadcast %add3A_485 : i32 to vector<16xi32>
          %add3A_487 = arith.addi %and3A_477, %add3A_486 : vector<16xi32>
          %gather3A_488 = tpu.vector_load_idx %arg19[%add3A_320, %add3A_487] : memref<32x128xf32, #tpu.memory_space<vmem>>[vector<16xi32>, vector<16xi32>], vector<16xf32>,
          %gather3A_489 = tpu.vector_load_idx %arg21[%add3A_320, %add3A_487] : memref<32x128xf32, #tpu.memory_space<vmem>>[vector<16xi32>, vector<16xi32>], vector<16xf32>,
          %mul3A_490 = arith.mulf %gather3A_488, %gather3A_489 : vector<16xf32>
          %add3A_491 = arith.addf %add3A_452, %mul3A_490 : vector<16xf32>
          %add3A_492 = arith.constant 64 : i32
          %add3A_493 = vector.broadcast %add3A_492 : i32 to vector<16xi32>
          %add3A_494 = arith.addi %and3A_477, %add3A_493 : vector<16xi32>
          %gather3A_495 = tpu.vector_load_idx %arg19[%add3A_320, %add3A_494] : memref<32x128xf32, #tpu.memory_space<vmem>>[vector<16xi32>, vector<16xi32>], vector<16xf32>,
          %gather3A_496 = tpu.vector_load_idx %arg21[%add3A_320, %add3A_494] : memref<32x128xf32, #tpu.memory_space<vmem>>[vector<16xi32>, vector<16xi32>], vector<16xf32>,
          %mul3A_497 = arith.mulf %gather3A_495, %gather3A_496 : vector<16xf32>
          %add3A_498 = arith.addf %add3A_459, %mul3A_497 : vector<16xf32>
          %add3A_499 = arith.constant 96 : i32
          %add3A_500 = vector.broadcast %add3A_499 : i32 to vector<16xi32>
          %add3A_501 = arith.addi %and3A_477, %add3A_500 : vector<16xi32>
          %gather3A_502 = tpu.vector_load_idx %arg19[%add3A_320, %add3A_501] : memref<32x128xf32, #tpu.memory_space<vmem>>[vector<16xi32>, vector<16xi32>], vector<16xf32>,
          %gather3A_503 = tpu.vector_load_idx %arg21[%add3A_320, %add3A_501] : memref<32x128xf32, #tpu.memory_space<vmem>>[vector<16xi32>, vector<16xi32>], vector<16xf32>,
          %mul3A_504 = arith.mulf %gather3A_502, %gather3A_503 : vector<16xf32>
          %add3A_505 = arith.addf %add3A_466, %mul3A_504 : vector<16xf32>
          scf.yield %add3A_484, %add3A_491, %add3A_498, %add3A_505 : vector<16xf32>, vector<16xf32>, vector<16xf32>, vector<16xf32>
        }
        %scan3A_327 = arith.constant 32 : i32
        %exp3A = math.exp %scan3A_326#0 : vector<16xf32>
        %exp3A_328 = math.exp %scan3A_326#1 : vector<16xf32>
        %exp3A_329 = math.exp %scan3A_326#2 : vector<16xf32>
        %exp3A_330 = math.exp %scan3A_326#3 : vector<16xf32>
        %broadcast_in_dim3A_331 = arith.constant 0 : i32
        %broadcast_in_dim3A_332 = vector.broadcast %broadcast_in_dim3A_331 : i32 to vector<16xi32>
        tpu.vector_store_idx %arg25[%add3A_320, %broadcast_in_dim3A_332], %exp3A : memref<32x16xf32, #tpu.memory_space<vmem>>[vector<16xi32>, vector<16xi32>], vector<16xf32>,
        %broadcast_in_dim3A_333 = arith.constant 1 : i32
        %broadcast_in_dim3A_334 = vector.broadcast %broadcast_in_dim3A_333 : i32 to vector<16xi32>
        tpu.vector_store_idx %arg25[%add3A_320, %broadcast_in_dim3A_334], %exp3A_328 : memref<32x16xf32, #tpu.memory_space<vmem>>[vector<16xi32>, vector<16xi32>], vector<16xf32>,
        %broadcast_in_dim3A_335 = arith.constant 2 : i32
        %broadcast_in_dim3A_336 = vector.broadcast %broadcast_in_dim3A_335 : i32 to vector<16xi32>
        tpu.vector_store_idx %arg25[%add3A_320, %broadcast_in_dim3A_336], %exp3A_329 : memref<32x16xf32, #tpu.memory_space<vmem>>[vector<16xi32>, vector<16xi32>], vector<16xf32>,
        %broadcast_in_dim3A_337 = arith.constant 3 : i32
        %broadcast_in_dim3A_338 = vector.broadcast %broadcast_in_dim3A_337 : i32 to vector<16xi32>
        tpu.vector_store_idx %arg25[%add3A_320, %broadcast_in_dim3A_338], %exp3A_330 : memref<32x16xf32, #tpu.memory_space<vmem>>[vector<16xi32>, vector<16xi32>], vector<16xf32>,
        %eq3A_339 = arith.constant 0 : i32
        %eq3A_340 = arith.cmpi eq, %add3A_316, %eq3A_339 : i32
        %convert_element_type3A_341 = arith.extui %eq3A_340 : i1 to i32
        %cond3A_342 = arith.constant 0 : i32
        %cond3A_343 = arith.cmpi ne, %convert_element_type3A_341, %cond3A_342 : i32
        scf.if %cond3A_343 {
          %dma_wait3A_349 = arith.constant 0 : i32
          %dma_wait3A_350 = arith.constant 0 : i32
          %dma_wait3A_351 = tpu.memref_slice %arg4[%dma_wait3A_349, %dma_wait3A_350] : memref<10000x128xf32, #tpu.memory_space<hbm>> -> memref<10000x128xf32, #tpu.memory_space<hbm>>
          tpu.wait_indirect_dma semaphore(%arg37 : memref<!tpu.dma_semaphore, #tpu.memory_space<semaphore_mem>>) src(%dma_wait3A_351 : memref<10000x128xf32, #tpu.memory_space<hbm>>) dst(%arg23 : memref<32x128xf32, #tpu.memory_space<vmem>>)
        } else {
        }
        %scan3A_344 = arith.constant 0 : i32
        %scan3A_345 = arith.constant 32 : i32
        %scan3A_346 = arith.addi %scan3A_344, %scan3A_345 : i32
        %scan3A_347 = arith.constant 4 : i32
        scf.for %scan3A_349 = %scan3A_344 to %scan3A_346 step %scan3A_347  : i32 {
          %mul3A_350 = arith.constant 1 : i32
          %mul3A_351 = arith.muli %scan3A_349, %mul3A_350 : i32
          %add3A_352 = arith.constant 0 : i32
          %add3A_353 = arith.addi %add3A_352, %mul3A_351 : i32
          %add3A_354 = vector.broadcast %add3A_353 : i32 to vector<16xi32>
          %add3A_355 = arith.addi %add3A_354, %iota3A : vector<16xi32>
          %and3A = arith.constant 31 : i32
          %and3A_356 = vector.broadcast %and3A : i32 to vector<16xi32>
          %and3A_357 = arith.andi %add3A_355, %and3A_356 : vector<16xi32>
          %add3A_358 = arith.constant 0 : i32
          %add3A_359 = vector.broadcast %add3A_358 : i32 to vector<16xi32>
          %add3A_360 = arith.addi %and3A_357, %add3A_359 : vector<16xi32>
          %gather3A = tpu.vector_load_idx %arg23[%add3A_320, %add3A_360] : memref<32x128xf32, #tpu.memory_space<vmem>>[vector<16xi32>, vector<16xi32>], vector<16xf32>,
          %mul3A_361 = arith.mulf %gather3A, %exp3A : vector<16xf32>
          tpu.vector_store_idx %arg23[%add3A_320, %add3A_360], %mul3A_361 : memref<32x128xf32, #tpu.memory_space<vmem>>[vector<16xi32>, vector<16xi32>], vector<16xf32>,
          %add3A_362 = arith.constant 32 : i32
          %add3A_363 = vector.broadcast %add3A_362 : i32 to vector<16xi32>
          %add3A_364 = arith.addi %and3A_357, %add3A_363 : vector<16xi32>
          %gather3A_365 = tpu.vector_load_idx %arg23[%add3A_320, %add3A_364] : memref<32x128xf32, #tpu.memory_space<vmem>>[vector<16xi32>, vector<16xi32>], vector<16xf32>,
          %mul3A_366 = arith.mulf %gather3A_365, %exp3A_328 : vector<16xf32>
          tpu.vector_store_idx %arg23[%add3A_320, %add3A_364], %mul3A_366 : memref<32x128xf32, #tpu.memory_space<vmem>>[vector<16xi32>, vector<16xi32>], vector<16xf32>,
          %add3A_367 = arith.constant 64 : i32
          %add3A_368 = vector.broadcast %add3A_367 : i32 to vector<16xi32>
          %add3A_369 = arith.addi %and3A_357, %add3A_368 : vector<16xi32>
          %gather3A_370 = tpu.vector_load_idx %arg23[%add3A_320, %add3A_369] : memref<32x128xf32, #tpu.memory_space<vmem>>[vector<16xi32>, vector<16xi32>], vector<16xf32>,
          %mul3A_371 = arith.mulf %gather3A_370, %exp3A_329 : vector<16xf32>
          tpu.vector_store_idx %arg23[%add3A_320, %add3A_369], %mul3A_371 : memref<32x128xf32, #tpu.memory_space<vmem>>[vector<16xi32>, vector<16xi32>], vector<16xf32>,
          %add3A_372 = arith.constant 96 : i32
          %add3A_373 = vector.broadcast %add3A_372 : i32 to vector<16xi32>
          %add3A_374 = arith.addi %and3A_357, %add3A_373 : vector<16xi32>
          %gather3A_375 = tpu.vector_load_idx %arg23[%add3A_320, %add3A_374] : memref<32x128xf32, #tpu.memory_space<vmem>>[vector<16xi32>, vector<16xi32>], vector<16xf32>,
          %mul3A_376 = arith.mulf %gather3A_375, %exp3A_330 : vector<16xf32>
          tpu.vector_store_idx %arg23[%add3A_320, %add3A_374], %mul3A_376 : memref<32x128xf32, #tpu.memory_space<vmem>>[vector<16xi32>, vector<16xi32>], vector<16xf32>,
          %scan3A_377 = arith.constant 1 : i32
          %scan3A_378 = arith.addi %scan3A_349, %scan3A_377 : i32
          %mul3A_379 = arith.constant 1 : i32
          %mul3A_380 = arith.muli %scan3A_378, %mul3A_379 : i32
          %add3A_381 = arith.constant 0 : i32
          %add3A_382 = arith.addi %add3A_381, %mul3A_380 : i32
          %add3A_383 = vector.broadcast %add3A_382 : i32 to vector<16xi32>
          %add3A_384 = arith.addi %add3A_383, %iota3A : vector<16xi32>
          %and3A_385 = arith.constant 31 : i32
          %and3A_386 = vector.broadcast %and3A_385 : i32 to vector<16xi32>
          %and3A_387 = arith.andi %add3A_384, %and3A_386 : vector<16xi32>
          %add3A_388 = arith.constant 0 : i32
          %add3A_389 = vector.broadcast %add3A_388 : i32 to vector<16xi32>
          %add3A_390 = arith.addi %and3A_387, %add3A_389 : vector<16xi32>
          %gather3A_391 = tpu.vector_load_idx %arg23[%add3A_320, %add3A_390] : memref<32x128xf32, #tpu.memory_space<vmem>>[vector<16xi32>, vector<16xi32>], vector<16xf32>,
          %mul3A_392 = arith.mulf %gather3A_391, %exp3A : vector<16xf32>
          tpu.vector_store_idx %arg23[%add3A_320, %add3A_390], %mul3A_392 : memref<32x128xf32, #tpu.memory_space<vmem>>[vector<16xi32>, vector<16xi32>], vector<16xf32>,
          %add3A_393 = arith.constant 32 : i32
          %add3A_394 = vector.broadcast %add3A_393 : i32 to vector<16xi32>
          %add3A_395 = arith.addi %and3A_387, %add3A_394 : vector<16xi32>
          %gather3A_396 = tpu.vector_load_idx %arg23[%add3A_320, %add3A_395] : memref<32x128xf32, #tpu.memory_space<vmem>>[vector<16xi32>, vector<16xi32>], vector<16xf32>,
          %mul3A_397 = arith.mulf %gather3A_396, %exp3A_328 : vector<16xf32>
          tpu.vector_store_idx %arg23[%add3A_320, %add3A_395], %mul3A_397 : memref<32x128xf32, #tpu.memory_space<vmem>>[vector<16xi32>, vector<16xi32>], vector<16xf32>,
          %add3A_398 = arith.constant 64 : i32
          %add3A_399 = vector.broadcast %add3A_398 : i32 to vector<16xi32>
          %add3A_400 = arith.addi %and3A_387, %add3A_399 : vector<16xi32>
          %gather3A_401 = tpu.vector_load_idx %arg23[%add3A_320, %add3A_400] : memref<32x128xf32, #tpu.memory_space<vmem>>[vector<16xi32>, vector<16xi32>], vector<16xf32>,
          %mul3A_402 = arith.mulf %gather3A_401, %exp3A_329 : vector<16xf32>
          tpu.vector_store_idx %arg23[%add3A_320, %add3A_400], %mul3A_402 : memref<32x128xf32, #tpu.memory_space<vmem>>[vector<16xi32>, vector<16xi32>], vector<16xf32>,
          %add3A_403 = arith.constant 96 : i32
          %add3A_404 = vector.broadcast %add3A_403 : i32 to vector<16xi32>
          %add3A_405 = arith.addi %and3A_387, %add3A_404 : vector<16xi32>
          %gather3A_406 = tpu.vector_load_idx %arg23[%add3A_320, %add3A_405] : memref<32x128xf32, #tpu.memory_space<vmem>>[vector<16xi32>, vector<16xi32>], vector<16xf32>,
          %mul3A_407 = arith.mulf %gather3A_406, %exp3A_330 : vector<16xf32>
          tpu.vector_store_idx %arg23[%add3A_320, %add3A_405], %mul3A_407 : memref<32x128xf32, #tpu.memory_space<vmem>>[vector<16xi32>, vector<16xi32>], vector<16xf32>,
          %scan3A_408 = arith.constant 2 : i32
          %scan3A_409 = arith.addi %scan3A_349, %scan3A_408 : i32
          %mul3A_410 = arith.constant 1 : i32
          %mul3A_411 = arith.muli %scan3A_409, %mul3A_410 : i32
          %add3A_412 = arith.constant 0 : i32
          %add3A_413 = arith.addi %add3A_412, %mul3A_411 : i32
          %add3A_414 = vector.broadcast %add3A_413 : i32 to vector<16xi32>
          %add3A_415 = arith.addi %add3A_414, %iota3A : vector<16xi32>
          %and3A_416 = arith.constant 31 : i32
          %and3A_417 = vector.broadcast %and3A_416 : i32 to vector<16xi32>
          %and3A_418 = arith.andi %add3A_415, %and3A_417 : vector<16xi32>
          %add3A_419 = arith.constant 0 : i32
          %add3A_420 = vector.broadcast %add3A_419 : i32 to vector<16xi32>
          %add3A_421 = arith.addi %and3A_418, %add3A_420 : vector<16xi32>
          %gather3A_422 = tpu.vector_load_idx %arg23[%add3A_320, %add3A_421] : memref<32x128xf32, #tpu.memory_space<vmem>>[vector<16xi32>, vector<16xi32>], vector<16xf32>,
          %mul3A_423 = arith.mulf %gather3A_422, %exp3A : vector<16xf32>
          tpu.vector_store_idx %arg23[%add3A_320, %add3A_421], %mul3A_423 : memref<32x128xf32, #tpu.memory_space<vmem>>[vector<16xi32>, vector<16xi32>], vector<16xf32>,
          %add3A_424 = arith.constant 32 : i32
          %add3A_425 = vector.broadcast %add3A_424 : i32 to vector<16xi32>
          %add3A_426 = arith.addi %and3A_418, %add3A_425 : vector<16xi32>
          %gather3A_427 = tpu.vector_load_idx %arg23[%add3A_320, %add3A_426] : memref<32x128xf32, #tpu.memory_space<vmem>>[vector<16xi32>, vector<16xi32>], vector<16xf32>,
          %mul3A_428 = arith.mulf %gather3A_427, %exp3A_328 : vector<16xf32>
          tpu.vector_store_idx %arg23[%add3A_320, %add3A_426], %mul3A_428 : memref<32x128xf32, #tpu.memory_space<vmem>>[vector<16xi32>, vector<16xi32>], vector<16xf32>,
          %add3A_429 = arith.constant 64 : i32
          %add3A_430 = vector.broadcast %add3A_429 : i32 to vector<16xi32>
          %add3A_431 = arith.addi %and3A_418, %add3A_430 : vector<16xi32>
          %gather3A_432 = tpu.vector_load_idx %arg23[%add3A_320, %add3A_431] : memref<32x128xf32, #tpu.memory_space<vmem>>[vector<16xi32>, vector<16xi32>], vector<16xf32>,
          %mul3A_433 = arith.mulf %gather3A_432, %exp3A_329 : vector<16xf32>
          tpu.vector_store_idx %arg23[%add3A_320, %add3A_431], %mul3A_433 : memref<32x128xf32, #tpu.memory_space<vmem>>[vector<16xi32>, vector<16xi32>], vector<16xf32>,
          %add3A_434 = arith.constant 96 : i32
          %add3A_435 = vector.broadcast %add3A_434 : i32 to vector<16xi32>
          %add3A_436 = arith.addi %and3A_418, %add3A_435 : vector<16xi32>
          %gather3A_437 = tpu.vector_load_idx %arg23[%add3A_320, %add3A_436] : memref<32x128xf32, #tpu.memory_space<vmem>>[vector<16xi32>, vector<16xi32>], vector<16xf32>,
          %mul3A_438 = arith.mulf %gather3A_437, %exp3A_330 : vector<16xf32>
          tpu.vector_store_idx %arg23[%add3A_320, %add3A_436], %mul3A_438 : memref<32x128xf32, #tpu.memory_space<vmem>>[vector<16xi32>, vector<16xi32>], vector<16xf32>,
          %scan3A_439 = arith.constant 3 : i32
          %scan3A_440 = arith.addi %scan3A_349, %scan3A_439 : i32
          %mul3A_441 = arith.constant 1 : i32
          %mul3A_442 = arith.muli %scan3A_440, %mul3A_441 : i32
          %add3A_443 = arith.constant 0 : i32
          %add3A_444 = arith.addi %add3A_443, %mul3A_442 : i32
          %add3A_445 = vector.broadcast %add3A_444 : i32 to vector<16xi32>
          %add3A_446 = arith.addi %add3A_445, %iota3A : vector<16xi32>
          %and3A_447 = arith.constant 31 : i32
          %and3A_448 = vector.broadcast %and3A_447 : i32 to vector<16xi32>
          %and3A_449 = arith.andi %add3A_446, %and3A_448 : vector<16xi32>
          %add3A_450 = arith.constant 0 : i32
          %add3A_451 = vector.broadcast %add3A_450 : i32 to vector<16xi32>
          %add3A_452 = arith.addi %and3A_449, %add3A_451 : vector<16xi32>
          %gather3A_453 = tpu.vector_load_idx %arg23[%add3A_320, %add3A_452] : memref<32x128xf32, #tpu.memory_space<vmem>>[vector<16xi32>, vector<16xi32>], vector<16xf32>,
          %mul3A_454 = arith.mulf %gather3A_453, %exp3A : vector<16xf32>
          tpu.vector_store_idx %arg23[%add3A_320, %add3A_452], %mul3A_454 : memref<32x128xf32, #tpu.memory_space<vmem>>[vector<16xi32>, vector<16xi32>], vector<16xf32>,
          %add3A_455 = arith.constant 32 : i32
          %add3A_456 = vector.broadcast %add3A_455 : i32 to vector<16xi32>
          %add3A_457 = arith.addi %and3A_449, %add3A_456 : vector<16xi32>
          %gather3A_458 = tpu.vector_load_idx %arg23[%add3A_320, %add3A_457] : memref<32x128xf32, #tpu.memory_space<vmem>>[vector<16xi32>, vector<16xi32>], vector<16xf32>,
          %mul3A_459 = arith.mulf %gather3A_458, %exp3A_328 : vector<16xf32>
          tpu.vector_store_idx %arg23[%add3A_320, %add3A_457], %mul3A_459 : memref<32x128xf32, #tpu.memory_space<vmem>>[vector<16xi32>, vector<16xi32>], vector<16xf32>,
          %add3A_460 = arith.constant 64 : i32
          %add3A_461 = vector.broadcast %add3A_460 : i32 to vector<16xi32>
          %add3A_462 = arith.addi %and3A_449, %add3A_461 : vector<16xi32>
          %gather3A_463 = tpu.vector_load_idx %arg23[%add3A_320, %add3A_462] : memref<32x128xf32, #tpu.memory_space<vmem>>[vector<16xi32>, vector<16xi32>], vector<16xf32>,
          %mul3A_464 = arith.mulf %gather3A_463, %exp3A_329 : vector<16xf32>
          tpu.vector_store_idx %arg23[%add3A_320, %add3A_462], %mul3A_464 : memref<32x128xf32, #tpu.memory_space<vmem>>[vector<16xi32>, vector<16xi32>], vector<16xf32>,
          %add3A_465 = arith.constant 96 : i32
          %add3A_466 = vector.broadcast %add3A_465 : i32 to vector<16xi32>
          %add3A_467 = arith.addi %and3A_449, %add3A_466 : vector<16xi32>
          %gather3A_468 = tpu.vector_load_idx %arg23[%add3A_320, %add3A_467] : memref<32x128xf32, #tpu.memory_space<vmem>>[vector<16xi32>, vector<16xi32>], vector<16xf32>,
          %mul3A_469 = arith.mulf %gather3A_468, %exp3A_330 : vector<16xf32>
          tpu.vector_store_idx %arg23[%add3A_320, %add3A_467], %mul3A_469 : memref<32x128xf32, #tpu.memory_space<vmem>>[vector<16xi32>, vector<16xi32>], vector<16xf32>,
        }
        %scan3A_348 = arith.constant 32 : i32
      }
      %scan3A_140 = arith.constant 2 : i32
      %dma_start3A_141 = arith.constant 0 : i32
      %dma_start3A_142 = arith.constant 0 : i32
      %dma_start3A_143 = tpu.memref_slice %arg27[%dma_start3A_141, %dma_start3A_142] : memref<10008x16xf32, #tpu.memory_space<vmem_shared>> -> memref<10008x16xf32, #tpu.memory_space<vmem_shared>>
      tpu.enqueue_indirect_dma source(%arg25 : memref<32x16xf32, #tpu.memory_space<vmem>>) target(%dma_start3A_143 : memref<10008x16xf32, #tpu.memory_space<vmem_shared>>) offsets(%arg15 : memref<32xi32, #tpu.memory_space<vmem>>) semaphore(%arg39 : memref<!tpu.dma_semaphore, #tpu.memory_space<semaphore_mem>>) {add = true}
      %dma_start3A_144 = arith.constant 0 : i32
      %dma_start3A_145 = arith.constant 0 : i32
      %dma_start3A_146 = tpu.memref_slice %arg28[%dma_start3A_144, %dma_start3A_145] : memref<10008x128xf32, #tpu.memory_space<vmem_shared>> -> memref<10008x128xf32, #tpu.memory_space<vmem_shared>>
      tpu.enqueue_indirect_dma source(%arg23 : memref<32x128xf32, #tpu.memory_space<vmem>>) target(%dma_start3A_146 : memref<10008x128xf32, #tpu.memory_space<vmem_shared>>) offsets(%arg15 : memref<32xi32, #tpu.memory_space<vmem>>) semaphore(%arg41 : memref<!tpu.dma_semaphore, #tpu.memory_space<semaphore_mem>>) {add = true}
      %mul3A_147 = arith.constant 4 : i32
      %mul3A_148 = arith.muli %add3A_93, %mul3A_147 : i32
      %add3A_149 = arith.constant 1 : i32
      %add3A_150 = arith.addi %mul3A_148, %add3A_149 : i32
      %dma_wait3A_151 = arith.constant 0 : i32
      %dma_wait3A_152 = arith.constant 0 : i32
      %dma_wait3A_153 = tpu.memref_slice %arg27[%dma_wait3A_151, %dma_wait3A_152] : memref<10008x16xf32, #tpu.memory_space<vmem_shared>> -> memref<10008x16xf32, #tpu.memory_space<vmem_shared>>
      tpu.wait_indirect_dma semaphore(%arg39 : memref<!tpu.dma_semaphore, #tpu.memory_space<semaphore_mem>>) src(%arg25 : memref<32x16xf32, #tpu.memory_space<vmem>>) dst(%dma_wait3A_153 : memref<10008x16xf32, #tpu.memory_space<vmem_shared>>)
      %dma_wait3A_154 = arith.constant 0 : i32
      %dma_wait3A_155 = arith.constant 0 : i32
      %dma_wait3A_156 = tpu.memref_slice %arg28[%dma_wait3A_154, %dma_wait3A_155] : memref<10008x128xf32, #tpu.memory_space<vmem_shared>> -> memref<10008x128xf32, #tpu.memory_space<vmem_shared>>
      tpu.wait_indirect_dma semaphore(%arg41 : memref<!tpu.dma_semaphore, #tpu.memory_space<semaphore_mem>>) src(%arg23 : memref<32x128xf32, #tpu.memory_space<vmem>>) dst(%dma_wait3A_156 : memref<10008x128xf32, #tpu.memory_space<vmem_shared>>)
      %dma_wait3A_157 = arith.constant 0 : i32
      %dma_wait3A_158 = tpu.memref_slice %arg5[%dma_wait3A_157] : memref<325632xi32, #tpu.memory_space<hbm>> -> memref<32xi32, #tpu.memory_space<hbm>>
      %dma_wait3A_159 = arith.constant 0 : i32
      %dma_wait3A_160 = tpu.memref_slice %arg5[%dma_wait3A_159] : memref<325632xi32, #tpu.memory_space<hbm>> -> memref<32xi32, #tpu.memory_space<hbm>>
      tpu.wait_dma2 semaphore(%arg31 : memref<!tpu.dma_semaphore, #tpu.memory_space<semaphore_mem>>) src(%dma_wait3A_160 : memref<32xi32, #tpu.memory_space<hbm>>) dst(%arg13 : memref<32xi32, #tpu.memory_space<vmem>>)
      %dma_wait3A_161 = arith.constant 0 : i32
      %dma_wait3A_162 = tpu.memref_slice %arg6[%dma_wait3A_161] : memref<325632xi32, #tpu.memory_space<hbm>> -> memref<32xi32, #tpu.memory_space<hbm>>
      %dma_wait3A_163 = arith.constant 0 : i32
      %dma_wait3A_164 = tpu.memref_slice %arg6[%dma_wait3A_163] : memref<325632xi32, #tpu.memory_space<hbm>> -> memref<32xi32, #tpu.memory_space<hbm>>
      tpu.wait_dma2 semaphore(%arg31 : memref<!tpu.dma_semaphore, #tpu.memory_space<semaphore_mem>>) src(%dma_wait3A_164 : memref<32xi32, #tpu.memory_space<hbm>>) dst(%arg17 : memref<32xi32, #tpu.memory_space<vmem>>)
      %dma_start3A_165 = arith.constant 0 : i32
      %dma_start3A_166 = arith.constant 0 : i32
      %dma_start3A_167 = tpu.memref_slice %arg2[%dma_start3A_165, %dma_start3A_166] : memref<10000x128xf32, #tpu.memory_space<hbm>> -> memref<10000x128xf32, #tpu.memory_space<hbm>>
      tpu.enqueue_indirect_dma source(%dma_start3A_167 : memref<10000x128xf32, #tpu.memory_space<hbm>>) target(%arg19 : memref<32x128xf32, #tpu.memory_space<vmem>>) offsets(%arg13 : memref<32xi32, #tpu.memory_space<vmem>>) semaphore(%arg33 : memref<!tpu.dma_semaphore, #tpu.memory_space<semaphore_mem>>)
      %dma_start3A_168 = arith.constant 0 : i32
      %dma_start3A_169 = arith.constant 0 : i32
      %dma_start3A_170 = tpu.memref_slice %arg3[%dma_start3A_168, %dma_start3A_169] : memref<10008x128xf32, #tpu.memory_space<hbm>> -> memref<10008x128xf32, #tpu.memory_space<hbm>>
      tpu.enqueue_indirect_dma source(%dma_start3A_170 : memref<10008x128xf32, #tpu.memory_space<hbm>>) target(%arg21 : memref<32x128xf32, #tpu.memory_space<vmem>>) offsets(%arg17 : memref<32xi32, #tpu.memory_space<vmem>>) semaphore(%arg35 : memref<!tpu.dma_semaphore, #tpu.memory_space<semaphore_mem>>)
      %dma_start3A_171 = arith.constant 0 : i32
      %dma_start3A_172 = arith.constant 0 : i32
      %dma_start3A_173 = tpu.memref_slice %arg4[%dma_start3A_171, %dma_start3A_172] : memref<10000x128xf32, #tpu.memory_space<hbm>> -> memref<10000x128xf32, #tpu.memory_space<hbm>>
      tpu.enqueue_indirect_dma source(%dma_start3A_173 : memref<10000x128xf32, #tpu.memory_space<hbm>>) target(%arg23 : memref<32x128xf32, #tpu.memory_space<vmem>>) offsets(%arg13 : memref<32xi32, #tpu.memory_space<vmem>>) semaphore(%arg37 : memref<!tpu.dma_semaphore, #tpu.memory_space<semaphore_mem>>)
      %add3A_174 = arith.constant 2 : i32
      %add3A_175 = arith.addi %add3A_150, %add3A_174 : i32
      %mul3A_176 = arith.constant 32 : i32
      %mul3A_177 = arith.muli %mul3A_176, %add3A_175 : i32
      %add3A_178 = arith.addi %add3A, %mul3A_177 : i32
      %mul3A_179 = arith.constant 32 : i32
      %mul3A_180 = arith.muli %add3A_178, %mul3A_179 : i32
      %dma_start3A_181 = tpu.memref_slice %arg5[%mul3A_180] : memref<325632xi32, #tpu.memory_space<hbm>> -> memref<32xi32, #tpu.memory_space<hbm>>
      %dma_start3A_182 = tpu.memref_slice %arg5[%mul3A_180] : memref<325632xi32, #tpu.memory_space<hbm>> -> memref<32xi32, #tpu.memory_space<hbm>>
      tpu.enqueue_dma source(%dma_start3A_182 : memref<32xi32, #tpu.memory_space<hbm>>) target(%arg14 : memref<32xi32, #tpu.memory_space<vmem>>) target_semaphore(%arg32 : memref<!tpu.dma_semaphore, #tpu.memory_space<semaphore_mem>>)
      %dma_start3A_183 = tpu.memref_slice %arg6[%mul3A_180] : memref<325632xi32, #tpu.memory_space<hbm>> -> memref<32xi32, #tpu.memory_space<hbm>>
      %dma_start3A_184 = tpu.memref_slice %arg6[%mul3A_180] : memref<325632xi32, #tpu.memory_space<hbm>> -> memref<32xi32, #tpu.memory_space<hbm>>
      tpu.enqueue_dma source(%dma_start3A_184 : memref<32xi32, #tpu.memory_space<hbm>>) target(%arg18 : memref<32xi32, #tpu.memory_space<vmem>>) target_semaphore(%arg32 : memref<!tpu.dma_semaphore, #tpu.memory_space<semaphore_mem>>)
      %dma_wait3A_185 = arith.constant 0 : i32
      %dma_wait3A_186 = arith.constant 0 : i32
      %dma_wait3A_187 = tpu.memref_slice %arg2[%dma_wait3A_185, %dma_wait3A_186] : memref<10000x128xf32, #tpu.memory_space<hbm>> -> memref<10000x128xf32, #tpu.memory_space<hbm>>
      tpu.wait_indirect_dma semaphore(%arg34 : memref<!tpu.dma_semaphore, #tpu.memory_space<semaphore_mem>>) src(%dma_wait3A_187 : memref<10000x128xf32, #tpu.memory_space<hbm>>) dst(%arg20 : memref<32x128xf32, #tpu.memory_space<vmem>>)
      %dma_wait3A_188 = arith.constant 0 : i32
      %dma_wait3A_189 = arith.constant 0 : i32
      %dma_wait3A_190 = tpu.memref_slice %arg3[%dma_wait3A_188, %dma_wait3A_189] : memref<10008x128xf32, #tpu.memory_space<hbm>> -> memref<10008x128xf32, #tpu.memory_space<hbm>>
      tpu.wait_indirect_dma semaphore(%arg36 : memref<!tpu.dma_semaphore, #tpu.memory_space<semaphore_mem>>) src(%dma_wait3A_190 : memref<10008x128xf32, #tpu.memory_space<hbm>>) dst(%arg22 : memref<32x128xf32, #tpu.memory_space<vmem>>)
      %scan3A_191 = arith.constant 0 : i32
      %scan3A_192 = arith.constant 2 : i32
      %scan3A_193 = arith.addi %scan3A_191, %scan3A_192 : i32
      %scan3A_194 = arith.constant 1 : i32
      scf.for %scan3A_312 = %scan3A_191 to %scan3A_193 step %scan3A_194  : i32 {
        %mul3A_313 = arith.constant 1 : i32
        %mul3A_314 = arith.muli %scan3A_312, %mul3A_313 : i32
        %add3A_315 = arith.constant 0 : i32
        %add3A_316 = arith.addi %add3A_315, %mul3A_314 : i32
        %mul3A_317 = arith.constant 16 : i32
        %mul3A_318 = arith.muli %add3A_316, %mul3A_317 : i32
        %add3A_319 = vector.broadcast %mul3A_318 : i32 to vector<16xi32>
        %add3A_320 = arith.addi %add3A_319, %iota3A : vector<16xi32>
        %broadcast_in_dim3A = arith.constant 0.000000e+00 : f32
        %broadcast_in_dim3A_321 = vector.broadcast %broadcast_in_dim3A : f32 to vector<16xf32>
        %scan3A_322 = arith.constant 0 : i32
        %scan3A_323 = arith.constant 32 : i32
        %scan3A_324 = arith.addi %scan3A_322, %scan3A_323 : i32
        %scan3A_325 = arith.constant 4 : i32
        %scan3A_326:4 = scf.for %scan3A_349 = %scan3A_322 to %scan3A_324 step %scan3A_325 iter_args(%scan3A_350 = %broadcast_in_dim3A_321, %scan3A_351 = %broadcast_in_dim3A_321, %scan3A_352 = %broadcast_in_dim3A_321, %scan3A_353 = %broadcast_in_dim3A_321) -> (vector<16xf32>, vector<16xf32>, vector<16xf32>, vector<16xf32>)  : i32 {
          %mul3A_354 = arith.constant 1 : i32
          %mul3A_355 = arith.muli %scan3A_349, %mul3A_354 : i32
          %add3A_356 = arith.constant 0 : i32
          %add3A_357 = arith.addi %add3A_356, %mul3A_355 : i32
          %add3A_358 = vector.broadcast %add3A_357 : i32 to vector<16xi32>
          %add3A_359 = arith.addi %add3A_358, %iota3A : vector<16xi32>
          %and3A = arith.constant 31 : i32
          %and3A_360 = vector.broadcast %and3A : i32 to vector<16xi32>
          %and3A_361 = arith.andi %add3A_359, %and3A_360 : vector<16xi32>
          %add3A_362 = arith.constant 0 : i32
          %add3A_363 = vector.broadcast %add3A_362 : i32 to vector<16xi32>
          %add3A_364 = arith.addi %and3A_361, %add3A_363 : vector<16xi32>
          %gather3A = tpu.vector_load_idx %arg20[%add3A_320, %add3A_364] : memref<32x128xf32, #tpu.memory_space<vmem>>[vector<16xi32>, vector<16xi32>], vector<16xf32>,
          %gather3A_365 = tpu.vector_load_idx %arg22[%add3A_320, %add3A_364] : memref<32x128xf32, #tpu.memory_space<vmem>>[vector<16xi32>, vector<16xi32>], vector<16xf32>,
          %mul3A_366 = arith.mulf %gather3A, %gather3A_365 : vector<16xf32>
          %add3A_367 = arith.addf %scan3A_350, %mul3A_366 : vector<16xf32>
          %add3A_368 = arith.constant 32 : i32
          %add3A_369 = vector.broadcast %add3A_368 : i32 to vector<16xi32>
          %add3A_370 = arith.addi %and3A_361, %add3A_369 : vector<16xi32>
          %gather3A_371 = tpu.vector_load_idx %arg20[%add3A_320, %add3A_370] : memref<32x128xf32, #tpu.memory_space<vmem>>[vector<16xi32>, vector<16xi32>], vector<16xf32>,
          %gather3A_372 = tpu.vector_load_idx %arg22[%add3A_320, %add3A_370] : memref<32x128xf32, #tpu.memory_space<vmem>>[vector<16xi32>, vector<16xi32>], vector<16xf32>,
          %mul3A_373 = arith.mulf %gather3A_371, %gather3A_372 : vector<16xf32>
          %add3A_374 = arith.addf %scan3A_351, %mul3A_373 : vector<16xf32>
          %add3A_375 = arith.constant 64 : i32
          %add3A_376 = vector.broadcast %add3A_375 : i32 to vector<16xi32>
          %add3A_377 = arith.addi %and3A_361, %add3A_376 : vector<16xi32>
          %gather3A_378 = tpu.vector_load_idx %arg20[%add3A_320, %add3A_377] : memref<32x128xf32, #tpu.memory_space<vmem>>[vector<16xi32>, vector<16xi32>], vector<16xf32>,
          %gather3A_379 = tpu.vector_load_idx %arg22[%add3A_320, %add3A_377] : memref<32x128xf32, #tpu.memory_space<vmem>>[vector<16xi32>, vector<16xi32>], vector<16xf32>,
          %mul3A_380 = arith.mulf %gather3A_378, %gather3A_379 : vector<16xf32>
          %add3A_381 = arith.addf %scan3A_352, %mul3A_380 : vector<16xf32>
          %add3A_382 = arith.constant 96 : i32
          %add3A_383 = vector.broadcast %add3A_382 : i32 to vector<16xi32>
          %add3A_384 = arith.addi %and3A_361, %add3A_383 : vector<16xi32>
          %gather3A_385 = tpu.vector_load_idx %arg20[%add3A_320, %add3A_384] : memref<32x128xf32, #tpu.memory_space<vmem>>[vector<16xi32>, vector<16xi32>], vector<16xf32>,
          %gather3A_386 = tpu.vector_load_idx %arg22[%add3A_320, %add3A_384] : memref<32x128xf32, #tpu.memory_space<vmem>>[vector<16xi32>, vector<16xi32>], vector<16xf32>,
          %mul3A_387 = arith.mulf %gather3A_385, %gather3A_386 : vector<16xf32>
          %add3A_388 = arith.addf %scan3A_353, %mul3A_387 : vector<16xf32>
          %scan3A_389 = arith.constant 1 : i32
          %scan3A_390 = arith.addi %scan3A_349, %scan3A_389 : i32
          %mul3A_391 = arith.constant 1 : i32
          %mul3A_392 = arith.muli %scan3A_390, %mul3A_391 : i32
          %add3A_393 = arith.constant 0 : i32
          %add3A_394 = arith.addi %add3A_393, %mul3A_392 : i32
          %add3A_395 = vector.broadcast %add3A_394 : i32 to vector<16xi32>
          %add3A_396 = arith.addi %add3A_395, %iota3A : vector<16xi32>
          %and3A_397 = arith.constant 31 : i32
          %and3A_398 = vector.broadcast %and3A_397 : i32 to vector<16xi32>
          %and3A_399 = arith.andi %add3A_396, %and3A_398 : vector<16xi32>
          %add3A_400 = arith.constant 0 : i32
          %add3A_401 = vector.broadcast %add3A_400 : i32 to vector<16xi32>
          %add3A_402 = arith.addi %and3A_399, %add3A_401 : vector<16xi32>
          %gather3A_403 = tpu.vector_load_idx %arg20[%add3A_320, %add3A_402] : memref<32x128xf32, #tpu.memory_space<vmem>>[vector<16xi32>, vector<16xi32>], vector<16xf32>,
          %gather3A_404 = tpu.vector_load_idx %arg22[%add3A_320, %add3A_402] : memref<32x128xf32, #tpu.memory_space<vmem>>[vector<16xi32>, vector<16xi32>], vector<16xf32>,
          %mul3A_405 = arith.mulf %gather3A_403, %gather3A_404 : vector<16xf32>
          %add3A_406 = arith.addf %add3A_367, %mul3A_405 : vector<16xf32>
          %add3A_407 = arith.constant 32 : i32
          %add3A_408 = vector.broadcast %add3A_407 : i32 to vector<16xi32>
          %add3A_409 = arith.addi %and3A_399, %add3A_408 : vector<16xi32>
          %gather3A_410 = tpu.vector_load_idx %arg20[%add3A_320, %add3A_409] : memref<32x128xf32, #tpu.memory_space<vmem>>[vector<16xi32>, vector<16xi32>], vector<16xf32>,
          %gather3A_411 = tpu.vector_load_idx %arg22[%add3A_320, %add3A_409] : memref<32x128xf32, #tpu.memory_space<vmem>>[vector<16xi32>, vector<16xi32>], vector<16xf32>,
          %mul3A_412 = arith.mulf %gather3A_410, %gather3A_411 : vector<16xf32>
          %add3A_413 = arith.addf %add3A_374, %mul3A_412 : vector<16xf32>
          %add3A_414 = arith.constant 64 : i32
          %add3A_415 = vector.broadcast %add3A_414 : i32 to vector<16xi32>
          %add3A_416 = arith.addi %and3A_399, %add3A_415 : vector<16xi32>
          %gather3A_417 = tpu.vector_load_idx %arg20[%add3A_320, %add3A_416] : memref<32x128xf32, #tpu.memory_space<vmem>>[vector<16xi32>, vector<16xi32>], vector<16xf32>,
          %gather3A_418 = tpu.vector_load_idx %arg22[%add3A_320, %add3A_416] : memref<32x128xf32, #tpu.memory_space<vmem>>[vector<16xi32>, vector<16xi32>], vector<16xf32>,
          %mul3A_419 = arith.mulf %gather3A_417, %gather3A_418 : vector<16xf32>
          %add3A_420 = arith.addf %add3A_381, %mul3A_419 : vector<16xf32>
          %add3A_421 = arith.constant 96 : i32
          %add3A_422 = vector.broadcast %add3A_421 : i32 to vector<16xi32>
          %add3A_423 = arith.addi %and3A_399, %add3A_422 : vector<16xi32>
          %gather3A_424 = tpu.vector_load_idx %arg20[%add3A_320, %add3A_423] : memref<32x128xf32, #tpu.memory_space<vmem>>[vector<16xi32>, vector<16xi32>], vector<16xf32>,
          %gather3A_425 = tpu.vector_load_idx %arg22[%add3A_320, %add3A_423] : memref<32x128xf32, #tpu.memory_space<vmem>>[vector<16xi32>, vector<16xi32>], vector<16xf32>,
          %mul3A_426 = arith.mulf %gather3A_424, %gather3A_425 : vector<16xf32>
          %add3A_427 = arith.addf %add3A_388, %mul3A_426 : vector<16xf32>
          %scan3A_428 = arith.constant 2 : i32
          %scan3A_429 = arith.addi %scan3A_349, %scan3A_428 : i32
          %mul3A_430 = arith.constant 1 : i32
          %mul3A_431 = arith.muli %scan3A_429, %mul3A_430 : i32
          %add3A_432 = arith.constant 0 : i32
          %add3A_433 = arith.addi %add3A_432, %mul3A_431 : i32
          %add3A_434 = vector.broadcast %add3A_433 : i32 to vector<16xi32>
          %add3A_435 = arith.addi %add3A_434, %iota3A : vector<16xi32>
          %and3A_436 = arith.constant 31 : i32
          %and3A_437 = vector.broadcast %and3A_436 : i32 to vector<16xi32>
          %and3A_438 = arith.andi %add3A_435, %and3A_437 : vector<16xi32>
          %add3A_439 = arith.constant 0 : i32
          %add3A_440 = vector.broadcast %add3A_439 : i32 to vector<16xi32>
          %add3A_441 = arith.addi %and3A_438, %add3A_440 : vector<16xi32>
          %gather3A_442 = tpu.vector_load_idx %arg20[%add3A_320, %add3A_441] : memref<32x128xf32, #tpu.memory_space<vmem>>[vector<16xi32>, vector<16xi32>], vector<16xf32>,
          %gather3A_443 = tpu.vector_load_idx %arg22[%add3A_320, %add3A_441] : memref<32x128xf32, #tpu.memory_space<vmem>>[vector<16xi32>, vector<16xi32>], vector<16xf32>,
          %mul3A_444 = arith.mulf %gather3A_442, %gather3A_443 : vector<16xf32>
          %add3A_445 = arith.addf %add3A_406, %mul3A_444 : vector<16xf32>
          %add3A_446 = arith.constant 32 : i32
          %add3A_447 = vector.broadcast %add3A_446 : i32 to vector<16xi32>
          %add3A_448 = arith.addi %and3A_438, %add3A_447 : vector<16xi32>
          %gather3A_449 = tpu.vector_load_idx %arg20[%add3A_320, %add3A_448] : memref<32x128xf32, #tpu.memory_space<vmem>>[vector<16xi32>, vector<16xi32>], vector<16xf32>,
          %gather3A_450 = tpu.vector_load_idx %arg22[%add3A_320, %add3A_448] : memref<32x128xf32, #tpu.memory_space<vmem>>[vector<16xi32>, vector<16xi32>], vector<16xf32>,
          %mul3A_451 = arith.mulf %gather3A_449, %gather3A_450 : vector<16xf32>
          %add3A_452 = arith.addf %add3A_413, %mul3A_451 : vector<16xf32>
          %add3A_453 = arith.constant 64 : i32
          %add3A_454 = vector.broadcast %add3A_453 : i32 to vector<16xi32>
          %add3A_455 = arith.addi %and3A_438, %add3A_454 : vector<16xi32>
          %gather3A_456 = tpu.vector_load_idx %arg20[%add3A_320, %add3A_455] : memref<32x128xf32, #tpu.memory_space<vmem>>[vector<16xi32>, vector<16xi32>], vector<16xf32>,
          %gather3A_457 = tpu.vector_load_idx %arg22[%add3A_320, %add3A_455] : memref<32x128xf32, #tpu.memory_space<vmem>>[vector<16xi32>, vector<16xi32>], vector<16xf32>,
          %mul3A_458 = arith.mulf %gather3A_456, %gather3A_457 : vector<16xf32>
          %add3A_459 = arith.addf %add3A_420, %mul3A_458 : vector<16xf32>
          %add3A_460 = arith.constant 96 : i32
          %add3A_461 = vector.broadcast %add3A_460 : i32 to vector<16xi32>
          %add3A_462 = arith.addi %and3A_438, %add3A_461 : vector<16xi32>
          %gather3A_463 = tpu.vector_load_idx %arg20[%add3A_320, %add3A_462] : memref<32x128xf32, #tpu.memory_space<vmem>>[vector<16xi32>, vector<16xi32>], vector<16xf32>,
          %gather3A_464 = tpu.vector_load_idx %arg22[%add3A_320, %add3A_462] : memref<32x128xf32, #tpu.memory_space<vmem>>[vector<16xi32>, vector<16xi32>], vector<16xf32>,
          %mul3A_465 = arith.mulf %gather3A_463, %gather3A_464 : vector<16xf32>
          %add3A_466 = arith.addf %add3A_427, %mul3A_465 : vector<16xf32>
          %scan3A_467 = arith.constant 3 : i32
          %scan3A_468 = arith.addi %scan3A_349, %scan3A_467 : i32
          %mul3A_469 = arith.constant 1 : i32
          %mul3A_470 = arith.muli %scan3A_468, %mul3A_469 : i32
          %add3A_471 = arith.constant 0 : i32
          %add3A_472 = arith.addi %add3A_471, %mul3A_470 : i32
          %add3A_473 = vector.broadcast %add3A_472 : i32 to vector<16xi32>
          %add3A_474 = arith.addi %add3A_473, %iota3A : vector<16xi32>
          %and3A_475 = arith.constant 31 : i32
          %and3A_476 = vector.broadcast %and3A_475 : i32 to vector<16xi32>
          %and3A_477 = arith.andi %add3A_474, %and3A_476 : vector<16xi32>
          %add3A_478 = arith.constant 0 : i32
          %add3A_479 = vector.broadcast %add3A_478 : i32 to vector<16xi32>
          %add3A_480 = arith.addi %and3A_477, %add3A_479 : vector<16xi32>
          %gather3A_481 = tpu.vector_load_idx %arg20[%add3A_320, %add3A_480] : memref<32x128xf32, #tpu.memory_space<vmem>>[vector<16xi32>, vector<16xi32>], vector<16xf32>,
          %gather3A_482 = tpu.vector_load_idx %arg22[%add3A_320, %add3A_480] : memref<32x128xf32, #tpu.memory_space<vmem>>[vector<16xi32>, vector<16xi32>], vector<16xf32>,
          %mul3A_483 = arith.mulf %gather3A_481, %gather3A_482 : vector<16xf32>
          %add3A_484 = arith.addf %add3A_445, %mul3A_483 : vector<16xf32>
          %add3A_485 = arith.constant 32 : i32
          %add3A_486 = vector.broadcast %add3A_485 : i32 to vector<16xi32>
          %add3A_487 = arith.addi %and3A_477, %add3A_486 : vector<16xi32>
          %gather3A_488 = tpu.vector_load_idx %arg20[%add3A_320, %add3A_487] : memref<32x128xf32, #tpu.memory_space<vmem>>[vector<16xi32>, vector<16xi32>], vector<16xf32>,
          %gather3A_489 = tpu.vector_load_idx %arg22[%add3A_320, %add3A_487] : memref<32x128xf32, #tpu.memory_space<vmem>>[vector<16xi32>, vector<16xi32>], vector<16xf32>,
          %mul3A_490 = arith.mulf %gather3A_488, %gather3A_489 : vector<16xf32>
          %add3A_491 = arith.addf %add3A_452, %mul3A_490 : vector<16xf32>
          %add3A_492 = arith.constant 64 : i32
          %add3A_493 = vector.broadcast %add3A_492 : i32 to vector<16xi32>
          %add3A_494 = arith.addi %and3A_477, %add3A_493 : vector<16xi32>
          %gather3A_495 = tpu.vector_load_idx %arg20[%add3A_320, %add3A_494] : memref<32x128xf32, #tpu.memory_space<vmem>>[vector<16xi32>, vector<16xi32>], vector<16xf32>,
          %gather3A_496 = tpu.vector_load_idx %arg22[%add3A_320, %add3A_494] : memref<32x128xf32, #tpu.memory_space<vmem>>[vector<16xi32>, vector<16xi32>], vector<16xf32>,
          %mul3A_497 = arith.mulf %gather3A_495, %gather3A_496 : vector<16xf32>
          %add3A_498 = arith.addf %add3A_459, %mul3A_497 : vector<16xf32>
          %add3A_499 = arith.constant 96 : i32
          %add3A_500 = vector.broadcast %add3A_499 : i32 to vector<16xi32>
          %add3A_501 = arith.addi %and3A_477, %add3A_500 : vector<16xi32>
          %gather3A_502 = tpu.vector_load_idx %arg20[%add3A_320, %add3A_501] : memref<32x128xf32, #tpu.memory_space<vmem>>[vector<16xi32>, vector<16xi32>], vector<16xf32>,
          %gather3A_503 = tpu.vector_load_idx %arg22[%add3A_320, %add3A_501] : memref<32x128xf32, #tpu.memory_space<vmem>>[vector<16xi32>, vector<16xi32>], vector<16xf32>,
          %mul3A_504 = arith.mulf %gather3A_502, %gather3A_503 : vector<16xf32>
          %add3A_505 = arith.addf %add3A_466, %mul3A_504 : vector<16xf32>
          scf.yield %add3A_484, %add3A_491, %add3A_498, %add3A_505 : vector<16xf32>, vector<16xf32>, vector<16xf32>, vector<16xf32>
        }
        %scan3A_327 = arith.constant 32 : i32
        %exp3A = math.exp %scan3A_326#0 : vector<16xf32>
        %exp3A_328 = math.exp %scan3A_326#1 : vector<16xf32>
        %exp3A_329 = math.exp %scan3A_326#2 : vector<16xf32>
        %exp3A_330 = math.exp %scan3A_326#3 : vector<16xf32>
        %broadcast_in_dim3A_331 = arith.constant 0 : i32
        %broadcast_in_dim3A_332 = vector.broadcast %broadcast_in_dim3A_331 : i32 to vector<16xi32>
        tpu.vector_store_idx %arg26[%add3A_320, %broadcast_in_dim3A_332], %exp3A : memref<32x16xf32, #tpu.memory_space<vmem>>[vector<16xi32>, vector<16xi32>], vector<16xf32>,
        %broadcast_in_dim3A_333 = arith.constant 1 : i32
        %broadcast_in_dim3A_334 = vector.broadcast %broadcast_in_dim3A_333 : i32 to vector<16xi32>
        tpu.vector_store_idx %arg26[%add3A_320, %broadcast_in_dim3A_334], %exp3A_328 : memref<32x16xf32, #tpu.memory_space<vmem>>[vector<16xi32>, vector<16xi32>], vector<16xf32>,
        %broadcast_in_dim3A_335 = arith.constant 2 : i32
        %broadcast_in_dim3A_336 = vector.broadcast %broadcast_in_dim3A_335 : i32 to vector<16xi32>
        tpu.vector_store_idx %arg26[%add3A_320, %broadcast_in_dim3A_336], %exp3A_329 : memref<32x16xf32, #tpu.memory_space<vmem>>[vector<16xi32>, vector<16xi32>], vector<16xf32>,
        %broadcast_in_dim3A_337 = arith.constant 3 : i32
        %broadcast_in_dim3A_338 = vector.broadcast %broadcast_in_dim3A_337 : i32 to vector<16xi32>
        tpu.vector_store_idx %arg26[%add3A_320, %broadcast_in_dim3A_338], %exp3A_330 : memref<32x16xf32, #tpu.memory_space<vmem>>[vector<16xi32>, vector<16xi32>], vector<16xf32>,
        %eq3A_339 = arith.constant 0 : i32
        %eq3A_340 = arith.cmpi eq, %add3A_316, %eq3A_339 : i32
        %convert_element_type3A_341 = arith.extui %eq3A_340 : i1 to i32
        %cond3A_342 = arith.constant 0 : i32
        %cond3A_343 = arith.cmpi ne, %convert_element_type3A_341, %cond3A_342 : i32
        scf.if %cond3A_343 {
          %dma_wait3A_349 = arith.constant 0 : i32
          %dma_wait3A_350 = arith.constant 0 : i32
          %dma_wait3A_351 = tpu.memref_slice %arg4[%dma_wait3A_349, %dma_wait3A_350] : memref<10000x128xf32, #tpu.memory_space<hbm>> -> memref<10000x128xf32, #tpu.memory_space<hbm>>
          tpu.wait_indirect_dma semaphore(%arg38 : memref<!tpu.dma_semaphore, #tpu.memory_space<semaphore_mem>>) src(%dma_wait3A_351 : memref<10000x128xf32, #tpu.memory_space<hbm>>) dst(%arg24 : memref<32x128xf32, #tpu.memory_space<vmem>>)
        } else {
        }
        %scan3A_344 = arith.constant 0 : i32
        %scan3A_345 = arith.constant 32 : i32
        %scan3A_346 = arith.addi %scan3A_344, %scan3A_345 : i32
        %scan3A_347 = arith.constant 4 : i32
        scf.for %scan3A_349 = %scan3A_344 to %scan3A_346 step %scan3A_347  : i32 {
          %mul3A_350 = arith.constant 1 : i32
          %mul3A_351 = arith.muli %scan3A_349, %mul3A_350 : i32
          %add3A_352 = arith.constant 0 : i32
          %add3A_353 = arith.addi %add3A_352, %mul3A_351 : i32
          %add3A_354 = vector.broadcast %add3A_353 : i32 to vector<16xi32>
          %add3A_355 = arith.addi %add3A_354, %iota3A : vector<16xi32>
          %and3A = arith.constant 31 : i32
          %and3A_356 = vector.broadcast %and3A : i32 to vector<16xi32>
          %and3A_357 = arith.andi %add3A_355, %and3A_356 : vector<16xi32>
          %add3A_358 = arith.constant 0 : i32
          %add3A_359 = vector.broadcast %add3A_358 : i32 to vector<16xi32>
          %add3A_360 = arith.addi %and3A_357, %add3A_359 : vector<16xi32>
          %gather3A = tpu.vector_load_idx %arg24[%add3A_320, %add3A_360] : memref<32x128xf32, #tpu.memory_space<vmem>>[vector<16xi32>, vector<16xi32>], vector<16xf32>,
          %mul3A_361 = arith.mulf %gather3A, %exp3A : vector<16xf32>
          tpu.vector_store_idx %arg24[%add3A_320, %add3A_360], %mul3A_361 : memref<32x128xf32, #tpu.memory_space<vmem>>[vector<16xi32>, vector<16xi32>], vector<16xf32>,
          %add3A_362 = arith.constant 32 : i32
          %add3A_363 = vector.broadcast %add3A_362 : i32 to vector<16xi32>
          %add3A_364 = arith.addi %and3A_357, %add3A_363 : vector<16xi32>
          %gather3A_365 = tpu.vector_load_idx %arg24[%add3A_320, %add3A_364] : memref<32x128xf32, #tpu.memory_space<vmem>>[vector<16xi32>, vector<16xi32>], vector<16xf32>,
          %mul3A_366 = arith.mulf %gather3A_365, %exp3A_328 : vector<16xf32>
          tpu.vector_store_idx %arg24[%add3A_320, %add3A_364], %mul3A_366 : memref<32x128xf32, #tpu.memory_space<vmem>>[vector<16xi32>, vector<16xi32>], vector<16xf32>,
          %add3A_367 = arith.constant 64 : i32
          %add3A_368 = vector.broadcast %add3A_367 : i32 to vector<16xi32>
          %add3A_369 = arith.addi %and3A_357, %add3A_368 : vector<16xi32>
          %gather3A_370 = tpu.vector_load_idx %arg24[%add3A_320, %add3A_369] : memref<32x128xf32, #tpu.memory_space<vmem>>[vector<16xi32>, vector<16xi32>], vector<16xf32>,
          %mul3A_371 = arith.mulf %gather3A_370, %exp3A_329 : vector<16xf32>
          tpu.vector_store_idx %arg24[%add3A_320, %add3A_369], %mul3A_371 : memref<32x128xf32, #tpu.memory_space<vmem>>[vector<16xi32>, vector<16xi32>], vector<16xf32>,
          %add3A_372 = arith.constant 96 : i32
          %add3A_373 = vector.broadcast %add3A_372 : i32 to vector<16xi32>
          %add3A_374 = arith.addi %and3A_357, %add3A_373 : vector<16xi32>
          %gather3A_375 = tpu.vector_load_idx %arg24[%add3A_320, %add3A_374] : memref<32x128xf32, #tpu.memory_space<vmem>>[vector<16xi32>, vector<16xi32>], vector<16xf32>,
          %mul3A_376 = arith.mulf %gather3A_375, %exp3A_330 : vector<16xf32>
          tpu.vector_store_idx %arg24[%add3A_320, %add3A_374], %mul3A_376 : memref<32x128xf32, #tpu.memory_space<vmem>>[vector<16xi32>, vector<16xi32>], vector<16xf32>,
          %scan3A_377 = arith.constant 1 : i32
          %scan3A_378 = arith.addi %scan3A_349, %scan3A_377 : i32
          %mul3A_379 = arith.constant 1 : i32
          %mul3A_380 = arith.muli %scan3A_378, %mul3A_379 : i32
          %add3A_381 = arith.constant 0 : i32
          %add3A_382 = arith.addi %add3A_381, %mul3A_380 : i32
          %add3A_383 = vector.broadcast %add3A_382 : i32 to vector<16xi32>
          %add3A_384 = arith.addi %add3A_383, %iota3A : vector<16xi32>
          %and3A_385 = arith.constant 31 : i32
          %and3A_386 = vector.broadcast %and3A_385 : i32 to vector<16xi32>
          %and3A_387 = arith.andi %add3A_384, %and3A_386 : vector<16xi32>
          %add3A_388 = arith.constant 0 : i32
          %add3A_389 = vector.broadcast %add3A_388 : i32 to vector<16xi32>
          %add3A_390 = arith.addi %and3A_387, %add3A_389 : vector<16xi32>
          %gather3A_391 = tpu.vector_load_idx %arg24[%add3A_320, %add3A_390] : memref<32x128xf32, #tpu.memory_space<vmem>>[vector<16xi32>, vector<16xi32>], vector<16xf32>,
          %mul3A_392 = arith.mulf %gather3A_391, %exp3A : vector<16xf32>
          tpu.vector_store_idx %arg24[%add3A_320, %add3A_390], %mul3A_392 : memref<32x128xf32, #tpu.memory_space<vmem>>[vector<16xi32>, vector<16xi32>], vector<16xf32>,
          %add3A_393 = arith.constant 32 : i32
          %add3A_394 = vector.broadcast %add3A_393 : i32 to vector<16xi32>
          %add3A_395 = arith.addi %and3A_387, %add3A_394 : vector<16xi32>
          %gather3A_396 = tpu.vector_load_idx %arg24[%add3A_320, %add3A_395] : memref<32x128xf32, #tpu.memory_space<vmem>>[vector<16xi32>, vector<16xi32>], vector<16xf32>,
          %mul3A_397 = arith.mulf %gather3A_396, %exp3A_328 : vector<16xf32>
          tpu.vector_store_idx %arg24[%add3A_320, %add3A_395], %mul3A_397 : memref<32x128xf32, #tpu.memory_space<vmem>>[vector<16xi32>, vector<16xi32>], vector<16xf32>,
          %add3A_398 = arith.constant 64 : i32
          %add3A_399 = vector.broadcast %add3A_398 : i32 to vector<16xi32>
          %add3A_400 = arith.addi %and3A_387, %add3A_399 : vector<16xi32>
          %gather3A_401 = tpu.vector_load_idx %arg24[%add3A_320, %add3A_400] : memref<32x128xf32, #tpu.memory_space<vmem>>[vector<16xi32>, vector<16xi32>], vector<16xf32>,
          %mul3A_402 = arith.mulf %gather3A_401, %exp3A_329 : vector<16xf32>
          tpu.vector_store_idx %arg24[%add3A_320, %add3A_400], %mul3A_402 : memref<32x128xf32, #tpu.memory_space<vmem>>[vector<16xi32>, vector<16xi32>], vector<16xf32>,
          %add3A_403 = arith.constant 96 : i32
          %add3A_404 = vector.broadcast %add3A_403 : i32 to vector<16xi32>
          %add3A_405 = arith.addi %and3A_387, %add3A_404 : vector<16xi32>
          %gather3A_406 = tpu.vector_load_idx %arg24[%add3A_320, %add3A_405] : memref<32x128xf32, #tpu.memory_space<vmem>>[vector<16xi32>, vector<16xi32>], vector<16xf32>,
          %mul3A_407 = arith.mulf %gather3A_406, %exp3A_330 : vector<16xf32>
          tpu.vector_store_idx %arg24[%add3A_320, %add3A_405], %mul3A_407 : memref<32x128xf32, #tpu.memory_space<vmem>>[vector<16xi32>, vector<16xi32>], vector<16xf32>,
          %scan3A_408 = arith.constant 2 : i32
          %scan3A_409 = arith.addi %scan3A_349, %scan3A_408 : i32
          %mul3A_410 = arith.constant 1 : i32
          %mul3A_411 = arith.muli %scan3A_409, %mul3A_410 : i32
          %add3A_412 = arith.constant 0 : i32
          %add3A_413 = arith.addi %add3A_412, %mul3A_411 : i32
          %add3A_414 = vector.broadcast %add3A_413 : i32 to vector<16xi32>
          %add3A_415 = arith.addi %add3A_414, %iota3A : vector<16xi32>
          %and3A_416 = arith.constant 31 : i32
          %and3A_417 = vector.broadcast %and3A_416 : i32 to vector<16xi32>
          %and3A_418 = arith.andi %add3A_415, %and3A_417 : vector<16xi32>
          %add3A_419 = arith.constant 0 : i32
          %add3A_420 = vector.broadcast %add3A_419 : i32 to vector<16xi32>
          %add3A_421 = arith.addi %and3A_418, %add3A_420 : vector<16xi32>
          %gather3A_422 = tpu.vector_load_idx %arg24[%add3A_320, %add3A_421] : memref<32x128xf32, #tpu.memory_space<vmem>>[vector<16xi32>, vector<16xi32>], vector<16xf32>,
          %mul3A_423 = arith.mulf %gather3A_422, %exp3A : vector<16xf32>
          tpu.vector_store_idx %arg24[%add3A_320, %add3A_421], %mul3A_423 : memref<32x128xf32, #tpu.memory_space<vmem>>[vector<16xi32>, vector<16xi32>], vector<16xf32>,
          %add3A_424 = arith.constant 32 : i32
          %add3A_425 = vector.broadcast %add3A_424 : i32 to vector<16xi32>
          %add3A_426 = arith.addi %and3A_418, %add3A_425 : vector<16xi32>
          %gather3A_427 = tpu.vector_load_idx %arg24[%add3A_320, %add3A_426] : memref<32x128xf32, #tpu.memory_space<vmem>>[vector<16xi32>, vector<16xi32>], vector<16xf32>,
          %mul3A_428 = arith.mulf %gather3A_427, %exp3A_328 : vector<16xf32>
          tpu.vector_store_idx %arg24[%add3A_320, %add3A_426], %mul3A_428 : memref<32x128xf32, #tpu.memory_space<vmem>>[vector<16xi32>, vector<16xi32>], vector<16xf32>,
          %add3A_429 = arith.constant 64 : i32
          %add3A_430 = vector.broadcast %add3A_429 : i32 to vector<16xi32>
          %add3A_431 = arith.addi %and3A_418, %add3A_430 : vector<16xi32>
          %gather3A_432 = tpu.vector_load_idx %arg24[%add3A_320, %add3A_431] : memref<32x128xf32, #tpu.memory_space<vmem>>[vector<16xi32>, vector<16xi32>], vector<16xf32>,
          %mul3A_433 = arith.mulf %gather3A_432, %exp3A_329 : vector<16xf32>
          tpu.vector_store_idx %arg24[%add3A_320, %add3A_431], %mul3A_433 : memref<32x128xf32, #tpu.memory_space<vmem>>[vector<16xi32>, vector<16xi32>], vector<16xf32>,
          %add3A_434 = arith.constant 96 : i32
          %add3A_435 = vector.broadcast %add3A_434 : i32 to vector<16xi32>
          %add3A_436 = arith.addi %and3A_418, %add3A_435 : vector<16xi32>
          %gather3A_437 = tpu.vector_load_idx %arg24[%add3A_320, %add3A_436] : memref<32x128xf32, #tpu.memory_space<vmem>>[vector<16xi32>, vector<16xi32>], vector<16xf32>,
          %mul3A_438 = arith.mulf %gather3A_437, %exp3A_330 : vector<16xf32>
          tpu.vector_store_idx %arg24[%add3A_320, %add3A_436], %mul3A_438 : memref<32x128xf32, #tpu.memory_space<vmem>>[vector<16xi32>, vector<16xi32>], vector<16xf32>,
          %scan3A_439 = arith.constant 3 : i32
          %scan3A_440 = arith.addi %scan3A_349, %scan3A_439 : i32
          %mul3A_441 = arith.constant 1 : i32
          %mul3A_442 = arith.muli %scan3A_440, %mul3A_441 : i32
          %add3A_443 = arith.constant 0 : i32
          %add3A_444 = arith.addi %add3A_443, %mul3A_442 : i32
          %add3A_445 = vector.broadcast %add3A_444 : i32 to vector<16xi32>
          %add3A_446 = arith.addi %add3A_445, %iota3A : vector<16xi32>
          %and3A_447 = arith.constant 31 : i32
          %and3A_448 = vector.broadcast %and3A_447 : i32 to vector<16xi32>
          %and3A_449 = arith.andi %add3A_446, %and3A_448 : vector<16xi32>
          %add3A_450 = arith.constant 0 : i32
          %add3A_451 = vector.broadcast %add3A_450 : i32 to vector<16xi32>
          %add3A_452 = arith.addi %and3A_449, %add3A_451 : vector<16xi32>
          %gather3A_453 = tpu.vector_load_idx %arg24[%add3A_320, %add3A_452] : memref<32x128xf32, #tpu.memory_space<vmem>>[vector<16xi32>, vector<16xi32>], vector<16xf32>,
          %mul3A_454 = arith.mulf %gather3A_453, %exp3A : vector<16xf32>
          tpu.vector_store_idx %arg24[%add3A_320, %add3A_452], %mul3A_454 : memref<32x128xf32, #tpu.memory_space<vmem>>[vector<16xi32>, vector<16xi32>], vector<16xf32>,
          %add3A_455 = arith.constant 32 : i32
          %add3A_456 = vector.broadcast %add3A_455 : i32 to vector<16xi32>
          %add3A_457 = arith.addi %and3A_449, %add3A_456 : vector<16xi32>
          %gather3A_458 = tpu.vector_load_idx %arg24[%add3A_320, %add3A_457] : memref<32x128xf32, #tpu.memory_space<vmem>>[vector<16xi32>, vector<16xi32>], vector<16xf32>,
          %mul3A_459 = arith.mulf %gather3A_458, %exp3A_328 : vector<16xf32>
          tpu.vector_store_idx %arg24[%add3A_320, %add3A_457], %mul3A_459 : memref<32x128xf32, #tpu.memory_space<vmem>>[vector<16xi32>, vector<16xi32>], vector<16xf32>,
          %add3A_460 = arith.constant 64 : i32
          %add3A_461 = vector.broadcast %add3A_460 : i32 to vector<16xi32>
          %add3A_462 = arith.addi %and3A_449, %add3A_461 : vector<16xi32>
          %gather3A_463 = tpu.vector_load_idx %arg24[%add3A_320, %add3A_462] : memref<32x128xf32, #tpu.memory_space<vmem>>[vector<16xi32>, vector<16xi32>], vector<16xf32>,
          %mul3A_464 = arith.mulf %gather3A_463, %exp3A_329 : vector<16xf32>
          tpu.vector_store_idx %arg24[%add3A_320, %add3A_462], %mul3A_464 : memref<32x128xf32, #tpu.memory_space<vmem>>[vector<16xi32>, vector<16xi32>], vector<16xf32>,
          %add3A_465 = arith.constant 96 : i32
          %add3A_466 = vector.broadcast %add3A_465 : i32 to vector<16xi32>
          %add3A_467 = arith.addi %and3A_449, %add3A_466 : vector<16xi32>
          %gather3A_468 = tpu.vector_load_idx %arg24[%add3A_320, %add3A_467] : memref<32x128xf32, #tpu.memory_space<vmem>>[vector<16xi32>, vector<16xi32>], vector<16xf32>,
          %mul3A_469 = arith.mulf %gather3A_468, %exp3A_330 : vector<16xf32>
          tpu.vector_store_idx %arg24[%add3A_320, %add3A_467], %mul3A_469 : memref<32x128xf32, #tpu.memory_space<vmem>>[vector<16xi32>, vector<16xi32>], vector<16xf32>,
        }
        %scan3A_348 = arith.constant 32 : i32
      }
      %scan3A_195 = arith.constant 2 : i32
      %dma_start3A_196 = arith.constant 0 : i32
      %dma_start3A_197 = arith.constant 0 : i32
      %dma_start3A_198 = tpu.memref_slice %arg27[%dma_start3A_196, %dma_start3A_197] : memref<10008x16xf32, #tpu.memory_space<vmem_shared>> -> memref<10008x16xf32, #tpu.memory_space<vmem_shared>>
      tpu.enqueue_indirect_dma source(%arg26 : memref<32x16xf32, #tpu.memory_space<vmem>>) target(%dma_start3A_198 : memref<10008x16xf32, #tpu.memory_space<vmem_shared>>) offsets(%arg16 : memref<32xi32, #tpu.memory_space<vmem>>) semaphore(%arg40 : memref<!tpu.dma_semaphore, #tpu.memory_space<semaphore_mem>>) {add = true}
      %dma_start3A_199 = arith.constant 0 : i32
      %dma_start3A_200 = arith.constant 0 : i32
      %dma_start3A_201 = tpu.memref_slice %arg28[%dma_start3A_199, %dma_start3A_200] : memref<10008x128xf32, #tpu.memory_space<vmem_shared>> -> memref<10008x128xf32, #tpu.memory_space<vmem_shared>>
      tpu.enqueue_indirect_dma source(%arg24 : memref<32x128xf32, #tpu.memory_space<vmem>>) target(%dma_start3A_201 : memref<10008x128xf32, #tpu.memory_space<vmem_shared>>) offsets(%arg16 : memref<32xi32, #tpu.memory_space<vmem>>) semaphore(%arg42 : memref<!tpu.dma_semaphore, #tpu.memory_space<semaphore_mem>>) {add = true}
      %mul3A_202 = arith.constant 4 : i32
      %mul3A_203 = arith.muli %add3A_93, %mul3A_202 : i32
      %add3A_204 = arith.constant 2 : i32
      %add3A_205 = arith.addi %mul3A_203, %add3A_204 : i32
      %dma_wait3A_206 = arith.constant 0 : i32
      %dma_wait3A_207 = arith.constant 0 : i32
      %dma_wait3A_208 = tpu.memref_slice %arg27[%dma_wait3A_206, %dma_wait3A_207] : memref<10008x16xf32, #tpu.memory_space<vmem_shared>> -> memref<10008x16xf32, #tpu.memory_space<vmem_shared>>
      tpu.wait_indirect_dma semaphore(%arg40 : memref<!tpu.dma_semaphore, #tpu.memory_space<semaphore_mem>>) src(%arg26 : memref<32x16xf32, #tpu.memory_space<vmem>>) dst(%dma_wait3A_208 : memref<10008x16xf32, #tpu.memory_space<vmem_shared>>)
      %dma_wait3A_209 = arith.constant 0 : i32
      %dma_wait3A_210 = arith.constant 0 : i32
      %dma_wait3A_211 = tpu.memref_slice %arg28[%dma_wait3A_209, %dma_wait3A_210] : memref<10008x128xf32, #tpu.memory_space<vmem_shared>> -> memref<10008x128xf32, #tpu.memory_space<vmem_shared>>
      tpu.wait_indirect_dma semaphore(%arg42 : memref<!tpu.dma_semaphore, #tpu.memory_space<semaphore_mem>>) src(%arg24 : memref<32x128xf32, #tpu.memory_space<vmem>>) dst(%dma_wait3A_211 : memref<10008x128xf32, #tpu.memory_space<vmem_shared>>)
      %dma_wait3A_212 = arith.constant 0 : i32
      %dma_wait3A_213 = tpu.memref_slice %arg5[%dma_wait3A_212] : memref<325632xi32, #tpu.memory_space<hbm>> -> memref<32xi32, #tpu.memory_space<hbm>>
      %dma_wait3A_214 = arith.constant 0 : i32
      %dma_wait3A_215 = tpu.memref_slice %arg5[%dma_wait3A_214] : memref<325632xi32, #tpu.memory_space<hbm>> -> memref<32xi32, #tpu.memory_space<hbm>>
      tpu.wait_dma2 semaphore(%arg32 : memref<!tpu.dma_semaphore, #tpu.memory_space<semaphore_mem>>) src(%dma_wait3A_215 : memref<32xi32, #tpu.memory_space<hbm>>) dst(%arg14 : memref<32xi32, #tpu.memory_space<vmem>>)
      %dma_wait3A_216 = arith.constant 0 : i32
      %dma_wait3A_217 = tpu.memref_slice %arg6[%dma_wait3A_216] : memref<325632xi32, #tpu.memory_space<hbm>> -> memref<32xi32, #tpu.memory_space<hbm>>
      %dma_wait3A_218 = arith.constant 0 : i32
      %dma_wait3A_219 = tpu.memref_slice %arg6[%dma_wait3A_218] : memref<325632xi32, #tpu.memory_space<hbm>> -> memref<32xi32, #tpu.memory_space<hbm>>
      tpu.wait_dma2 semaphore(%arg32 : memref<!tpu.dma_semaphore, #tpu.memory_space<semaphore_mem>>) src(%dma_wait3A_219 : memref<32xi32, #tpu.memory_space<hbm>>) dst(%arg18 : memref<32xi32, #tpu.memory_space<vmem>>)
      %dma_start3A_220 = arith.constant 0 : i32
      %dma_start3A_221 = arith.constant 0 : i32
      %dma_start3A_222 = tpu.memref_slice %arg2[%dma_start3A_220, %dma_start3A_221] : memref<10000x128xf32, #tpu.memory_space<hbm>> -> memref<10000x128xf32, #tpu.memory_space<hbm>>
      tpu.enqueue_indirect_dma source(%dma_start3A_222 : memref<10000x128xf32, #tpu.memory_space<hbm>>) target(%arg20 : memref<32x128xf32, #tpu.memory_space<vmem>>) offsets(%arg14 : memref<32xi32, #tpu.memory_space<vmem>>) semaphore(%arg34 : memref<!tpu.dma_semaphore, #tpu.memory_space<semaphore_mem>>)
      %dma_start3A_223 = arith.constant 0 : i32
      %dma_start3A_224 = arith.constant 0 : i32
      %dma_start3A_225 = tpu.memref_slice %arg3[%dma_start3A_223, %dma_start3A_224] : memref<10008x128xf32, #tpu.memory_space<hbm>> -> memref<10008x128xf32, #tpu.memory_space<hbm>>
      tpu.enqueue_indirect_dma source(%dma_start3A_225 : memref<10008x128xf32, #tpu.memory_space<hbm>>) target(%arg22 : memref<32x128xf32, #tpu.memory_space<vmem>>) offsets(%arg18 : memref<32xi32, #tpu.memory_space<vmem>>) semaphore(%arg36 : memref<!tpu.dma_semaphore, #tpu.memory_space<semaphore_mem>>)
      %dma_start3A_226 = arith.constant 0 : i32
      %dma_start3A_227 = arith.constant 0 : i32
      %dma_start3A_228 = tpu.memref_slice %arg4[%dma_start3A_226, %dma_start3A_227] : memref<10000x128xf32, #tpu.memory_space<hbm>> -> memref<10000x128xf32, #tpu.memory_space<hbm>>
      tpu.enqueue_indirect_dma source(%dma_start3A_228 : memref<10000x128xf32, #tpu.memory_space<hbm>>) target(%arg24 : memref<32x128xf32, #tpu.memory_space<vmem>>) offsets(%arg14 : memref<32xi32, #tpu.memory_space<vmem>>) semaphore(%arg38 : memref<!tpu.dma_semaphore, #tpu.memory_space<semaphore_mem>>)
      %add3A_229 = arith.constant 2 : i32
      %add3A_230 = arith.addi %add3A_205, %add3A_229 : i32
      %mul3A_231 = arith.constant 32 : i32
      %mul3A_232 = arith.muli %mul3A_231, %add3A_230 : i32
      %add3A_233 = arith.addi %add3A, %mul3A_232 : i32
      %mul3A_234 = arith.constant 32 : i32
      %mul3A_235 = arith.muli %add3A_233, %mul3A_234 : i32
      %dma_start3A_236 = tpu.memref_slice %arg5[%mul3A_235] : memref<325632xi32, #tpu.memory_space<hbm>> -> memref<32xi32, #tpu.memory_space<hbm>>
      %dma_start3A_237 = tpu.memref_slice %arg5[%mul3A_235] : memref<325632xi32, #tpu.memory_space<hbm>> -> memref<32xi32, #tpu.memory_space<hbm>>
      tpu.enqueue_dma source(%dma_start3A_237 : memref<32xi32, #tpu.memory_space<hbm>>) target(%arg11 : memref<32xi32, #tpu.memory_space<vmem>>) target_semaphore(%arg29 : memref<!tpu.dma_semaphore, #tpu.memory_space<semaphore_mem>>)
      %dma_start3A_238 = tpu.memref_slice %arg6[%mul3A_235] : memref<325632xi32, #tpu.memory_space<hbm>> -> memref<32xi32, #tpu.memory_space<hbm>>
      %dma_start3A_239 = tpu.memref_slice %arg6[%mul3A_235] : memref<325632xi32, #tpu.memory_space<hbm>> -> memref<32xi32, #tpu.memory_space<hbm>>
      tpu.enqueue_dma source(%dma_start3A_239 : memref<32xi32, #tpu.memory_space<hbm>>) target(%arg15 : memref<32xi32, #tpu.memory_space<vmem>>) target_semaphore(%arg29 : memref<!tpu.dma_semaphore, #tpu.memory_space<semaphore_mem>>)
      %dma_wait3A_240 = arith.constant 0 : i32
      %dma_wait3A_241 = arith.constant 0 : i32
      %dma_wait3A_242 = tpu.memref_slice %arg2[%dma_wait3A_240, %dma_wait3A_241] : memref<10000x128xf32, #tpu.memory_space<hbm>> -> memref<10000x128xf32, #tpu.memory_space<hbm>>
      tpu.wait_indirect_dma semaphore(%arg33 : memref<!tpu.dma_semaphore, #tpu.memory_space<semaphore_mem>>) src(%dma_wait3A_242 : memref<10000x128xf32, #tpu.memory_space<hbm>>) dst(%arg19 : memref<32x128xf32, #tpu.memory_space<vmem>>)
      %dma_wait3A_243 = arith.constant 0 : i32
      %dma_wait3A_244 = arith.constant 0 : i32
      %dma_wait3A_245 = tpu.memref_slice %arg3[%dma_wait3A_243, %dma_wait3A_244] : memref<10008x128xf32, #tpu.memory_space<hbm>> -> memref<10008x128xf32, #tpu.memory_space<hbm>>
      tpu.wait_indirect_dma semaphore(%arg35 : memref<!tpu.dma_semaphore, #tpu.memory_space<semaphore_mem>>) src(%dma_wait3A_245 : memref<10008x128xf32, #tpu.memory_space<hbm>>) dst(%arg21 : memref<32x128xf32, #tpu.memory_space<vmem>>)
      %scan3A_246 = arith.constant 0 : i32
      %scan3A_247 = arith.constant 2 : i32
      %scan3A_248 = arith.addi %scan3A_246, %scan3A_247 : i32
      %scan3A_249 = arith.constant 1 : i32
      scf.for %scan3A_312 = %scan3A_246 to %scan3A_248 step %scan3A_249  : i32 {
        %mul3A_313 = arith.constant 1 : i32
        %mul3A_314 = arith.muli %scan3A_312, %mul3A_313 : i32
        %add3A_315 = arith.constant 0 : i32
        %add3A_316 = arith.addi %add3A_315, %mul3A_314 : i32
        %mul3A_317 = arith.constant 16 : i32
        %mul3A_318 = arith.muli %add3A_316, %mul3A_317 : i32
        %add3A_319 = vector.broadcast %mul3A_318 : i32 to vector<16xi32>
        %add3A_320 = arith.addi %add3A_319, %iota3A : vector<16xi32>
        %broadcast_in_dim3A = arith.constant 0.000000e+00 : f32
        %broadcast_in_dim3A_321 = vector.broadcast %broadcast_in_dim3A : f32 to vector<16xf32>
        %scan3A_322 = arith.constant 0 : i32
        %scan3A_323 = arith.constant 32 : i32
        %scan3A_324 = arith.addi %scan3A_322, %scan3A_323 : i32
        %scan3A_325 = arith.constant 4 : i32
        %scan3A_326:4 = scf.for %scan3A_349 = %scan3A_322 to %scan3A_324 step %scan3A_325 iter_args(%scan3A_350 = %broadcast_in_dim3A_321, %scan3A_351 = %broadcast_in_dim3A_321, %scan3A_352 = %broadcast_in_dim3A_321, %scan3A_353 = %broadcast_in_dim3A_321) -> (vector<16xf32>, vector<16xf32>, vector<16xf32>, vector<16xf32>)  : i32 {
          %mul3A_354 = arith.constant 1 : i32
          %mul3A_355 = arith.muli %scan3A_349, %mul3A_354 : i32
          %add3A_356 = arith.constant 0 : i32
          %add3A_357 = arith.addi %add3A_356, %mul3A_355 : i32
          %add3A_358 = vector.broadcast %add3A_357 : i32 to vector<16xi32>
          %add3A_359 = arith.addi %add3A_358, %iota3A : vector<16xi32>
          %and3A = arith.constant 31 : i32
          %and3A_360 = vector.broadcast %and3A : i32 to vector<16xi32>
          %and3A_361 = arith.andi %add3A_359, %and3A_360 : vector<16xi32>
          %add3A_362 = arith.constant 0 : i32
          %add3A_363 = vector.broadcast %add3A_362 : i32 to vector<16xi32>
          %add3A_364 = arith.addi %and3A_361, %add3A_363 : vector<16xi32>
          %gather3A = tpu.vector_load_idx %arg19[%add3A_320, %add3A_364] : memref<32x128xf32, #tpu.memory_space<vmem>>[vector<16xi32>, vector<16xi32>], vector<16xf32>,
          %gather3A_365 = tpu.vector_load_idx %arg21[%add3A_320, %add3A_364] : memref<32x128xf32, #tpu.memory_space<vmem>>[vector<16xi32>, vector<16xi32>], vector<16xf32>,
          %mul3A_366 = arith.mulf %gather3A, %gather3A_365 : vector<16xf32>
          %add3A_367 = arith.addf %scan3A_350, %mul3A_366 : vector<16xf32>
          %add3A_368 = arith.constant 32 : i32
          %add3A_369 = vector.broadcast %add3A_368 : i32 to vector<16xi32>
          %add3A_370 = arith.addi %and3A_361, %add3A_369 : vector<16xi32>
          %gather3A_371 = tpu.vector_load_idx %arg19[%add3A_320, %add3A_370] : memref<32x128xf32, #tpu.memory_space<vmem>>[vector<16xi32>, vector<16xi32>], vector<16xf32>,
          %gather3A_372 = tpu.vector_load_idx %arg21[%add3A_320, %add3A_370] : memref<32x128xf32, #tpu.memory_space<vmem>>[vector<16xi32>, vector<16xi32>], vector<16xf32>,
          %mul3A_373 = arith.mulf %gather3A_371, %gather3A_372 : vector<16xf32>
          %add3A_374 = arith.addf %scan3A_351, %mul3A_373 : vector<16xf32>
          %add3A_375 = arith.constant 64 : i32
          %add3A_376 = vector.broadcast %add3A_375 : i32 to vector<16xi32>
          %add3A_377 = arith.addi %and3A_361, %add3A_376 : vector<16xi32>
          %gather3A_378 = tpu.vector_load_idx %arg19[%add3A_320, %add3A_377] : memref<32x128xf32, #tpu.memory_space<vmem>>[vector<16xi32>, vector<16xi32>], vector<16xf32>,
          %gather3A_379 = tpu.vector_load_idx %arg21[%add3A_320, %add3A_377] : memref<32x128xf32, #tpu.memory_space<vmem>>[vector<16xi32>, vector<16xi32>], vector<16xf32>,
          %mul3A_380 = arith.mulf %gather3A_378, %gather3A_379 : vector<16xf32>
          %add3A_381 = arith.addf %scan3A_352, %mul3A_380 : vector<16xf32>
          %add3A_382 = arith.constant 96 : i32
          %add3A_383 = vector.broadcast %add3A_382 : i32 to vector<16xi32>
          %add3A_384 = arith.addi %and3A_361, %add3A_383 : vector<16xi32>
          %gather3A_385 = tpu.vector_load_idx %arg19[%add3A_320, %add3A_384] : memref<32x128xf32, #tpu.memory_space<vmem>>[vector<16xi32>, vector<16xi32>], vector<16xf32>,
          %gather3A_386 = tpu.vector_load_idx %arg21[%add3A_320, %add3A_384] : memref<32x128xf32, #tpu.memory_space<vmem>>[vector<16xi32>, vector<16xi32>], vector<16xf32>,
          %mul3A_387 = arith.mulf %gather3A_385, %gather3A_386 : vector<16xf32>
          %add3A_388 = arith.addf %scan3A_353, %mul3A_387 : vector<16xf32>
          %scan3A_389 = arith.constant 1 : i32
          %scan3A_390 = arith.addi %scan3A_349, %scan3A_389 : i32
          %mul3A_391 = arith.constant 1 : i32
          %mul3A_392 = arith.muli %scan3A_390, %mul3A_391 : i32
          %add3A_393 = arith.constant 0 : i32
          %add3A_394 = arith.addi %add3A_393, %mul3A_392 : i32
          %add3A_395 = vector.broadcast %add3A_394 : i32 to vector<16xi32>
          %add3A_396 = arith.addi %add3A_395, %iota3A : vector<16xi32>
          %and3A_397 = arith.constant 31 : i32
          %and3A_398 = vector.broadcast %and3A_397 : i32 to vector<16xi32>
          %and3A_399 = arith.andi %add3A_396, %and3A_398 : vector<16xi32>
          %add3A_400 = arith.constant 0 : i32
          %add3A_401 = vector.broadcast %add3A_400 : i32 to vector<16xi32>
          %add3A_402 = arith.addi %and3A_399, %add3A_401 : vector<16xi32>
          %gather3A_403 = tpu.vector_load_idx %arg19[%add3A_320, %add3A_402] : memref<32x128xf32, #tpu.memory_space<vmem>>[vector<16xi32>, vector<16xi32>], vector<16xf32>,
          %gather3A_404 = tpu.vector_load_idx %arg21[%add3A_320, %add3A_402] : memref<32x128xf32, #tpu.memory_space<vmem>>[vector<16xi32>, vector<16xi32>], vector<16xf32>,
          %mul3A_405 = arith.mulf %gather3A_403, %gather3A_404 : vector<16xf32>
          %add3A_406 = arith.addf %add3A_367, %mul3A_405 : vector<16xf32>
          %add3A_407 = arith.constant 32 : i32
          %add3A_408 = vector.broadcast %add3A_407 : i32 to vector<16xi32>
          %add3A_409 = arith.addi %and3A_399, %add3A_408 : vector<16xi32>
          %gather3A_410 = tpu.vector_load_idx %arg19[%add3A_320, %add3A_409] : memref<32x128xf32, #tpu.memory_space<vmem>>[vector<16xi32>, vector<16xi32>], vector<16xf32>,
          %gather3A_411 = tpu.vector_load_idx %arg21[%add3A_320, %add3A_409] : memref<32x128xf32, #tpu.memory_space<vmem>>[vector<16xi32>, vector<16xi32>], vector<16xf32>,
          %mul3A_412 = arith.mulf %gather3A_410, %gather3A_411 : vector<16xf32>
          %add3A_413 = arith.addf %add3A_374, %mul3A_412 : vector<16xf32>
          %add3A_414 = arith.constant 64 : i32
          %add3A_415 = vector.broadcast %add3A_414 : i32 to vector<16xi32>
          %add3A_416 = arith.addi %and3A_399, %add3A_415 : vector<16xi32>
          %gather3A_417 = tpu.vector_load_idx %arg19[%add3A_320, %add3A_416] : memref<32x128xf32, #tpu.memory_space<vmem>>[vector<16xi32>, vector<16xi32>], vector<16xf32>,
          %gather3A_418 = tpu.vector_load_idx %arg21[%add3A_320, %add3A_416] : memref<32x128xf32, #tpu.memory_space<vmem>>[vector<16xi32>, vector<16xi32>], vector<16xf32>,
          %mul3A_419 = arith.mulf %gather3A_417, %gather3A_418 : vector<16xf32>
          %add3A_420 = arith.addf %add3A_381, %mul3A_419 : vector<16xf32>
          %add3A_421 = arith.constant 96 : i32
          %add3A_422 = vector.broadcast %add3A_421 : i32 to vector<16xi32>
          %add3A_423 = arith.addi %and3A_399, %add3A_422 : vector<16xi32>
          %gather3A_424 = tpu.vector_load_idx %arg19[%add3A_320, %add3A_423] : memref<32x128xf32, #tpu.memory_space<vmem>>[vector<16xi32>, vector<16xi32>], vector<16xf32>,
          %gather3A_425 = tpu.vector_load_idx %arg21[%add3A_320, %add3A_423] : memref<32x128xf32, #tpu.memory_space<vmem>>[vector<16xi32>, vector<16xi32>], vector<16xf32>,
          %mul3A_426 = arith.mulf %gather3A_424, %gather3A_425 : vector<16xf32>
          %add3A_427 = arith.addf %add3A_388, %mul3A_426 : vector<16xf32>
          %scan3A_428 = arith.constant 2 : i32
          %scan3A_429 = arith.addi %scan3A_349, %scan3A_428 : i32
          %mul3A_430 = arith.constant 1 : i32
          %mul3A_431 = arith.muli %scan3A_429, %mul3A_430 : i32
          %add3A_432 = arith.constant 0 : i32
          %add3A_433 = arith.addi %add3A_432, %mul3A_431 : i32
          %add3A_434 = vector.broadcast %add3A_433 : i32 to vector<16xi32>
          %add3A_435 = arith.addi %add3A_434, %iota3A : vector<16xi32>
          %and3A_436 = arith.constant 31 : i32
          %and3A_437 = vector.broadcast %and3A_436 : i32 to vector<16xi32>
          %and3A_438 = arith.andi %add3A_435, %and3A_437 : vector<16xi32>
          %add3A_439 = arith.constant 0 : i32
          %add3A_440 = vector.broadcast %add3A_439 : i32 to vector<16xi32>
          %add3A_441 = arith.addi %and3A_438, %add3A_440 : vector<16xi32>
          %gather3A_442 = tpu.vector_load_idx %arg19[%add3A_320, %add3A_441] : memref<32x128xf32, #tpu.memory_space<vmem>>[vector<16xi32>, vector<16xi32>], vector<16xf32>,
          %gather3A_443 = tpu.vector_load_idx %arg21[%add3A_320, %add3A_441] : memref<32x128xf32, #tpu.memory_space<vmem>>[vector<16xi32>, vector<16xi32>], vector<16xf32>,
          %mul3A_444 = arith.mulf %gather3A_442, %gather3A_443 : vector<16xf32>
          %add3A_445 = arith.addf %add3A_406, %mul3A_444 : vector<16xf32>
          %add3A_446 = arith.constant 32 : i32
          %add3A_447 = vector.broadcast %add3A_446 : i32 to vector<16xi32>
          %add3A_448 = arith.addi %and3A_438, %add3A_447 : vector<16xi32>
          %gather3A_449 = tpu.vector_load_idx %arg19[%add3A_320, %add3A_448] : memref<32x128xf32, #tpu.memory_space<vmem>>[vector<16xi32>, vector<16xi32>], vector<16xf32>,
          %gather3A_450 = tpu.vector_load_idx %arg21[%add3A_320, %add3A_448] : memref<32x128xf32, #tpu.memory_space<vmem>>[vector<16xi32>, vector<16xi32>], vector<16xf32>,
          %mul3A_451 = arith.mulf %gather3A_449, %gather3A_450 : vector<16xf32>
          %add3A_452 = arith.addf %add3A_413, %mul3A_451 : vector<16xf32>
          %add3A_453 = arith.constant 64 : i32
          %add3A_454 = vector.broadcast %add3A_453 : i32 to vector<16xi32>
          %add3A_455 = arith.addi %and3A_438, %add3A_454 : vector<16xi32>
          %gather3A_456 = tpu.vector_load_idx %arg19[%add3A_320, %add3A_455] : memref<32x128xf32, #tpu.memory_space<vmem>>[vector<16xi32>, vector<16xi32>], vector<16xf32>,
          %gather3A_457 = tpu.vector_load_idx %arg21[%add3A_320, %add3A_455] : memref<32x128xf32, #tpu.memory_space<vmem>>[vector<16xi32>, vector<16xi32>], vector<16xf32>,
          %mul3A_458 = arith.mulf %gather3A_456, %gather3A_457 : vector<16xf32>
          %add3A_459 = arith.addf %add3A_420, %mul3A_458 : vector<16xf32>
          %add3A_460 = arith.constant 96 : i32
          %add3A_461 = vector.broadcast %add3A_460 : i32 to vector<16xi32>
          %add3A_462 = arith.addi %and3A_438, %add3A_461 : vector<16xi32>
          %gather3A_463 = tpu.vector_load_idx %arg19[%add3A_320, %add3A_462] : memref<32x128xf32, #tpu.memory_space<vmem>>[vector<16xi32>, vector<16xi32>], vector<16xf32>,
          %gather3A_464 = tpu.vector_load_idx %arg21[%add3A_320, %add3A_462] : memref<32x128xf32, #tpu.memory_space<vmem>>[vector<16xi32>, vector<16xi32>], vector<16xf32>,
          %mul3A_465 = arith.mulf %gather3A_463, %gather3A_464 : vector<16xf32>
          %add3A_466 = arith.addf %add3A_427, %mul3A_465 : vector<16xf32>
          %scan3A_467 = arith.constant 3 : i32
          %scan3A_468 = arith.addi %scan3A_349, %scan3A_467 : i32
          %mul3A_469 = arith.constant 1 : i32
          %mul3A_470 = arith.muli %scan3A_468, %mul3A_469 : i32
          %add3A_471 = arith.constant 0 : i32
          %add3A_472 = arith.addi %add3A_471, %mul3A_470 : i32
          %add3A_473 = vector.broadcast %add3A_472 : i32 to vector<16xi32>
          %add3A_474 = arith.addi %add3A_473, %iota3A : vector<16xi32>
          %and3A_475 = arith.constant 31 : i32
          %and3A_476 = vector.broadcast %and3A_475 : i32 to vector<16xi32>
          %and3A_477 = arith.andi %add3A_474, %and3A_476 : vector<16xi32>
          %add3A_478 = arith.constant 0 : i32
          %add3A_479 = vector.broadcast %add3A_478 : i32 to vector<16xi32>
          %add3A_480 = arith.addi %and3A_477, %add3A_479 : vector<16xi32>
          %gather3A_481 = tpu.vector_load_idx %arg19[%add3A_320, %add3A_480] : memref<32x128xf32, #tpu.memory_space<vmem>>[vector<16xi32>, vector<16xi32>], vector<16xf32>,
          %gather3A_482 = tpu.vector_load_idx %arg21[%add3A_320, %add3A_480] : memref<32x128xf32, #tpu.memory_space<vmem>>[vector<16xi32>, vector<16xi32>], vector<16xf32>,
          %mul3A_483 = arith.mulf %gather3A_481, %gather3A_482 : vector<16xf32>
          %add3A_484 = arith.addf %add3A_445, %mul3A_483 : vector<16xf32>
          %add3A_485 = arith.constant 32 : i32
          %add3A_486 = vector.broadcast %add3A_485 : i32 to vector<16xi32>
          %add3A_487 = arith.addi %and3A_477, %add3A_486 : vector<16xi32>
          %gather3A_488 = tpu.vector_load_idx %arg19[%add3A_320, %add3A_487] : memref<32x128xf32, #tpu.memory_space<vmem>>[vector<16xi32>, vector<16xi32>], vector<16xf32>,
          %gather3A_489 = tpu.vector_load_idx %arg21[%add3A_320, %add3A_487] : memref<32x128xf32, #tpu.memory_space<vmem>>[vector<16xi32>, vector<16xi32>], vector<16xf32>,
          %mul3A_490 = arith.mulf %gather3A_488, %gather3A_489 : vector<16xf32>
          %add3A_491 = arith.addf %add3A_452, %mul3A_490 : vector<16xf32>
          %add3A_492 = arith.constant 64 : i32
          %add3A_493 = vector.broadcast %add3A_492 : i32 to vector<16xi32>
          %add3A_494 = arith.addi %and3A_477, %add3A_493 : vector<16xi32>
          %gather3A_495 = tpu.vector_load_idx %arg19[%add3A_320, %add3A_494] : memref<32x128xf32, #tpu.memory_space<vmem>>[vector<16xi32>, vector<16xi32>], vector<16xf32>,
          %gather3A_496 = tpu.vector_load_idx %arg21[%add3A_320, %add3A_494] : memref<32x128xf32, #tpu.memory_space<vmem>>[vector<16xi32>, vector<16xi32>], vector<16xf32>,
          %mul3A_497 = arith.mulf %gather3A_495, %gather3A_496 : vector<16xf32>
          %add3A_498 = arith.addf %add3A_459, %mul3A_497 : vector<16xf32>
          %add3A_499 = arith.constant 96 : i32
          %add3A_500 = vector.broadcast %add3A_499 : i32 to vector<16xi32>
          %add3A_501 = arith.addi %and3A_477, %add3A_500 : vector<16xi32>
          %gather3A_502 = tpu.vector_load_idx %arg19[%add3A_320, %add3A_501] : memref<32x128xf32, #tpu.memory_space<vmem>>[vector<16xi32>, vector<16xi32>], vector<16xf32>,
          %gather3A_503 = tpu.vector_load_idx %arg21[%add3A_320, %add3A_501] : memref<32x128xf32, #tpu.memory_space<vmem>>[vector<16xi32>, vector<16xi32>], vector<16xf32>,
          %mul3A_504 = arith.mulf %gather3A_502, %gather3A_503 : vector<16xf32>
          %add3A_505 = arith.addf %add3A_466, %mul3A_504 : vector<16xf32>
          scf.yield %add3A_484, %add3A_491, %add3A_498, %add3A_505 : vector<16xf32>, vector<16xf32>, vector<16xf32>, vector<16xf32>
        }
        %scan3A_327 = arith.constant 32 : i32
        %exp3A = math.exp %scan3A_326#0 : vector<16xf32>
        %exp3A_328 = math.exp %scan3A_326#1 : vector<16xf32>
        %exp3A_329 = math.exp %scan3A_326#2 : vector<16xf32>
        %exp3A_330 = math.exp %scan3A_326#3 : vector<16xf32>
        %broadcast_in_dim3A_331 = arith.constant 0 : i32
        %broadcast_in_dim3A_332 = vector.broadcast %broadcast_in_dim3A_331 : i32 to vector<16xi32>
        tpu.vector_store_idx %arg25[%add3A_320, %broadcast_in_dim3A_332], %exp3A : memref<32x16xf32, #tpu.memory_space<vmem>>[vector<16xi32>, vector<16xi32>], vector<16xf32>,
        %broadcast_in_dim3A_333 = arith.constant 1 : i32
        %broadcast_in_dim3A_334 = vector.broadcast %broadcast_in_dim3A_333 : i32 to vector<16xi32>
        tpu.vector_store_idx %arg25[%add3A_320, %broadcast_in_dim3A_334], %exp3A_328 : memref<32x16xf32, #tpu.memory_space<vmem>>[vector<16xi32>, vector<16xi32>], vector<16xf32>,
        %broadcast_in_dim3A_335 = arith.constant 2 : i32
        %broadcast_in_dim3A_336 = vector.broadcast %broadcast_in_dim3A_335 : i32 to vector<16xi32>
        tpu.vector_store_idx %arg25[%add3A_320, %broadcast_in_dim3A_336], %exp3A_329 : memref<32x16xf32, #tpu.memory_space<vmem>>[vector<16xi32>, vector<16xi32>], vector<16xf32>,
        %broadcast_in_dim3A_337 = arith.constant 3 : i32
        %broadcast_in_dim3A_338 = vector.broadcast %broadcast_in_dim3A_337 : i32 to vector<16xi32>
        tpu.vector_store_idx %arg25[%add3A_320, %broadcast_in_dim3A_338], %exp3A_330 : memref<32x16xf32, #tpu.memory_space<vmem>>[vector<16xi32>, vector<16xi32>], vector<16xf32>,
        %eq3A_339 = arith.constant 0 : i32
        %eq3A_340 = arith.cmpi eq, %add3A_316, %eq3A_339 : i32
        %convert_element_type3A_341 = arith.extui %eq3A_340 : i1 to i32
        %cond3A_342 = arith.constant 0 : i32
        %cond3A_343 = arith.cmpi ne, %convert_element_type3A_341, %cond3A_342 : i32
        scf.if %cond3A_343 {
          %dma_wait3A_349 = arith.constant 0 : i32
          %dma_wait3A_350 = arith.constant 0 : i32
          %dma_wait3A_351 = tpu.memref_slice %arg4[%dma_wait3A_349, %dma_wait3A_350] : memref<10000x128xf32, #tpu.memory_space<hbm>> -> memref<10000x128xf32, #tpu.memory_space<hbm>>
          tpu.wait_indirect_dma semaphore(%arg37 : memref<!tpu.dma_semaphore, #tpu.memory_space<semaphore_mem>>) src(%dma_wait3A_351 : memref<10000x128xf32, #tpu.memory_space<hbm>>) dst(%arg23 : memref<32x128xf32, #tpu.memory_space<vmem>>)
        } else {
        }
        %scan3A_344 = arith.constant 0 : i32
        %scan3A_345 = arith.constant 32 : i32
        %scan3A_346 = arith.addi %scan3A_344, %scan3A_345 : i32
        %scan3A_347 = arith.constant 4 : i32
        scf.for %scan3A_349 = %scan3A_344 to %scan3A_346 step %scan3A_347  : i32 {
          %mul3A_350 = arith.constant 1 : i32
          %mul3A_351 = arith.muli %scan3A_349, %mul3A_350 : i32
          %add3A_352 = arith.constant 0 : i32
          %add3A_353 = arith.addi %add3A_352, %mul3A_351 : i32
          %add3A_354 = vector.broadcast %add3A_353 : i32 to vector<16xi32>
          %add3A_355 = arith.addi %add3A_354, %iota3A : vector<16xi32>
          %and3A = arith.constant 31 : i32
          %and3A_356 = vector.broadcast %and3A : i32 to vector<16xi32>
          %and3A_357 = arith.andi %add3A_355, %and3A_356 : vector<16xi32>
          %add3A_358 = arith.constant 0 : i32
          %add3A_359 = vector.broadcast %add3A_358 : i32 to vector<16xi32>
          %add3A_360 = arith.addi %and3A_357, %add3A_359 : vector<16xi32>
          %gather3A = tpu.vector_load_idx %arg23[%add3A_320, %add3A_360] : memref<32x128xf32, #tpu.memory_space<vmem>>[vector<16xi32>, vector<16xi32>], vector<16xf32>,
          %mul3A_361 = arith.mulf %gather3A, %exp3A : vector<16xf32>
          tpu.vector_store_idx %arg23[%add3A_320, %add3A_360], %mul3A_361 : memref<32x128xf32, #tpu.memory_space<vmem>>[vector<16xi32>, vector<16xi32>], vector<16xf32>,
          %add3A_362 = arith.constant 32 : i32
          %add3A_363 = vector.broadcast %add3A_362 : i32 to vector<16xi32>
          %add3A_364 = arith.addi %and3A_357, %add3A_363 : vector<16xi32>
          %gather3A_365 = tpu.vector_load_idx %arg23[%add3A_320, %add3A_364] : memref<32x128xf32, #tpu.memory_space<vmem>>[vector<16xi32>, vector<16xi32>], vector<16xf32>,
          %mul3A_366 = arith.mulf %gather3A_365, %exp3A_328 : vector<16xf32>
          tpu.vector_store_idx %arg23[%add3A_320, %add3A_364], %mul3A_366 : memref<32x128xf32, #tpu.memory_space<vmem>>[vector<16xi32>, vector<16xi32>], vector<16xf32>,
          %add3A_367 = arith.constant 64 : i32
          %add3A_368 = vector.broadcast %add3A_367 : i32 to vector<16xi32>
          %add3A_369 = arith.addi %and3A_357, %add3A_368 : vector<16xi32>
          %gather3A_370 = tpu.vector_load_idx %arg23[%add3A_320, %add3A_369] : memref<32x128xf32, #tpu.memory_space<vmem>>[vector<16xi32>, vector<16xi32>], vector<16xf32>,
          %mul3A_371 = arith.mulf %gather3A_370, %exp3A_329 : vector<16xf32>
          tpu.vector_store_idx %arg23[%add3A_320, %add3A_369], %mul3A_371 : memref<32x128xf32, #tpu.memory_space<vmem>>[vector<16xi32>, vector<16xi32>], vector<16xf32>,
          %add3A_372 = arith.constant 96 : i32
          %add3A_373 = vector.broadcast %add3A_372 : i32 to vector<16xi32>
          %add3A_374 = arith.addi %and3A_357, %add3A_373 : vector<16xi32>
          %gather3A_375 = tpu.vector_load_idx %arg23[%add3A_320, %add3A_374] : memref<32x128xf32, #tpu.memory_space<vmem>>[vector<16xi32>, vector<16xi32>], vector<16xf32>,
          %mul3A_376 = arith.mulf %gather3A_375, %exp3A_330 : vector<16xf32>
          tpu.vector_store_idx %arg23[%add3A_320, %add3A_374], %mul3A_376 : memref<32x128xf32, #tpu.memory_space<vmem>>[vector<16xi32>, vector<16xi32>], vector<16xf32>,
          %scan3A_377 = arith.constant 1 : i32
          %scan3A_378 = arith.addi %scan3A_349, %scan3A_377 : i32
          %mul3A_379 = arith.constant 1 : i32
          %mul3A_380 = arith.muli %scan3A_378, %mul3A_379 : i32
          %add3A_381 = arith.constant 0 : i32
          %add3A_382 = arith.addi %add3A_381, %mul3A_380 : i32
          %add3A_383 = vector.broadcast %add3A_382 : i32 to vector<16xi32>
          %add3A_384 = arith.addi %add3A_383, %iota3A : vector<16xi32>
          %and3A_385 = arith.constant 31 : i32
          %and3A_386 = vector.broadcast %and3A_385 : i32 to vector<16xi32>
          %and3A_387 = arith.andi %add3A_384, %and3A_386 : vector<16xi32>
          %add3A_388 = arith.constant 0 : i32
          %add3A_389 = vector.broadcast %add3A_388 : i32 to vector<16xi32>
          %add3A_390 = arith.addi %and3A_387, %add3A_389 : vector<16xi32>
          %gather3A_391 = tpu.vector_load_idx %arg23[%add3A_320, %add3A_390] : memref<32x128xf32, #tpu.memory_space<vmem>>[vector<16xi32>, vector<16xi32>], vector<16xf32>,
          %mul3A_392 = arith.mulf %gather3A_391, %exp3A : vector<16xf32>
          tpu.vector_store_idx %arg23[%add3A_320, %add3A_390], %mul3A_392 : memref<32x128xf32, #tpu.memory_space<vmem>>[vector<16xi32>, vector<16xi32>], vector<16xf32>,
          %add3A_393 = arith.constant 32 : i32
          %add3A_394 = vector.broadcast %add3A_393 : i32 to vector<16xi32>
          %add3A_395 = arith.addi %and3A_387, %add3A_394 : vector<16xi32>
          %gather3A_396 = tpu.vector_load_idx %arg23[%add3A_320, %add3A_395] : memref<32x128xf32, #tpu.memory_space<vmem>>[vector<16xi32>, vector<16xi32>], vector<16xf32>,
          %mul3A_397 = arith.mulf %gather3A_396, %exp3A_328 : vector<16xf32>
          tpu.vector_store_idx %arg23[%add3A_320, %add3A_395], %mul3A_397 : memref<32x128xf32, #tpu.memory_space<vmem>>[vector<16xi32>, vector<16xi32>], vector<16xf32>,
          %add3A_398 = arith.constant 64 : i32
          %add3A_399 = vector.broadcast %add3A_398 : i32 to vector<16xi32>
          %add3A_400 = arith.addi %and3A_387, %add3A_399 : vector<16xi32>
          %gather3A_401 = tpu.vector_load_idx %arg23[%add3A_320, %add3A_400] : memref<32x128xf32, #tpu.memory_space<vmem>>[vector<16xi32>, vector<16xi32>], vector<16xf32>,
          %mul3A_402 = arith.mulf %gather3A_401, %exp3A_329 : vector<16xf32>
          tpu.vector_store_idx %arg23[%add3A_320, %add3A_400], %mul3A_402 : memref<32x128xf32, #tpu.memory_space<vmem>>[vector<16xi32>, vector<16xi32>], vector<16xf32>,
          %add3A_403 = arith.constant 96 : i32
          %add3A_404 = vector.broadcast %add3A_403 : i32 to vector<16xi32>
          %add3A_405 = arith.addi %and3A_387, %add3A_404 : vector<16xi32>
          %gather3A_406 = tpu.vector_load_idx %arg23[%add3A_320, %add3A_405] : memref<32x128xf32, #tpu.memory_space<vmem>>[vector<16xi32>, vector<16xi32>], vector<16xf32>,
          %mul3A_407 = arith.mulf %gather3A_406, %exp3A_330 : vector<16xf32>
          tpu.vector_store_idx %arg23[%add3A_320, %add3A_405], %mul3A_407 : memref<32x128xf32, #tpu.memory_space<vmem>>[vector<16xi32>, vector<16xi32>], vector<16xf32>,
          %scan3A_408 = arith.constant 2 : i32
          %scan3A_409 = arith.addi %scan3A_349, %scan3A_408 : i32
          %mul3A_410 = arith.constant 1 : i32
          %mul3A_411 = arith.muli %scan3A_409, %mul3A_410 : i32
          %add3A_412 = arith.constant 0 : i32
          %add3A_413 = arith.addi %add3A_412, %mul3A_411 : i32
          %add3A_414 = vector.broadcast %add3A_413 : i32 to vector<16xi32>
          %add3A_415 = arith.addi %add3A_414, %iota3A : vector<16xi32>
          %and3A_416 = arith.constant 31 : i32
          %and3A_417 = vector.broadcast %and3A_416 : i32 to vector<16xi32>
          %and3A_418 = arith.andi %add3A_415, %and3A_417 : vector<16xi32>
          %add3A_419 = arith.constant 0 : i32
          %add3A_420 = vector.broadcast %add3A_419 : i32 to vector<16xi32>
          %add3A_421 = arith.addi %and3A_418, %add3A_420 : vector<16xi32>
          %gather3A_422 = tpu.vector_load_idx %arg23[%add3A_320, %add3A_421] : memref<32x128xf32, #tpu.memory_space<vmem>>[vector<16xi32>, vector<16xi32>], vector<16xf32>,
          %mul3A_423 = arith.mulf %gather3A_422, %exp3A : vector<16xf32>
          tpu.vector_store_idx %arg23[%add3A_320, %add3A_421], %mul3A_423 : memref<32x128xf32, #tpu.memory_space<vmem>>[vector<16xi32>, vector<16xi32>], vector<16xf32>,
          %add3A_424 = arith.constant 32 : i32
          %add3A_425 = vector.broadcast %add3A_424 : i32 to vector<16xi32>
          %add3A_426 = arith.addi %and3A_418, %add3A_425 : vector<16xi32>
          %gather3A_427 = tpu.vector_load_idx %arg23[%add3A_320, %add3A_426] : memref<32x128xf32, #tpu.memory_space<vmem>>[vector<16xi32>, vector<16xi32>], vector<16xf32>,
          %mul3A_428 = arith.mulf %gather3A_427, %exp3A_328 : vector<16xf32>
          tpu.vector_store_idx %arg23[%add3A_320, %add3A_426], %mul3A_428 : memref<32x128xf32, #tpu.memory_space<vmem>>[vector<16xi32>, vector<16xi32>], vector<16xf32>,
          %add3A_429 = arith.constant 64 : i32
          %add3A_430 = vector.broadcast %add3A_429 : i32 to vector<16xi32>
          %add3A_431 = arith.addi %and3A_418, %add3A_430 : vector<16xi32>
          %gather3A_432 = tpu.vector_load_idx %arg23[%add3A_320, %add3A_431] : memref<32x128xf32, #tpu.memory_space<vmem>>[vector<16xi32>, vector<16xi32>], vector<16xf32>,
          %mul3A_433 = arith.mulf %gather3A_432, %exp3A_329 : vector<16xf32>
          tpu.vector_store_idx %arg23[%add3A_320, %add3A_431], %mul3A_433 : memref<32x128xf32, #tpu.memory_space<vmem>>[vector<16xi32>, vector<16xi32>], vector<16xf32>,
          %add3A_434 = arith.constant 96 : i32
          %add3A_435 = vector.broadcast %add3A_434 : i32 to vector<16xi32>
          %add3A_436 = arith.addi %and3A_418, %add3A_435 : vector<16xi32>
          %gather3A_437 = tpu.vector_load_idx %arg23[%add3A_320, %add3A_436] : memref<32x128xf32, #tpu.memory_space<vmem>>[vector<16xi32>, vector<16xi32>], vector<16xf32>,
          %mul3A_438 = arith.mulf %gather3A_437, %exp3A_330 : vector<16xf32>
          tpu.vector_store_idx %arg23[%add3A_320, %add3A_436], %mul3A_438 : memref<32x128xf32, #tpu.memory_space<vmem>>[vector<16xi32>, vector<16xi32>], vector<16xf32>,
          %scan3A_439 = arith.constant 3 : i32
          %scan3A_440 = arith.addi %scan3A_349, %scan3A_439 : i32
          %mul3A_441 = arith.constant 1 : i32
          %mul3A_442 = arith.muli %scan3A_440, %mul3A_441 : i32
          %add3A_443 = arith.constant 0 : i32
          %add3A_444 = arith.addi %add3A_443, %mul3A_442 : i32
          %add3A_445 = vector.broadcast %add3A_444 : i32 to vector<16xi32>
          %add3A_446 = arith.addi %add3A_445, %iota3A : vector<16xi32>
          %and3A_447 = arith.constant 31 : i32
          %and3A_448 = vector.broadcast %and3A_447 : i32 to vector<16xi32>
          %and3A_449 = arith.andi %add3A_446, %and3A_448 : vector<16xi32>
          %add3A_450 = arith.constant 0 : i32
          %add3A_451 = vector.broadcast %add3A_450 : i32 to vector<16xi32>
          %add3A_452 = arith.addi %and3A_449, %add3A_451 : vector<16xi32>
          %gather3A_453 = tpu.vector_load_idx %arg23[%add3A_320, %add3A_452] : memref<32x128xf32, #tpu.memory_space<vmem>>[vector<16xi32>, vector<16xi32>], vector<16xf32>,
          %mul3A_454 = arith.mulf %gather3A_453, %exp3A : vector<16xf32>
          tpu.vector_store_idx %arg23[%add3A_320, %add3A_452], %mul3A_454 : memref<32x128xf32, #tpu.memory_space<vmem>>[vector<16xi32>, vector<16xi32>], vector<16xf32>,
          %add3A_455 = arith.constant 32 : i32
          %add3A_456 = vector.broadcast %add3A_455 : i32 to vector<16xi32>
          %add3A_457 = arith.addi %and3A_449, %add3A_456 : vector<16xi32>
          %gather3A_458 = tpu.vector_load_idx %arg23[%add3A_320, %add3A_457] : memref<32x128xf32, #tpu.memory_space<vmem>>[vector<16xi32>, vector<16xi32>], vector<16xf32>,
          %mul3A_459 = arith.mulf %gather3A_458, %exp3A_328 : vector<16xf32>
          tpu.vector_store_idx %arg23[%add3A_320, %add3A_457], %mul3A_459 : memref<32x128xf32, #tpu.memory_space<vmem>>[vector<16xi32>, vector<16xi32>], vector<16xf32>,
          %add3A_460 = arith.constant 64 : i32
          %add3A_461 = vector.broadcast %add3A_460 : i32 to vector<16xi32>
          %add3A_462 = arith.addi %and3A_449, %add3A_461 : vector<16xi32>
          %gather3A_463 = tpu.vector_load_idx %arg23[%add3A_320, %add3A_462] : memref<32x128xf32, #tpu.memory_space<vmem>>[vector<16xi32>, vector<16xi32>], vector<16xf32>,
          %mul3A_464 = arith.mulf %gather3A_463, %exp3A_329 : vector<16xf32>
          tpu.vector_store_idx %arg23[%add3A_320, %add3A_462], %mul3A_464 : memref<32x128xf32, #tpu.memory_space<vmem>>[vector<16xi32>, vector<16xi32>], vector<16xf32>,
          %add3A_465 = arith.constant 96 : i32
          %add3A_466 = vector.broadcast %add3A_465 : i32 to vector<16xi32>
          %add3A_467 = arith.addi %and3A_449, %add3A_466 : vector<16xi32>
          %gather3A_468 = tpu.vector_load_idx %arg23[%add3A_320, %add3A_467] : memref<32x128xf32, #tpu.memory_space<vmem>>[vector<16xi32>, vector<16xi32>], vector<16xf32>,
          %mul3A_469 = arith.mulf %gather3A_468, %exp3A_330 : vector<16xf32>
          tpu.vector_store_idx %arg23[%add3A_320, %add3A_467], %mul3A_469 : memref<32x128xf32, #tpu.memory_space<vmem>>[vector<16xi32>, vector<16xi32>], vector<16xf32>,
        }
        %scan3A_348 = arith.constant 32 : i32
      }
      %scan3A_250 = arith.constant 2 : i32
      %dma_start3A_251 = arith.constant 0 : i32
      %dma_start3A_252 = arith.constant 0 : i32
      %dma_start3A_253 = tpu.memref_slice %arg27[%dma_start3A_251, %dma_start3A_252] : memref<10008x16xf32, #tpu.memory_space<vmem_shared>> -> memref<10008x16xf32, #tpu.memory_space<vmem_shared>>
      tpu.enqueue_indirect_dma source(%arg25 : memref<32x16xf32, #tpu.memory_space<vmem>>) target(%dma_start3A_253 : memref<10008x16xf32, #tpu.memory_space<vmem_shared>>) offsets(%arg17 : memref<32xi32, #tpu.memory_space<vmem>>) semaphore(%arg39 : memref<!tpu.dma_semaphore, #tpu.memory_space<semaphore_mem>>) {add = true}
      %dma_start3A_254 = arith.constant 0 : i32
      %dma_start3A_255 = arith.constant 0 : i32
      %dma_start3A_256 = tpu.memref_slice %arg28[%dma_start3A_254, %dma_start3A_255] : memref<10008x128xf32, #tpu.memory_space<vmem_shared>> -> memref<10008x128xf32, #tpu.memory_space<vmem_shared>>
      tpu.enqueue_indirect_dma source(%arg23 : memref<32x128xf32, #tpu.memory_space<vmem>>) target(%dma_start3A_256 : memref<10008x128xf32, #tpu.memory_space<vmem_shared>>) offsets(%arg17 : memref<32xi32, #tpu.memory_space<vmem>>) semaphore(%arg41 : memref<!tpu.dma_semaphore, #tpu.memory_space<semaphore_mem>>) {add = true}
      %mul3A_257 = arith.constant 4 : i32
      %mul3A_258 = arith.muli %add3A_93, %mul3A_257 : i32
      %add3A_259 = arith.constant 3 : i32
      %add3A_260 = arith.addi %mul3A_258, %add3A_259 : i32
      %dma_wait3A_261 = arith.constant 0 : i32
      %dma_wait3A_262 = arith.constant 0 : i32
      %dma_wait3A_263 = tpu.memref_slice %arg27[%dma_wait3A_261, %dma_wait3A_262] : memref<10008x16xf32, #tpu.memory_space<vmem_shared>> -> memref<10008x16xf32, #tpu.memory_space<vmem_shared>>
      tpu.wait_indirect_dma semaphore(%arg39 : memref<!tpu.dma_semaphore, #tpu.memory_space<semaphore_mem>>) src(%arg25 : memref<32x16xf32, #tpu.memory_space<vmem>>) dst(%dma_wait3A_263 : memref<10008x16xf32, #tpu.memory_space<vmem_shared>>)
      %dma_wait3A_264 = arith.constant 0 : i32
      %dma_wait3A_265 = arith.constant 0 : i32
      %dma_wait3A_266 = tpu.memref_slice %arg28[%dma_wait3A_264, %dma_wait3A_265] : memref<10008x128xf32, #tpu.memory_space<vmem_shared>> -> memref<10008x128xf32, #tpu.memory_space<vmem_shared>>
      tpu.wait_indirect_dma semaphore(%arg41 : memref<!tpu.dma_semaphore, #tpu.memory_space<semaphore_mem>>) src(%arg23 : memref<32x128xf32, #tpu.memory_space<vmem>>) dst(%dma_wait3A_266 : memref<10008x128xf32, #tpu.memory_space<vmem_shared>>)
      %dma_wait3A_267 = arith.constant 0 : i32
      %dma_wait3A_268 = tpu.memref_slice %arg5[%dma_wait3A_267] : memref<325632xi32, #tpu.memory_space<hbm>> -> memref<32xi32, #tpu.memory_space<hbm>>
      %dma_wait3A_269 = arith.constant 0 : i32
      %dma_wait3A_270 = tpu.memref_slice %arg5[%dma_wait3A_269] : memref<325632xi32, #tpu.memory_space<hbm>> -> memref<32xi32, #tpu.memory_space<hbm>>
      tpu.wait_dma2 semaphore(%arg29 : memref<!tpu.dma_semaphore, #tpu.memory_space<semaphore_mem>>) src(%dma_wait3A_270 : memref<32xi32, #tpu.memory_space<hbm>>) dst(%arg11 : memref<32xi32, #tpu.memory_space<vmem>>)
      %dma_wait3A_271 = arith.constant 0 : i32
      %dma_wait3A_272 = tpu.memref_slice %arg6[%dma_wait3A_271] : memref<325632xi32, #tpu.memory_space<hbm>> -> memref<32xi32, #tpu.memory_space<hbm>>
      %dma_wait3A_273 = arith.constant 0 : i32
      %dma_wait3A_274 = tpu.memref_slice %arg6[%dma_wait3A_273] : memref<325632xi32, #tpu.memory_space<hbm>> -> memref<32xi32, #tpu.memory_space<hbm>>
      tpu.wait_dma2 semaphore(%arg29 : memref<!tpu.dma_semaphore, #tpu.memory_space<semaphore_mem>>) src(%dma_wait3A_274 : memref<32xi32, #tpu.memory_space<hbm>>) dst(%arg15 : memref<32xi32, #tpu.memory_space<vmem>>)
      %dma_start3A_275 = arith.constant 0 : i32
      %dma_start3A_276 = arith.constant 0 : i32
      %dma_start3A_277 = tpu.memref_slice %arg2[%dma_start3A_275, %dma_start3A_276] : memref<10000x128xf32, #tpu.memory_space<hbm>> -> memref<10000x128xf32, #tpu.memory_space<hbm>>
      tpu.enqueue_indirect_dma source(%dma_start3A_277 : memref<10000x128xf32, #tpu.memory_space<hbm>>) target(%arg19 : memref<32x128xf32, #tpu.memory_space<vmem>>) offsets(%arg11 : memref<32xi32, #tpu.memory_space<vmem>>) semaphore(%arg33 : memref<!tpu.dma_semaphore, #tpu.memory_space<semaphore_mem>>)
      %dma_start3A_278 = arith.constant 0 : i32
      %dma_start3A_279 = arith.constant 0 : i32
      %dma_start3A_280 = tpu.memref_slice %arg3[%dma_start3A_278, %dma_start3A_279] : memref<10008x128xf32, #tpu.memory_space<hbm>> -> memref<10008x128xf32, #tpu.memory_space<hbm>>
      tpu.enqueue_indirect_dma source(%dma_start3A_280 : memref<10008x128xf32, #tpu.memory_space<hbm>>) target(%arg21 : memref<32x128xf32, #tpu.memory_space<vmem>>) offsets(%arg15 : memref<32xi32, #tpu.memory_space<vmem>>) semaphore(%arg35 : memref<!tpu.dma_semaphore, #tpu.memory_space<semaphore_mem>>)
      %dma_start3A_281 = arith.constant 0 : i32
      %dma_start3A_282 = arith.constant 0 : i32
      %dma_start3A_283 = tpu.memref_slice %arg4[%dma_start3A_281, %dma_start3A_282] : memref<10000x128xf32, #tpu.memory_space<hbm>> -> memref<10000x128xf32, #tpu.memory_space<hbm>>
      tpu.enqueue_indirect_dma source(%dma_start3A_283 : memref<10000x128xf32, #tpu.memory_space<hbm>>) target(%arg23 : memref<32x128xf32, #tpu.memory_space<vmem>>) offsets(%arg11 : memref<32xi32, #tpu.memory_space<vmem>>) semaphore(%arg37 : memref<!tpu.dma_semaphore, #tpu.memory_space<semaphore_mem>>)
      %add3A_284 = arith.constant 2 : i32
      %add3A_285 = arith.addi %add3A_260, %add3A_284 : i32
      %mul3A_286 = arith.constant 32 : i32
      %mul3A_287 = arith.muli %mul3A_286, %add3A_285 : i32
      %add3A_288 = arith.addi %add3A, %mul3A_287 : i32
      %mul3A_289 = arith.constant 32 : i32
      %mul3A_290 = arith.muli %add3A_288, %mul3A_289 : i32
      %dma_start3A_291 = tpu.memref_slice %arg5[%mul3A_290] : memref<325632xi32, #tpu.memory_space<hbm>> -> memref<32xi32, #tpu.memory_space<hbm>>
      %dma_start3A_292 = tpu.memref_slice %arg5[%mul3A_290] : memref<325632xi32, #tpu.memory_space<hbm>> -> memref<32xi32, #tpu.memory_space<hbm>>
      tpu.enqueue_dma source(%dma_start3A_292 : memref<32xi32, #tpu.memory_space<hbm>>) target(%arg12 : memref<32xi32, #tpu.memory_space<vmem>>) target_semaphore(%arg30 : memref<!tpu.dma_semaphore, #tpu.memory_space<semaphore_mem>>)
      %dma_start3A_293 = tpu.memref_slice %arg6[%mul3A_290] : memref<325632xi32, #tpu.memory_space<hbm>> -> memref<32xi32, #tpu.memory_space<hbm>>
      %dma_start3A_294 = tpu.memref_slice %arg6[%mul3A_290] : memref<325632xi32, #tpu.memory_space<hbm>> -> memref<32xi32, #tpu.memory_space<hbm>>
      tpu.enqueue_dma source(%dma_start3A_294 : memref<32xi32, #tpu.memory_space<hbm>>) target(%arg16 : memref<32xi32, #tpu.memory_space<vmem>>) target_semaphore(%arg30 : memref<!tpu.dma_semaphore, #tpu.memory_space<semaphore_mem>>)
      %dma_wait3A_295 = arith.constant 0 : i32
      %dma_wait3A_296 = arith.constant 0 : i32
      %dma_wait3A_297 = tpu.memref_slice %arg2[%dma_wait3A_295, %dma_wait3A_296] : memref<10000x128xf32, #tpu.memory_space<hbm>> -> memref<10000x128xf32, #tpu.memory_space<hbm>>
      tpu.wait_indirect_dma semaphore(%arg34 : memref<!tpu.dma_semaphore, #tpu.memory_space<semaphore_mem>>) src(%dma_wait3A_297 : memref<10000x128xf32, #tpu.memory_space<hbm>>) dst(%arg20 : memref<32x128xf32, #tpu.memory_space<vmem>>)
      %dma_wait3A_298 = arith.constant 0 : i32
      %dma_wait3A_299 = arith.constant 0 : i32
      %dma_wait3A_300 = tpu.memref_slice %arg3[%dma_wait3A_298, %dma_wait3A_299] : memref<10008x128xf32, #tpu.memory_space<hbm>> -> memref<10008x128xf32, #tpu.memory_space<hbm>>
      tpu.wait_indirect_dma semaphore(%arg36 : memref<!tpu.dma_semaphore, #tpu.memory_space<semaphore_mem>>) src(%dma_wait3A_300 : memref<10008x128xf32, #tpu.memory_space<hbm>>) dst(%arg22 : memref<32x128xf32, #tpu.memory_space<vmem>>)
      %scan3A_301 = arith.constant 0 : i32
      %scan3A_302 = arith.constant 2 : i32
      %scan3A_303 = arith.addi %scan3A_301, %scan3A_302 : i32
      %scan3A_304 = arith.constant 1 : i32
      scf.for %scan3A_312 = %scan3A_301 to %scan3A_303 step %scan3A_304  : i32 {
        %mul3A_313 = arith.constant 1 : i32
        %mul3A_314 = arith.muli %scan3A_312, %mul3A_313 : i32
        %add3A_315 = arith.constant 0 : i32
        %add3A_316 = arith.addi %add3A_315, %mul3A_314 : i32
        %mul3A_317 = arith.constant 16 : i32
        %mul3A_318 = arith.muli %add3A_316, %mul3A_317 : i32
        %add3A_319 = vector.broadcast %mul3A_318 : i32 to vector<16xi32>
        %add3A_320 = arith.addi %add3A_319, %iota3A : vector<16xi32>
        %broadcast_in_dim3A = arith.constant 0.000000e+00 : f32
        %broadcast_in_dim3A_321 = vector.broadcast %broadcast_in_dim3A : f32 to vector<16xf32>
        %scan3A_322 = arith.constant 0 : i32
        %scan3A_323 = arith.constant 32 : i32
        %scan3A_324 = arith.addi %scan3A_322, %scan3A_323 : i32
        %scan3A_325 = arith.constant 4 : i32
        %scan3A_326:4 = scf.for %scan3A_349 = %scan3A_322 to %scan3A_324 step %scan3A_325 iter_args(%scan3A_350 = %broadcast_in_dim3A_321, %scan3A_351 = %broadcast_in_dim3A_321, %scan3A_352 = %broadcast_in_dim3A_321, %scan3A_353 = %broadcast_in_dim3A_321) -> (vector<16xf32>, vector<16xf32>, vector<16xf32>, vector<16xf32>)  : i32 {
          %mul3A_354 = arith.constant 1 : i32
          %mul3A_355 = arith.muli %scan3A_349, %mul3A_354 : i32
          %add3A_356 = arith.constant 0 : i32
          %add3A_357 = arith.addi %add3A_356, %mul3A_355 : i32
          %add3A_358 = vector.broadcast %add3A_357 : i32 to vector<16xi32>
          %add3A_359 = arith.addi %add3A_358, %iota3A : vector<16xi32>
          %and3A = arith.constant 31 : i32
          %and3A_360 = vector.broadcast %and3A : i32 to vector<16xi32>
          %and3A_361 = arith.andi %add3A_359, %and3A_360 : vector<16xi32>
          %add3A_362 = arith.constant 0 : i32
          %add3A_363 = vector.broadcast %add3A_362 : i32 to vector<16xi32>
          %add3A_364 = arith.addi %and3A_361, %add3A_363 : vector<16xi32>
          %gather3A = tpu.vector_load_idx %arg20[%add3A_320, %add3A_364] : memref<32x128xf32, #tpu.memory_space<vmem>>[vector<16xi32>, vector<16xi32>], vector<16xf32>,
          %gather3A_365 = tpu.vector_load_idx %arg22[%add3A_320, %add3A_364] : memref<32x128xf32, #tpu.memory_space<vmem>>[vector<16xi32>, vector<16xi32>], vector<16xf32>,
          %mul3A_366 = arith.mulf %gather3A, %gather3A_365 : vector<16xf32>
          %add3A_367 = arith.addf %scan3A_350, %mul3A_366 : vector<16xf32>
          %add3A_368 = arith.constant 32 : i32
          %add3A_369 = vector.broadcast %add3A_368 : i32 to vector<16xi32>
          %add3A_370 = arith.addi %and3A_361, %add3A_369 : vector<16xi32>
          %gather3A_371 = tpu.vector_load_idx %arg20[%add3A_320, %add3A_370] : memref<32x128xf32, #tpu.memory_space<vmem>>[vector<16xi32>, vector<16xi32>], vector<16xf32>,
          %gather3A_372 = tpu.vector_load_idx %arg22[%add3A_320, %add3A_370] : memref<32x128xf32, #tpu.memory_space<vmem>>[vector<16xi32>, vector<16xi32>], vector<16xf32>,
          %mul3A_373 = arith.mulf %gather3A_371, %gather3A_372 : vector<16xf32>
          %add3A_374 = arith.addf %scan3A_351, %mul3A_373 : vector<16xf32>
          %add3A_375 = arith.constant 64 : i32
          %add3A_376 = vector.broadcast %add3A_375 : i32 to vector<16xi32>
          %add3A_377 = arith.addi %and3A_361, %add3A_376 : vector<16xi32>
          %gather3A_378 = tpu.vector_load_idx %arg20[%add3A_320, %add3A_377] : memref<32x128xf32, #tpu.memory_space<vmem>>[vector<16xi32>, vector<16xi32>], vector<16xf32>,
          %gather3A_379 = tpu.vector_load_idx %arg22[%add3A_320, %add3A_377] : memref<32x128xf32, #tpu.memory_space<vmem>>[vector<16xi32>, vector<16xi32>], vector<16xf32>,
          %mul3A_380 = arith.mulf %gather3A_378, %gather3A_379 : vector<16xf32>
          %add3A_381 = arith.addf %scan3A_352, %mul3A_380 : vector<16xf32>
          %add3A_382 = arith.constant 96 : i32
          %add3A_383 = vector.broadcast %add3A_382 : i32 to vector<16xi32>
          %add3A_384 = arith.addi %and3A_361, %add3A_383 : vector<16xi32>
          %gather3A_385 = tpu.vector_load_idx %arg20[%add3A_320, %add3A_384] : memref<32x128xf32, #tpu.memory_space<vmem>>[vector<16xi32>, vector<16xi32>], vector<16xf32>,
          %gather3A_386 = tpu.vector_load_idx %arg22[%add3A_320, %add3A_384] : memref<32x128xf32, #tpu.memory_space<vmem>>[vector<16xi32>, vector<16xi32>], vector<16xf32>,
          %mul3A_387 = arith.mulf %gather3A_385, %gather3A_386 : vector<16xf32>
          %add3A_388 = arith.addf %scan3A_353, %mul3A_387 : vector<16xf32>
          %scan3A_389 = arith.constant 1 : i32
          %scan3A_390 = arith.addi %scan3A_349, %scan3A_389 : i32
          %mul3A_391 = arith.constant 1 : i32
          %mul3A_392 = arith.muli %scan3A_390, %mul3A_391 : i32
          %add3A_393 = arith.constant 0 : i32
          %add3A_394 = arith.addi %add3A_393, %mul3A_392 : i32
          %add3A_395 = vector.broadcast %add3A_394 : i32 to vector<16xi32>
          %add3A_396 = arith.addi %add3A_395, %iota3A : vector<16xi32>
          %and3A_397 = arith.constant 31 : i32
          %and3A_398 = vector.broadcast %and3A_397 : i32 to vector<16xi32>
          %and3A_399 = arith.andi %add3A_396, %and3A_398 : vector<16xi32>
          %add3A_400 = arith.constant 0 : i32
          %add3A_401 = vector.broadcast %add3A_400 : i32 to vector<16xi32>
          %add3A_402 = arith.addi %and3A_399, %add3A_401 : vector<16xi32>
          %gather3A_403 = tpu.vector_load_idx %arg20[%add3A_320, %add3A_402] : memref<32x128xf32, #tpu.memory_space<vmem>>[vector<16xi32>, vector<16xi32>], vector<16xf32>,
          %gather3A_404 = tpu.vector_load_idx %arg22[%add3A_320, %add3A_402] : memref<32x128xf32, #tpu.memory_space<vmem>>[vector<16xi32>, vector<16xi32>], vector<16xf32>,
          %mul3A_405 = arith.mulf %gather3A_403, %gather3A_404 : vector<16xf32>
          %add3A_406 = arith.addf %add3A_367, %mul3A_405 : vector<16xf32>
          %add3A_407 = arith.constant 32 : i32
          %add3A_408 = vector.broadcast %add3A_407 : i32 to vector<16xi32>
          %add3A_409 = arith.addi %and3A_399, %add3A_408 : vector<16xi32>
          %gather3A_410 = tpu.vector_load_idx %arg20[%add3A_320, %add3A_409] : memref<32x128xf32, #tpu.memory_space<vmem>>[vector<16xi32>, vector<16xi32>], vector<16xf32>,
          %gather3A_411 = tpu.vector_load_idx %arg22[%add3A_320, %add3A_409] : memref<32x128xf32, #tpu.memory_space<vmem>>[vector<16xi32>, vector<16xi32>], vector<16xf32>,
          %mul3A_412 = arith.mulf %gather3A_410, %gather3A_411 : vector<16xf32>
          %add3A_413 = arith.addf %add3A_374, %mul3A_412 : vector<16xf32>
          %add3A_414 = arith.constant 64 : i32
          %add3A_415 = vector.broadcast %add3A_414 : i32 to vector<16xi32>
          %add3A_416 = arith.addi %and3A_399, %add3A_415 : vector<16xi32>
          %gather3A_417 = tpu.vector_load_idx %arg20[%add3A_320, %add3A_416] : memref<32x128xf32, #tpu.memory_space<vmem>>[vector<16xi32>, vector<16xi32>], vector<16xf32>,
          %gather3A_418 = tpu.vector_load_idx %arg22[%add3A_320, %add3A_416] : memref<32x128xf32, #tpu.memory_space<vmem>>[vector<16xi32>, vector<16xi32>], vector<16xf32>,
          %mul3A_419 = arith.mulf %gather3A_417, %gather3A_418 : vector<16xf32>
          %add3A_420 = arith.addf %add3A_381, %mul3A_419 : vector<16xf32>
          %add3A_421 = arith.constant 96 : i32
          %add3A_422 = vector.broadcast %add3A_421 : i32 to vector<16xi32>
          %add3A_423 = arith.addi %and3A_399, %add3A_422 : vector<16xi32>
          %gather3A_424 = tpu.vector_load_idx %arg20[%add3A_320, %add3A_423] : memref<32x128xf32, #tpu.memory_space<vmem>>[vector<16xi32>, vector<16xi32>], vector<16xf32>,
          %gather3A_425 = tpu.vector_load_idx %arg22[%add3A_320, %add3A_423] : memref<32x128xf32, #tpu.memory_space<vmem>>[vector<16xi32>, vector<16xi32>], vector<16xf32>,
          %mul3A_426 = arith.mulf %gather3A_424, %gather3A_425 : vector<16xf32>
          %add3A_427 = arith.addf %add3A_388, %mul3A_426 : vector<16xf32>
          %scan3A_428 = arith.constant 2 : i32
          %scan3A_429 = arith.addi %scan3A_349, %scan3A_428 : i32
          %mul3A_430 = arith.constant 1 : i32
          %mul3A_431 = arith.muli %scan3A_429, %mul3A_430 : i32
          %add3A_432 = arith.constant 0 : i32
          %add3A_433 = arith.addi %add3A_432, %mul3A_431 : i32
          %add3A_434 = vector.broadcast %add3A_433 : i32 to vector<16xi32>
          %add3A_435 = arith.addi %add3A_434, %iota3A : vector<16xi32>
          %and3A_436 = arith.constant 31 : i32
          %and3A_437 = vector.broadcast %and3A_436 : i32 to vector<16xi32>
          %and3A_438 = arith.andi %add3A_435, %and3A_437 : vector<16xi32>
          %add3A_439 = arith.constant 0 : i32
          %add3A_440 = vector.broadcast %add3A_439 : i32 to vector<16xi32>
          %add3A_441 = arith.addi %and3A_438, %add3A_440 : vector<16xi32>
          %gather3A_442 = tpu.vector_load_idx %arg20[%add3A_320, %add3A_441] : memref<32x128xf32, #tpu.memory_space<vmem>>[vector<16xi32>, vector<16xi32>], vector<16xf32>,
          %gather3A_443 = tpu.vector_load_idx %arg22[%add3A_320, %add3A_441] : memref<32x128xf32, #tpu.memory_space<vmem>>[vector<16xi32>, vector<16xi32>], vector<16xf32>,
          %mul3A_444 = arith.mulf %gather3A_442, %gather3A_443 : vector<16xf32>
          %add3A_445 = arith.addf %add3A_406, %mul3A_444 : vector<16xf32>
          %add3A_446 = arith.constant 32 : i32
          %add3A_447 = vector.broadcast %add3A_446 : i32 to vector<16xi32>
          %add3A_448 = arith.addi %and3A_438, %add3A_447 : vector<16xi32>
          %gather3A_449 = tpu.vector_load_idx %arg20[%add3A_320, %add3A_448] : memref<32x128xf32, #tpu.memory_space<vmem>>[vector<16xi32>, vector<16xi32>], vector<16xf32>,
          %gather3A_450 = tpu.vector_load_idx %arg22[%add3A_320, %add3A_448] : memref<32x128xf32, #tpu.memory_space<vmem>>[vector<16xi32>, vector<16xi32>], vector<16xf32>,
          %mul3A_451 = arith.mulf %gather3A_449, %gather3A_450 : vector<16xf32>
          %add3A_452 = arith.addf %add3A_413, %mul3A_451 : vector<16xf32>
          %add3A_453 = arith.constant 64 : i32
          %add3A_454 = vector.broadcast %add3A_453 : i32 to vector<16xi32>
          %add3A_455 = arith.addi %and3A_438, %add3A_454 : vector<16xi32>
          %gather3A_456 = tpu.vector_load_idx %arg20[%add3A_320, %add3A_455] : memref<32x128xf32, #tpu.memory_space<vmem>>[vector<16xi32>, vector<16xi32>], vector<16xf32>,
          %gather3A_457 = tpu.vector_load_idx %arg22[%add3A_320, %add3A_455] : memref<32x128xf32, #tpu.memory_space<vmem>>[vector<16xi32>, vector<16xi32>], vector<16xf32>,
          %mul3A_458 = arith.mulf %gather3A_456, %gather3A_457 : vector<16xf32>
          %add3A_459 = arith.addf %add3A_420, %mul3A_458 : vector<16xf32>
          %add3A_460 = arith.constant 96 : i32
          %add3A_461 = vector.broadcast %add3A_460 : i32 to vector<16xi32>
          %add3A_462 = arith.addi %and3A_438, %add3A_461 : vector<16xi32>
          %gather3A_463 = tpu.vector_load_idx %arg20[%add3A_320, %add3A_462] : memref<32x128xf32, #tpu.memory_space<vmem>>[vector<16xi32>, vector<16xi32>], vector<16xf32>,
          %gather3A_464 = tpu.vector_load_idx %arg22[%add3A_320, %add3A_462] : memref<32x128xf32, #tpu.memory_space<vmem>>[vector<16xi32>, vector<16xi32>], vector<16xf32>,
          %mul3A_465 = arith.mulf %gather3A_463, %gather3A_464 : vector<16xf32>
          %add3A_466 = arith.addf %add3A_427, %mul3A_465 : vector<16xf32>
          %scan3A_467 = arith.constant 3 : i32
          %scan3A_468 = arith.addi %scan3A_349, %scan3A_467 : i32
          %mul3A_469 = arith.constant 1 : i32
          %mul3A_470 = arith.muli %scan3A_468, %mul3A_469 : i32
          %add3A_471 = arith.constant 0 : i32
          %add3A_472 = arith.addi %add3A_471, %mul3A_470 : i32
          %add3A_473 = vector.broadcast %add3A_472 : i32 to vector<16xi32>
          %add3A_474 = arith.addi %add3A_473, %iota3A : vector<16xi32>
          %and3A_475 = arith.constant 31 : i32
          %and3A_476 = vector.broadcast %and3A_475 : i32 to vector<16xi32>
          %and3A_477 = arith.andi %add3A_474, %and3A_476 : vector<16xi32>
          %add3A_478 = arith.constant 0 : i32
          %add3A_479 = vector.broadcast %add3A_478 : i32 to vector<16xi32>
          %add3A_480 = arith.addi %and3A_477, %add3A_479 : vector<16xi32>
          %gather3A_481 = tpu.vector_load_idx %arg20[%add3A_320, %add3A_480] : memref<32x128xf32, #tpu.memory_space<vmem>>[vector<16xi32>, vector<16xi32>], vector<16xf32>,
          %gather3A_482 = tpu.vector_load_idx %arg22[%add3A_320, %add3A_480] : memref<32x128xf32, #tpu.memory_space<vmem>>[vector<16xi32>, vector<16xi32>], vector<16xf32>,
          %mul3A_483 = arith.mulf %gather3A_481, %gather3A_482 : vector<16xf32>
          %add3A_484 = arith.addf %add3A_445, %mul3A_483 : vector<16xf32>
          %add3A_485 = arith.constant 32 : i32
          %add3A_486 = vector.broadcast %add3A_485 : i32 to vector<16xi32>
          %add3A_487 = arith.addi %and3A_477, %add3A_486 : vector<16xi32>
          %gather3A_488 = tpu.vector_load_idx %arg20[%add3A_320, %add3A_487] : memref<32x128xf32, #tpu.memory_space<vmem>>[vector<16xi32>, vector<16xi32>], vector<16xf32>,
          %gather3A_489 = tpu.vector_load_idx %arg22[%add3A_320, %add3A_487] : memref<32x128xf32, #tpu.memory_space<vmem>>[vector<16xi32>, vector<16xi32>], vector<16xf32>,
          %mul3A_490 = arith.mulf %gather3A_488, %gather3A_489 : vector<16xf32>
          %add3A_491 = arith.addf %add3A_452, %mul3A_490 : vector<16xf32>
          %add3A_492 = arith.constant 64 : i32
          %add3A_493 = vector.broadcast %add3A_492 : i32 to vector<16xi32>
          %add3A_494 = arith.addi %and3A_477, %add3A_493 : vector<16xi32>
          %gather3A_495 = tpu.vector_load_idx %arg20[%add3A_320, %add3A_494] : memref<32x128xf32, #tpu.memory_space<vmem>>[vector<16xi32>, vector<16xi32>], vector<16xf32>,
          %gather3A_496 = tpu.vector_load_idx %arg22[%add3A_320, %add3A_494] : memref<32x128xf32, #tpu.memory_space<vmem>>[vector<16xi32>, vector<16xi32>], vector<16xf32>,
          %mul3A_497 = arith.mulf %gather3A_495, %gather3A_496 : vector<16xf32>
          %add3A_498 = arith.addf %add3A_459, %mul3A_497 : vector<16xf32>
          %add3A_499 = arith.constant 96 : i32
          %add3A_500 = vector.broadcast %add3A_499 : i32 to vector<16xi32>
          %add3A_501 = arith.addi %and3A_477, %add3A_500 : vector<16xi32>
          %gather3A_502 = tpu.vector_load_idx %arg20[%add3A_320, %add3A_501] : memref<32x128xf32, #tpu.memory_space<vmem>>[vector<16xi32>, vector<16xi32>], vector<16xf32>,
          %gather3A_503 = tpu.vector_load_idx %arg22[%add3A_320, %add3A_501] : memref<32x128xf32, #tpu.memory_space<vmem>>[vector<16xi32>, vector<16xi32>], vector<16xf32>,
          %mul3A_504 = arith.mulf %gather3A_502, %gather3A_503 : vector<16xf32>
          %add3A_505 = arith.addf %add3A_466, %mul3A_504 : vector<16xf32>
          scf.yield %add3A_484, %add3A_491, %add3A_498, %add3A_505 : vector<16xf32>, vector<16xf32>, vector<16xf32>, vector<16xf32>
        }
        %scan3A_327 = arith.constant 32 : i32
        %exp3A = math.exp %scan3A_326#0 : vector<16xf32>
        %exp3A_328 = math.exp %scan3A_326#1 : vector<16xf32>
        %exp3A_329 = math.exp %scan3A_326#2 : vector<16xf32>
        %exp3A_330 = math.exp %scan3A_326#3 : vector<16xf32>
        %broadcast_in_dim3A_331 = arith.constant 0 : i32
        %broadcast_in_dim3A_332 = vector.broadcast %broadcast_in_dim3A_331 : i32 to vector<16xi32>
        tpu.vector_store_idx %arg26[%add3A_320, %broadcast_in_dim3A_332], %exp3A : memref<32x16xf32, #tpu.memory_space<vmem>>[vector<16xi32>, vector<16xi32>], vector<16xf32>,
        %broadcast_in_dim3A_333 = arith.constant 1 : i32
        %broadcast_in_dim3A_334 = vector.broadcast %broadcast_in_dim3A_333 : i32 to vector<16xi32>
        tpu.vector_store_idx %arg26[%add3A_320, %broadcast_in_dim3A_334], %exp3A_328 : memref<32x16xf32, #tpu.memory_space<vmem>>[vector<16xi32>, vector<16xi32>], vector<16xf32>,
        %broadcast_in_dim3A_335 = arith.constant 2 : i32
        %broadcast_in_dim3A_336 = vector.broadcast %broadcast_in_dim3A_335 : i32 to vector<16xi32>
        tpu.vector_store_idx %arg26[%add3A_320, %broadcast_in_dim3A_336], %exp3A_329 : memref<32x16xf32, #tpu.memory_space<vmem>>[vector<16xi32>, vector<16xi32>], vector<16xf32>,
        %broadcast_in_dim3A_337 = arith.constant 3 : i32
        %broadcast_in_dim3A_338 = vector.broadcast %broadcast_in_dim3A_337 : i32 to vector<16xi32>
        tpu.vector_store_idx %arg26[%add3A_320, %broadcast_in_dim3A_338], %exp3A_330 : memref<32x16xf32, #tpu.memory_space<vmem>>[vector<16xi32>, vector<16xi32>], vector<16xf32>,
        %eq3A_339 = arith.constant 0 : i32
        %eq3A_340 = arith.cmpi eq, %add3A_316, %eq3A_339 : i32
        %convert_element_type3A_341 = arith.extui %eq3A_340 : i1 to i32
        %cond3A_342 = arith.constant 0 : i32
        %cond3A_343 = arith.cmpi ne, %convert_element_type3A_341, %cond3A_342 : i32
        scf.if %cond3A_343 {
          %dma_wait3A_349 = arith.constant 0 : i32
          %dma_wait3A_350 = arith.constant 0 : i32
          %dma_wait3A_351 = tpu.memref_slice %arg4[%dma_wait3A_349, %dma_wait3A_350] : memref<10000x128xf32, #tpu.memory_space<hbm>> -> memref<10000x128xf32, #tpu.memory_space<hbm>>
          tpu.wait_indirect_dma semaphore(%arg38 : memref<!tpu.dma_semaphore, #tpu.memory_space<semaphore_mem>>) src(%dma_wait3A_351 : memref<10000x128xf32, #tpu.memory_space<hbm>>) dst(%arg24 : memref<32x128xf32, #tpu.memory_space<vmem>>)
        } else {
        }
        %scan3A_344 = arith.constant 0 : i32
        %scan3A_345 = arith.constant 32 : i32
        %scan3A_346 = arith.addi %scan3A_344, %scan3A_345 : i32
        %scan3A_347 = arith.constant 4 : i32
        scf.for %scan3A_349 = %scan3A_344 to %scan3A_346 step %scan3A_347  : i32 {
          %mul3A_350 = arith.constant 1 : i32
          %mul3A_351 = arith.muli %scan3A_349, %mul3A_350 : i32
          %add3A_352 = arith.constant 0 : i32
          %add3A_353 = arith.addi %add3A_352, %mul3A_351 : i32
          %add3A_354 = vector.broadcast %add3A_353 : i32 to vector<16xi32>
          %add3A_355 = arith.addi %add3A_354, %iota3A : vector<16xi32>
          %and3A = arith.constant 31 : i32
          %and3A_356 = vector.broadcast %and3A : i32 to vector<16xi32>
          %and3A_357 = arith.andi %add3A_355, %and3A_356 : vector<16xi32>
          %add3A_358 = arith.constant 0 : i32
          %add3A_359 = vector.broadcast %add3A_358 : i32 to vector<16xi32>
          %add3A_360 = arith.addi %and3A_357, %add3A_359 : vector<16xi32>
          %gather3A = tpu.vector_load_idx %arg24[%add3A_320, %add3A_360] : memref<32x128xf32, #tpu.memory_space<vmem>>[vector<16xi32>, vector<16xi32>], vector<16xf32>,
          %mul3A_361 = arith.mulf %gather3A, %exp3A : vector<16xf32>
          tpu.vector_store_idx %arg24[%add3A_320, %add3A_360], %mul3A_361 : memref<32x128xf32, #tpu.memory_space<vmem>>[vector<16xi32>, vector<16xi32>], vector<16xf32>,
          %add3A_362 = arith.constant 32 : i32
          %add3A_363 = vector.broadcast %add3A_362 : i32 to vector<16xi32>
          %add3A_364 = arith.addi %and3A_357, %add3A_363 : vector<16xi32>
          %gather3A_365 = tpu.vector_load_idx %arg24[%add3A_320, %add3A_364] : memref<32x128xf32, #tpu.memory_space<vmem>>[vector<16xi32>, vector<16xi32>], vector<16xf32>,
          %mul3A_366 = arith.mulf %gather3A_365, %exp3A_328 : vector<16xf32>
          tpu.vector_store_idx %arg24[%add3A_320, %add3A_364], %mul3A_366 : memref<32x128xf32, #tpu.memory_space<vmem>>[vector<16xi32>, vector<16xi32>], vector<16xf32>,
          %add3A_367 = arith.constant 64 : i32
          %add3A_368 = vector.broadcast %add3A_367 : i32 to vector<16xi32>
          %add3A_369 = arith.addi %and3A_357, %add3A_368 : vector<16xi32>
          %gather3A_370 = tpu.vector_load_idx %arg24[%add3A_320, %add3A_369] : memref<32x128xf32, #tpu.memory_space<vmem>>[vector<16xi32>, vector<16xi32>], vector<16xf32>,
          %mul3A_371 = arith.mulf %gather3A_370, %exp3A_329 : vector<16xf32>
          tpu.vector_store_idx %arg24[%add3A_320, %add3A_369], %mul3A_371 : memref<32x128xf32, #tpu.memory_space<vmem>>[vector<16xi32>, vector<16xi32>], vector<16xf32>,
          %add3A_372 = arith.constant 96 : i32
          %add3A_373 = vector.broadcast %add3A_372 : i32 to vector<16xi32>
          %add3A_374 = arith.addi %and3A_357, %add3A_373 : vector<16xi32>
          %gather3A_375 = tpu.vector_load_idx %arg24[%add3A_320, %add3A_374] : memref<32x128xf32, #tpu.memory_space<vmem>>[vector<16xi32>, vector<16xi32>], vector<16xf32>,
          %mul3A_376 = arith.mulf %gather3A_375, %exp3A_330 : vector<16xf32>
          tpu.vector_store_idx %arg24[%add3A_320, %add3A_374], %mul3A_376 : memref<32x128xf32, #tpu.memory_space<vmem>>[vector<16xi32>, vector<16xi32>], vector<16xf32>,
          %scan3A_377 = arith.constant 1 : i32
          %scan3A_378 = arith.addi %scan3A_349, %scan3A_377 : i32
          %mul3A_379 = arith.constant 1 : i32
          %mul3A_380 = arith.muli %scan3A_378, %mul3A_379 : i32
          %add3A_381 = arith.constant 0 : i32
          %add3A_382 = arith.addi %add3A_381, %mul3A_380 : i32
          %add3A_383 = vector.broadcast %add3A_382 : i32 to vector<16xi32>
          %add3A_384 = arith.addi %add3A_383, %iota3A : vector<16xi32>
          %and3A_385 = arith.constant 31 : i32
          %and3A_386 = vector.broadcast %and3A_385 : i32 to vector<16xi32>
          %and3A_387 = arith.andi %add3A_384, %and3A_386 : vector<16xi32>
          %add3A_388 = arith.constant 0 : i32
          %add3A_389 = vector.broadcast %add3A_388 : i32 to vector<16xi32>
          %add3A_390 = arith.addi %and3A_387, %add3A_389 : vector<16xi32>
          %gather3A_391 = tpu.vector_load_idx %arg24[%add3A_320, %add3A_390] : memref<32x128xf32, #tpu.memory_space<vmem>>[vector<16xi32>, vector<16xi32>], vector<16xf32>,
          %mul3A_392 = arith.mulf %gather3A_391, %exp3A : vector<16xf32>
          tpu.vector_store_idx %arg24[%add3A_320, %add3A_390], %mul3A_392 : memref<32x128xf32, #tpu.memory_space<vmem>>[vector<16xi32>, vector<16xi32>], vector<16xf32>,
          %add3A_393 = arith.constant 32 : i32
          %add3A_394 = vector.broadcast %add3A_393 : i32 to vector<16xi32>
          %add3A_395 = arith.addi %and3A_387, %add3A_394 : vector<16xi32>
          %gather3A_396 = tpu.vector_load_idx %arg24[%add3A_320, %add3A_395] : memref<32x128xf32, #tpu.memory_space<vmem>>[vector<16xi32>, vector<16xi32>], vector<16xf32>,
          %mul3A_397 = arith.mulf %gather3A_396, %exp3A_328 : vector<16xf32>
          tpu.vector_store_idx %arg24[%add3A_320, %add3A_395], %mul3A_397 : memref<32x128xf32, #tpu.memory_space<vmem>>[vector<16xi32>, vector<16xi32>], vector<16xf32>,
          %add3A_398 = arith.constant 64 : i32
          %add3A_399 = vector.broadcast %add3A_398 : i32 to vector<16xi32>
          %add3A_400 = arith.addi %and3A_387, %add3A_399 : vector<16xi32>
          %gather3A_401 = tpu.vector_load_idx %arg24[%add3A_320, %add3A_400] : memref<32x128xf32, #tpu.memory_space<vmem>>[vector<16xi32>, vector<16xi32>], vector<16xf32>,
          %mul3A_402 = arith.mulf %gather3A_401, %exp3A_329 : vector<16xf32>
          tpu.vector_store_idx %arg24[%add3A_320, %add3A_400], %mul3A_402 : memref<32x128xf32, #tpu.memory_space<vmem>>[vector<16xi32>, vector<16xi32>], vector<16xf32>,
          %add3A_403 = arith.constant 96 : i32
          %add3A_404 = vector.broadcast %add3A_403 : i32 to vector<16xi32>
          %add3A_405 = arith.addi %and3A_387, %add3A_404 : vector<16xi32>
          %gather3A_406 = tpu.vector_load_idx %arg24[%add3A_320, %add3A_405] : memref<32x128xf32, #tpu.memory_space<vmem>>[vector<16xi32>, vector<16xi32>], vector<16xf32>,
          %mul3A_407 = arith.mulf %gather3A_406, %exp3A_330 : vector<16xf32>
          tpu.vector_store_idx %arg24[%add3A_320, %add3A_405], %mul3A_407 : memref<32x128xf32, #tpu.memory_space<vmem>>[vector<16xi32>, vector<16xi32>], vector<16xf32>,
          %scan3A_408 = arith.constant 2 : i32
          %scan3A_409 = arith.addi %scan3A_349, %scan3A_408 : i32
          %mul3A_410 = arith.constant 1 : i32
          %mul3A_411 = arith.muli %scan3A_409, %mul3A_410 : i32
          %add3A_412 = arith.constant 0 : i32
          %add3A_413 = arith.addi %add3A_412, %mul3A_411 : i32
          %add3A_414 = vector.broadcast %add3A_413 : i32 to vector<16xi32>
          %add3A_415 = arith.addi %add3A_414, %iota3A : vector<16xi32>
          %and3A_416 = arith.constant 31 : i32
          %and3A_417 = vector.broadcast %and3A_416 : i32 to vector<16xi32>
          %and3A_418 = arith.andi %add3A_415, %and3A_417 : vector<16xi32>
          %add3A_419 = arith.constant 0 : i32
          %add3A_420 = vector.broadcast %add3A_419 : i32 to vector<16xi32>
          %add3A_421 = arith.addi %and3A_418, %add3A_420 : vector<16xi32>
          %gather3A_422 = tpu.vector_load_idx %arg24[%add3A_320, %add3A_421] : memref<32x128xf32, #tpu.memory_space<vmem>>[vector<16xi32>, vector<16xi32>], vector<16xf32>,
          %mul3A_423 = arith.mulf %gather3A_422, %exp3A : vector<16xf32>
          tpu.vector_store_idx %arg24[%add3A_320, %add3A_421], %mul3A_423 : memref<32x128xf32, #tpu.memory_space<vmem>>[vector<16xi32>, vector<16xi32>], vector<16xf32>,
          %add3A_424 = arith.constant 32 : i32
          %add3A_425 = vector.broadcast %add3A_424 : i32 to vector<16xi32>
          %add3A_426 = arith.addi %and3A_418, %add3A_425 : vector<16xi32>
          %gather3A_427 = tpu.vector_load_idx %arg24[%add3A_320, %add3A_426] : memref<32x128xf32, #tpu.memory_space<vmem>>[vector<16xi32>, vector<16xi32>], vector<16xf32>,
          %mul3A_428 = arith.mulf %gather3A_427, %exp3A_328 : vector<16xf32>
          tpu.vector_store_idx %arg24[%add3A_320, %add3A_426], %mul3A_428 : memref<32x128xf32, #tpu.memory_space<vmem>>[vector<16xi32>, vector<16xi32>], vector<16xf32>,
          %add3A_429 = arith.constant 64 : i32
          %add3A_430 = vector.broadcast %add3A_429 : i32 to vector<16xi32>
          %add3A_431 = arith.addi %and3A_418, %add3A_430 : vector<16xi32>
          %gather3A_432 = tpu.vector_load_idx %arg24[%add3A_320, %add3A_431] : memref<32x128xf32, #tpu.memory_space<vmem>>[vector<16xi32>, vector<16xi32>], vector<16xf32>,
          %mul3A_433 = arith.mulf %gather3A_432, %exp3A_329 : vector<16xf32>
          tpu.vector_store_idx %arg24[%add3A_320, %add3A_431], %mul3A_433 : memref<32x128xf32, #tpu.memory_space<vmem>>[vector<16xi32>, vector<16xi32>], vector<16xf32>,
          %add3A_434 = arith.constant 96 : i32
          %add3A_435 = vector.broadcast %add3A_434 : i32 to vector<16xi32>
          %add3A_436 = arith.addi %and3A_418, %add3A_435 : vector<16xi32>
          %gather3A_437 = tpu.vector_load_idx %arg24[%add3A_320, %add3A_436] : memref<32x128xf32, #tpu.memory_space<vmem>>[vector<16xi32>, vector<16xi32>], vector<16xf32>,
          %mul3A_438 = arith.mulf %gather3A_437, %exp3A_330 : vector<16xf32>
          tpu.vector_store_idx %arg24[%add3A_320, %add3A_436], %mul3A_438 : memref<32x128xf32, #tpu.memory_space<vmem>>[vector<16xi32>, vector<16xi32>], vector<16xf32>,
          %scan3A_439 = arith.constant 3 : i32
          %scan3A_440 = arith.addi %scan3A_349, %scan3A_439 : i32
          %mul3A_441 = arith.constant 1 : i32
          %mul3A_442 = arith.muli %scan3A_440, %mul3A_441 : i32
          %add3A_443 = arith.constant 0 : i32
          %add3A_444 = arith.addi %add3A_443, %mul3A_442 : i32
          %add3A_445 = vector.broadcast %add3A_444 : i32 to vector<16xi32>
          %add3A_446 = arith.addi %add3A_445, %iota3A : vector<16xi32>
          %and3A_447 = arith.constant 31 : i32
          %and3A_448 = vector.broadcast %and3A_447 : i32 to vector<16xi32>
          %and3A_449 = arith.andi %add3A_446, %and3A_448 : vector<16xi32>
          %add3A_450 = arith.constant 0 : i32
          %add3A_451 = vector.broadcast %add3A_450 : i32 to vector<16xi32>
          %add3A_452 = arith.addi %and3A_449, %add3A_451 : vector<16xi32>
          %gather3A_453 = tpu.vector_load_idx %arg24[%add3A_320, %add3A_452] : memref<32x128xf32, #tpu.memory_space<vmem>>[vector<16xi32>, vector<16xi32>], vector<16xf32>,
          %mul3A_454 = arith.mulf %gather3A_453, %exp3A : vector<16xf32>
          tpu.vector_store_idx %arg24[%add3A_320, %add3A_452], %mul3A_454 : memref<32x128xf32, #tpu.memory_space<vmem>>[vector<16xi32>, vector<16xi32>], vector<16xf32>,
          %add3A_455 = arith.constant 32 : i32
          %add3A_456 = vector.broadcast %add3A_455 : i32 to vector<16xi32>
          %add3A_457 = arith.addi %and3A_449, %add3A_456 : vector<16xi32>
          %gather3A_458 = tpu.vector_load_idx %arg24[%add3A_320, %add3A_457] : memref<32x128xf32, #tpu.memory_space<vmem>>[vector<16xi32>, vector<16xi32>], vector<16xf32>,
          %mul3A_459 = arith.mulf %gather3A_458, %exp3A_328 : vector<16xf32>
          tpu.vector_store_idx %arg24[%add3A_320, %add3A_457], %mul3A_459 : memref<32x128xf32, #tpu.memory_space<vmem>>[vector<16xi32>, vector<16xi32>], vector<16xf32>,
          %add3A_460 = arith.constant 64 : i32
          %add3A_461 = vector.broadcast %add3A_460 : i32 to vector<16xi32>
          %add3A_462 = arith.addi %and3A_449, %add3A_461 : vector<16xi32>
          %gather3A_463 = tpu.vector_load_idx %arg24[%add3A_320, %add3A_462] : memref<32x128xf32, #tpu.memory_space<vmem>>[vector<16xi32>, vector<16xi32>], vector<16xf32>,
          %mul3A_464 = arith.mulf %gather3A_463, %exp3A_329 : vector<16xf32>
          tpu.vector_store_idx %arg24[%add3A_320, %add3A_462], %mul3A_464 : memref<32x128xf32, #tpu.memory_space<vmem>>[vector<16xi32>, vector<16xi32>], vector<16xf32>,
          %add3A_465 = arith.constant 96 : i32
          %add3A_466 = vector.broadcast %add3A_465 : i32 to vector<16xi32>
          %add3A_467 = arith.addi %and3A_449, %add3A_466 : vector<16xi32>
          %gather3A_468 = tpu.vector_load_idx %arg24[%add3A_320, %add3A_467] : memref<32x128xf32, #tpu.memory_space<vmem>>[vector<16xi32>, vector<16xi32>], vector<16xf32>,
          %mul3A_469 = arith.mulf %gather3A_468, %exp3A_330 : vector<16xf32>
          tpu.vector_store_idx %arg24[%add3A_320, %add3A_467], %mul3A_469 : memref<32x128xf32, #tpu.memory_space<vmem>>[vector<16xi32>, vector<16xi32>], vector<16xf32>,
        }
        %scan3A_348 = arith.constant 32 : i32
      }
      %scan3A_305 = arith.constant 2 : i32
      %dma_start3A_306 = arith.constant 0 : i32
      %dma_start3A_307 = arith.constant 0 : i32
      %dma_start3A_308 = tpu.memref_slice %arg27[%dma_start3A_306, %dma_start3A_307] : memref<10008x16xf32, #tpu.memory_space<vmem_shared>> -> memref<10008x16xf32, #tpu.memory_space<vmem_shared>>
      tpu.enqueue_indirect_dma source(%arg26 : memref<32x16xf32, #tpu.memory_space<vmem>>) target(%dma_start3A_308 : memref<10008x16xf32, #tpu.memory_space<vmem_shared>>) offsets(%arg18 : memref<32xi32, #tpu.memory_space<vmem>>) semaphore(%arg40 : memref<!tpu.dma_semaphore, #tpu.memory_space<semaphore_mem>>) {add = true}
      %dma_start3A_309 = arith.constant 0 : i32
      %dma_start3A_310 = arith.constant 0 : i32
      %dma_start3A_311 = tpu.memref_slice %arg28[%dma_start3A_309, %dma_start3A_310] : memref<10008x128xf32, #tpu.memory_space<vmem_shared>> -> memref<10008x128xf32, #tpu.memory_space<vmem_shared>>
      tpu.enqueue_indirect_dma source(%arg24 : memref<32x128xf32, #tpu.memory_space<vmem>>) target(%dma_start3A_311 : memref<10008x128xf32, #tpu.memory_space<vmem_shared>>) offsets(%arg18 : memref<32xi32, #tpu.memory_space<vmem>>) semaphore(%arg42 : memref<!tpu.dma_semaphore, #tpu.memory_space<semaphore_mem>>) {add = true}
    }
    %scan3A_45 = arith.constant 79 : i32
    %dma_wait3A_46 = arith.constant 0 : i32
    %dma_wait3A_47 = arith.constant 0 : i32
    %dma_wait3A_48 = tpu.memref_slice %arg27[%dma_wait3A_46, %dma_wait3A_47] : memref<10008x16xf32, #tpu.memory_space<vmem_shared>> -> memref<10008x16xf32, #tpu.memory_space<vmem_shared>>
    tpu.wait_indirect_dma semaphore(%arg40 : memref<!tpu.dma_semaphore, #tpu.memory_space<semaphore_mem>>) src(%arg26 : memref<32x16xf32, #tpu.memory_space<vmem>>) dst(%dma_wait3A_48 : memref<10008x16xf32, #tpu.memory_space<vmem_shared>>)
    %dma_wait3A_49 = arith.constant 0 : i32
    %dma_wait3A_50 = arith.constant 0 : i32
    %dma_wait3A_51 = tpu.memref_slice %arg28[%dma_wait3A_49, %dma_wait3A_50] : memref<10008x128xf32, #tpu.memory_space<vmem_shared>> -> memref<10008x128xf32, #tpu.memory_space<vmem_shared>>
    tpu.wait_indirect_dma semaphore(%arg42 : memref<!tpu.dma_semaphore, #tpu.memory_space<semaphore_mem>>) src(%arg24 : memref<32x128xf32, #tpu.memory_space<vmem>>) dst(%dma_wait3A_51 : memref<10008x128xf32, #tpu.memory_space<vmem_shared>>)
    %dma_wait3A_52 = arith.constant 0 : i32
    %dma_wait3A_53 = arith.constant 0 : i32
    %dma_wait3A_54 = tpu.memref_slice %arg2[%dma_wait3A_52, %dma_wait3A_53] : memref<10000x128xf32, #tpu.memory_space<hbm>> -> memref<10000x128xf32, #tpu.memory_space<hbm>>
    tpu.wait_indirect_dma semaphore(%arg33 : memref<!tpu.dma_semaphore, #tpu.memory_space<semaphore_mem>>) src(%dma_wait3A_54 : memref<10000x128xf32, #tpu.memory_space<hbm>>) dst(%arg19 : memref<32x128xf32, #tpu.memory_space<vmem>>)
    %dma_wait3A_55 = arith.constant 0 : i32
    %dma_wait3A_56 = arith.constant 0 : i32
    %dma_wait3A_57 = tpu.memref_slice %arg3[%dma_wait3A_55, %dma_wait3A_56] : memref<10008x128xf32, #tpu.memory_space<hbm>> -> memref<10008x128xf32, #tpu.memory_space<hbm>>
    tpu.wait_indirect_dma semaphore(%arg35 : memref<!tpu.dma_semaphore, #tpu.memory_space<semaphore_mem>>) src(%dma_wait3A_57 : memref<10008x128xf32, #tpu.memory_space<hbm>>) dst(%arg21 : memref<32x128xf32, #tpu.memory_space<vmem>>)
    %dma_wait3A_58 = arith.constant 0 : i32
    %dma_wait3A_59 = arith.constant 0 : i32
    %dma_wait3A_60 = tpu.memref_slice %arg4[%dma_wait3A_58, %dma_wait3A_59] : memref<10000x128xf32, #tpu.memory_space<hbm>> -> memref<10000x128xf32, #tpu.memory_space<hbm>>
    tpu.wait_indirect_dma semaphore(%arg37 : memref<!tpu.dma_semaphore, #tpu.memory_space<semaphore_mem>>) src(%dma_wait3A_60 : memref<10000x128xf32, #tpu.memory_space<hbm>>) dst(%arg23 : memref<32x128xf32, #tpu.memory_space<vmem>>)
    %dma_wait3A_61 = arith.constant 0 : i32
    %dma_wait3A_62 = tpu.memref_slice %arg5[%dma_wait3A_61] : memref<325632xi32, #tpu.memory_space<hbm>> -> memref<32xi32, #tpu.memory_space<hbm>>
    %dma_wait3A_63 = arith.constant 0 : i32
    %dma_wait3A_64 = tpu.memref_slice %arg5[%dma_wait3A_63] : memref<325632xi32, #tpu.memory_space<hbm>> -> memref<32xi32, #tpu.memory_space<hbm>>
    tpu.wait_dma2 semaphore(%arg30 : memref<!tpu.dma_semaphore, #tpu.memory_space<semaphore_mem>>) src(%dma_wait3A_64 : memref<32xi32, #tpu.memory_space<hbm>>) dst(%arg12 : memref<32xi32, #tpu.memory_space<vmem>>)
    %dma_wait3A_65 = arith.constant 0 : i32
    %dma_wait3A_66 = tpu.memref_slice %arg6[%dma_wait3A_65] : memref<325632xi32, #tpu.memory_space<hbm>> -> memref<32xi32, #tpu.memory_space<hbm>>
    %dma_wait3A_67 = arith.constant 0 : i32
    %dma_wait3A_68 = tpu.memref_slice %arg6[%dma_wait3A_67] : memref<325632xi32, #tpu.memory_space<hbm>> -> memref<32xi32, #tpu.memory_space<hbm>>
    tpu.wait_dma2 semaphore(%arg30 : memref<!tpu.dma_semaphore, #tpu.memory_space<semaphore_mem>>) src(%dma_wait3A_68 : memref<32xi32, #tpu.memory_space<hbm>>) dst(%arg16 : memref<32xi32, #tpu.memory_space<vmem>>)
    %barrier3A_69 = arith.constant 0 : index
    tpu.barrier barrier_id(%barrier3A_69)
    %mul3A_70 = arith.constant 624 : i32
    %mul3A_71 = arith.muli %arg1, %mul3A_70 : i32
    %mul3A_72 = arith.constant 10000 : i32
    %mul3A_73 = arith.muli %arg0, %mul3A_72 : i32
    %mul3A_74 = arith.constant 624 : i32
    %mul3A_75 = arith.muli %arg1, %mul3A_74 : i32
    %add3A_76 = arith.addi %mul3A_73, %mul3A_75 : i32
    "tpu.region"() ({
      %run_scoped3A = tpu.sem_alloc : memref<!tpu.dma_semaphore, #tpu.memory_space<semaphore_mem>>
      %dma_start3A_89 = arith.constant 0 : i32
      %dma_start3A_90 = tpu.memref_slice %arg9[%add3A_76, %dma_start3A_89] : memref<20000x16xf32, #tpu.memory_space<hbm>> -> memref<624x16xf32, #tpu.memory_space<hbm>>
      %dma_start3A_91 = arith.constant 0 : i32
      %dma_start3A_92 = tpu.memref_slice %arg27[%mul3A_71, %dma_start3A_91] : memref<10008x16xf32, #tpu.memory_space<vmem_shared>> -> memref<624x16xf32, #tpu.memory_space<vmem_shared>>
      tpu.enqueue_dma source(%dma_start3A_92 : memref<624x16xf32, #tpu.memory_space<vmem_shared>>) target(%dma_start3A_90 : memref<624x16xf32, #tpu.memory_space<hbm>>) target_semaphore(%run_scoped3A : memref<!tpu.dma_semaphore, #tpu.memory_space<semaphore_mem>>)
      %dma_wait3A_93 = arith.constant 0 : i32
      %dma_wait3A_94 = tpu.memref_slice %arg9[%add3A_76, %dma_wait3A_93] : memref<20000x16xf32, #tpu.memory_space<hbm>> -> memref<624x16xf32, #tpu.memory_space<hbm>>
      %dma_wait3A_95 = arith.constant 0 : i32
      %dma_wait3A_96 = tpu.memref_slice %arg27[%mul3A_71, %dma_wait3A_95] : memref<10008x16xf32, #tpu.memory_space<vmem_shared>> -> memref<624x16xf32, #tpu.memory_space<vmem_shared>>
      tpu.wait_dma2 semaphore(%run_scoped3A : memref<!tpu.dma_semaphore, #tpu.memory_space<semaphore_mem>>) src(%dma_wait3A_96 : memref<624x16xf32, #tpu.memory_space<vmem_shared>>) dst(%dma_wait3A_94 : memref<624x16xf32, #tpu.memory_space<hbm>>)
      tpu.yield
    }) : () -> ()
    %mul3A_77 = arith.constant 624 : i32
    %mul3A_78 = arith.muli %arg1, %mul3A_77 : i32
    %mul3A_79 = arith.constant 10000 : i32
    %mul3A_80 = arith.muli %arg0, %mul3A_79 : i32
    %mul3A_81 = arith.constant 624 : i32
    %mul3A_82 = arith.muli %arg1, %mul3A_81 : i32
    %add3A_83 = arith.addi %mul3A_80, %mul3A_82 : i32
    "tpu.region"() ({
      %run_scoped3A = tpu.sem_alloc : memref<!tpu.dma_semaphore, #tpu.memory_space<semaphore_mem>>
      %dma_start3A_89 = arith.constant 0 : i32
      %dma_start3A_90 = tpu.memref_slice %arg10[%add3A_83, %dma_start3A_89] : memref<20000x128xf32, #tpu.memory_space<hbm>> -> memref<624x128xf32, #tpu.memory_space<hbm>>
      %dma_start3A_91 = arith.constant 0 : i32
      %dma_start3A_92 = tpu.memref_slice %arg28[%mul3A_78, %dma_start3A_91] : memref<10008x128xf32, #tpu.memory_space<vmem_shared>> -> memref<624x128xf32, #tpu.memory_space<vmem_shared>>
      tpu.enqueue_dma source(%dma_start3A_92 : memref<624x128xf32, #tpu.memory_space<vmem_shared>>) target(%dma_start3A_90 : memref<624x128xf32, #tpu.memory_space<hbm>>) target_semaphore(%run_scoped3A : memref<!tpu.dma_semaphore, #tpu.memory_space<semaphore_mem>>)
      %dma_wait3A_93 = arith.constant 0 : i32
      %dma_wait3A_94 = tpu.memref_slice %arg10[%add3A_83, %dma_wait3A_93] : memref<20000x128xf32, #tpu.memory_space<hbm>> -> memref<624x128xf32, #tpu.memory_space<hbm>>
      %dma_wait3A_95 = arith.constant 0 : i32
      %dma_wait3A_96 = tpu.memref_slice %arg28[%mul3A_78, %dma_wait3A_95] : memref<10008x128xf32, #tpu.memory_space<vmem_shared>> -> memref<624x128xf32, #tpu.memory_space<vmem_shared>>
      tpu.wait_dma2 semaphore(%run_scoped3A : memref<!tpu.dma_semaphore, #tpu.memory_space<semaphore_mem>>) src(%dma_wait3A_96 : memref<624x128xf32, #tpu.memory_space<vmem_shared>>) dst(%dma_wait3A_94 : memref<624x128xf32, #tpu.memory_space<hbm>>)
      tpu.yield
    }) : () -> ()
    %eq3A_84 = arith.constant 15 : i32
    %eq3A_85 = arith.cmpi eq, %arg1, %eq3A_84 : i32
    %convert_element_type3A_86 = arith.extui %eq3A_85 : i1 to i32
    %cond3A_87 = arith.constant 0 : i32
    %cond3A_88 = arith.cmpi ne, %convert_element_type3A_86, %cond3A_87 : i32
    scf.if %cond3A_88 {
      %mul3A_89 = arith.constant 10000 : i32
      %mul3A_90 = arith.muli %arg0, %mul3A_89 : i32
      %add3A_91 = arith.constant 9984 : i32
      %add3A_92 = arith.addi %mul3A_90, %add3A_91 : i32
      "tpu.region"() ({
        %run_scoped3A = tpu.sem_alloc : memref<!tpu.dma_semaphore, #tpu.memory_space<semaphore_mem>>
        %dma_start3A_97 = arith.constant 0 : i32
        %dma_start3A_98 = tpu.memref_slice %arg9[%add3A_92, %dma_start3A_97] : memref<20000x16xf32, #tpu.memory_space<hbm>> -> memref<16x16xf32, #tpu.memory_space<hbm>>
        %dma_start3A_99 = arith.constant 9984 : i32
        %dma_start3A_100 = arith.constant 0 : i32
        %dma_start3A_101 = tpu.memref_slice %arg27[%dma_start3A_99, %dma_start3A_100] : memref<10008x16xf32, #tpu.memory_space<vmem_shared>> -> memref<16x16xf32, #tpu.memory_space<vmem_shared>>
        tpu.enqueue_dma source(%dma_start3A_101 : memref<16x16xf32, #tpu.memory_space<vmem_shared>>) target(%dma_start3A_98 : memref<16x16xf32, #tpu.memory_space<hbm>>) target_semaphore(%run_scoped3A : memref<!tpu.dma_semaphore, #tpu.memory_space<semaphore_mem>>)
        %dma_wait3A_102 = arith.constant 0 : i32
        %dma_wait3A_103 = tpu.memref_slice %arg9[%add3A_92, %dma_wait3A_102] : memref<20000x16xf32, #tpu.memory_space<hbm>> -> memref<16x16xf32, #tpu.memory_space<hbm>>
        %dma_wait3A_104 = arith.constant 9984 : i32
        %dma_wait3A_105 = arith.constant 0 : i32
        %dma_wait3A_106 = tpu.memref_slice %arg27[%dma_wait3A_104, %dma_wait3A_105] : memref<10008x16xf32, #tpu.memory_space<vmem_shared>> -> memref<16x16xf32, #tpu.memory_space<vmem_shared>>
        tpu.wait_dma2 semaphore(%run_scoped3A : memref<!tpu.dma_semaphore, #tpu.memory_space<semaphore_mem>>) src(%dma_wait3A_106 : memref<16x16xf32, #tpu.memory_space<vmem_shared>>) dst(%dma_wait3A_103 : memref<16x16xf32, #tpu.memory_space<hbm>>)
        tpu.yield
      }) : () -> ()
      %mul3A_93 = arith.constant 10000 : i32
      %mul3A_94 = arith.muli %arg0, %mul3A_93 : i32
      %add3A_95 = arith.constant 9984 : i32
      %add3A_96 = arith.addi %mul3A_94, %add3A_95 : i32
      "tpu.region"() ({
        %run_scoped3A = tpu.sem_alloc : memref<!tpu.dma_semaphore, #tpu.memory_space<semaphore_mem>>
        %dma_start3A_97 = arith.constant 0 : i32
        %dma_start3A_98 = tpu.memref_slice %arg10[%add3A_96, %dma_start3A_97] : memref<20000x128xf32, #tpu.memory_space<hbm>> -> memref<16x128xf32, #tpu.memory_space<hbm>>
        %dma_start3A_99 = arith.constant 9984 : i32
        %dma_start3A_100 = arith.constant 0 : i32
        %dma_start3A_101 = tpu.memref_slice %arg28[%dma_start3A_99, %dma_start3A_100] : memref<10008x128xf32, #tpu.memory_space<vmem_shared>> -> memref<16x128xf32, #tpu.memory_space<vmem_shared>>
        tpu.enqueue_dma source(%dma_start3A_101 : memref<16x128xf32, #tpu.memory_space<vmem_shared>>) target(%dma_start3A_98 : memref<16x128xf32, #tpu.memory_space<hbm>>) target_semaphore(%run_scoped3A : memref<!tpu.dma_semaphore, #tpu.memory_space<semaphore_mem>>)
        %dma_wait3A_102 = arith.constant 0 : i32
        %dma_wait3A_103 = tpu.memref_slice %arg10[%add3A_96, %dma_wait3A_102] : memref<20000x128xf32, #tpu.memory_space<hbm>> -> memref<16x128xf32, #tpu.memory_space<hbm>>
        %dma_wait3A_104 = arith.constant 9984 : i32
        %dma_wait3A_105 = arith.constant 0 : i32
        %dma_wait3A_106 = tpu.memref_slice %arg28[%dma_wait3A_104, %dma_wait3A_105] : memref<10008x128xf32, #tpu.memory_space<vmem_shared>> -> memref<16x128xf32, #tpu.memory_space<vmem_shared>>
        tpu.wait_dma2 semaphore(%run_scoped3A : memref<!tpu.dma_semaphore, #tpu.memory_space<semaphore_mem>>) src(%dma_wait3A_106 : memref<16x128xf32, #tpu.memory_space<vmem_shared>>) dst(%dma_wait3A_103 : memref<16x128xf32, #tpu.memory_space<hbm>>)
        tpu.yield
      }) : () -> ()
    } else {
    }
    return
  }
}

module attributes {stable_mosaic.version = 14 : i64} {
  func.func @_proj_body(%arg0: i32, %arg1: memref<1000x128xf32, #tpu.memory_space<vmem>>, %arg2: memref<4x128x128xf32, #tpu.memory_space<vmem>>, %arg3: memref<4x128xf32, #tpu.memory_space<vmem>>, %arg4: memref<1000x128xf32, #tpu.memory_space<vmem>>, %arg5: memref<1000x128xf32, #tpu.memory_space<vmem>>, %arg6: memref<1000x128xf32, #tpu.memory_space<vmem>>, %arg7: memref<1000x128xf32, #tpu.memory_space<vmem>>) attributes {dimension_semantics = [#tpu.dimension_semantics<arbitrary>], iteration_bounds = array<i64: 10>, scalar_prefetch = 0 : i64, scratch_operands = 0 : i64, tpu.core_type = #tpu.core_type<tc>, window_params = [{transform_indices = @transform_0, window_bounds = array<i64: 1000, 128>}, {pipeline_mode = #tpu.pipeline_mode<synchronous>, transform_indices = @transform_1, window_bounds = array<i64: 4, 128, 128>}, {pipeline_mode = #tpu.pipeline_mode<synchronous>, transform_indices = @transform_2, window_bounds = array<i64: 4, 128>}, {transform_indices = @transform_3, window_bounds = array<i64: 1000, 128>}, {transform_indices = @transform_4, window_bounds = array<i64: 1000, 128>}, {transform_indices = @transform_5, window_bounds = array<i64: 1000, 128>}, {transform_indices = @transform_6, window_bounds = array<i64: 1000, 128>}]} {
    %get3A = arith.constant 0 : index
    %get3A_0 = arith.constant 0 : index
    %get3A_1 = vector.load %arg1[%get3A, %get3A_0] : memref<1000x128xf32, #tpu.memory_space<vmem>>, vector<1000x128xf32>
    %get3A_2 = arith.constant 0 : index
    %get3A_3 = arith.constant 0 : index
    %get3A_4 = arith.constant 0 : index
    %get3A_5 = vector.load %arg2[%get3A_2, %get3A_3, %get3A_4] : memref<4x128x128xf32, #tpu.memory_space<vmem>>, vector<1x128x128xf32>
    %get3A_6 = vector.shape_cast %get3A_5 : vector<1x128x128xf32> to vector<128x128xf32>
    %dot_general3A = arith.constant dense<0.000000e+00> : vector<1000x128xf32>
    %dot_general3A_7 = tpu.matmul %get3A_1, %get3A_6, %dot_general3A {dimension_numbers = #tpu.dot_dimension_numbers<[1], [0], [0], [1], [0, 0, 1, 1], [], []>, precision = #tpu.contract_precision<fp32>, transpose_lhs_hint = false} : vector<1000x128xf32>, vector<128x128xf32>, vector<1000x128xf32> -> vector<1000x128xf32>
    %get3A_8 = arith.constant 0 : index
    %get3A_9 = arith.constant 0 : index
    %get3A_10 = vector.load %arg3[%get3A_8, %get3A_9] : memref<4x128xf32, #tpu.memory_space<vmem>>, vector<1x128xf32>
    %add3A = vector.broadcast %get3A_10 : vector<1x128xf32> to vector<1000x128xf32>
    %add3A_11 = arith.addf %dot_general3A_7, %add3A : vector<1000x128xf32>
    %swap3A = arith.constant 0 : index
    %swap3A_12 = arith.constant 0 : index
    %swap3A_13 = vector.load %arg4[%swap3A, %swap3A_12] : memref<1000x128xf32, #tpu.memory_space<vmem>>, vector<1000x128xf32>
    tpu.vector_store %arg4[%swap3A, %swap3A_12], %add3A_11 {strides = array<i32>} : memref<1000x128xf32, #tpu.memory_space<vmem>>, vector<1000x128xf32>,
    %get3A_14 = arith.constant 1 : index
    %get3A_15 = arith.constant 0 : index
    %get3A_16 = arith.constant 0 : index
    %get3A_17 = vector.load %arg2[%get3A_14, %get3A_15, %get3A_16] : memref<4x128x128xf32, #tpu.memory_space<vmem>>, vector<1x128x128xf32>
    %get3A_18 = vector.shape_cast %get3A_17 : vector<1x128x128xf32> to vector<128x128xf32>
    %dot_general3A_19 = arith.constant dense<0.000000e+00> : vector<1000x128xf32>
    %dot_general3A_20 = tpu.matmul %get3A_1, %get3A_18, %dot_general3A_19 {dimension_numbers = #tpu.dot_dimension_numbers<[1], [0], [0], [1], [0, 0, 1, 1], [], []>, precision = #tpu.contract_precision<fp32>, transpose_lhs_hint = false} : vector<1000x128xf32>, vector<128x128xf32>, vector<1000x128xf32> -> vector<1000x128xf32>
    %get3A_21 = arith.constant 1 : index
    %get3A_22 = arith.constant 0 : index
    %get3A_23 = vector.load %arg3[%get3A_21, %get3A_22] : memref<4x128xf32, #tpu.memory_space<vmem>>, vector<1x128xf32>
    %add3A_24 = vector.broadcast %get3A_23 : vector<1x128xf32> to vector<1000x128xf32>
    %add3A_25 = arith.addf %dot_general3A_20, %add3A_24 : vector<1000x128xf32>
    %swap3A_26 = arith.constant 0 : index
    %swap3A_27 = arith.constant 0 : index
    %swap3A_28 = vector.load %arg5[%swap3A_26, %swap3A_27] : memref<1000x128xf32, #tpu.memory_space<vmem>>, vector<1000x128xf32>
    tpu.vector_store %arg5[%swap3A_26, %swap3A_27], %add3A_25 {strides = array<i32>} : memref<1000x128xf32, #tpu.memory_space<vmem>>, vector<1000x128xf32>,
    %get3A_29 = arith.constant 2 : index
    %get3A_30 = arith.constant 0 : index
    %get3A_31 = arith.constant 0 : index
    %get3A_32 = vector.load %arg2[%get3A_29, %get3A_30, %get3A_31] : memref<4x128x128xf32, #tpu.memory_space<vmem>>, vector<1x128x128xf32>
    %get3A_33 = vector.shape_cast %get3A_32 : vector<1x128x128xf32> to vector<128x128xf32>
    %dot_general3A_34 = arith.constant dense<0.000000e+00> : vector<1000x128xf32>
    %dot_general3A_35 = tpu.matmul %get3A_1, %get3A_33, %dot_general3A_34 {dimension_numbers = #tpu.dot_dimension_numbers<[1], [0], [0], [1], [0, 0, 1, 1], [], []>, precision = #tpu.contract_precision<fp32>, transpose_lhs_hint = false} : vector<1000x128xf32>, vector<128x128xf32>, vector<1000x128xf32> -> vector<1000x128xf32>
    %get3A_36 = arith.constant 2 : index
    %get3A_37 = arith.constant 0 : index
    %get3A_38 = vector.load %arg3[%get3A_36, %get3A_37] : memref<4x128xf32, #tpu.memory_space<vmem>>, vector<1x128xf32>
    %add3A_39 = vector.broadcast %get3A_38 : vector<1x128xf32> to vector<1000x128xf32>
    %add3A_40 = arith.addf %dot_general3A_35, %add3A_39 : vector<1000x128xf32>
    %swap3A_41 = arith.constant 0 : index
    %swap3A_42 = arith.constant 0 : index
    %swap3A_43 = vector.load %arg6[%swap3A_41, %swap3A_42] : memref<1000x128xf32, #tpu.memory_space<vmem>>, vector<1000x128xf32>
    tpu.vector_store %arg6[%swap3A_41, %swap3A_42], %add3A_40 {strides = array<i32>} : memref<1000x128xf32, #tpu.memory_space<vmem>>, vector<1000x128xf32>,
    %get3A_44 = arith.constant 3 : index
    %get3A_45 = arith.constant 0 : index
    %get3A_46 = arith.constant 0 : index
    %get3A_47 = vector.load %arg2[%get3A_44, %get3A_45, %get3A_46] : memref<4x128x128xf32, #tpu.memory_space<vmem>>, vector<1x128x128xf32>
    %get3A_48 = vector.shape_cast %get3A_47 : vector<1x128x128xf32> to vector<128x128xf32>
    %dot_general3A_49 = arith.constant dense<0.000000e+00> : vector<1000x128xf32>
    %dot_general3A_50 = tpu.matmul %get3A_1, %get3A_48, %dot_general3A_49 {dimension_numbers = #tpu.dot_dimension_numbers<[1], [0], [0], [1], [0, 0, 1, 1], [], []>, precision = #tpu.contract_precision<fp32>, transpose_lhs_hint = false} : vector<1000x128xf32>, vector<128x128xf32>, vector<1000x128xf32> -> vector<1000x128xf32>
    %get3A_51 = arith.constant 3 : index
    %get3A_52 = arith.constant 0 : index
    %get3A_53 = vector.load %arg3[%get3A_51, %get3A_52] : memref<4x128xf32, #tpu.memory_space<vmem>>, vector<1x128xf32>
    %add3A_54 = vector.broadcast %get3A_53 : vector<1x128xf32> to vector<1000x128xf32>
    %add3A_55 = arith.addf %dot_general3A_50, %add3A_54 : vector<1000x128xf32>
    %swap3A_56 = arith.constant 0 : index
    %swap3A_57 = arith.constant 0 : index
    %swap3A_58 = vector.load %arg7[%swap3A_56, %swap3A_57] : memref<1000x128xf32, #tpu.memory_space<vmem>>, vector<1000x128xf32>
    tpu.vector_store %arg7[%swap3A_56, %swap3A_57], %add3A_55 {strides = array<i32>} : memref<1000x128xf32, #tpu.memory_space<vmem>>, vector<1000x128xf32>,
    return
  }
  func.func @transform_0(%arg0: i32) -> (i32, i32) {
    %c0_i32 = arith.constant 0 : i32
    %c0_i32_0 = arith.constant 0 : i32
    return %arg0, %c0_i32 : i32, i32
  }
  func.func @transform_1(%arg0: i32) -> (i32, i32, i32) {
    %c0_i32 = arith.constant 0 : i32
    %c0_i32_0 = arith.constant 0 : i32
    %c0_i32_1 = arith.constant 0 : i32
    %c0_i32_2 = arith.constant 0 : i32
    return %c0_i32, %c0_i32_0, %c0_i32_1 : i32, i32, i32
  }
  func.func @transform_2(%arg0: i32) -> (i32, i32) {
    %c0_i32 = arith.constant 0 : i32
    %c0_i32_0 = arith.constant 0 : i32
    %c0_i32_1 = arith.constant 0 : i32
    return %c0_i32, %c0_i32_0 : i32, i32
  }
  func.func @transform_3(%arg0: i32) -> (i32, i32) {
    %c0_i32 = arith.constant 0 : i32
    %c0_i32_0 = arith.constant 0 : i32
    return %arg0, %c0_i32 : i32, i32
  }
  func.func @transform_4(%arg0: i32) -> (i32, i32) {
    %c0_i32 = arith.constant 0 : i32
    %c0_i32_0 = arith.constant 0 : i32
    return %arg0, %c0_i32 : i32, i32
  }
  func.func @transform_5(%arg0: i32) -> (i32, i32) {
    %c0_i32 = arith.constant 0 : i32
    %c0_i32_0 = arith.constant 0 : i32
    return %arg0, %c0_i32 : i32, i32
  }
  func.func @transform_6(%arg0: i32) -> (i32, i32) {
    %c0_i32 = arith.constant 0 : i32
    %c0_i32_0 = arith.constant 0 : i32
    return %arg0, %c0_i32 : i32, i32
  }
}

module attributes {stable_mosaic.version = 14 : i64} {
  func.func @_fin_body(%arg0: i32, %arg1: memref<2x1000x128xf32, #tpu.memory_space<vmem>>, %arg2: memref<2x1000x16xf32, #tpu.memory_space<vmem>>, %arg3: memref<4x128xf32, #tpu.memory_space<vmem>>, %arg4: memref<1000x128xf32, #tpu.memory_space<vmem>>, %arg5: memref<1000x128xf32, #tpu.memory_space<vmem>>) attributes {dimension_semantics = [#tpu.dimension_semantics<arbitrary>], iteration_bounds = array<i64: 10>, scalar_prefetch = 0 : i64, scratch_operands = 0 : i64, tpu.core_type = #tpu.core_type<tc>, window_params = [{transform_indices = @transform_0, window_bounds = array<i64: 2, 1000, 128>}, {transform_indices = @transform_1, window_bounds = array<i64: 2, 1000, 16>}, {pipeline_mode = #tpu.pipeline_mode<synchronous>, transform_indices = @transform_2, window_bounds = array<i64: 4, 128>}, {transform_indices = @transform_3, window_bounds = array<i64: 1000, 128>}, {transform_indices = @transform_4, window_bounds = array<i64: 1000, 128>}]} {
    %get3A = arith.constant 0 : index
    %get3A_0 = arith.constant 0 : index
    %get3A_1 = arith.constant 0 : index
    %get3A_2 = vector.load %arg1[%get3A, %get3A_0, %get3A_1] : memref<2x1000x128xf32, #tpu.memory_space<vmem>>, vector<1x1000x128xf32>
    %get3A_3 = vector.shape_cast %get3A_2 : vector<1x1000x128xf32> to vector<1000x128xf32>
    %get3A_4 = arith.constant 1 : index
    %get3A_5 = arith.constant 0 : index
    %get3A_6 = arith.constant 0 : index
    %get3A_7 = vector.load %arg1[%get3A_4, %get3A_5, %get3A_6] : memref<2x1000x128xf32, #tpu.memory_space<vmem>>, vector<1x1000x128xf32>
    %get3A_8 = vector.shape_cast %get3A_7 : vector<1x1000x128xf32> to vector<1000x128xf32>
    %add3A = arith.addf %get3A_3, %get3A_8 : vector<1000x128xf32>
    %get3A_9 = arith.constant 0 : index
    %get3A_10 = arith.constant 0 : index
    %get3A_11 = arith.constant 0 : index
    %get3A_12 = vector.load %arg2[%get3A_9, %get3A_10, %get3A_11] : memref<2x1000x16xf32, #tpu.memory_space<vmem>>, vector<1x1000x4xf32>
    %get3A_13 = vector.shape_cast %get3A_12 : vector<1x1000x4xf32> to vector<1000x4xf32>
    %get3A_14 = arith.constant 1 : index
    %get3A_15 = arith.constant 0 : index
    %get3A_16 = arith.constant 0 : index
    %get3A_17 = vector.load %arg2[%get3A_14, %get3A_15, %get3A_16] : memref<2x1000x16xf32, #tpu.memory_space<vmem>>, vector<1x1000x4xf32>
    %get3A_18 = vector.shape_cast %get3A_17 : vector<1x1000x4xf32> to vector<1000x4xf32>
    %add3A_19 = arith.addf %get3A_13, %get3A_18 : vector<1000x4xf32>
    %gt3A = arith.constant 0.000000e+00 : f32
    %gt3A_20 = vector.broadcast %gt3A : f32 to vector<1000x4xf32>
    %gt3A_21 = arith.cmpf ogt, %add3A_19, %gt3A_20 : vector<1000x4xf32>
    %div3A = arith.constant 1.000000e+00 : f32
    %div3A_22 = vector.broadcast %div3A : f32 to vector<1000x4xf32>
    %div3A_23 = arith.divf %div3A_22, %add3A_19 : vector<1000x4xf32>
    %jit3A = arith.constant 0.000000e+00 : f32
    %broadcast_in_dim3A = vector.broadcast %jit3A : f32 to vector<1000x4xf32>
    %select_n3A = arith.select %gt3A_21, %div3A_23, %broadcast_in_dim3A : vector<1000x4xi1>, vector<1000x4xf32>
    %get3A_24 = arith.constant 0 : index
    %get3A_25 = arith.constant 0 : index
    %get3A_26 = vector.load %arg3[%get3A_24, %get3A_25] : memref<4x128xf32, #tpu.memory_space<vmem>>, vector<4x128xf32>
    %dot_general3A = arith.constant dense<0.000000e+00> : vector<1000x128xf32>
    %dot_general3A_27 = tpu.matmul %select_n3A, %get3A_26, %dot_general3A {dimension_numbers = #tpu.dot_dimension_numbers<[1], [0], [0], [1], [0, 0, 1, 1], [], []>, precision = #tpu.contract_precision<fp32>, transpose_lhs_hint = false} : vector<1000x4xf32>, vector<4x128xf32>, vector<1000x128xf32> -> vector<1000x128xf32>
    %mul3A = arith.mulf %add3A, %dot_general3A_27 : vector<1000x128xf32>
    %get3A_28 = arith.constant 0 : index
    %get3A_29 = arith.constant 0 : index
    %get3A_30 = vector.load %arg4[%get3A_28, %get3A_29] : memref<1000x128xf32, #tpu.memory_space<vmem>>, vector<1000x128xf32>
    %add3A_31 = arith.addf %mul3A, %get3A_30 : vector<1000x128xf32>
    %swap3A = arith.constant 0 : index
    %swap3A_32 = arith.constant 0 : index
    %swap3A_33 = vector.load %arg5[%swap3A, %swap3A_32] : memref<1000x128xf32, #tpu.memory_space<vmem>>, vector<1000x128xf32>
    tpu.vector_store %arg5[%swap3A, %swap3A_32], %add3A_31 {strides = array<i32>} : memref<1000x128xf32, #tpu.memory_space<vmem>>, vector<1000x128xf32>,
    return
  }
  func.func @transform_0(%arg0: i32) -> (i32, i32, i32) {
    %c0_i32 = arith.constant 0 : i32
    %c0_i32_0 = arith.constant 0 : i32
    %c0_i32_1 = arith.constant 0 : i32
    return %c0_i32, %arg0, %c0_i32_0 : i32, i32, i32
  }
  func.func @transform_1(%arg0: i32) -> (i32, i32, i32) {
    %c0_i32 = arith.constant 0 : i32
    %c0_i32_0 = arith.constant 0 : i32
    %c0_i32_1 = arith.constant 0 : i32
    return %c0_i32, %arg0, %c0_i32_0 : i32, i32, i32
  }
  func.func @transform_2(%arg0: i32) -> (i32, i32) {
    %c0_i32 = arith.constant 0 : i32
    %c0_i32_0 = arith.constant 0 : i32
    %c0_i32_1 = arith.constant 0 : i32
    return %c0_i32, %c0_i32_0 : i32, i32
  }
  func.func @transform_3(%arg0: i32) -> (i32, i32) {
    %c0_i32 = arith.constant 0 : i32
    %c0_i32_0 = arith.constant 0 : i32
    return %arg0, %c0_i32 : i32, i32
  }
  func.func @transform_4(%arg0: i32) -> (i32, i32) {
    %c0_i32 = arith.constant 0 : i32
    %c0_i32_0 = arith.constant 0 : i32
    return %arg0, %c0_i32 : i32, i32
  }
}

</mosaic_0001>

<sc_bundles>
// kernel: kernel.5.cloned.1.call-start
scs
__scs_entry_jumppad:
0x0: {  	(pc) =	sbr.rel $0x88, $3  }
0x1: {  	(tag) =	ssettag $0x0;
	lr =	simm.s32 $0x1  }
0x2: {  	[smem:$0x3F97] =	sst lr;
	_ =	strace $0xD0000000  }
0x3: {  	_ = 	snop  }
0x4: {  	_ = 	snop  }
0x5: {  	_ = 	snop  }
0x6: {  	_ = 	snop  }
0x7: {  	_ = 	snop  }
__scs_overlays_trampoline_lowered:
0x8: {  	[smem:$0x3FA6] =	sst s0  }
0x9: {  	[smem:$0x3FA7] =	sst s1  }
0xa: {  	[smem:$0x3FA8] =	sst s2  }
0xb: {  	[smem:$0x3FA9] =	sst s3  }
0xc: {  	[smem:$0x3FAA] =	sst s4  }
0xd: {  	[smem:$0x3FAB] =	sst s5  }
0xe: {  	[smem:$0x3FAC] =	sst s6  }
0xf: {  	[smem:$0x3FAD] =	sst s7  }
0x10: {  	[smem:$0x3FAE] =	sst s8  }
0x11: {  	[smem:$0x3FAF] =	sst s9;
	s0 =	simm.s32 @!p0 $0x0  }
0x12: {  	s1 =	sld [smem:$0x3F95];
	s0 =	simm.s32 @p0 $0x1  }
0x13: {  	[smem:$0x3FB0] =	sst s0;
	s0 =	simm.s32 @!p1 $0x0  }
0x14: {  	s2 =	sld [smem:$0x3F94];
	s0 =	simm.s32 @p1 $0x1  }
0x15: {  	[smem:$0x3FB1] =	sst s0;
	s0 =	simm.s32 @!p2 $0x0  }
0x16: {  	s3 =	sld [smem:$0x3FDB];
	s0 =	simm.s32 @p2 $0x1  }
0x17: {  	s4 =	simm.s32 $0x1BF5;
	[smem:$0x3FB3] =	sst s0  }
0x18: {  	s0 =	sld [smem:$0x3F96];
	_ =	swait.ge [sflag:s4], $0x0  }
0x19: {  	s7 =	sld [smem:$0x3F97]  }
0x1a: {  	s8 =	sadd.s32 $0xFFFFE003, lr  }
0x1b: {  	s9 =	sadd.s32 $0xFFFFFEF7, lr;
	s5 =	simm.s32 $0xFFFFFFFF;
	p2 =	slt.u32 s8, $0xFFFFF086  }
0x1c: {  	p1 =	slt.u32 s9, $0xF7A;
	s5 =	simm.s32 @!p2 $0x0  }
0x1d: {  	s5 =	simm.s32 @p1 $0x1;
	p0 =	seq.s32 s7, s2  }
0x1e: {  	s7 =	smul.u32 @!p0 $0xF7A, s2;
	p2 =	seq.s32 @!p0 s5, $0x0  }
0x1f: {  	s9 =	smul.u32 $0xF7A, s1;
	s8 =	simm.s32 @!p0 $0x1BF5;
	p2 =	por !p2, p0  }
0x20: {  	[sflag:s8] =	ssyncset.s32 @!p0 $0xFFFFF086;
	s6 =	sadd.s32 @!p0 s3, s7;
	s7 =	simm.s32 @!p0 $0x108  }
0x21: {  	s3 =	sadd.s32 s3, s9;
	s6 =	sadd.s32 @!p0 $0x88, s6;
	s7 =	simm.s32 @p2 $0x1082  }
0x22: {  	[simem:s7], [sflag:s8] =	dma.local @!p0 [hbm:s6], $0xF7A  }
0x23: {  	s9 =	sor.u32 $0xD0000000, s2;
	s6 =	simm.s32 $0x108;
	_ =	swait.ge @!p0 [sflag:s8], $0x0  }
0x24: {  	s3 =	sadd.s32 $0x88, s3;
	s6 =	simm.s32 @!p1 $0x1082;
	[sflag:s4] =	ssyncset.s32 $0xFFFFF086  }
0x25: {  	[simem:s6], [sflag:s4] =	dma.local [hbm:s3], $0xF7A  }
0x26: {  	[smem:$0x3F97] =	sst s1;
	(tag) =	ssettag s2;
	_ =	strace s9  }
0x27: {  	s1 =	sld [smem:$0x3FA7]  }
0x28: {  	s2 =	sld [smem:$0x3FA8]  }
0x29: {  	s4 =	sld [smem:$0x3FAA]  }
0x2a: {  	p0 =	seq.s32 s5, $0x0;
	s5 =	sld [smem:$0x3FAB]  }
0x2b: {  	s6 =	sld [smem:$0x3FAC]  }
0x2c: {  	s7 =	sld [smem:$0x3FAD]  }
0x2d: {  	s3 =	simm.s32 $0x108;
	s8 =	sld [smem:$0x3FAE]  }
0x2e: {  	s3 =	simm.s32 @!p0 $0x1082;
	s9 =	sld [smem:$0x3FAF]  }
0x2f: {  	lr =	sadd.s32 s0, s3;
	s0 =	sld [smem:$0x3FA6]  }
0x30: {  	s3 =	sld [smem:$0x3FA9]  }
0x31: {  	[smem:$0x3FB2] =	sst s10  }
0x32: {  	s10 =	sld [smem:$0x3FB0];
	_ =	sdelay $0x3  }
0x33: {  	p0 =	seq.s32 s10, $0x1;
	s10 =	sld [smem:$0x3FB2];
	_ =	sdelay $0x3  }
0x34: {  	[smem:$0x3FB2] =	sst s10  }
0x35: {  	s10 =	sld [smem:$0x3FB1];
	_ =	sdelay $0x3  }
0x36: {  	p1 =	seq.s32 s10, $0x1;
	s10 =	sld [smem:$0x3FB2];
	_ =	sdelay $0x3  }
0x37: {  	[smem:$0x3FB2] =	sst s10  }
0x38: {  	s10 =	sld [smem:$0x3FB3]  }
0x39: {  	_ = 	snop;
	(pc) =	sbr.ind lr, $3  }
0x3a: {  	_ = 	snop  }
0x3b: {  	_ = 	snop  }
0x3c: {  	p2 =	seq.s32 s10, $0x1;
	s10 =	sld [smem:$0x3FB2]  }
0x3d: {  	_ =	shalt  }
0x3e: {  	_ =	shalt  }
0x3f: {  	_ =	shalt  }
0x40: {  	_ =	shalt  }
0x41: {  	_ =	shalt  }
0x42: {  	_ =	shalt  }
0x43: {  	_ =	shalt  }
0x44: {  	_ =	shalt  }
0x45: {  	_ =	shalt  }
0x46: {  	_ =	shalt  }
0x47: {  	_ =	shalt  }
0x48: {  	_ =	shalt  }
0x49: {  	_ =	shalt  }
0x4a: {  	_ =	shalt  }
0x4b: {  	_ =	shalt  }
0x4c: {  	_ =	shalt  }
0x4d: {  	_ =	shalt  }
0x4e: {  	_ =	shalt  }
0x4f: {  	_ =	shalt  }
0x50: {  	_ =	shalt  }
0x51: {  	_ =	shalt  }
0x52: {  	_ =	shalt  }
0x53: {  	_ =	shalt  }
0x54: {  	_ =	shalt  }
0x55: {  	_ =	shalt  }
0x56: {  	_ =	shalt  }
0x57: {  	_ =	shalt  }
0x58: {  	_ =	shalt  }
0x59: {  	_ =	shalt  }
0x5a: {  	_ =	shalt  }
0x5b: {  	_ =	shalt  }
0x5c: {  	_ =	shalt  }
0x5d: {  	_ =	shalt  }
0x5e: {  	_ =	shalt  }
0x5f: {  	_ =	shalt  }
0x60: {  	_ =	shalt  }
0x61: {  	_ =	shalt  }
0x62: {  	_ =	shalt  }
0x63: {  	_ =	shalt  }
0x64: {  	_ =	shalt  }
0x65: {  	_ =	shalt  }
0x66: {  	_ =	shalt  }
0x67: {  	_ =	shalt  }
0x68: {  	_ =	shalt  }
0x69: {  	_ =	shalt  }
0x6a: {  	_ =	shalt  }
0x6b: {  	_ =	shalt  }
0x6c: {  	_ =	shalt  }
0x6d: {  	_ =	shalt  }
0x6e: {  	_ =	shalt  }
0x6f: {  	_ =	shalt  }
0x70: {  	_ =	shalt  }
0x71: {  	_ =	shalt  }
0x72: {  	_ =	shalt  }
0x73: {  	_ =	shalt  }
0x74: {  	_ =	shalt  }
0x75: {  	_ =	shalt  }
0x76: {  	_ =	shalt  }
0x77: {  	_ =	shalt  }
0x78: {  	_ =	shalt  }
0x79: {  	_ =	shalt  }
0x7a: {  	_ =	shalt  }
0x7b: {  	_ =	shalt  }
0x7c: {  	_ =	shalt  }
0x7d: {  	_ =	shalt  }
0x7e: {  	_ =	shalt  }
0x7f: {  	_ =	shalt  }
0x80: {  	_ =	shalt  }
0x81: {  	_ =	shalt  }
0x82: {  	_ =	shalt  }
0x83: {  	_ =	shalt  }
0x84: {  	_ =	shalt  }
0x85: {  	_ =	shalt  }
0x86: {  	_ =	shalt  }
0x87: {  	_ =	shalt  }
.Lfunc_end0:
.L_simem_size_0:
called_computation_lowered:
.L_overlay_start_0:
0x88: {  	s2 =	sld [smem:$0x3FD9]  }
0x89: {  	s3 =	sld [smem:$0x3FFE];
	_ =	sdelay $0x1  }
0x8a: {  	s1 =	srdreg.scid  }
0x8b: {  	s0 =	sand.u32 $0x1, s1  }
0x8c: {  	s17 =	sshll.u32 s0, $0xA;
	s2 =	sadd.s32 s3, s2  }
0x8d: {  	s2 =	sadd.s32 s2, s17  }
0x8e: {  	[smem:$0x3FBE] =	sst s2  }
0x8f: {  	_ = 	snop  }
0x90: {  	s2 =	sld [smem:$0x3FD0];
	(tm) =	ssettm $0x1  }
0x91: {  	s18 =	sld [smem:$0x3FFB];
	_ =	sdelay $0x3  }
0x92: {  	_ =	strace s18  }
0x93: {  	s3 =	sld [smem:$0x3FFC];
	_ =	sdelay $0x3  }
0x94: {  	_ =	strace s3  }
0x95: {  	s3 =	sld [smem:$0x3FFD];
	_ =	sdelay $0x3  }
0x96: {  	_ =	strace s3  }
0x97: {  	_ =	strace $0x8FFFFFFF  }
0x98: {  	s19 =	sld [smem:$0x3FDB];
	_ =	sdelay $0x1  }
0x99: {  	s4 =	simm.s32 $_scs_section_size  }
0x9a: {  	s5 =	simm.s32 $_size__tile_overlayer_lowered;
	s6 =	simm.s32 $_tile_overlayer_lowered  }
0x9b: {  	s22 =	simm.s32 $0x1BFF;
	s21 =	sshll.u32 s6, $0x1;
	s3 =	sadd.s32 s4, s19  }
0x9c: {  	s7 =	simm.s32 $0x0;
	s20 =	sshll.u32 s5, $0x1;
	s5 =	sadd.s32 s21, s3  }
0x9d: {  	[timem:s7], [sflag:s22] =	dma.local [hbm:s5], s20  }
0x9e: {  	_ =	swait.ge [sflag:s22], s20  }
0x9f: {  	s4 =	ssub.s32 $0x0, s20;
	[sflag:s22] =	ssyncset.done $0x0  }
0xa0: {  	[sflag:s22] =	ssyncadd.s32 s4;
	_ =	sdelay $0x1  }
0xa1: {  	s23 =	simm.s32 $0x1B8B  }
0xa2: {  	_ =	swait.ge [sflag:s23], $0x1  }
0xa3: {  	[sflag:s23] =	ssyncset.done $0x0  }
0xa4: {  	s25 =	simm.s32 $0x1B8E;
	s24 =	sld [smem:$0x3FFE];
	[sflag:s23] =	ssyncadd.s32 $0xFFFFFFFF  }
0xa5: {  	s26 =	simm.s32 $execute0_lowered;
	[smem:$0x3FD2] =	sst s25  }
0xa6: {  	s5 =	sshll.u32 s26, $0x1;
	_ =	strace $0x80000046;
	[dreg:$0x1] =	wrdreg $0xFFFFFFFF  }
0xa7: {  	s28 =	simm.s32 $_size_execute0_lowered;
	s3 =	sadd.s32 s3, s5;
	[dreg:$0x0] =	wrdreg $0x0  }
0xa8: {  	s5 =	sshll.u32 s28, $0x1;
	[dreg:$0x2] =	wrdreg s3  }
0xa9: {  	[dreg:$0x3] =	wrdreg s5  }
0xaa: {  	[dreg:$0x4] =	wrdreg $0xC0  }
0xab: {  	_ =	task [dreg:s7], $0x5FFFF  }
0xac: {  	[dreg:$0x1] =	wrdreg $0xFFFFFFFF  }
0xad: {  	[dreg:$0x0] =	wrdreg $0x60  }
0xae: {  	[dreg:$0x2] =	wrdreg s2  }
0xaf: {  	[dreg:$0x3] =	wrdreg s24  }
0xb0: {  	[dreg:$0x4] =	wrdreg $0x65000  }
0xb1: {  	[dreg:$0x5] =	wrdreg $0x8C180  }
0xb2: {  	[dreg:$0x6] =	wrdreg $0x9  }
0xb3: {  	_ =	task.clear_ibuf [dreg:s7], $0x7FFFF;
	_ =	strace $0x90000046  }
0xb4: {  	s29 =	simm.s32 $0x9;
	_ =	strace $0x80000048  }
0xb5: {  	_ =	swait.ge [sflag:s29], $0x1  }
0xb6: {  	[sflag:s29] =	ssyncadd.s32 $0xFFFFFFFF  }
0xb7: {  	_ =	strace $0x90000048  }
0xb8: {  	_ =	sfence  }
0xb9: {  	s30 =	sld [smem:$0x0];
	_ =	sdelay $0x2  }
0xba: {  	s31 =	sshll.u32 s1, $0xD;
	s1 =	sshrl.u32 s1, $0x2  }
0xbb: {  	s3 =	sand.u32 $0x4000, s31;
	s1 =	sadd.s32 s1, s30  }
0xbc: {  	s0 =	sor.u32 s3, s0;
	s1 =	sshll.u32 s1, $0x11  }
0xbd: {  	s0 =	sor.u32 s1, s0  }
0xbe: {  	s0 =	sadd.s32 $0x8F2B, s0  }
0xbf: {  	[sflag:s0] =	ssyncadd.remote.s32 $0x1  }
0xc0: {  	_ =	sfence.sel $0xFFFF  }
0xc1: {  	[dreg:$0x0] =	wrdreg $0xFFFFFFFF;
	(pc) =	sbr.abs _section_cstart, $3  }
0xc2: {  	[dreg:$0x1] =	wrdreg $0xFFFFFFFF  }
0xc3: {  	_ =	task.clear_ibuf [dreg:s7], $0x2FFFF;
	_ =	strace $0x9FFFFFFF  }
0xc4: {  	(tm) =	ssettm $0x7FFFFFFF  }
0xc5: {  	_ =	shalt  }
tec
execute0_lowered:
.L_overlay_start_1:
0x0: {  	(tag) =	ssettag $0x1  }
0x1: {  	s28 =	rddreg [dreg:$0x0]  }
0x2: {  	s0 =	rddreg [dreg:$0x1]  }
0x3: {  	s14 =	rddreg [dreg:$0x2]  }
0x4: {  	s15 =	rddreg [dreg:$0x3]  }
0x5: {  	s1 =	simm.s32 $0x0;
	s16 =	stileid.u32;
	s2 =	srdreg.scid  }
0x6: {  	s31 =	simm.s32 $0xC0;
	s29 =	simm.s32 $0x5;
	s30 =	simm.s32 $0x7  }
0x7: {  	[smem:$0x7FF] =	sst s1;
	s6 =	sadd.s32 $0x27C00, s0;
	s7 =	sadd.s32 $0xA00, s0  }
0x8: {  	s24 =	smul.u32 $0x13800, s16;
	s8 =	sadd.s32 $0x4EE00, s0;
	s9 =	sadd.s32 $0x58E00, s0  }
0x9: {  	s17 =	sadd.s32 $0x8A000, s0;
	s2 =	sand.u32 $0x1, s2;
	s12 =	smul.u32 $0x2700, s16  }
0xa: {  	s4 =	sadd.s32 $0x8F000, s0;
	s13 =	sadd.s32 $0x98E00, s0;
	s25 =	smul.u32 $0x270, s16  }
0xb: {  	s20 =	sshll.u32 s16, $0x6;
	s22 =	sadd.s32 $0x8EE00, s0;
	p0 =	sne.s32 s16, $0xF  }
0xc: {  	_ =	strace $0x80000047;
	s5 =	ssub.s32 $0x2, s2;
	[dreg:$0x5] =	wrdreg s17  }
0xd: {  	s11 =	sshll.u32 s2, $0x4;
	s2 =	smul.u32 $0x2710, s2;
	[dreg:$0xc] =	wrdreg s22  }
0xe: {  	s3 =	sshrl.u32 s24, $0x3;
	s10 =	sshrl.u32 s5, $0x1;
	s18 =	sor.u32 s16, s11  }
0xf: {  	s26 =	sadd.s32 s12, s14;
	s19 =	sshrl.u32 s12, $0x3;
	s1 =	sadd.s32 s24, s15  }
0x10: {  	s16 =	simm.s32 $0x20;
	s3 =	sadd.s32 s3, s0;
	[dreg:$0x7] =	wrdreg s26  }
0x11: {  	s5 =	ssub.s32 s5, s10;
	s11 =	sadd.s32 s17, s19;
	[dreg:$0xa] =	wrdreg s1  }
0x12: {  	s23 =	sadd.s32 s25, s2;
	s2 =	sadd.s32 $0x2700, s2;
	[dreg:$0x6] =	wrdreg s18  }
0x13: {  	s0 =	sadd.s32 $0x89E00, s0;
	s12 =	sshll.u32 s18, $0x2;
	[dreg:$0x8] =	wrdreg s11  }
0x14: {  	s11 =	sor.u32 $0x1C0F, s20;
	s21 =	sadd.s32 $0x62E00, s3;
	[dreg:$0xd] =	wrdreg s0  }
0x15: {  	s24 =	sshll.u32 s23, $0x1;
	s19 =	sadd.s32 s8, s12;
	[dreg:$0xb] =	wrdreg s21  }
0x16: {  	s25 =	sshll.u32 s2, $0x1;
	s1 =	sadd.s32 s9, s12;
	[dreg:$0x12] =	wrdreg s19  }
0x17: {  	s26 =	sshll.u32 s23, $0x4;
	s22 =	smax.u32 s5, $0x1;
	[dreg:$0x13] =	wrdreg s1  }
0x18: {  	s17 =	sshll.u32 s2, $0x4;
	s23 =	sadd.s32 $0x27000, s14;
	[dreg:$0x16] =	wrdreg s22  }
0x19: {  	s20 =	sor.u32 $0x80, s12;
	s3 =	simm.s32 $0xF;
	[dreg:$0x17] =	wrdreg s23  }
0x1a: {  	s12 =	simm.s32 $0x6100;
	s0 =	sadd.s32 s4, s24;
	[dreg:$0x9] =	wrdreg s11  }
0x1b: {  	s14 =	simm.s32 $0xA0;
	s10 =	sadd.s32 s4, s25;
	[dreg:$0xe] =	wrdreg s0  }
0x1c: {  	s21 =	sadd.s32 s8, s20;
	s24 =	sadd.s32 $0x138000, s15;
	[dreg:$0xf] =	wrdreg s10  }
0x1d: {  	s25 =	sor.u32 $0x80, s18;
	s19 =	simm.s32 $0x100;
	[dreg:$0x14] =	wrdreg s21  }
0x1e: {  	s22 =	simm.s32 $0x2;
	s23 =	simm.s32 $0x1100;
	[dreg:$0x18] =	wrdreg s24  }
0x1f: {  	s4 =	simm.s32 $0x0;
	s0 =	sadd.s32 s13, s26;
	[dreg:$0x19] =	wrdreg s25  }
0x20: {  	s26 =	sor.u32 $0xA0, s18;
	s18 =	simm.s32 $0x1;
	s21 =	simm.s32 $0x4100  }
0x21: {  	s24 =	simm.s32 $0x3100;
	s25 =	simm.s32 $0x5100;
	[dreg:$0x10] =	wrdreg s0  }
0x22: {  	s0 =	sadd.s32 s13, s17;
	[dreg:$0x1a] =	wrdreg s26;
	s13 =	simm.s32 $0x6300  }
0x23: {  	s26 =	simm.s32 $0x4;
	[dreg:$0x11] =	wrdreg s0;
	s0 =	sadd.s32 s9, s20  }
0x24: {  	v0 =	vlaneseq.u32;
	s20 =	simm.s32 $0x2100;
	[dreg:$0x15] =	wrdreg s0;
	s0 =	simm.s32 $0xE0  }
.LBB2_1:
0x25: {  	[dreg:$0x1b] =	wrdreg s4  }
0x26: {  	s1 =	rddreg [dreg:$0x7]  }
0x27: {  	s5 =	rddreg [dreg:$0x8];
	s2 =	sshrl.u32 s1, $0x3  }
0x28: {  	[dreg:$0x1c] =	wrdreg s2  }
0x29: {  	[spmem:s2], [sflag:s11] =	dma.local [hbm:s5], $0x4E0  }
0x2a: {  	_ =	swait.ge [sflag:s3], $0x4E0  }
0x2b: {  	s10 =	rddreg [dreg:$0xa]  }
0x2c: {  	[sflag:s3] =	ssyncset.done $0x0;
	s17 =	rddreg [dreg:$0xb];
	s15 =	sshrl.u32 s10, $0x3  }
0x2d: {  	[sflag:s3] =	ssyncadd.s32 $0xFFFFFB20;
	[dreg:$0x1d] =	wrdreg s15  }
0x2e: {  	[spmem:s15], [sflag:s11] =	dma.local [hbm:s17], $0x2700  }
0x2f: {  	_ =	swait.ge [sflag:s3], $0x2700  }
0x30: {  	[sflag:s3] =	ssyncset.done $0x0  }
0x31: {  	s2 =	simm.s32 $0x0;
	s4 =	rddreg [dreg:$0x5];
	[sflag:s3] =	ssyncadd.s32 $0xFFFFD900  }
0x32: {  	[tilespmem:s12], [sflag:$0xF] =	stream.linear.gather [hbm4b:s4+s2], $0x200, $0x38;
	[tilespmem:$0x1C4D8] =	vst v63  }
0x33: {  	_ =	swait.ge [sflag:s3], $0x200  }
0x34: {  	[sflag:s3] =	ssyncset.done $0x0  }
0x35: {  	[sflag:s3] =	ssyncadd.s32 $0xFFFFFE00  }
0x36: {  	[tilespmem:s13], [sflag:$0xF] =	stream.linear.gather [hbm4b:s4+s2], $0x200, $0x38;
	[tilespmem:$0x1C4D8] =	vst v63  }
0x37: {  	_ =	swait.ge [sflag:s3], $0x200  }
0x38: {  	[sflag:s3] =	ssyncset.done $0x0;
	s1 =	rddreg [dreg:$0x17]  }
0x39: {  	[sflag:s3] =	ssyncadd.s32 $0xFFFFFE00;
	s3 =	sshrl.u32 @!p0 s1, $0x3;
	s1 =	rddreg [dreg:$0xc]  }
0x3a: {  	[dreg:$0x1e] =	wrdreg s3  }
0x3b: {  	[spmem:s3], [sflag:s11] =	dma.local @!p0 [hbm:s1], $0x30  }
0x3c: {  	s1 =	simm.s32 @!p0 $0xF  }
0x3d: {  	_ =	swait.ge @!p0 [sflag:s1], $0x30  }
0x3e: {  	s3 =	rddreg [dreg:$0x18]  }
0x3f: {  	[sflag:s1] =	ssyncset.done @!p0 $0x0;
	s4 =	sshrl.u32 @!p0 s3, $0x3;
	s3 =	rddreg [dreg:$0xd]  }
0x40: {  	[sflag:s1] =	ssyncadd.s32 @!p0 $0xFFFFFFD0;
	[dreg:$0x1f] =	wrdreg s4  }
0x41: {  	[spmem:s4], [sflag:s11] =	dma.local @!p0 [hbm:s3], $0x180  }
0x42: {  	_ =	swait.ge @!p0 [sflag:s1], $0x180  }
0x43: {  	[sflag:s1] =	ssyncset.done @!p0 $0x0  }
0x44: {  	[sflag:s1] =	ssyncadd.s32 @!p0 $0xFFFFFE80  }
0x45: {  	[bflag:$0x0] =	sbarrier.arrive $0xFFFF  }
0x46: {  	s5 =	rddreg [dreg:$0x12]  }
0x47: {  	[tilespmem:s2], [sflag:$0x1] =	stream.linear.gather [hbm4b:s5+s2], $0x20, $0x38;
	[tilespmem:$0x1C4D8] =	vst v63  }
0x48: {  	s11 =	simm.s32 $0x80;
	s10 =	rddreg [dreg:$0x13]  }
0x49: {  	[tilespmem:s11], [sflag:$0x1] =	stream.linear.gather [hbm4b:s10+s2], $0x20, $0x38;
	[tilespmem:$0x1C4D8] =	vst v63  }
0x4a: {  	s15 =	rddreg [dreg:$0x14]  }
0x4b: {  	[tilespmem:s16], [sflag:$0x2] =	stream.linear.gather [hbm4b:s15+s2], $0x20, $0x38;
	[tilespmem:$0x1C4D8] =	vst v63  }
0x4c: {  	s17 =	rddreg [dreg:$0x15]  }
0x4d: {  	[tilespmem:s14], [sflag:$0x2] =	stream.linear.gather [hbm4b:s17+s2], $0x20, $0x38;
	[tilespmem:$0x1C4D8] =	vst v63  }
0x4e: {  	_ =	swait.ge [sflag:s18], $0x20  }
0x4f: {  	[sflag:s18] =	ssyncset.done $0x0  }
0x50: {  	[sflag:s18] =	ssyncadd.s32 $0xFFFFFFE0  }
0x51: {  	_ =	swait.ge [sflag:s18], $0x20  }
0x52: {  	[sflag:s18] =	ssyncset.done $0x0  }
0x53: {  	[sflag:s18] =	ssyncadd.s32 $0xFFFFFFE0  }
0x54: {  	[tilespmem:s19], [sflag:$0x5] =	stream.indirect.gather [hbm4b:s28+s16], $0x80, s2, s16, $0xb8;
	[tilespmem:$0x1C4D8] =	vst v63  }
0x55: {  	_ = 	snop  }
0x56: {  	[tilespmem:s20], [sflag:$0x7] =	stream.indirect.gather [hbm4b:s6+s16], $0x80, s11, s16, $0xb8;
	[tilespmem:$0x1C4D8] =	vst v63  }
0x57: {  	s4 =	simm.s32 $0x0  }
0x58: {  	[tilespmem:s21], [sflag:$0x9] =	stream.indirect.gather [hbm4b:s7+s16], $0x80, s2, s16, $0xb8;
	[tilespmem:$0x1C4D8] =	vst v63  }
.LBB2_2:
0x59: {  	p1 =	seq.s32 s4, $0x0  }
0x5a: {  	s1 =	simm.s32 @!p1 $0xC  }
0x5b: {  	_ =	swait.ge @!p1 [sflag:s1], $0x200  }
0x5c: {  	[sflag:s1] =	ssyncset.done @!p1 $0x0  }
0x5d: {  	[sflag:s1] =	ssyncadd.s32 @!p1 $0xFFFFFE00;
	s1 =	simm.s32 @!p1 $0xE  }
0x5e: {  	_ =	swait.ge @!p1 [sflag:s1], $0x1000  }
0x5f: {  	[sflag:s1] =	ssyncset.done @!p1 $0x0  }
0x60: {  	[sflag:s1] =	ssyncadd.s32 @!p1 $0xFFFFF000  }
0x61: {  	_ =	swait.ge [sflag:s22], $0x20  }
0x62: {  	[sflag:s22] =	ssyncset.done $0x0  }
0x63: {  	[sflag:s22] =	ssyncadd.s32 $0xFFFFFFE0  }
0x64: {  	_ =	swait.ge [sflag:s22], $0x20  }
0x65: {  	[sflag:s22] =	ssyncset.done $0x0  }
0x66: {  	[sflag:s22] =	ssyncadd.s32 $0xFFFFFFE0  }
0x67: {  	[tilespmem:s23], [sflag:$0x6] =	stream.indirect.gather [hbm4b:s28+s16], $0x80, s16, s16, $0xb8;
	[tilespmem:$0x1C4D8] =	vst v63  }
0x68: {  	s10 =	smov.u32 s28;
	s2 =	sshll.u32 s4, $0x7;
	s28 =	rddreg [dreg:$0x6]  }
0x69: {  	s1 =	sor.u32 s2, s28  }
0x6a: {  	[tilespmem:s24], [sflag:$0x8] =	stream.indirect.gather [hbm4b:s6+s16], $0x80, s14, s16, $0xb8;
	[tilespmem:$0x1C4D8] =	vst v63  }
0x6b: {  	s3 =	sshll.u32 s1, $0x2  }
0x6c: {  	s11 =	sor.u32 $0x100, s3  }
0x6d: {  	[tilespmem:s25], [sflag:$0xA] =	stream.indirect.gather [hbm4b:s7+s16], $0x80, s16, s16, $0xb8;
	[tilespmem:$0x1C4D8] =	vst v63  }
0x6e: {  	s5 =	simm.s32 $0x40;
	s1 =	simm.s32 $0x0;
	s17 =	sadd.s32 s8, s11  }
0x6f: {  	[tilespmem:s5], [sflag:$0x3] =	stream.linear.gather [hbm4b:s17+s1], $0x20, $0x38;
	[tilespmem:$0x1C4D8] =	vst v63  }
0x70: {  	s11 =	sadd.s32 s9, s11  }
0x71: {  	[tilespmem:s31], [sflag:$0x3] =	stream.linear.gather [hbm4b:s11+s1], $0x20, $0x38;
	[tilespmem:$0x1C4D8] =	vst v63  }
0x72: {  	_ =	swait.ge [sflag:s29], $0x1000  }
0x73: {  	[sflag:s29] =	ssyncset.done $0x0  }
0x74: {  	[sflag:s29] =	ssyncadd.s32 $0xFFFFF000  }
0x75: {  	_ =	swait.ge [sflag:s30], $0x1000  }
0x76: {  	[sflag:s30] =	ssyncset.done $0x0  }
0x77: {  	p2 =	por $0x1, $0x1;
	s11 =	simm.s32 $0x0;
	[sflag:s30] =	ssyncadd.s32 $0xFFFFF000  }
.LBB2_3:
0x78: {  	v5 =	vor.u32 s11, v0;
	v4 =	vadd.s32 s1, v0  }
0x79: {  	v3 =	vshll.u32 v5, $0x7;
	v21 =	vand.u32 $0x1F, v4  }
0x7a: {  	v28 =	vor.u32 v3, v21  }
0x7b: {  	v2 =	vor.u32 $0x20, v3  }
0x7c: {  	v7 =	vor.u32 v4, v2  }
0x7d: {  	v1 =	vor.u32 $0x60, v3  }
0x7e: {  	s15 =	simm.s32 $0x3;
	v10 =	vor.u32 v4, v1  }
0x7f: {  	v16 =	vadd.s32 s15, v0;
	v26 =	vld.idx.msk [tilespmem:v28+s19+$0x0], $0xffff  }
0x80: {  	v13 =	vor.u32 v16, v2;
	v28 =	vld.idx.msk [tilespmem:v28+s20+$0x0], $0xffff  }
0x81: {  	v6 =	vld.idx.msk [tilespmem:v7+s19+$0x0], $0xffff  }
0x82: {  	s17 =	simm.s32 $0x2;
	v15 =	vor.u32 v16, v1;
	v8 =	vld.idx.msk [tilespmem:v7+s20+$0x0], $0xffff  }
0x83: {  	v18 =	vadd.s32 s17, v0;
	v9 =	vld.idx.msk [tilespmem:v10+s19+$0x0], $0xffff  }
0x84: {  	v17 =	vor.u32 v18, v2;
	v12 =	vld.idx.msk [tilespmem:v10+s20+$0x0], $0xffff  }
0x85: {  	v11 =	vld.idx.msk [tilespmem:v13+s19+$0x0], $0xffff  }
0x86: {  	s28 =	simm.s32 $0x1;
	v19 =	vor.u32 v18, v1;
	v14 =	vld.idx.msk [tilespmem:v13+s20+$0x0], $0xffff  }
0x87: {  	v27 =	vadd.s32 s28, v0;
	v7 =	vld.idx.msk [tilespmem:v15+s19+$0x0], $0xffff  }
0x88: {  	v23 =	vor.u32 v27, v1;
	v10 =	vld.idx.msk [tilespmem:v15+s20+$0x0], $0xffff  }
0x89: {  	v4 =	vor.u32 $0x40, v3;
	v20 =	vld.idx.msk [tilespmem:v17+s19+$0x0], $0xffff  }
0x8a: {  	v30 =	vor.u32 v21, v4;
	v22 =	vld.idx.msk [tilespmem:v17+s20+$0x0], $0xffff  }
0x8b: {  	v13 =	vor.u32 v27, v2;
	v15 =	vld.idx.msk [tilespmem:v19+s19+$0x0], $0xffff  }
0x8c: {  	v17 =	vld.idx.msk [tilespmem:v19+s20+$0x0], $0xffff  }
0x8d: {  	v29 =	vand.u32 $0x1F, v16;
	v21 =	vld.idx.msk [tilespmem:v23+s19+$0x0], $0xffff  }
0x8e: {  	v33 =	vor.u32 v3, v29;
	v23 =	vld.idx.msk [tilespmem:v23+s20+$0x0], $0xffff  }
0x8f: {  	v31 =	vand.u32 $0x1F, v18;
	v34 =	vand.u32 $0x1F, v27;
	v27 =	vld.idx.msk [tilespmem:v30+s19+$0x0], $0xffff  }
0x90: {  	v32 =	vor.u32 v3, v31;
	v18 =	vimm.f32 $0.0e+00;
	v24 =	vld.idx.msk [tilespmem:v13+s19+$0x0], $0xffff  }
0x91: {  	p1 =	por p2, p2;
	s11 =	simm.s32 $0x4;
	v16 =	vimm.f32 $0.0e+00;
	v19 =	vimm.f32 $0.0e+00;
	v25 =	vld.idx.msk [tilespmem:v13+s20+$0x0], $0xffff;
	v13 =	vimm.f32 $0.0e+00  }
.LBB2_4:
0x92: {  	p2 =	slt.u32 s11, $0x1C;
	v30 =	vld.idx.msk [tilespmem:v30+s20+$0x0], $0xffff;
	v35 =	vor.u32 v3, v34  }
0x93: {  	v36 =	vld.idx.msk [tilespmem:v33+s19+$0x0], $0xffff  }
0x94: {  	v34 =	vor.u32 v34, v4;
	v33 =	vld.idx.msk [tilespmem:v33+s20+$0x0], $0xffff  }
0x95: {  	v37 =	vld.idx.msk [tilespmem:v32+s19+$0x0], $0xffff  }
0x96: {  	v31 =	vor.u32 v31, v4;
	v32 =	vld.idx.msk [tilespmem:v32+s20+$0x0], $0xffff  }
0x97: {  	v38 =	vld.idx.msk [tilespmem:v35+s19+$0x0], $0xffff  }
0x98: {  	v39 =	vadd.s32 s11, v0;
	s17 =	sadd.s32 $0x2, s11;
	s28 =	sadd.s32 $0x3, s11;
	v29 =	vor.u32 v29, v4;
	v35 =	vld.idx.msk [tilespmem:v35+s20+$0x0], $0xffff  }
0x99: {  	v40 =	vor.u32 v39, v2;
	v41 =	vadd.s32 s17, v0;
	v42 =	vadd.s32 s28, v0;
	v43 =	vld.idx.msk [tilespmem:v34+s19+$0x0], $0xffff  }
0x9a: {  	v8 =	vmul.f32 v8, v6;
	v9 =	vmul.f32 v12, v9;
	v44 =	vor.u32 v39, v1;
	v12 =	vld.idx.msk [tilespmem:v34+s20+$0x0], $0xffff  }
0x9b: {  	v46 =	vmul.f32 v14, v11;
	v47 =	vmul.f32 v10, v7;
	v34 =	vor.u32 v42, v2;
	v45 =	vld.idx.msk [tilespmem:v31+s19+$0x0], $0xffff  }
0x9c: {  	v7 =	vmul.f32 v22, v20;
	v15 =	vmul.f32 v17, v15;
	v10 =	vor.u32 v42, v1;
	v11 =	vld.idx.msk [tilespmem:v31+s20+$0x0], $0xffff  }
0x9d: {  	v20 =	vmul.f32 v25, v24;
	v17 =	vor.u32 v41, v2;
	v14 =	vmul.f32 v28, v26;
	v22 =	vld.idx.msk [tilespmem:v29+s19+$0x0], $0xffff  }
0x9e: {  	v21 =	vmul.f32 v23, v21;
	v24 =	vor.u32 v41, v1;
	v25 =	vmul.f32 v30, v27;
	v23 =	vld.idx.msk [tilespmem:v29+s20+$0x0], $0xffff  }
0x9f: {  	v13 =	vadd.f32 v14, v13;
	v14 =	vadd.f32 v8, v18;
	v18 =	vmul.f32 v35, v38;
	v6 =	vld.idx.msk [tilespmem:v40+s19+$0x0], $0xffff  }
0xa0: {  	v16 =	vadd.f32 v9, v16;
	v19 =	vadd.f32 v25, v19;
	v25 =	vmul.f32 v12, v43;
	v8 =	vld.idx.msk [tilespmem:v40+s20+$0x0], $0xffff  }
0xa1: {  	v14 =	vadd.f32 v20, v14;
	v13 =	vadd.f32 v18, v13;
	v18 =	vmul.f32 v32, v37;
	v9 =	vld.idx.msk [tilespmem:v44+s19+$0x0], $0xffff  }
0xa2: {  	v16 =	vadd.f32 v21, v16;
	v19 =	vadd.f32 v25, v19;
	v20 =	vmul.f32 v11, v45;
	v12 =	vld.idx.msk [tilespmem:v44+s20+$0x0], $0xffff  }
0xa3: {  	v21 =	vmul.f32 v33, v36;
	v13 =	vadd.f32 v18, v13;
	v18 =	vadd.f32 v7, v14;
	v11 =	vld.idx.msk [tilespmem:v34+s19+$0x0], $0xffff  }
0xa4: {  	s17 =	sadd.s32 $0x1, s11;
	v15 =	vadd.f32 v15, v16;
	v19 =	vadd.f32 v20, v19;
	v16 =	vmul.f32 v23, v22;
	v14 =	vld.idx.msk [tilespmem:v34+s20+$0x0], $0xffff  }
0xa5: {  	v13 =	vadd.f32 v21, v13;
	v18 =	vadd.f32 v46, v18;
	v34 =	vadd.s32 s17, v0;
	v7 =	vld.idx.msk [tilespmem:v10+s19+$0x0], $0xffff  }
0xa6: {  	v21 =	vor.u32 v34, v2;
	v19 =	vadd.f32 v16, v19;
	v16 =	vadd.f32 v47, v15;
	v10 =	vld.idx.msk [tilespmem:v10+s20+$0x0], $0xffff  }
0xa7: {  	v20 =	vld.idx.msk [tilespmem:v17+s19+$0x0], $0xffff  }
0xa8: {  	v23 =	vor.u32 v34, v1;
	v22 =	vld.idx.msk [tilespmem:v17+s20+$0x0], $0xffff  }
0xa9: {  	v25 =	vand.u32 $0x1F, v39;
	v15 =	vld.idx.msk [tilespmem:v24+s19+$0x0], $0xffff  }
0xaa: {  	v27 =	vor.u32 v3, v25;
	v17 =	vld.idx.msk [tilespmem:v24+s20+$0x0], $0xffff  }
0xab: {  	v24 =	vld.idx.msk [tilespmem:v21+s19+$0x0], $0xffff  }
0xac: {  	v30 =	vor.u32 v25, v4;
	v25 =	vld.idx.msk [tilespmem:v21+s20+$0x0], $0xffff  }
.Ltmp0:
0xad: {  	v29 =	vand.u32 $0x1F, v42;
	v21 =	vld.idx.msk [tilespmem:v23+s19+$0x0], $0xffff;
	(pc) =	sbr.rel @p2 .LBB2_4-.Ltmp0, $4  }
0xae: {  	v33 =	vor.u32 v3, v29;
	v23 =	vld.idx.msk [tilespmem:v23+s20+$0x0], $0xffff  }
0xaf: {  	v31 =	vand.u32 $0x1F, v41;
	v26 =	vld.idx.msk [tilespmem:v27+s19+$0x0], $0xffff  }
0xb0: {  	v32 =	vor.u32 v3, v31;
	v28 =	vld.idx.msk [tilespmem:v27+s20+$0x0], $0xffff  }
0xb1: {  	s11 =	sadd.s32 $0x4, s11;
	v34 =	vand.u32 $0x1F, v34;
	v27 =	vld.idx.msk [tilespmem:v30+s19+$0x0], $0xffff  }
0xb2: {  	_ =	sdelay $0x2  }
0xb3: {  	v35 =	vor.u32 v3, v34  }
0xb4: {  	v30 =	vld.idx.msk [tilespmem:v30+s20+$0x0], $0xffff  }
0xb5: {  	v36 =	vld.idx.msk [tilespmem:v33+s19+$0x0], $0xffff;
	v54 =	vor.u32 v34, v4  }
0xb6: {  	v37 =	vld.idx.msk [tilespmem:v32+s19+$0x0], $0xffff  }
0xb7: {  	v31 =	vor.u32 v31, v4;
	v56 =	vld.idx.msk [tilespmem:v32+s20+$0x0], $0xffff  }
0xb8: {  	v38 =	vld.idx.msk [tilespmem:v35+s19+$0x0], $0xffff  }
0xb9: {  	v35 =	vld.idx.msk [tilespmem:v35+s20+$0x0], $0xffff  }
0xba: {  	v29 =	vor.u32 v29, v4;
	v39 =	vld.idx.msk [tilespmem:v54+s19+$0x0], $0xffff  }
0xbb: {  	v34 =	vld.idx.msk [tilespmem:v54+s20+$0x0], $0xffff  }
0xbc: {  	v6 =	vmul.f32 v8, v6;
	v8 =	vmul.f32 v12, v9;
	v9 =	vld.idx.msk [tilespmem:v31+s19+$0x0], $0xffff  }
0xbd: {  	v11 =	vmul.f32 v14, v11;
	v12 =	vmul.f32 v28, v26;
	v57 =	vld.idx.msk [tilespmem:v31+s20+$0x0], $0xffff  }
0xbe: {  	v55 =	vld.idx.msk [tilespmem:v33+s20+$0x0], $0xffff;
	v14 =	vmul.f32 v22, v20;
	v58 =	vmul.f32 v30, v27  }
0xbf: {  	v24 =	vmul.f32 v25, v24;
	v59 =	vld.idx.msk [tilespmem:v29+s19+$0x0], $0xffff;
	v12 =	vadd.f32 v12, v13;
	v13 =	vmul.f32 v35, v38  }
0xc0: {  	v63 =	vmul.f32 v23, v21;
	v6 =	vadd.f32 v6, v18;
	v60 =	vld.idx.msk [tilespmem:v29+s20+$0x0], $0xffff;
	v61 =	vadd.f32 v58, v19  }
0xc1: {  	v62 =	vmul.f32 v34, v39;
	v12 =	vadd.f32 v13, v12;
	v13 =	vmul.f32 v56, v37  }
0xc2: {  	v8 =	vadd.f32 v8, v16;
	v6 =	vadd.f32 v24, v6;
	v9 =	vmul.f32 v57, v9  }
0xc3: {  	v18 =	vadd.f32 v62, v61;
	v12 =	vadd.f32 v13, v12;
	v13 =	vmul.f32 v55, v36  }
0xc4: {  	v15 =	vmul.f32 v17, v15;
	v8 =	vadd.f32 v63, v8;
	v6 =	vadd.f32 v14, v6  }
0xc5: {  	v14 =	vmul.f32 v60, v59;
	v9 =	vadd.f32 v9, v18;
	v12 =	vadd.f32 v13, v12  }
0xc6: {  	v7 =	vmul.f32 v10, v7;
	v8 =	vadd.f32 v15, v8;
	v6 =	vadd.f32 v11, v6  }
0xc7: {  	v9 =	vadd.f32 v14, v9;
	v10 =	vmul.f32 $1.442695020e+00, v12  }
0xc8: {  	v7 =	vadd.f32 v7, v8;
	v6 =	vmul.f32 $1.442695020e+00, v6  }
0xc9: {  	v8 =	vmul.f32 $1.442695020e+00, v9;
	(erf) = vpow2.f32 v10  }
0xca: {  	(erf) = vpow2.f32 v6;
	v6 =	vmul.f32 $1.442695020e+00, v7  }
0xcb: {  	(erf) = vpow2.f32 v8  }
0xcc: {  	(erf) = vpow2.f32 v6;
	_ =	sdelay $0x1  }
0xcd: {  	v5 =	vshll.u32 v5, $0x4  }
0xce: {  	v6 =	vor.u32 $0x1, v5  }
0xcf: {  	v9 =	vor.u32 $0x2, v5  }
0xd0: {  	v10 =	vor.u32 $0x3, v5  }
0xd1: {  	s11 =	simm.s32 $0x0;
	v8 =	vpop (erf)  }
0xd2: {  	v11 =	vadd.s32 s11, v0;
	v7 =	vpop (erf);
	[tilespmem:v5+s12+$0x0] =	vst.idx.msk $0xffff, v8  }
0xd3: {  	v12 =	vand.u32 $0x1F, v11;
	v5 =	vpop (erf);
	[tilespmem:v6+s12+$0x0] =	vst.idx.msk $0xffff, v7  }
0xd4: {  	v6 =	vpop (erf);
	[tilespmem:v9+s12+$0x0] =	vst.idx.msk $0xffff, v5;
	v9 =	vor.u32 v3, v12  }
0xd5: {  	s11 =	simm.s32 @p1 $0x9;
	[tilespmem:v10+s12+$0x0] =	vst.idx.msk $0xffff, v6  }
0xd6: {  	_ =	swait.ge @p1 [sflag:s11], $0x1000  }
0xd7: {  	[sflag:s11] =	ssyncset.done @p1 $0x0  }
0xd8: {  	[sflag:s11] =	ssyncadd.s32 @p1 $0xFFFFF000  }
0xd9: {  	v10 =	vld.idx.msk [tilespmem:v9+s21+$0x0], $0xffff;
	_ =	sdelay $0x2  }
0xda: {  	v13 =	vor.u32 v11, v2;
	_ =	sdelay $0x1  }
0xdb: {  	v10 =	vmul.f32 v10, v8;
	_ =	sdelay $0x1  }
0xdc: {  	[tilespmem:v9+s21+$0x0] =	vst.idx.msk $0xffff, v10  }
0xdd: {  	v9 =	vld.idx.msk [tilespmem:v13+s21+$0x0], $0xffff;
	_ =	sdelay $0x2  }
0xde: {  	v10 =	vor.u32 v12, v4;
	_ =	sdelay $0x1  }
0xdf: {  	v9 =	vmul.f32 v9, v7;
	_ =	sdelay $0x1  }
0xe0: {  	[tilespmem:v13+s21+$0x0] =	vst.idx.msk $0xffff, v9  }
0xe1: {  	v9 =	vld.idx.msk [tilespmem:v10+s21+$0x0], $0xffff;
	_ =	sdelay $0x2  }
0xe2: {  	v11 =	vor.u32 v11, v1;
	_ =	sdelay $0x1  }
0xe3: {  	v9 =	vmul.f32 v9, v5;
	_ =	sdelay $0x1  }
0xe4: {  	[tilespmem:v10+s21+$0x0] =	vst.idx.msk $0xffff, v9  }
0xe5: {  	s14 =	simm.s32 $0x1;
	v9 =	vld.idx.msk [tilespmem:v11+s21+$0x0], $0xffff  }
0xe6: {  	v10 =	vadd.s32 s14, v0  }
0xe7: {  	v12 =	vand.u32 $0x1F, v10  }
0xe8: {  	v13 =	vor.u32 v3, v12;
	_ =	sdelay $0x1  }
0xe9: {  	v9 =	vmul.f32 v9, v6;
	_ =	sdelay $0x1  }
0xea: {  	[tilespmem:v11+s21+$0x0] =	vst.idx.msk $0xffff, v9  }
0xeb: {  	v9 =	vld.idx.msk [tilespmem:v13+s21+$0x0], $0xffff;
	_ =	sdelay $0x2  }
0xec: {  	v11 =	vor.u32 v10, v2;
	_ =	sdelay $0x1  }
0xed: {  	v9 =	vmul.f32 v9, v8;
	_ =	sdelay $0x1  }
0xee: {  	[tilespmem:v13+s21+$0x0] =	vst.idx.msk $0xffff, v9  }
0xef: {  	v9 =	vld.idx.msk [tilespmem:v11+s21+$0x0], $0xffff;
	_ =	sdelay $0x2  }
0xf0: {  	v12 =	vor.u32 v12, v4;
	_ =	sdelay $0x1  }
0xf1: {  	v9 =	vmul.f32 v9, v7;
	_ =	sdelay $0x1  }
0xf2: {  	[tilespmem:v11+s21+$0x0] =	vst.idx.msk $0xffff, v9  }
0xf3: {  	v9 =	vld.idx.msk [tilespmem:v12+s21+$0x0], $0xffff;
	_ =	sdelay $0x2  }
0xf4: {  	v10 =	vor.u32 v10, v1;
	_ =	sdelay $0x1  }
0xf5: {  	v9 =	vmul.f32 v9, v5;
	_ =	sdelay $0x1  }
0xf6: {  	[tilespmem:v12+s21+$0x0] =	vst.idx.msk $0xffff, v9  }
0xf7: {  	s15 =	simm.s32 $0x2;
	v9 =	vld.idx.msk [tilespmem:v10+s21+$0x0], $0xffff  }
0xf8: {  	v11 =	vadd.s32 s15, v0  }
0xf9: {  	v12 =	vand.u32 $0x1F, v11  }
0xfa: {  	v13 =	vor.u32 v3, v12;
	_ =	sdelay $0x1  }
0xfb: {  	v9 =	vmul.f32 v9, v6;
	_ =	sdelay $0x1  }
0xfc: {  	[tilespmem:v10+s21+$0x0] =	vst.idx.msk $0xffff, v9  }
0xfd: {  	v9 =	vld.idx.msk [tilespmem:v13+s21+$0x0], $0xffff;
	_ =	sdelay $0x2  }
0xfe: {  	v10 =	vor.u32 v11, v2;
	_ =	sdelay $0x1  }
0xff: {  	v9 =	vmul.f32 v9, v8;
	_ =	sdelay $0x1  }
0x100: {  	[tilespmem:v13+s21+$0x0] =	vst.idx.msk $0xffff, v9  }
0x101: {  	v9 =	vld.idx.msk [tilespmem:v10+s21+$0x0], $0xffff;
	_ =	sdelay $0x2  }
0x102: {  	v12 =	vor.u32 v12, v4;
	_ =	sdelay $0x1  }
0x103: {  	v9 =	vmul.f32 v9, v7;
	_ =	sdelay $0x1  }
0x104: {  	[tilespmem:v10+s21+$0x0] =	vst.idx.msk $0xffff, v9  }
0x105: {  	v9 =	vld.idx.msk [tilespmem:v12+s21+$0x0], $0xffff;
	_ =	sdelay $0x2  }
0x106: {  	v10 =	vor.u32 v11, v1;
	_ =	sdelay $0x1  }
0x107: {  	v9 =	vmul.f32 v9, v5;
	_ =	sdelay $0x1  }
0x108: {  	[tilespmem:v12+s21+$0x0] =	vst.idx.msk $0xffff, v9  }
0x109: {  	s17 =	simm.s32 $0x3;
	v9 =	vld.idx.msk [tilespmem:v10+s21+$0x0], $0xffff  }
0x10a: {  	v11 =	vadd.s32 s17, v0  }
0x10b: {  	v12 =	vand.u32 $0x1F, v11  }
0x10c: {  	v13 =	vor.u32 v3, v12;
	_ =	sdelay $0x1  }
0x10d: {  	v9 =	vmul.f32 v9, v6;
	_ =	sdelay $0x1  }
0x10e: {  	[tilespmem:v10+s21+$0x0] =	vst.idx.msk $0xffff, v9  }
0x10f: {  	v9 =	vld.idx.msk [tilespmem:v13+s21+$0x0], $0xffff;
	_ =	sdelay $0x2  }
0x110: {  	v10 =	vor.u32 v11, v2;
	_ =	sdelay $0x1  }
0x111: {  	v9 =	vmul.f32 v9, v8;
	_ =	sdelay $0x1  }
0x112: {  	[tilespmem:v13+s21+$0x0] =	vst.idx.msk $0xffff, v9  }
0x113: {  	v9 =	vld.idx.msk [tilespmem:v10+s21+$0x0], $0xffff;
	_ =	sdelay $0x2  }
0x114: {  	v12 =	vor.u32 v12, v4;
	_ =	sdelay $0x1  }
0x115: {  	v9 =	vmul.f32 v9, v7;
	_ =	sdelay $0x1  }
0x116: {  	[tilespmem:v10+s21+$0x0] =	vst.idx.msk $0xffff, v9  }
0x117: {  	v9 =	vld.idx.msk [tilespmem:v12+s21+$0x0], $0xffff;
	_ =	sdelay $0x2  }
0x118: {  	v11 =	vor.u32 v11, v1;
	_ =	sdelay $0x1  }
0x119: {  	v9 =	vmul.f32 v9, v5;
	_ =	sdelay $0x1  }
0x11a: {  	[tilespmem:v12+s21+$0x0] =	vst.idx.msk $0xffff, v9  }
0x11b: {  	s28 =	simm.s32 $0x4;
	v13 =	vld.idx.msk [tilespmem:v11+s21+$0x0], $0xffff  }
0x11c: {  	v9 =	vadd.s32 s28, v0  }
0x11d: {  	v10 =	vand.u32 $0x1F, v9  }
0x11e: {  	v12 =	vor.u32 v3, v10;
	_ =	sdelay $0x1  }
0x11f: {  	s11 =	simm.s32 $0x8;
	v13 =	vmul.f32 v13, v6  }
.LBB2_6:
0x120: {  	_ = 	snop  }
0x121: {  	p2 =	slt.u32 s11, $0x1C;
	s17 =	smov.u32 s11;
	s11 =	sadd.s32 $0x4, s11;
	[tilespmem:v11+s21+$0x0] =	vst.idx.msk $0xffff, v13  }
0x122: {  	v11 =	vld.idx.msk [tilespmem:v12+s21+$0x0], $0xffff;
	_ =	sdelay $0x3  }
0x123: {  	v13 =	vor.u32 v9, v2;
	_ =	sdelay $0x1  }
0x124: {  	v11 =	vmul.f32 v11, v8;
	_ =	sdelay $0x1  }
0x125: {  	[tilespmem:v12+s21+$0x0] =	vst.idx.msk $0xffff, v11  }
0x126: {  	v11 =	vld.idx.msk [tilespmem:v13+s21+$0x0], $0xffff;
	_ =	sdelay $0x3  }
0x127: {  	v10 =	vor.u32 v10, v4;
	_ =	sdelay $0x1  }
0x128: {  	v11 =	vmul.f32 v11, v7;
	_ =	sdelay $0x1  }
0x129: {  	[tilespmem:v13+s21+$0x0] =	vst.idx.msk $0xffff, v11  }
0x12a: {  	v11 =	vld.idx.msk [tilespmem:v10+s21+$0x0], $0xffff;
	_ =	sdelay $0x3  }
0x12b: {  	v9 =	vor.u32 v9, v1;
	_ =	sdelay $0x1  }
0x12c: {  	v11 =	vmul.f32 v11, v5;
	_ =	sdelay $0x1  }
0x12d: {  	[tilespmem:v10+s21+$0x0] =	vst.idx.msk $0xffff, v11  }
0x12e: {  	v10 =	vld.idx.msk [tilespmem:v9+s21+$0x0], $0xffff  }
0x12f: {  	s15 =	sadd.s32 $0x1, s28  }
0x130: {  	v11 =	vadd.s32 s15, v0  }
0x131: {  	v12 =	vand.u32 $0x1F, v11  }
0x132: {  	v13 =	vor.u32 v3, v12;
	_ =	sdelay $0x1  }
0x133: {  	v10 =	vmul.f32 v10, v6;
	_ =	sdelay $0x1  }
0x134: {  	[tilespmem:v9+s21+$0x0] =	vst.idx.msk $0xffff, v10  }
0x135: {  	v9 =	vld.idx.msk [tilespmem:v13+s21+$0x0], $0xffff;
	_ =	sdelay $0x3  }
0x136: {  	v10 =	vor.u32 v11, v2;
	_ =	sdelay $0x1  }
0x137: {  	v9 =	vmul.f32 v9, v8;
	_ =	sdelay $0x1  }
0x138: {  	[tilespmem:v13+s21+$0x0] =	vst.idx.msk $0xffff, v9  }
0x139: {  	v9 =	vld.idx.msk [tilespmem:v10+s21+$0x0], $0xffff;
	_ =	sdelay $0x3  }
0x13a: {  	v12 =	vor.u32 v12, v4;
	_ =	sdelay $0x1  }
0x13b: {  	v9 =	vmul.f32 v9, v7;
	_ =	sdelay $0x1  }
0x13c: {  	[tilespmem:v10+s21+$0x0] =	vst.idx.msk $0xffff, v9  }
0x13d: {  	v9 =	vld.idx.msk [tilespmem:v12+s21+$0x0], $0xffff;
	_ =	sdelay $0x3  }
0x13e: {  	v10 =	vor.u32 v11, v1;
	_ =	sdelay $0x1  }
0x13f: {  	v9 =	vmul.f32 v9, v5;
	_ =	sdelay $0x1  }
0x140: {  	[tilespmem:v12+s21+$0x0] =	vst.idx.msk $0xffff, v9  }
0x141: {  	v9 =	vld.idx.msk [tilespmem:v10+s21+$0x0], $0xffff  }
0x142: {  	s15 =	sadd.s32 $0x2, s28  }
0x143: {  	v11 =	vadd.s32 s15, v0  }
0x144: {  	v12 =	vand.u32 $0x1F, v11  }
0x145: {  	v13 =	vor.u32 v3, v12;
	_ =	sdelay $0x1  }
0x146: {  	v9 =	vmul.f32 v9, v6;
	_ =	sdelay $0x1  }
0x147: {  	[tilespmem:v10+s21+$0x0] =	vst.idx.msk $0xffff, v9  }
0x148: {  	v9 =	vld.idx.msk [tilespmem:v13+s21+$0x0], $0xffff;
	_ =	sdelay $0x3  }
0x149: {  	v10 =	vor.u32 v11, v2;
	_ =	sdelay $0x1  }
0x14a: {  	v9 =	vmul.f32 v9, v8;
	_ =	sdelay $0x1  }
0x14b: {  	[tilespmem:v13+s21+$0x0] =	vst.idx.msk $0xffff, v9  }
0x14c: {  	v9 =	vld.idx.msk [tilespmem:v10+s21+$0x0], $0xffff;
	_ =	sdelay $0x3  }
0x14d: {  	v12 =	vor.u32 v12, v4;
	_ =	sdelay $0x1  }
0x14e: {  	v9 =	vmul.f32 v9, v7;
	_ =	sdelay $0x1  }
0x14f: {  	[tilespmem:v10+s21+$0x0] =	vst.idx.msk $0xffff, v9  }
0x150: {  	v9 =	vld.idx.msk [tilespmem:v12+s21+$0x0], $0xffff;
	_ =	sdelay $0x3  }
0x151: {  	v10 =	vor.u32 v11, v1;
	_ =	sdelay $0x1  }
0x152: {  	v9 =	vmul.f32 v9, v5;
	_ =	sdelay $0x1  }
0x153: {  	[tilespmem:v12+s21+$0x0] =	vst.idx.msk $0xffff, v9  }
0x154: {  	v9 =	vld.idx.msk [tilespmem:v10+s21+$0x0], $0xffff  }
0x155: {  	s15 =	sadd.s32 $0x3, s28;
	s28 =	smov.u32 s17  }
0x156: {  	v11 =	vadd.s32 s15, v0  }
0x157: {  	v12 =	vand.u32 $0x1F, v11  }
0x158: {  	v13 =	vor.u32 v3, v12;
	_ =	sdelay $0x1  }
0x159: {  	v9 =	vmul.f32 v9, v6;
	_ =	sdelay $0x1  }
0x15a: {  	[tilespmem:v10+s21+$0x0] =	vst.idx.msk $0xffff, v9  }
0x15b: {  	v9 =	vld.idx.msk [tilespmem:v13+s21+$0x0], $0xffff;
	_ =	sdelay $0x3  }
0x15c: {  	v10 =	vor.u32 v11, v2;
	_ =	sdelay $0x1  }
0x15d: {  	v9 =	vmul.f32 v9, v8;
	_ =	sdelay $0x1  }
0x15e: {  	[tilespmem:v13+s21+$0x0] =	vst.idx.msk $0xffff, v9  }
0x15f: {  	v9 =	vld.idx.msk [tilespmem:v10+s21+$0x0], $0xffff;
	_ =	sdelay $0x3  }
0x160: {  	v12 =	vor.u32 v12, v4;
	_ =	sdelay $0x1  }
0x161: {  	v9 =	vmul.f32 v9, v7;
	_ =	sdelay $0x1  }
0x162: {  	[tilespmem:v10+s21+$0x0] =	vst.idx.msk $0xffff, v9  }
0x163: {  	v9 =	vld.idx.msk [tilespmem:v12+s21+$0x0], $0xffff;
	_ =	sdelay $0x3  }
0x164: {  	v11 =	vor.u32 v11, v1;
	_ =	sdelay $0x1  }
0x165: {  	v9 =	vmul.f32 v9, v5;
	_ =	sdelay $0x1  }
0x166: {  	[tilespmem:v12+s21+$0x0] =	vst.idx.msk $0xffff, v9  }
0x167: {  	v13 =	vld.idx.msk [tilespmem:v11+s21+$0x0], $0xffff;
	_ =	sdelay $0x1  }
.Ltmp1:
0x168: {  	v9 =	vadd.s32 s28, v0;
	(pc) =	sbr.rel @p2 .LBB2_6-.Ltmp1, $3  }
0x169: {  	v10 =	vand.u32 $0x1F, v9  }
0x16a: {  	v12 =	vor.u32 v3, v10;
	_ =	sdelay $0x1  }
0x16b: {  	v13 =	vmul.f32 v13, v6  }
0x16c: {  	_ =	sdelay $0x3  }
0x16d: {  	[tilespmem:v11+s21+$0x0] =	vst.idx.msk $0xffff, v13  }
0x16e: {  	v11 =	vld.idx.msk [tilespmem:v12+s21+$0x0], $0xffff;
	_ =	sdelay $0x2  }
0x16f: {  	v48 =	vor.u32 v9, v2;
	_ =	sdelay $0x1  }
0x170: {  	v11 =	vmul.f32 v11, v8;
	_ =	sdelay $0x1  }
0x171: {  	[tilespmem:v12+s21+$0x0] =	vst.idx.msk $0xffff, v11  }
0x172: {  	v11 =	vld.idx.msk [tilespmem:v48+s21+$0x0], $0xffff;
	_ =	sdelay $0x2  }
0x173: {  	v10 =	vor.u32 v10, v4;
	_ =	sdelay $0x1  }
0x174: {  	v11 =	vmul.f32 v11, v7;
	_ =	sdelay $0x1  }
0x175: {  	[tilespmem:v48+s21+$0x0] =	vst.idx.msk $0xffff, v11  }
0x176: {  	v11 =	vld.idx.msk [tilespmem:v10+s21+$0x0], $0xffff;
	_ =	sdelay $0x2  }
0x177: {  	v49 =	vor.u32 v9, v1;
	_ =	sdelay $0x1  }
0x178: {  	v11 =	vmul.f32 v11, v5;
	_ =	sdelay $0x1  }
0x179: {  	[tilespmem:v10+s21+$0x0] =	vst.idx.msk $0xffff, v11  }
0x17a: {  	s11 =	sadd.s32 $0x1, s28;
	v10 =	vld.idx.msk [tilespmem:v49+s21+$0x0], $0xffff  }
0x17b: {  	v50 =	vadd.s32 s11, v0  }
0x17c: {  	v51 =	vand.u32 $0x1F, v50  }
0x17d: {  	v52 =	vor.u32 v3, v51;
	_ =	sdelay $0x1  }
0x17e: {  	v10 =	vmul.f32 v10, v6;
	_ =	sdelay $0x1  }
0x17f: {  	[tilespmem:v49+s21+$0x0] =	vst.idx.msk $0xffff, v10  }
0x180: {  	v9 =	vld.idx.msk [tilespmem:v52+s21+$0x0], $0xffff;
	_ =	sdelay $0x2  }
0x181: {  	v53 =	vor.u32 v50, v2;
	_ =	sdelay $0x1  }
0x182: {  	v9 =	vmul.f32 v9, v8;
	_ =	sdelay $0x1  }
0x183: {  	[tilespmem:v52+s21+$0x0] =	vst.idx.msk $0xffff, v9  }
0x184: {  	v9 =	vld.idx.msk [tilespmem:v53+s21+$0x0], $0xffff;
	_ =	sdelay $0x2  }
0x185: {  	v12 =	vor.u32 v51, v4;
	_ =	sdelay $0x1  }
0x186: {  	v9 =	vmul.f32 v9, v7;
	_ =	sdelay $0x1  }
0x187: {  	[tilespmem:v53+s21+$0x0] =	vst.idx.msk $0xffff, v9  }
0x188: {  	v9 =	vld.idx.msk [tilespmem:v12+s21+$0x0], $0xffff;
	_ =	sdelay $0x2  }
0x189: {  	v54 =	vor.u32 v50, v1;
	_ =	sdelay $0x1  }
0x18a: {  	v9 =	vmul.f32 v9, v5;
	_ =	sdelay $0x1  }
0x18b: {  	[tilespmem:v12+s21+$0x0] =	vst.idx.msk $0xffff, v9  }
0x18c: {  	s17 =	sadd.s32 $0x2, s28;
	v9 =	vld.idx.msk [tilespmem:v54+s21+$0x0], $0xffff  }
0x18d: {  	v55 =	vadd.s32 s17, v0  }
0x18e: {  	v56 =	vand.u32 $0x1F, v55  }
0x18f: {  	v57 =	vor.u32 v3, v56;
	_ =	sdelay $0x1  }
0x190: {  	v9 =	vmul.f32 v9, v6;
	_ =	sdelay $0x1  }
0x191: {  	[tilespmem:v54+s21+$0x0] =	vst.idx.msk $0xffff, v9  }
0x192: {  	v9 =	vld.idx.msk [tilespmem:v57+s21+$0x0], $0xffff;
	_ =	sdelay $0x2  }
0x193: {  	v58 =	vor.u32 v55, v2;
	_ =	sdelay $0x1  }
0x194: {  	v9 =	vmul.f32 v9, v8;
	_ =	sdelay $0x1  }
0x195: {  	[tilespmem:v57+s21+$0x0] =	vst.idx.msk $0xffff, v9  }
0x196: {  	v9 =	vld.idx.msk [tilespmem:v58+s21+$0x0], $0xffff;
	_ =	sdelay $0x2  }
0x197: {  	v12 =	vor.u32 v56, v4;
	_ =	sdelay $0x1  }
0x198: {  	v9 =	vmul.f32 v9, v7;
	_ =	sdelay $0x1  }
0x199: {  	[tilespmem:v58+s21+$0x0] =	vst.idx.msk $0xffff, v9  }
0x19a: {  	v9 =	vld.idx.msk [tilespmem:v12+s21+$0x0], $0xffff;
	_ =	sdelay $0x2  }
0x19b: {  	v59 =	vor.u32 v55, v1;
	_ =	sdelay $0x1  }
0x19c: {  	v9 =	vmul.f32 v9, v5;
	_ =	sdelay $0x1  }
0x19d: {  	[tilespmem:v12+s21+$0x0] =	vst.idx.msk $0xffff, v9  }
0x19e: {  	s28 =	sadd.s32 $0x3, s28;
	v9 =	vld.idx.msk [tilespmem:v59+s21+$0x0], $0xffff  }
0x19f: {  	v60 =	vadd.s32 s28, v0  }
0x1a0: {  	v61 =	vand.u32 $0x1F, v60  }
0x1a1: {  	v3 =	vor.u32 v3, v61;
	_ =	sdelay $0x1  }
0x1a2: {  	v9 =	vmul.f32 v9, v6;
	_ =	sdelay $0x1  }
0x1a3: {  	[tilespmem:v59+s21+$0x0] =	vst.idx.msk $0xffff, v9  }
0x1a4: {  	v9 =	vld.idx.msk [tilespmem:v3+s21+$0x0], $0xffff;
	_ =	sdelay $0x2  }
0x1a5: {  	v2 =	vor.u32 v60, v2;
	_ =	sdelay $0x1  }
0x1a6: {  	v62 =	vmul.f32 v9, v8;
	_ =	sdelay $0x1  }
0x1a7: {  	[tilespmem:v3+s21+$0x0] =	vst.idx.msk $0xffff, v62  }
0x1a8: {  	v3 =	vld.idx.msk [tilespmem:v2+s21+$0x0], $0xffff;
	_ =	sdelay $0x2  }
0x1a9: {  	v63 =	vor.u32 v61, v4;
	_ =	sdelay $0x1  }
0x1aa: {  	v3 =	vmul.f32 v3, v7;
	_ =	sdelay $0x1  }
0x1ab: {  	[tilespmem:v2+s21+$0x0] =	vst.idx.msk $0xffff, v3  }
0x1ac: {  	v2 =	vld.idx.msk [tilespmem:v63+s21+$0x0], $0xffff;
	_ =	sdelay $0x2  }
0x1ad: {  	v1 =	vor.u32 v60, v1;
	_ =	sdelay $0x1  }
0x1ae: {  	v2 =	vmul.f32 v2, v5;
	_ =	sdelay $0x1  }
0x1af: {  	[tilespmem:v63+s21+$0x0] =	vst.idx.msk $0xffff, v2  }
0x1b0: {  	v2 =	vld.idx.msk [tilespmem:v1+s21+$0x0], $0xffff;
	_ =	sdelay $0x2  }
.Ltmp2:
0x1b1: {  	_ = 	snop;
	(pc) =	sbr.rel @p1 .LBB2_3-.Ltmp2, $3  }
0x1b2: {  	_ = 	snop  }
0x1b3: {  	v2 =	vmul.f32 v2, v6;
	_ =	sdelay $0x1  }
0x1b4: {  	p2 =	por $0x0, $0x0;
	s11 =	simm.s32 $0x10;
	[tilespmem:v1+s21+$0x0] =	vst.idx.msk $0xffff, v2  }
0x1b5: {  	s1 =	rddreg [dreg:$0x2];
	s11 =	simm.s32 $0x80  }
0x1b6: {  	[spmem:s1] =	stream.indirect.scatter.add.f32 [tilespmem:s12], [sflag:$0xB], $0x10, s11, s16, $0xb8;
	[tilespmem:$0x1C4D8] =	vst v63  }
0x1b7: {  	s14 =	rddreg [dreg:$0x3];
	s15 =	simm.s32 $0xB  }
0x1b8: {  	[spmem:s14] =	stream.indirect.scatter.add.f32 [tilespmem:s21], [sflag:$0xD], $0x80, s11, s16, $0xb8;
	[tilespmem:$0x1C4D8] =	vst v63  }
0x1b9: {  	_ =	swait.ge [sflag:s15], $0x200  }
0x1ba: {  	[sflag:s15] =	ssyncset.done $0x0  }
0x1bb: {  	s17 =	simm.s32 $0xD;
	[sflag:s15] =	ssyncadd.s32 $0xFFFFFE00  }
0x1bc: {  	_ =	swait.ge [sflag:s17], $0x1000  }
0x1bd: {  	[sflag:s17] =	ssyncset.done $0x0  }
0x1be: {  	s11 =	simm.s32 $0x3;
	[sflag:s17] =	ssyncadd.s32 $0xFFFFF000  }
0x1bf: {  	_ =	swait.ge [sflag:s11], $0x20  }
0x1c0: {  	[sflag:s11] =	ssyncset.done $0x0  }
0x1c1: {  	[sflag:s11] =	ssyncadd.s32 $0xFFFFFFE0  }
0x1c2: {  	_ =	swait.ge [sflag:s11], $0x20  }
0x1c3: {  	[sflag:s11] =	ssyncset.done $0x0  }
0x1c4: {  	s14 =	simm.s32 $0x40;
	[sflag:s11] =	ssyncadd.s32 $0xFFFFFFE0  }
0x1c5: {  	[tilespmem:s19], [sflag:$0x5] =	stream.indirect.gather [hbm4b:s10+s16], $0x80, s14, s16, $0xb8;
	[tilespmem:$0x1C4D8] =	vst v63  }
0x1c6: {  	_ = 	snop  }
0x1c7: {  	[tilespmem:s20], [sflag:$0x7] =	stream.indirect.gather [hbm4b:s6+s16], $0x80, s31, s16, $0xb8;
	[tilespmem:$0x1C4D8] =	vst v63  }
0x1c8: {  	s28 =	smov.u32 s10;
	s3 =	sor.u32 $0x180, s3  }
0x1c9: {  	[tilespmem:s21], [sflag:$0x9] =	stream.indirect.gather [hbm4b:s7+s16], $0x80, s14, s16, $0xb8;
	[tilespmem:$0x1C4D8] =	vst v63  }
0x1ca: {  	s1 =	simm.s32 $0x0;
	s15 =	sadd.s32 s8, s3;
	s10 =	simm.s32 $0x60  }
0x1cb: {  	[tilespmem:s10], [sflag:$0x4] =	stream.linear.gather [hbm4b:s15+s1], $0x20, $0x38;
	[tilespmem:$0x1C4D8] =	vst v63  }
0x1cc: {  	s3 =	sadd.s32 s9, s3;
	s17 =	simm.s32 $0x6  }
0x1cd: {  	[tilespmem:s0], [sflag:$0x4] =	stream.linear.gather [hbm4b:s3+s1], $0x20, $0x38;
	[tilespmem:$0x1C4D8] =	vst v63  }
0x1ce: {  	_ =	swait.ge [sflag:s17], $0x1000  }
0x1cf: {  	[sflag:s17] =	ssyncset.done $0x0  }
0x1d0: {  	s31 =	simm.s32 $0x8;
	[sflag:s17] =	ssyncadd.s32 $0xFFFFF000  }
0x1d1: {  	_ =	swait.ge [sflag:s31], $0x1000  }
0x1d2: {  	s5 =	simm.s32 $0x80;
	[sflag:s31] =	ssyncset.done $0x0  }
0x1d3: {  	p2 =	por $0x1, $0x1;
	s3 =	simm.s32 $0x0;
	[sflag:s31] =	ssyncadd.s32 $0xFFFFF000  }
.LBB2_9:
0x1d4: {  	v5 =	vor.u32 s3, v0;
	v4 =	vadd.s32 s1, v0  }
0x1d5: {  	v3 =	vshll.u32 v5, $0x7;
	v21 =	vand.u32 $0x1F, v4  }
0x1d6: {  	v28 =	vor.u32 v3, v21  }
0x1d7: {  	v2 =	vor.u32 $0x20, v3  }
0x1d8: {  	v7 =	vor.u32 v4, v2  }
0x1d9: {  	v1 =	vor.u32 $0x60, v3  }
0x1da: {  	s15 =	simm.s32 $0x3;
	v10 =	vor.u32 v4, v1  }
0x1db: {  	v16 =	vadd.s32 s15, v0;
	v26 =	vld.idx.msk [tilespmem:v28+s23+$0x0], $0xffff  }
0x1dc: {  	v13 =	vor.u32 v16, v2;
	v28 =	vld.idx.msk [tilespmem:v28+s24+$0x0], $0xffff  }
0x1dd: {  	v6 =	vld.idx.msk [tilespmem:v7+s23+$0x0], $0xffff  }
0x1de: {  	s17 =	simm.s32 $0x2;
	v15 =	vor.u32 v16, v1;
	v8 =	vld.idx.msk [tilespmem:v7+s24+$0x0], $0xffff  }
0x1df: {  	v18 =	vadd.s32 s17, v0;
	v9 =	vld.idx.msk [tilespmem:v10+s23+$0x0], $0xffff  }
0x1e0: {  	v17 =	vor.u32 v18, v2;
	v12 =	vld.idx.msk [tilespmem:v10+s24+$0x0], $0xffff  }
0x1e1: {  	v11 =	vld.idx.msk [tilespmem:v13+s23+$0x0], $0xffff  }
0x1e2: {  	s31 =	simm.s32 $0x1;
	v19 =	vor.u32 v18, v1;
	v14 =	vld.idx.msk [tilespmem:v13+s24+$0x0], $0xffff  }
0x1e3: {  	v27 =	vadd.s32 s31, v0;
	v7 =	vld.idx.msk [tilespmem:v15+s23+$0x0], $0xffff  }
0x1e4: {  	v23 =	vor.u32 v27, v1;
	v10 =	vld.idx.msk [tilespmem:v15+s24+$0x0], $0xffff  }
0x1e5: {  	v4 =	vor.u32 $0x40, v3;
	v20 =	vld.idx.msk [tilespmem:v17+s23+$0x0], $0xffff  }
0x1e6: {  	v30 =	vor.u32 v21, v4;
	v22 =	vld.idx.msk [tilespmem:v17+s24+$0x0], $0xffff  }
0x1e7: {  	v13 =	vor.u32 v27, v2;
	v15 =	vld.idx.msk [tilespmem:v19+s23+$0x0], $0xffff  }
0x1e8: {  	v17 =	vld.idx.msk [tilespmem:v19+s24+$0x0], $0xffff  }
0x1e9: {  	v29 =	vand.u32 $0x1F, v16;
	v21 =	vld.idx.msk [tilespmem:v23+s23+$0x0], $0xffff  }
0x1ea: {  	v33 =	vor.u32 v3, v29;
	v23 =	vld.idx.msk [tilespmem:v23+s24+$0x0], $0xffff  }
0x1eb: {  	v31 =	vand.u32 $0x1F, v18;
	v34 =	vand.u32 $0x1F, v27;
	v27 =	vld.idx.msk [tilespmem:v30+s23+$0x0], $0xffff  }
0x1ec: {  	v32 =	vor.u32 v3, v31;
	v18 =	vimm.f32 $0.0e+00;
	v24 =	vld.idx.msk [tilespmem:v13+s23+$0x0], $0xffff  }
0x1ed: {  	p1 =	por p2, p2;
	s3 =	simm.s32 $0x4;
	v16 =	vimm.f32 $0.0e+00;
	v19 =	vimm.f32 $0.0e+00;
	v25 =	vld.idx.msk [tilespmem:v13+s24+$0x0], $0xffff;
	v13 =	vimm.f32 $0.0e+00  }
.LBB2_10:
0x1ee: {  	p2 =	slt.u32 s3, $0x1C;
	v30 =	vld.idx.msk [tilespmem:v30+s24+$0x0], $0xffff;
	v35 =	vor.u32 v3, v34  }
0x1ef: {  	v36 =	vld.idx.msk [tilespmem:v33+s23+$0x0], $0xffff  }
0x1f0: {  	v34 =	vor.u32 v34, v4;
	v33 =	vld.idx.msk [tilespmem:v33+s24+$0x0], $0xffff  }
0x1f1: {  	v37 =	vld.idx.msk [tilespmem:v32+s23+$0x0], $0xffff  }
0x1f2: {  	v31 =	vor.u32 v31, v4;
	v32 =	vld.idx.msk [tilespmem:v32+s24+$0x0], $0xffff  }
0x1f3: {  	v38 =	vld.idx.msk [tilespmem:v35+s23+$0x0], $0xffff  }
0x1f4: {  	v39 =	vadd.s32 s3, v0;
	s11 =	sadd.s32 $0x2, s3;
	s15 =	sadd.s32 $0x3, s3;
	v29 =	vor.u32 v29, v4;
	v35 =	vld.idx.msk [tilespmem:v35+s24+$0x0], $0xffff  }
0x1f5: {  	v40 =	vor.u32 v39, v2;
	v41 =	vadd.s32 s11, v0;
	v42 =	vadd.s32 s15, v0;
	v43 =	vld.idx.msk [tilespmem:v34+s23+$0x0], $0xffff  }
0x1f6: {  	v8 =	vmul.f32 v8, v6;
	v9 =	vmul.f32 v12, v9;
	v44 =	vor.u32 v39, v1;
	v12 =	vld.idx.msk [tilespmem:v34+s24+$0x0], $0xffff  }
0x1f7: {  	v46 =	vmul.f32 v14, v11;
	v47 =	vmul.f32 v10, v7;
	v34 =	vor.u32 v42, v2;
	v45 =	vld.idx.msk [tilespmem:v31+s23+$0x0], $0xffff  }
0x1f8: {  	v7 =	vmul.f32 v22, v20;
	v15 =	vmul.f32 v17, v15;
	v10 =	vor.u32 v42, v1;
	v11 =	vld.idx.msk [tilespmem:v31+s24+$0x0], $0xffff  }
0x1f9: {  	v20 =	vmul.f32 v25, v24;
	v17 =	vor.u32 v41, v2;
	v14 =	vmul.f32 v28, v26;
	v22 =	vld.idx.msk [tilespmem:v29+s23+$0x0], $0xffff  }
0x1fa: {  	v21 =	vmul.f32 v23, v21;
	v24 =	vor.u32 v41, v1;
	v25 =	vmul.f32 v30, v27;
	v23 =	vld.idx.msk [tilespmem:v29+s24+$0x0], $0xffff  }
0x1fb: {  	v13 =	vadd.f32 v14, v13;
	v14 =	vadd.f32 v8, v18;
	v18 =	vmul.f32 v35, v38;
	v6 =	vld.idx.msk [tilespmem:v40+s23+$0x0], $0xffff  }
0x1fc: {  	v16 =	vadd.f32 v9, v16;
	v19 =	vadd.f32 v25, v19;
	v25 =	vmul.f32 v12, v43;
	v8 =	vld.idx.msk [tilespmem:v40+s24+$0x0], $0xffff  }
0x1fd: {  	v14 =	vadd.f32 v20, v14;
	v13 =	vadd.f32 v18, v13;
	v18 =	vmul.f32 v32, v37;
	v9 =	vld.idx.msk [tilespmem:v44+s23+$0x0], $0xffff  }
0x1fe: {  	v16 =	vadd.f32 v21, v16;
	v19 =	vadd.f32 v25, v19;
	v20 =	vmul.f32 v11, v45;
	v12 =	vld.idx.msk [tilespmem:v44+s24+$0x0], $0xffff  }
0x1ff: {  	v21 =	vmul.f32 v33, v36;
	v13 =	vadd.f32 v18, v13;
	v18 =	vadd.f32 v7, v14;
	v11 =	vld.idx.msk [tilespmem:v34+s23+$0x0], $0xffff  }
0x200: {  	s11 =	sadd.s32 $0x1, s3;
	v15 =	vadd.f32 v15, v16;
	v19 =	vadd.f32 v20, v19;
	v16 =	vmul.f32 v23, v22;
	v14 =	vld.idx.msk [tilespmem:v34+s24+$0x0], $0xffff  }
0x201: {  	v13 =	vadd.f32 v21, v13;
	v18 =	vadd.f32 v46, v18;
	v34 =	vadd.s32 s11, v0;
	v7 =	vld.idx.msk [tilespmem:v10+s23+$0x0], $0xffff  }
0x202: {  	v21 =	vor.u32 v34, v2;
	v19 =	vadd.f32 v16, v19;
	v16 =	vadd.f32 v47, v15;
	v10 =	vld.idx.msk [tilespmem:v10+s24+$0x0], $0xffff  }
0x203: {  	v20 =	vld.idx.msk [tilespmem:v17+s23+$0x0], $0xffff  }
0x204: {  	v23 =	vor.u32 v34, v1;
	v22 =	vld.idx.msk [tilespmem:v17+s24+$0x0], $0xffff  }
0x205: {  	v25 =	vand.u32 $0x1F, v39;
	v15 =	vld.idx.msk [tilespmem:v24+s23+$0x0], $0xffff  }
0x206: {  	v27 =	vor.u32 v3, v25;
	v17 =	vld.idx.msk [tilespmem:v24+s24+$0x0], $0xffff  }
0x207: {  	v24 =	vld.idx.msk [tilespmem:v21+s23+$0x0], $0xffff  }
0x208: {  	v30 =	vor.u32 v25, v4;
	v25 =	vld.idx.msk [tilespmem:v21+s24+$0x0], $0xffff  }
.Ltmp3:
0x209: {  	v29 =	vand.u32 $0x1F, v42;
	v21 =	vld.idx.msk [tilespmem:v23+s23+$0x0], $0xffff;
	(pc) =	sbr.rel @p2 .LBB2_10-.Ltmp3, $4  }
0x20a: {  	v33 =	vor.u32 v3, v29;
	v23 =	vld.idx.msk [tilespmem:v23+s24+$0x0], $0xffff  }
0x20b: {  	v31 =	vand.u32 $0x1F, v41;
	v26 =	vld.idx.msk [tilespmem:v27+s23+$0x0], $0xffff  }
0x20c: {  	v32 =	vor.u32 v3, v31;
	v28 =	vld.idx.msk [tilespmem:v27+s24+$0x0], $0xffff  }
0x20d: {  	s3 =	sadd.s32 $0x4, s3;
	v34 =	vand.u32 $0x1F, v34;
	v27 =	vld.idx.msk [tilespmem:v30+s23+$0x0], $0xffff  }
0x20e: {  	_ =	sdelay $0x2  }
0x20f: {  	v35 =	vor.u32 v3, v34  }
0x210: {  	v30 =	vld.idx.msk [tilespmem:v30+s24+$0x0], $0xffff  }
0x211: {  	v36 =	vld.idx.msk [tilespmem:v33+s23+$0x0], $0xffff;
	v54 =	vor.u32 v34, v4  }
0x212: {  	v37 =	vld.idx.msk [tilespmem:v32+s23+$0x0], $0xffff  }
0x213: {  	v31 =	vor.u32 v31, v4;
	v56 =	vld.idx.msk [tilespmem:v32+s24+$0x0], $0xffff  }
0x214: {  	v38 =	vld.idx.msk [tilespmem:v35+s23+$0x0], $0xffff  }
0x215: {  	v35 =	vld.idx.msk [tilespmem:v35+s24+$0x0], $0xffff  }
0x216: {  	v29 =	vor.u32 v29, v4;
	v39 =	vld.idx.msk [tilespmem:v54+s23+$0x0], $0xffff  }
0x217: {  	v34 =	vld.idx.msk [tilespmem:v54+s24+$0x0], $0xffff  }
0x218: {  	v6 =	vmul.f32 v8, v6;
	v8 =	vmul.f32 v12, v9;
	v9 =	vld.idx.msk [tilespmem:v31+s23+$0x0], $0xffff  }
0x219: {  	v11 =	vmul.f32 v14, v11;
	v12 =	vmul.f32 v28, v26;
	v57 =	vld.idx.msk [tilespmem:v31+s24+$0x0], $0xffff  }
0x21a: {  	v55 =	vld.idx.msk [tilespmem:v33+s24+$0x0], $0xffff;
	v14 =	vmul.f32 v22, v20;
	v58 =	vmul.f32 v30, v27  }
0x21b: {  	v24 =	vmul.f32 v25, v24;
	v59 =	vld.idx.msk [tilespmem:v29+s23+$0x0], $0xffff;
	v12 =	vadd.f32 v12, v13;
	v13 =	vmul.f32 v35, v38  }
0x21c: {  	v63 =	vmul.f32 v23, v21;
	v6 =	vadd.f32 v6, v18;
	v60 =	vld.idx.msk [tilespmem:v29+s24+$0x0], $0xffff;
	v61 =	vadd.f32 v58, v19  }
0x21d: {  	v62 =	vmul.f32 v34, v39;
	v12 =	vadd.f32 v13, v12;
	v13 =	vmul.f32 v56, v37  }
0x21e: {  	v8 =	vadd.f32 v8, v16;
	v6 =	vadd.f32 v24, v6;
	v9 =	vmul.f32 v57, v9  }
0x21f: {  	v18 =	vadd.f32 v62, v61;
	v12 =	vadd.f32 v13, v12;
	v13 =	vmul.f32 v55, v36  }
0x220: {  	v15 =	vmul.f32 v17, v15;
	v8 =	vadd.f32 v63, v8;
	v6 =	vadd.f32 v14, v6  }
0x221: {  	v14 =	vmul.f32 v60, v59;
	v9 =	vadd.f32 v9, v18;
	v12 =	vadd.f32 v13, v12  }
0x222: {  	v7 =	vmul.f32 v10, v7;
	v8 =	vadd.f32 v15, v8;
	v6 =	vadd.f32 v11, v6  }
0x223: {  	v9 =	vadd.f32 v14, v9;
	v10 =	vmul.f32 $1.442695020e+00, v12  }
0x224: {  	v7 =	vadd.f32 v7, v8;
	v6 =	vmul.f32 $1.442695020e+00, v6  }
0x225: {  	v8 =	vmul.f32 $1.442695020e+00, v9;
	(erf) = vpow2.f32 v10  }
0x226: {  	(erf) = vpow2.f32 v6;
	v6 =	vmul.f32 $1.442695020e+00, v7  }
0x227: {  	(erf) = vpow2.f32 v8  }
0x228: {  	(erf) = vpow2.f32 v6;
	_ =	sdelay $0x1  }
0x229: {  	v5 =	vshll.u32 v5, $0x4  }
0x22a: {  	v6 =	vor.u32 $0x1, v5  }
0x22b: {  	v9 =	vor.u32 $0x2, v5  }
0x22c: {  	v10 =	vor.u32 $0x3, v5  }
0x22d: {  	s3 =	simm.s32 $0x0;
	v8 =	vpop (erf)  }
0x22e: {  	v11 =	vadd.s32 s3, v0;
	v7 =	vpop (erf);
	[tilespmem:v5+s13+$0x0] =	vst.idx.msk $0xffff, v8  }
0x22f: {  	v12 =	vand.u32 $0x1F, v11;
	v5 =	vpop (erf);
	[tilespmem:v6+s13+$0x0] =	vst.idx.msk $0xffff, v7  }
0x230: {  	v6 =	vpop (erf);
	[tilespmem:v9+s13+$0x0] =	vst.idx.msk $0xffff, v5;
	v9 =	vor.u32 v3, v12  }
0x231: {  	s3 =	simm.s32 @p1 $0xA;
	[tilespmem:v10+s13+$0x0] =	vst.idx.msk $0xffff, v6  }
0x232: {  	_ =	swait.ge @p1 [sflag:s3], $0x1000  }
0x233: {  	[sflag:s3] =	ssyncset.done @p1 $0x0  }
0x234: {  	[sflag:s3] =	ssyncadd.s32 @p1 $0xFFFFF000  }
0x235: {  	v10 =	vld.idx.msk [tilespmem:v9+s25+$0x0], $0xffff;
	_ =	sdelay $0x2  }
0x236: {  	v13 =	vor.u32 v11, v2;
	_ =	sdelay $0x1  }
0x237: {  	v10 =	vmul.f32 v10, v8;
	_ =	sdelay $0x1  }
0x238: {  	[tilespmem:v9+s25+$0x0] =	vst.idx.msk $0xffff, v10  }
0x239: {  	v9 =	vld.idx.msk [tilespmem:v13+s25+$0x0], $0xffff;
	_ =	sdelay $0x2  }
0x23a: {  	v10 =	vor.u32 v12, v4;
	_ =	sdelay $0x1  }
0x23b: {  	v9 =	vmul.f32 v9, v7;
	_ =	sdelay $0x1  }
0x23c: {  	[tilespmem:v13+s25+$0x0] =	vst.idx.msk $0xffff, v9  }
0x23d: {  	v9 =	vld.idx.msk [tilespmem:v10+s25+$0x0], $0xffff;
	_ =	sdelay $0x2  }
0x23e: {  	v11 =	vor.u32 v11, v1;
	_ =	sdelay $0x1  }
0x23f: {  	v9 =	vmul.f32 v9, v5;
	_ =	sdelay $0x1  }
0x240: {  	[tilespmem:v10+s25+$0x0] =	vst.idx.msk $0xffff, v9  }
0x241: {  	s15 =	simm.s32 $0x1;
	v9 =	vld.idx.msk [tilespmem:v11+s25+$0x0], $0xffff  }
0x242: {  	v10 =	vadd.s32 s15, v0  }
0x243: {  	v12 =	vand.u32 $0x1F, v10  }
0x244: {  	v13 =	vor.u32 v3, v12;
	_ =	sdelay $0x1  }
0x245: {  	v9 =	vmul.f32 v9, v6;
	_ =	sdelay $0x1  }
0x246: {  	[tilespmem:v11+s25+$0x0] =	vst.idx.msk $0xffff, v9  }
0x247: {  	v9 =	vld.idx.msk [tilespmem:v13+s25+$0x0], $0xffff;
	_ =	sdelay $0x2  }
0x248: {  	v11 =	vor.u32 v10, v2;
	_ =	sdelay $0x1  }
0x249: {  	v9 =	vmul.f32 v9, v8;
	_ =	sdelay $0x1  }
0x24a: {  	[tilespmem:v13+s25+$0x0] =	vst.idx.msk $0xffff, v9  }
0x24b: {  	v9 =	vld.idx.msk [tilespmem:v11+s25+$0x0], $0xffff;
	_ =	sdelay $0x2  }
0x24c: {  	v12 =	vor.u32 v12, v4;
	_ =	sdelay $0x1  }
0x24d: {  	v9 =	vmul.f32 v9, v7;
	_ =	sdelay $0x1  }
0x24e: {  	[tilespmem:v11+s25+$0x0] =	vst.idx.msk $0xffff, v9  }
0x24f: {  	v9 =	vld.idx.msk [tilespmem:v12+s25+$0x0], $0xffff;
	_ =	sdelay $0x2  }
0x250: {  	v10 =	vor.u32 v10, v1;
	_ =	sdelay $0x1  }
0x251: {  	v9 =	vmul.f32 v9, v5;
	_ =	sdelay $0x1  }
0x252: {  	[tilespmem:v12+s25+$0x0] =	vst.idx.msk $0xffff, v9  }
0x253: {  	s17 =	simm.s32 $0x2;
	v9 =	vld.idx.msk [tilespmem:v10+s25+$0x0], $0xffff  }
0x254: {  	v11 =	vadd.s32 s17, v0  }
0x255: {  	v12 =	vand.u32 $0x1F, v11  }
0x256: {  	v13 =	vor.u32 v3, v12;
	_ =	sdelay $0x1  }
0x257: {  	v9 =	vmul.f32 v9, v6;
	_ =	sdelay $0x1  }
0x258: {  	[tilespmem:v10+s25+$0x0] =	vst.idx.msk $0xffff, v9  }
0x259: {  	v9 =	vld.idx.msk [tilespmem:v13+s25+$0x0], $0xffff;
	_ =	sdelay $0x2  }
0x25a: {  	v10 =	vor.u32 v11, v2;
	_ =	sdelay $0x1  }
0x25b: {  	v9 =	vmul.f32 v9, v8;
	_ =	sdelay $0x1  }
0x25c: {  	[tilespmem:v13+s25+$0x0] =	vst.idx.msk $0xffff, v9  }
0x25d: {  	v9 =	vld.idx.msk [tilespmem:v10+s25+$0x0], $0xffff;
	_ =	sdelay $0x2  }
0x25e: {  	v12 =	vor.u32 v12, v4;
	_ =	sdelay $0x1  }
0x25f: {  	v9 =	vmul.f32 v9, v7;
	_ =	sdelay $0x1  }
0x260: {  	[tilespmem:v10+s25+$0x0] =	vst.idx.msk $0xffff, v9  }
0x261: {  	v9 =	vld.idx.msk [tilespmem:v12+s25+$0x0], $0xffff;
	_ =	sdelay $0x2  }
0x262: {  	v10 =	vor.u32 v11, v1;
	_ =	sdelay $0x1  }
0x263: {  	v9 =	vmul.f32 v9, v5;
	_ =	sdelay $0x1  }
0x264: {  	[tilespmem:v12+s25+$0x0] =	vst.idx.msk $0xffff, v9  }
0x265: {  	s31 =	simm.s32 $0x3;
	v9 =	vld.idx.msk [tilespmem:v10+s25+$0x0], $0xffff  }
0x266: {  	v11 =	vadd.s32 s31, v0  }
0x267: {  	v12 =	vand.u32 $0x1F, v11  }
0x268: {  	v13 =	vor.u32 v3, v12;
	_ =	sdelay $0x1  }
0x269: {  	v9 =	vmul.f32 v9, v6;
	_ =	sdelay $0x1  }
0x26a: {  	[tilespmem:v10+s25+$0x0] =	vst.idx.msk $0xffff, v9  }
0x26b: {  	v9 =	vld.idx.msk [tilespmem:v13+s25+$0x0], $0xffff;
	_ =	sdelay $0x2  }
0x26c: {  	v10 =	vor.u32 v11, v2;
	_ =	sdelay $0x1  }
0x26d: {  	v9 =	vmul.f32 v9, v8;
	_ =	sdelay $0x1  }
0x26e: {  	[tilespmem:v13+s25+$0x0] =	vst.idx.msk $0xffff, v9  }
0x26f: {  	v9 =	vld.idx.msk [tilespmem:v10+s25+$0x0], $0xffff;
	_ =	sdelay $0x2  }
0x270: {  	v12 =	vor.u32 v12, v4;
	_ =	sdelay $0x1  }
0x271: {  	v9 =	vmul.f32 v9, v7;
	_ =	sdelay $0x1  }
0x272: {  	[tilespmem:v10+s25+$0x0] =	vst.idx.msk $0xffff, v9  }
0x273: {  	v9 =	vld.idx.msk [tilespmem:v12+s25+$0x0], $0xffff;
	_ =	sdelay $0x2  }
0x274: {  	v11 =	vor.u32 v11, v1;
	_ =	sdelay $0x1  }
0x275: {  	v9 =	vmul.f32 v9, v5;
	_ =	sdelay $0x1  }
0x276: {  	[tilespmem:v12+s25+$0x0] =	vst.idx.msk $0xffff, v9  }
0x277: {  	s3 =	simm.s32 $0x4;
	v13 =	vld.idx.msk [tilespmem:v11+s25+$0x0], $0xffff  }
0x278: {  	v9 =	vadd.s32 s3, v0  }
0x279: {  	v10 =	vand.u32 $0x1F, v9  }
0x27a: {  	v12 =	vor.u32 v3, v10;
	_ =	sdelay $0x1  }
0x27b: {  	s11 =	simm.s32 $0x8;
	v13 =	vmul.f32 v13, v6  }
.LBB2_12:
0x27c: {  	_ = 	snop  }
0x27d: {  	p2 =	slt.u32 s11, $0x1C;
	s17 =	smov.u32 s11;
	s11 =	sadd.s32 $0x4, s11;
	[tilespmem:v11+s25+$0x0] =	vst.idx.msk $0xffff, v13  }
0x27e: {  	v11 =	vld.idx.msk [tilespmem:v12+s25+$0x0], $0xffff;
	_ =	sdelay $0x3  }
0x27f: {  	v13 =	vor.u32 v9, v2;
	_ =	sdelay $0x1  }
0x280: {  	v11 =	vmul.f32 v11, v8;
	_ =	sdelay $0x1  }
0x281: {  	[tilespmem:v12+s25+$0x0] =	vst.idx.msk $0xffff, v11  }
0x282: {  	v11 =	vld.idx.msk [tilespmem:v13+s25+$0x0], $0xffff;
	_ =	sdelay $0x3  }
0x283: {  	v10 =	vor.u32 v10, v4;
	_ =	sdelay $0x1  }
0x284: {  	v11 =	vmul.f32 v11, v7;
	_ =	sdelay $0x1  }
0x285: {  	[tilespmem:v13+s25+$0x0] =	vst.idx.msk $0xffff, v11  }
0x286: {  	v11 =	vld.idx.msk [tilespmem:v10+s25+$0x0], $0xffff;
	_ =	sdelay $0x3  }
0x287: {  	v9 =	vor.u32 v9, v1;
	_ =	sdelay $0x1  }
0x288: {  	v11 =	vmul.f32 v11, v5;
	_ =	sdelay $0x1  }
0x289: {  	[tilespmem:v10+s25+$0x0] =	vst.idx.msk $0xffff, v11  }
0x28a: {  	v10 =	vld.idx.msk [tilespmem:v9+s25+$0x0], $0xffff  }
0x28b: {  	s15 =	sadd.s32 $0x1, s3  }
0x28c: {  	v11 =	vadd.s32 s15, v0  }
0x28d: {  	v12 =	vand.u32 $0x1F, v11  }
0x28e: {  	v13 =	vor.u32 v3, v12;
	_ =	sdelay $0x1  }
0x28f: {  	v10 =	vmul.f32 v10, v6;
	_ =	sdelay $0x1  }
0x290: {  	[tilespmem:v9+s25+$0x0] =	vst.idx.msk $0xffff, v10  }
0x291: {  	v9 =	vld.idx.msk [tilespmem:v13+s25+$0x0], $0xffff;
	_ =	sdelay $0x3  }
0x292: {  	v10 =	vor.u32 v11, v2;
	_ =	sdelay $0x1  }
0x293: {  	v9 =	vmul.f32 v9, v8;
	_ =	sdelay $0x1  }
0x294: {  	[tilespmem:v13+s25+$0x0] =	vst.idx.msk $0xffff, v9  }
0x295: {  	v9 =	vld.idx.msk [tilespmem:v10+s25+$0x0], $0xffff;
	_ =	sdelay $0x3  }
0x296: {  	v12 =	vor.u32 v12, v4;
	_ =	sdelay $0x1  }
0x297: {  	v9 =	vmul.f32 v9, v7;
	_ =	sdelay $0x1  }
0x298: {  	[tilespmem:v10+s25+$0x0] =	vst.idx.msk $0xffff, v9  }
0x299: {  	v9 =	vld.idx.msk [tilespmem:v12+s25+$0x0], $0xffff;
	_ =	sdelay $0x3  }
0x29a: {  	v10 =	vor.u32 v11, v1;
	_ =	sdelay $0x1  }
0x29b: {  	v9 =	vmul.f32 v9, v5;
	_ =	sdelay $0x1  }
0x29c: {  	[tilespmem:v12+s25+$0x0] =	vst.idx.msk $0xffff, v9  }
0x29d: {  	v9 =	vld.idx.msk [tilespmem:v10+s25+$0x0], $0xffff  }
0x29e: {  	s15 =	sadd.s32 $0x2, s3  }
0x29f: {  	v11 =	vadd.s32 s15, v0  }
0x2a0: {  	v12 =	vand.u32 $0x1F, v11  }
0x2a1: {  	v13 =	vor.u32 v3, v12;
	_ =	sdelay $0x1  }
0x2a2: {  	v9 =	vmul.f32 v9, v6;
	_ =	sdelay $0x1  }
0x2a3: {  	[tilespmem:v10+s25+$0x0] =	vst.idx.msk $0xffff, v9  }
0x2a4: {  	v9 =	vld.idx.msk [tilespmem:v13+s25+$0x0], $0xffff;
	_ =	sdelay $0x3  }
0x2a5: {  	v10 =	vor.u32 v11, v2;
	_ =	sdelay $0x1  }
0x2a6: {  	v9 =	vmul.f32 v9, v8;
	_ =	sdelay $0x1  }
0x2a7: {  	[tilespmem:v13+s25+$0x0] =	vst.idx.msk $0xffff, v9  }
0x2a8: {  	v9 =	vld.idx.msk [tilespmem:v10+s25+$0x0], $0xffff;
	_ =	sdelay $0x3  }
0x2a9: {  	v12 =	vor.u32 v12, v4;
	_ =	sdelay $0x1  }
0x2aa: {  	v9 =	vmul.f32 v9, v7;
	_ =	sdelay $0x1  }
0x2ab: {  	[tilespmem:v10+s25+$0x0] =	vst.idx.msk $0xffff, v9  }
0x2ac: {  	v9 =	vld.idx.msk [tilespmem:v12+s25+$0x0], $0xffff;
	_ =	sdelay $0x3  }
0x2ad: {  	v10 =	vor.u32 v11, v1;
	_ =	sdelay $0x1  }
0x2ae: {  	v9 =	vmul.f32 v9, v5;
	_ =	sdelay $0x1  }
0x2af: {  	[tilespmem:v12+s25+$0x0] =	vst.idx.msk $0xffff, v9  }
0x2b0: {  	v9 =	vld.idx.msk [tilespmem:v10+s25+$0x0], $0xffff  }
0x2b1: {  	s15 =	sadd.s32 $0x3, s3;
	s3 =	smov.u32 s17  }
0x2b2: {  	v11 =	vadd.s32 s15, v0  }
0x2b3: {  	v12 =	vand.u32 $0x1F, v11  }
0x2b4: {  	v13 =	vor.u32 v3, v12;
	_ =	sdelay $0x1  }
0x2b5: {  	v9 =	vmul.f32 v9, v6;
	_ =	sdelay $0x1  }
0x2b6: {  	[tilespmem:v10+s25+$0x0] =	vst.idx.msk $0xffff, v9  }
0x2b7: {  	v9 =	vld.idx.msk [tilespmem:v13+s25+$0x0], $0xffff;
	_ =	sdelay $0x3  }
0x2b8: {  	v10 =	vor.u32 v11, v2;
	_ =	sdelay $0x1  }
0x2b9: {  	v9 =	vmul.f32 v9, v8;
	_ =	sdelay $0x1  }
0x2ba: {  	[tilespmem:v13+s25+$0x0] =	vst.idx.msk $0xffff, v9  }
0x2bb: {  	v9 =	vld.idx.msk [tilespmem:v10+s25+$0x0], $0xffff;
	_ =	sdelay $0x3  }
0x2bc: {  	v12 =	vor.u32 v12, v4;
	_ =	sdelay $0x1  }
0x2bd: {  	v9 =	vmul.f32 v9, v7;
	_ =	sdelay $0x1  }
0x2be: {  	[tilespmem:v10+s25+$0x0] =	vst.idx.msk $0xffff, v9  }
0x2bf: {  	v9 =	vld.idx.msk [tilespmem:v12+s25+$0x0], $0xffff;
	_ =	sdelay $0x3  }
0x2c0: {  	v11 =	vor.u32 v11, v1;
	_ =	sdelay $0x1  }
0x2c1: {  	v9 =	vmul.f32 v9, v5;
	_ =	sdelay $0x1  }
0x2c2: {  	[tilespmem:v12+s25+$0x0] =	vst.idx.msk $0xffff, v9  }
0x2c3: {  	v13 =	vld.idx.msk [tilespmem:v11+s25+$0x0], $0xffff;
	_ =	sdelay $0x1  }
.Ltmp4:
0x2c4: {  	v9 =	vadd.s32 s3, v0;
	(pc) =	sbr.rel @p2 .LBB2_12-.Ltmp4, $3  }
0x2c5: {  	v10 =	vand.u32 $0x1F, v9  }
0x2c6: {  	v12 =	vor.u32 v3, v10;
	_ =	sdelay $0x1  }
0x2c7: {  	v13 =	vmul.f32 v13, v6  }
0x2c8: {  	_ =	sdelay $0x3  }
0x2c9: {  	[tilespmem:v11+s25+$0x0] =	vst.idx.msk $0xffff, v13  }
0x2ca: {  	v11 =	vld.idx.msk [tilespmem:v12+s25+$0x0], $0xffff;
	_ =	sdelay $0x2  }
0x2cb: {  	v48 =	vor.u32 v9, v2;
	_ =	sdelay $0x1  }
0x2cc: {  	v11 =	vmul.f32 v11, v8;
	_ =	sdelay $0x1  }
0x2cd: {  	[tilespmem:v12+s25+$0x0] =	vst.idx.msk $0xffff, v11  }
0x2ce: {  	v11 =	vld.idx.msk [tilespmem:v48+s25+$0x0], $0xffff;
	_ =	sdelay $0x2  }
0x2cf: {  	v10 =	vor.u32 v10, v4;
	_ =	sdelay $0x1  }
0x2d0: {  	v11 =	vmul.f32 v11, v7;
	_ =	sdelay $0x1  }
0x2d1: {  	[tilespmem:v48+s25+$0x0] =	vst.idx.msk $0xffff, v11  }
0x2d2: {  	v11 =	vld.idx.msk [tilespmem:v10+s25+$0x0], $0xffff;
	_ =	sdelay $0x2  }
0x2d3: {  	v49 =	vor.u32 v9, v1;
	_ =	sdelay $0x1  }
0x2d4: {  	v11 =	vmul.f32 v11, v5;
	_ =	sdelay $0x1  }
0x2d5: {  	[tilespmem:v10+s25+$0x0] =	vst.idx.msk $0xffff, v11  }
0x2d6: {  	s11 =	sadd.s32 $0x1, s3;
	v10 =	vld.idx.msk [tilespmem:v49+s25+$0x0], $0xffff  }
0x2d7: {  	v50 =	vadd.s32 s11, v0  }
0x2d8: {  	v51 =	vand.u32 $0x1F, v50  }
0x2d9: {  	v52 =	vor.u32 v3, v51;
	_ =	sdelay $0x1  }
0x2da: {  	v10 =	vmul.f32 v10, v6;
	_ =	sdelay $0x1  }
0x2db: {  	[tilespmem:v49+s25+$0x0] =	vst.idx.msk $0xffff, v10  }
0x2dc: {  	v9 =	vld.idx.msk [tilespmem:v52+s25+$0x0], $0xffff;
	_ =	sdelay $0x2  }
0x2dd: {  	v53 =	vor.u32 v50, v2;
	_ =	sdelay $0x1  }
0x2de: {  	v9 =	vmul.f32 v9, v8;
	_ =	sdelay $0x1  }
0x2df: {  	[tilespmem:v52+s25+$0x0] =	vst.idx.msk $0xffff, v9  }
0x2e0: {  	v9 =	vld.idx.msk [tilespmem:v53+s25+$0x0], $0xffff;
	_ =	sdelay $0x2  }
0x2e1: {  	v12 =	vor.u32 v51, v4;
	_ =	sdelay $0x1  }
0x2e2: {  	v9 =	vmul.f32 v9, v7;
	_ =	sdelay $0x1  }
0x2e3: {  	[tilespmem:v53+s25+$0x0] =	vst.idx.msk $0xffff, v9  }
0x2e4: {  	v9 =	vld.idx.msk [tilespmem:v12+s25+$0x0], $0xffff;
	_ =	sdelay $0x2  }
0x2e5: {  	v54 =	vor.u32 v50, v1;
	_ =	sdelay $0x1  }
0x2e6: {  	v9 =	vmul.f32 v9, v5;
	_ =	sdelay $0x1  }
0x2e7: {  	[tilespmem:v12+s25+$0x0] =	vst.idx.msk $0xffff, v9  }
0x2e8: {  	s17 =	sadd.s32 $0x2, s3;
	v9 =	vld.idx.msk [tilespmem:v54+s25+$0x0], $0xffff  }
0x2e9: {  	v55 =	vadd.s32 s17, v0  }
0x2ea: {  	v56 =	vand.u32 $0x1F, v55  }
0x2eb: {  	v57 =	vor.u32 v3, v56;
	_ =	sdelay $0x1  }
0x2ec: {  	v9 =	vmul.f32 v9, v6;
	_ =	sdelay $0x1  }
0x2ed: {  	[tilespmem:v54+s25+$0x0] =	vst.idx.msk $0xffff, v9  }
0x2ee: {  	v9 =	vld.idx.msk [tilespmem:v57+s25+$0x0], $0xffff;
	_ =	sdelay $0x2  }
0x2ef: {  	v58 =	vor.u32 v55, v2;
	_ =	sdelay $0x1  }
0x2f0: {  	v9 =	vmul.f32 v9, v8;
	_ =	sdelay $0x1  }
0x2f1: {  	[tilespmem:v57+s25+$0x0] =	vst.idx.msk $0xffff, v9  }
0x2f2: {  	v9 =	vld.idx.msk [tilespmem:v58+s25+$0x0], $0xffff;
	_ =	sdelay $0x2  }
0x2f3: {  	v12 =	vor.u32 v56, v4;
	_ =	sdelay $0x1  }
0x2f4: {  	v9 =	vmul.f32 v9, v7;
	_ =	sdelay $0x1  }
0x2f5: {  	[tilespmem:v58+s25+$0x0] =	vst.idx.msk $0xffff, v9  }
0x2f6: {  	v9 =	vld.idx.msk [tilespmem:v12+s25+$0x0], $0xffff;
	_ =	sdelay $0x2  }
0x2f7: {  	v59 =	vor.u32 v55, v1;
	_ =	sdelay $0x1  }
0x2f8: {  	v9 =	vmul.f32 v9, v5;
	_ =	sdelay $0x1  }
0x2f9: {  	[tilespmem:v12+s25+$0x0] =	vst.idx.msk $0xffff, v9  }
0x2fa: {  	s31 =	sadd.s32 $0x3, s3;
	v9 =	vld.idx.msk [tilespmem:v59+s25+$0x0], $0xffff  }
0x2fb: {  	v60 =	vadd.s32 s31, v0  }
0x2fc: {  	v61 =	vand.u32 $0x1F, v60  }
0x2fd: {  	v3 =	vor.u32 v3, v61;
	_ =	sdelay $0x1  }
0x2fe: {  	v9 =	vmul.f32 v9, v6;
	_ =	sdelay $0x1  }
0x2ff: {  	[tilespmem:v59+s25+$0x0] =	vst.idx.msk $0xffff, v9  }
0x300: {  	v9 =	vld.idx.msk [tilespmem:v3+s25+$0x0], $0xffff;
	_ =	sdelay $0x2  }
0x301: {  	v2 =	vor.u32 v60, v2;
	_ =	sdelay $0x1  }
0x302: {  	v62 =	vmul.f32 v9, v8;
	_ =	sdelay $0x1  }
0x303: {  	[tilespmem:v3+s25+$0x0] =	vst.idx.msk $0xffff, v62  }
0x304: {  	v3 =	vld.idx.msk [tilespmem:v2+s25+$0x0], $0xffff;
	_ =	sdelay $0x2  }
0x305: {  	v63 =	vor.u32 v61, v4;
	_ =	sdelay $0x1  }
0x306: {  	v3 =	vmul.f32 v3, v7;
	_ =	sdelay $0x1  }
0x307: {  	[tilespmem:v2+s25+$0x0] =	vst.idx.msk $0xffff, v3  }
0x308: {  	v2 =	vld.idx.msk [tilespmem:v63+s25+$0x0], $0xffff;
	_ =	sdelay $0x2  }
0x309: {  	v1 =	vor.u32 v60, v1;
	_ =	sdelay $0x1  }
0x30a: {  	v2 =	vmul.f32 v2, v5;
	_ =	sdelay $0x1  }
0x30b: {  	[tilespmem:v63+s25+$0x0] =	vst.idx.msk $0xffff, v2  }
0x30c: {  	v2 =	vld.idx.msk [tilespmem:v1+s25+$0x0], $0xffff;
	_ =	sdelay $0x2  }
.Ltmp5:
0x30d: {  	_ = 	snop;
	(pc) =	sbr.rel @p1 .LBB2_9-.Ltmp5, $3  }
0x30e: {  	_ = 	snop  }
0x30f: {  	v2 =	vmul.f32 v2, v6;
	_ =	sdelay $0x1  }
0x310: {  	s3 =	simm.s32 $0x10;
	p2 =	por $0x0, $0x0;
	[tilespmem:v1+s25+$0x0] =	vst.idx.msk $0xffff, v2  }
0x311: {  	s1 =	rddreg [dreg:$0x2];
	s3 =	simm.s32 $0xA0  }
0x312: {  	[spmem:s1] =	stream.indirect.scatter.add.f32 [tilespmem:s13], [sflag:$0xC], $0x10, s3, s16, $0xb8;
	[tilespmem:$0x1C4D8] =	vst v63  }
0x313: {  	s31 =	rddreg [dreg:$0x3];
	s11 =	simm.s32 $0xC  }
0x314: {  	[spmem:s31] =	stream.indirect.scatter.add.f32 [tilespmem:s25], [sflag:$0xE], $0x80, s3, s16, $0xb8;
	[tilespmem:$0x1C4D8] =	vst v63  }
0x315: {  	_ =	swait.ge [sflag:s11], $0x200  }
0x316: {  	[sflag:s11] =	ssyncset.done $0x0  }
0x317: {  	s15 =	simm.s32 $0xE;
	[sflag:s11] =	ssyncadd.s32 $0xFFFFFE00  }
0x318: {  	_ =	swait.ge [sflag:s15], $0x1000  }
0x319: {  	[sflag:s15] =	ssyncset.done $0x0  }
0x31a: {  	[sflag:s15] =	ssyncadd.s32 $0xFFFFF000  }
0x31b: {  	_ =	swait.ge [sflag:s26], $0x20  }
0x31c: {  	[sflag:s26] =	ssyncset.done $0x0  }
0x31d: {  	[sflag:s26] =	ssyncadd.s32 $0xFFFFFFE0  }
0x31e: {  	_ =	swait.ge [sflag:s26], $0x20  }
0x31f: {  	[sflag:s26] =	ssyncset.done $0x0  }
0x320: {  	s17 =	rddreg [dreg:$0x19];
	[sflag:s26] =	ssyncadd.s32 $0xFFFFFFE0  }
0x321: {  	[tilespmem:s23], [sflag:$0x6] =	stream.indirect.gather [hbm4b:s28+s16], $0x80, s10, s16, $0xb8;
	[tilespmem:$0x1C4D8] =	vst v63  }
0x322: {  	s1 =	sadd.s32 s17, s2  }
0x323: {  	[tilespmem:s24], [sflag:$0x8] =	stream.indirect.gather [hbm4b:s6+s16], $0x80, s0, s16, $0xb8;
	[tilespmem:$0x1C4D8] =	vst v63  }
0x324: {  	s31 =	sshll.u32 s1, $0x2  }
0x325: {  	[tilespmem:s25], [sflag:$0xA] =	stream.indirect.gather [hbm4b:s7+s16], $0x80, s10, s16, $0xb8;
	[tilespmem:$0x1C4D8] =	vst v63  }
0x326: {  	s1 =	simm.s32 $0x0;
	s11 =	sadd.s32 s8, s31  }
0x327: {  	[tilespmem:s1], [sflag:$0x1] =	stream.linear.gather [hbm4b:s11+s1], $0x20, $0x38;
	[tilespmem:$0x1C4D8] =	vst v63  }
0x328: {  	s3 =	sadd.s32 s9, s31  }
0x329: {  	[tilespmem:s5], [sflag:$0x1] =	stream.linear.gather [hbm4b:s3+s1], $0x20, $0x38;
	[tilespmem:$0x1C4D8] =	vst v63  }
0x32a: {  	_ =	swait.ge [sflag:s29], $0x1000  }
0x32b: {  	[sflag:s29] =	ssyncset.done $0x0  }
0x32c: {  	[sflag:s29] =	ssyncadd.s32 $0xFFFFF000  }
0x32d: {  	_ =	swait.ge [sflag:s30], $0x1000  }
0x32e: {  	s14 =	simm.s32 $0xA0;
	[sflag:s30] =	ssyncset.done $0x0  }
0x32f: {  	p2 =	por $0x1, $0x1;
	s3 =	simm.s32 $0x0;
	[sflag:s30] =	ssyncadd.s32 $0xFFFFF000  }
.LBB2_15:
0x330: {  	v5 =	vor.u32 s3, v0;
	v4 =	vadd.s32 s1, v0  }
0x331: {  	v3 =	vshll.u32 v5, $0x7;
	v21 =	vand.u32 $0x1F, v4  }
0x332: {  	v28 =	vor.u32 v3, v21  }
0x333: {  	v2 =	vor.u32 $0x20, v3  }
0x334: {  	v7 =	vor.u32 v4, v2  }
0x335: {  	v1 =	vor.u32 $0x60, v3  }
0x336: {  	s15 =	simm.s32 $0x3;
	v10 =	vor.u32 v4, v1  }
0x337: {  	v16 =	vadd.s32 s15, v0;
	v26 =	vld.idx.msk [tilespmem:v28+s19+$0x0], $0xffff  }
0x338: {  	v13 =	vor.u32 v16, v2;
	v28 =	vld.idx.msk [tilespmem:v28+s20+$0x0], $0xffff  }
0x339: {  	v6 =	vld.idx.msk [tilespmem:v7+s19+$0x0], $0xffff  }
0x33a: {  	s17 =	simm.s32 $0x2;
	v15 =	vor.u32 v16, v1;
	v8 =	vld.idx.msk [tilespmem:v7+s20+$0x0], $0xffff  }
0x33b: {  	v18 =	vadd.s32 s17, v0;
	v9 =	vld.idx.msk [tilespmem:v10+s19+$0x0], $0xffff  }
0x33c: {  	v17 =	vor.u32 v18, v2;
	v12 =	vld.idx.msk [tilespmem:v10+s20+$0x0], $0xffff  }
0x33d: {  	v11 =	vld.idx.msk [tilespmem:v13+s19+$0x0], $0xffff  }
0x33e: {  	s31 =	simm.s32 $0x1;
	v19 =	vor.u32 v18, v1;
	v14 =	vld.idx.msk [tilespmem:v13+s20+$0x0], $0xffff  }
0x33f: {  	v27 =	vadd.s32 s31, v0;
	v7 =	vld.idx.msk [tilespmem:v15+s19+$0x0], $0xffff  }
0x340: {  	v23 =	vor.u32 v27, v1;
	v10 =	vld.idx.msk [tilespmem:v15+s20+$0x0], $0xffff  }
0x341: {  	v4 =	vor.u32 $0x40, v3;
	v20 =	vld.idx.msk [tilespmem:v17+s19+$0x0], $0xffff  }
0x342: {  	v30 =	vor.u32 v21, v4;
	v22 =	vld.idx.msk [tilespmem:v17+s20+$0x0], $0xffff  }
0x343: {  	v13 =	vor.u32 v27, v2;
	v15 =	vld.idx.msk [tilespmem:v19+s19+$0x0], $0xffff  }
0x344: {  	v17 =	vld.idx.msk [tilespmem:v19+s20+$0x0], $0xffff  }
0x345: {  	v29 =	vand.u32 $0x1F, v16;
	v21 =	vld.idx.msk [tilespmem:v23+s19+$0x0], $0xffff  }
0x346: {  	v33 =	vor.u32 v3, v29;
	v23 =	vld.idx.msk [tilespmem:v23+s20+$0x0], $0xffff  }
0x347: {  	v31 =	vand.u32 $0x1F, v18;
	v34 =	vand.u32 $0x1F, v27;
	v27 =	vld.idx.msk [tilespmem:v30+s19+$0x0], $0xffff  }
0x348: {  	v32 =	vor.u32 v3, v31;
	v18 =	vimm.f32 $0.0e+00;
	v24 =	vld.idx.msk [tilespmem:v13+s19+$0x0], $0xffff  }
0x349: {  	p1 =	por p2, p2;
	s3 =	simm.s32 $0x4;
	v16 =	vimm.f32 $0.0e+00;
	v19 =	vimm.f32 $0.0e+00;
	v25 =	vld.idx.msk [tilespmem:v13+s20+$0x0], $0xffff;
	v13 =	vimm.f32 $0.0e+00  }
.LBB2_16:
0x34a: {  	p2 =	slt.u32 s3, $0x1C;
	v30 =	vld.idx.msk [tilespmem:v30+s20+$0x0], $0xffff;
	v35 =	vor.u32 v3, v34  }
0x34b: {  	v36 =	vld.idx.msk [tilespmem:v33+s19+$0x0], $0xffff  }
0x34c: {  	v34 =	vor.u32 v34, v4;
	v33 =	vld.idx.msk [tilespmem:v33+s20+$0x0], $0xffff  }
0x34d: {  	v37 =	vld.idx.msk [tilespmem:v32+s19+$0x0], $0xffff  }
0x34e: {  	v31 =	vor.u32 v31, v4;
	v32 =	vld.idx.msk [tilespmem:v32+s20+$0x0], $0xffff  }
0x34f: {  	v38 =	vld.idx.msk [tilespmem:v35+s19+$0x0], $0xffff  }
0x350: {  	v39 =	vadd.s32 s3, v0;
	s11 =	sadd.s32 $0x2, s3;
	s15 =	sadd.s32 $0x3, s3;
	v29 =	vor.u32 v29, v4;
	v35 =	vld.idx.msk [tilespmem:v35+s20+$0x0], $0xffff  }
0x351: {  	v40 =	vor.u32 v39, v2;
	v41 =	vadd.s32 s11, v0;
	v42 =	vadd.s32 s15, v0;
	v43 =	vld.idx.msk [tilespmem:v34+s19+$0x0], $0xffff  }
0x352: {  	v8 =	vmul.f32 v8, v6;
	v9 =	vmul.f32 v12, v9;
	v44 =	vor.u32 v39, v1;
	v12 =	vld.idx.msk [tilespmem:v34+s20+$0x0], $0xffff  }
0x353: {  	v46 =	vmul.f32 v14, v11;
	v47 =	vmul.f32 v10, v7;
	v34 =	vor.u32 v42, v2;
	v45 =	vld.idx.msk [tilespmem:v31+s19+$0x0], $0xffff  }
0x354: {  	v7 =	vmul.f32 v22, v20;
	v15 =	vmul.f32 v17, v15;
	v10 =	vor.u32 v42, v1;
	v11 =	vld.idx.msk [tilespmem:v31+s20+$0x0], $0xffff  }
0x355: {  	v20 =	vmul.f32 v25, v24;
	v17 =	vor.u32 v41, v2;
	v14 =	vmul.f32 v28, v26;
	v22 =	vld.idx.msk [tilespmem:v29+s19+$0x0], $0xffff  }
0x356: {  	v21 =	vmul.f32 v23, v21;
	v24 =	vor.u32 v41, v1;
	v25 =	vmul.f32 v30, v27;
	v23 =	vld.idx.msk [tilespmem:v29+s20+$0x0], $0xffff  }
0x357: {  	v13 =	vadd.f32 v14, v13;
	v14 =	vadd.f32 v8, v18;
	v18 =	vmul.f32 v35, v38;
	v6 =	vld.idx.msk [tilespmem:v40+s19+$0x0], $0xffff  }
0x358: {  	v16 =	vadd.f32 v9, v16;
	v19 =	vadd.f32 v25, v19;
	v25 =	vmul.f32 v12, v43;
	v8 =	vld.idx.msk [tilespmem:v40+s20+$0x0], $0xffff  }
0x359: {  	v14 =	vadd.f32 v20, v14;
	v13 =	vadd.f32 v18, v13;
	v18 =	vmul.f32 v32, v37;
	v9 =	vld.idx.msk [tilespmem:v44+s19+$0x0], $0xffff  }
0x35a: {  	v16 =	vadd.f32 v21, v16;
	v19 =	vadd.f32 v25, v19;
	v20 =	vmul.f32 v11, v45;
	v12 =	vld.idx.msk [tilespmem:v44+s20+$0x0], $0xffff  }
0x35b: {  	v21 =	vmul.f32 v33, v36;
	v13 =	vadd.f32 v18, v13;
	v18 =	vadd.f32 v7, v14;
	v11 =	vld.idx.msk [tilespmem:v34+s19+$0x0], $0xffff  }
0x35c: {  	s11 =	sadd.s32 $0x1, s3;
	v15 =	vadd.f32 v15, v16;
	v19 =	vadd.f32 v20, v19;
	v16 =	vmul.f32 v23, v22;
	v14 =	vld.idx.msk [tilespmem:v34+s20+$0x0], $0xffff  }
0x35d: {  	v13 =	vadd.f32 v21, v13;
	v18 =	vadd.f32 v46, v18;
	v34 =	vadd.s32 s11, v0;
	v7 =	vld.idx.msk [tilespmem:v10+s19+$0x0], $0xffff  }
0x35e: {  	v21 =	vor.u32 v34, v2;
	v19 =	vadd.f32 v16, v19;
	v16 =	vadd.f32 v47, v15;
	v10 =	vld.idx.msk [tilespmem:v10+s20+$0x0], $0xffff  }
0x35f: {  	v20 =	vld.idx.msk [tilespmem:v17+s19+$0x0], $0xffff  }
0x360: {  	v23 =	vor.u32 v34, v1;
	v22 =	vld.idx.msk [tilespmem:v17+s20+$0x0], $0xffff  }
0x361: {  	v25 =	vand.u32 $0x1F, v39;
	v15 =	vld.idx.msk [tilespmem:v24+s19+$0x0], $0xffff  }
0x362: {  	v27 =	vor.u32 v3, v25;
	v17 =	vld.idx.msk [tilespmem:v24+s20+$0x0], $0xffff  }
0x363: {  	v24 =	vld.idx.msk [tilespmem:v21+s19+$0x0], $0xffff  }
0x364: {  	v30 =	vor.u32 v25, v4;
	v25 =	vld.idx.msk [tilespmem:v21+s20+$0x0], $0xffff  }
.Ltmp6:
0x365: {  	v29 =	vand.u32 $0x1F, v42;
	v21 =	vld.idx.msk [tilespmem:v23+s19+$0x0], $0xffff;
	(pc) =	sbr.rel @p2 .LBB2_16-.Ltmp6, $4  }
0x366: {  	v33 =	vor.u32 v3, v29;
	v23 =	vld.idx.msk [tilespmem:v23+s20+$0x0], $0xffff  }
0x367: {  	v31 =	vand.u32 $0x1F, v41;
	v26 =	vld.idx.msk [tilespmem:v27+s19+$0x0], $0xffff  }
0x368: {  	v32 =	vor.u32 v3, v31;
	v28 =	vld.idx.msk [tilespmem:v27+s20+$0x0], $0xffff  }
0x369: {  	s3 =	sadd.s32 $0x4, s3;
	v34 =	vand.u32 $0x1F, v34;
	v27 =	vld.idx.msk [tilespmem:v30+s19+$0x0], $0xffff  }
0x36a: {  	_ =	sdelay $0x2  }
0x36b: {  	v35 =	vor.u32 v3, v34  }
0x36c: {  	v30 =	vld.idx.msk [tilespmem:v30+s20+$0x0], $0xffff  }
0x36d: {  	v36 =	vld.idx.msk [tilespmem:v33+s19+$0x0], $0xffff;
	v54 =	vor.u32 v34, v4  }
0x36e: {  	v37 =	vld.idx.msk [tilespmem:v32+s19+$0x0], $0xffff  }
0x36f: {  	v31 =	vor.u32 v31, v4;
	v56 =	vld.idx.msk [tilespmem:v32+s20+$0x0], $0xffff  }
0x370: {  	v38 =	vld.idx.msk [tilespmem:v35+s19+$0x0], $0xffff  }
0x371: {  	v35 =	vld.idx.msk [tilespmem:v35+s20+$0x0], $0xffff  }
0x372: {  	v29 =	vor.u32 v29, v4;
	v39 =	vld.idx.msk [tilespmem:v54+s19+$0x0], $0xffff  }
0x373: {  	v34 =	vld.idx.msk [tilespmem:v54+s20+$0x0], $0xffff  }
0x374: {  	v6 =	vmul.f32 v8, v6;
	v8 =	vmul.f32 v12, v9;
	v9 =	vld.idx.msk [tilespmem:v31+s19+$0x0], $0xffff  }
0x375: {  	v11 =	vmul.f32 v14, v11;
	v12 =	vmul.f32 v28, v26;
	v57 =	vld.idx.msk [tilespmem:v31+s20+$0x0], $0xffff  }
0x376: {  	v55 =	vld.idx.msk [tilespmem:v33+s20+$0x0], $0xffff;
	v14 =	vmul.f32 v22, v20;
	v58 =	vmul.f32 v30, v27  }
0x377: {  	v24 =	vmul.f32 v25, v24;
	v59 =	vld.idx.msk [tilespmem:v29+s19+$0x0], $0xffff;
	v12 =	vadd.f32 v12, v13;
	v13 =	vmul.f32 v35, v38  }
0x378: {  	v63 =	vmul.f32 v23, v21;
	v6 =	vadd.f32 v6, v18;
	v60 =	vld.idx.msk [tilespmem:v29+s20+$0x0], $0xffff;
	v61 =	vadd.f32 v58, v19  }
0x379: {  	v62 =	vmul.f32 v34, v39;
	v12 =	vadd.f32 v13, v12;
	v13 =	vmul.f32 v56, v37  }
0x37a: {  	v8 =	vadd.f32 v8, v16;
	v6 =	vadd.f32 v24, v6;
	v9 =	vmul.f32 v57, v9  }
0x37b: {  	v18 =	vadd.f32 v62, v61;
	v12 =	vadd.f32 v13, v12;
	v13 =	vmul.f32 v55, v36  }
0x37c: {  	v15 =	vmul.f32 v17, v15;
	v8 =	vadd.f32 v63, v8;
	v6 =	vadd.f32 v14, v6  }
0x37d: {  	v14 =	vmul.f32 v60, v59;
	v9 =	vadd.f32 v9, v18;
	v12 =	vadd.f32 v13, v12  }
0x37e: {  	v7 =	vmul.f32 v10, v7;
	v8 =	vadd.f32 v15, v8;
	v6 =	vadd.f32 v11, v6  }
0x37f: {  	v9 =	vadd.f32 v14, v9;
	v10 =	vmul.f32 $1.442695020e+00, v12  }
0x380: {  	v7 =	vadd.f32 v7, v8;
	v6 =	vmul.f32 $1.442695020e+00, v6  }
0x381: {  	v8 =	vmul.f32 $1.442695020e+00, v9;
	(erf) = vpow2.f32 v10  }
0x382: {  	(erf) = vpow2.f32 v6;
	v6 =	vmul.f32 $1.442695020e+00, v7  }
0x383: {  	(erf) = vpow2.f32 v8  }
0x384: {  	(erf) = vpow2.f32 v6;
	_ =	sdelay $0x1  }
0x385: {  	v5 =	vshll.u32 v5, $0x4  }
0x386: {  	v6 =	vor.u32 $0x1, v5  }
0x387: {  	v9 =	vor.u32 $0x2, v5  }
0x388: {  	v10 =	vor.u32 $0x3, v5  }
0x389: {  	s3 =	simm.s32 $0x0;
	v8 =	vpop (erf)  }
0x38a: {  	v11 =	vadd.s32 s3, v0;
	v7 =	vpop (erf);
	[tilespmem:v5+s12+$0x0] =	vst.idx.msk $0xffff, v8  }
0x38b: {  	v12 =	vand.u32 $0x1F, v11;
	v5 =	vpop (erf);
	[tilespmem:v6+s12+$0x0] =	vst.idx.msk $0xffff, v7  }
0x38c: {  	v6 =	vpop (erf);
	[tilespmem:v9+s12+$0x0] =	vst.idx.msk $0xffff, v5;
	v9 =	vor.u32 v3, v12  }
0x38d: {  	s3 =	simm.s32 @p1 $0x9;
	[tilespmem:v10+s12+$0x0] =	vst.idx.msk $0xffff, v6  }
0x38e: {  	_ =	swait.ge @p1 [sflag:s3], $0x1000  }
0x38f: {  	[sflag:s3] =	ssyncset.done @p1 $0x0  }
0x390: {  	[sflag:s3] =	ssyncadd.s32 @p1 $0xFFFFF000  }
0x391: {  	v10 =	vld.idx.msk [tilespmem:v9+s21+$0x0], $0xffff;
	_ =	sdelay $0x2  }
0x392: {  	v13 =	vor.u32 v11, v2;
	_ =	sdelay $0x1  }
0x393: {  	v10 =	vmul.f32 v10, v8;
	_ =	sdelay $0x1  }
0x394: {  	[tilespmem:v9+s21+$0x0] =	vst.idx.msk $0xffff, v10  }
0x395: {  	v9 =	vld.idx.msk [tilespmem:v13+s21+$0x0], $0xffff;
	_ =	sdelay $0x2  }
0x396: {  	v10 =	vor.u32 v12, v4;
	_ =	sdelay $0x1  }
0x397: {  	v9 =	vmul.f32 v9, v7;
	_ =	sdelay $0x1  }
0x398: {  	[tilespmem:v13+s21+$0x0] =	vst.idx.msk $0xffff, v9  }
0x399: {  	v9 =	vld.idx.msk [tilespmem:v10+s21+$0x0], $0xffff;
	_ =	sdelay $0x2  }
0x39a: {  	v11 =	vor.u32 v11, v1;
	_ =	sdelay $0x1  }
0x39b: {  	v9 =	vmul.f32 v9, v5;
	_ =	sdelay $0x1  }
0x39c: {  	[tilespmem:v10+s21+$0x0] =	vst.idx.msk $0xffff, v9  }
0x39d: {  	s15 =	simm.s32 $0x1;
	v9 =	vld.idx.msk [tilespmem:v11+s21+$0x0], $0xffff  }
0x39e: {  	v10 =	vadd.s32 s15, v0  }
0x39f: {  	v12 =	vand.u32 $0x1F, v10  }
0x3a0: {  	v13 =	vor.u32 v3, v12;
	_ =	sdelay $0x1  }
0x3a1: {  	v9 =	vmul.f32 v9, v6;
	_ =	sdelay $0x1  }
0x3a2: {  	[tilespmem:v11+s21+$0x0] =	vst.idx.msk $0xffff, v9  }
0x3a3: {  	v9 =	vld.idx.msk [tilespmem:v13+s21+$0x0], $0xffff;
	_ =	sdelay $0x2  }
0x3a4: {  	v11 =	vor.u32 v10, v2;
	_ =	sdelay $0x1  }
0x3a5: {  	v9 =	vmul.f32 v9, v8;
	_ =	sdelay $0x1  }
0x3a6: {  	[tilespmem:v13+s21+$0x0] =	vst.idx.msk $0xffff, v9  }
0x3a7: {  	v9 =	vld.idx.msk [tilespmem:v11+s21+$0x0], $0xffff;
	_ =	sdelay $0x2  }
0x3a8: {  	v12 =	vor.u32 v12, v4;
	_ =	sdelay $0x1  }
0x3a9: {  	v9 =	vmul.f32 v9, v7;
	_ =	sdelay $0x1  }
0x3aa: {  	[tilespmem:v11+s21+$0x0] =	vst.idx.msk $0xffff, v9  }
0x3ab: {  	v9 =	vld.idx.msk [tilespmem:v12+s21+$0x0], $0xffff;
	_ =	sdelay $0x2  }
0x3ac: {  	v10 =	vor.u32 v10, v1;
	_ =	sdelay $0x1  }
0x3ad: {  	v9 =	vmul.f32 v9, v5;
	_ =	sdelay $0x1  }
0x3ae: {  	[tilespmem:v12+s21+$0x0] =	vst.idx.msk $0xffff, v9  }
0x3af: {  	s17 =	simm.s32 $0x2;
	v9 =	vld.idx.msk [tilespmem:v10+s21+$0x0], $0xffff  }
0x3b0: {  	v11 =	vadd.s32 s17, v0  }
0x3b1: {  	v12 =	vand.u32 $0x1F, v11  }
0x3b2: {  	v13 =	vor.u32 v3, v12;
	_ =	sdelay $0x1  }
0x3b3: {  	v9 =	vmul.f32 v9, v6;
	_ =	sdelay $0x1  }
0x3b4: {  	[tilespmem:v10+s21+$0x0] =	vst.idx.msk $0xffff, v9  }
0x3b5: {  	v9 =	vld.idx.msk [tilespmem:v13+s21+$0x0], $0xffff;
	_ =	sdelay $0x2  }
0x3b6: {  	v10 =	vor.u32 v11, v2;
	_ =	sdelay $0x1  }
0x3b7: {  	v9 =	vmul.f32 v9, v8;
	_ =	sdelay $0x1  }
0x3b8: {  	[tilespmem:v13+s21+$0x0] =	vst.idx.msk $0xffff, v9  }
0x3b9: {  	v9 =	vld.idx.msk [tilespmem:v10+s21+$0x0], $0xffff;
	_ =	sdelay $0x2  }
0x3ba: {  	v12 =	vor.u32 v12, v4;
	_ =	sdelay $0x1  }
0x3bb: {  	v9 =	vmul.f32 v9, v7;
	_ =	sdelay $0x1  }
0x3bc: {  	[tilespmem:v10+s21+$0x0] =	vst.idx.msk $0xffff, v9  }
0x3bd: {  	v9 =	vld.idx.msk [tilespmem:v12+s21+$0x0], $0xffff;
	_ =	sdelay $0x2  }
0x3be: {  	v10 =	vor.u32 v11, v1;
	_ =	sdelay $0x1  }
0x3bf: {  	v9 =	vmul.f32 v9, v5;
	_ =	sdelay $0x1  }
0x3c0: {  	[tilespmem:v12+s21+$0x0] =	vst.idx.msk $0xffff, v9  }
0x3c1: {  	s31 =	simm.s32 $0x3;
	v9 =	vld.idx.msk [tilespmem:v10+s21+$0x0], $0xffff  }
0x3c2: {  	v11 =	vadd.s32 s31, v0  }
0x3c3: {  	v12 =	vand.u32 $0x1F, v11  }
0x3c4: {  	v13 =	vor.u32 v3, v12;
	_ =	sdelay $0x1  }
0x3c5: {  	v9 =	vmul.f32 v9, v6;
	_ =	sdelay $0x1  }
0x3c6: {  	[tilespmem:v10+s21+$0x0] =	vst.idx.msk $0xffff, v9  }
0x3c7: {  	v9 =	vld.idx.msk [tilespmem:v13+s21+$0x0], $0xffff;
	_ =	sdelay $0x2  }
0x3c8: {  	v10 =	vor.u32 v11, v2;
	_ =	sdelay $0x1  }
0x3c9: {  	v9 =	vmul.f32 v9, v8;
	_ =	sdelay $0x1  }
0x3ca: {  	[tilespmem:v13+s21+$0x0] =	vst.idx.msk $0xffff, v9  }
0x3cb: {  	v9 =	vld.idx.msk [tilespmem:v10+s21+$0x0], $0xffff;
	_ =	sdelay $0x2  }
0x3cc: {  	v12 =	vor.u32 v12, v4;
	_ =	sdelay $0x1  }
0x3cd: {  	v9 =	vmul.f32 v9, v7;
	_ =	sdelay $0x1  }
0x3ce: {  	[tilespmem:v10+s21+$0x0] =	vst.idx.msk $0xffff, v9  }
0x3cf: {  	v9 =	vld.idx.msk [tilespmem:v12+s21+$0x0], $0xffff;
	_ =	sdelay $0x2  }
0x3d0: {  	v11 =	vor.u32 v11, v1;
	_ =	sdelay $0x1  }
0x3d1: {  	v9 =	vmul.f32 v9, v5;
	_ =	sdelay $0x1  }
0x3d2: {  	[tilespmem:v12+s21+$0x0] =	vst.idx.msk $0xffff, v9  }
0x3d3: {  	s3 =	simm.s32 $0x4;
	v13 =	vld.idx.msk [tilespmem:v11+s21+$0x0], $0xffff  }
0x3d4: {  	v9 =	vadd.s32 s3, v0  }
0x3d5: {  	v10 =	vand.u32 $0x1F, v9  }
0x3d6: {  	v12 =	vor.u32 v3, v10;
	_ =	sdelay $0x1  }
0x3d7: {  	s11 =	simm.s32 $0x8;
	v13 =	vmul.f32 v13, v6  }
.LBB2_18:
0x3d8: {  	_ = 	snop  }
0x3d9: {  	p2 =	slt.u32 s11, $0x1C;
	s17 =	smov.u32 s11;
	s11 =	sadd.s32 $0x4, s11;
	[tilespmem:v11+s21+$0x0] =	vst.idx.msk $0xffff, v13  }
0x3da: {  	v11 =	vld.idx.msk [tilespmem:v12+s21+$0x0], $0xffff;
	_ =	sdelay $0x3  }
0x3db: {  	v13 =	vor.u32 v9, v2;
	_ =	sdelay $0x1  }
0x3dc: {  	v11 =	vmul.f32 v11, v8;
	_ =	sdelay $0x1  }
0x3dd: {  	[tilespmem:v12+s21+$0x0] =	vst.idx.msk $0xffff, v11  }
0x3de: {  	v11 =	vld.idx.msk [tilespmem:v13+s21+$0x0], $0xffff;
	_ =	sdelay $0x3  }
0x3df: {  	v10 =	vor.u32 v10, v4;
	_ =	sdelay $0x1  }
0x3e0: {  	v11 =	vmul.f32 v11, v7;
	_ =	sdelay $0x1  }
0x3e1: {  	[tilespmem:v13+s21+$0x0] =	vst.idx.msk $0xffff, v11  }
0x3e2: {  	v11 =	vld.idx.msk [tilespmem:v10+s21+$0x0], $0xffff;
	_ =	sdelay $0x3  }
0x3e3: {  	v9 =	vor.u32 v9, v1;
	_ =	sdelay $0x1  }
0x3e4: {  	v11 =	vmul.f32 v11, v5;
	_ =	sdelay $0x1  }
0x3e5: {  	[tilespmem:v10+s21+$0x0] =	vst.idx.msk $0xffff, v11  }
0x3e6: {  	v10 =	vld.idx.msk [tilespmem:v9+s21+$0x0], $0xffff  }
0x3e7: {  	s15 =	sadd.s32 $0x1, s3  }
0x3e8: {  	v11 =	vadd.s32 s15, v0  }
0x3e9: {  	v12 =	vand.u32 $0x1F, v11  }
0x3ea: {  	v13 =	vor.u32 v3, v12;
	_ =	sdelay $0x1  }
0x3eb: {  	v10 =	vmul.f32 v10, v6;
	_ =	sdelay $0x1  }
0x3ec: {  	[tilespmem:v9+s21+$0x0] =	vst.idx.msk $0xffff, v10  }
0x3ed: {  	v9 =	vld.idx.msk [tilespmem:v13+s21+$0x0], $0xffff;
	_ =	sdelay $0x3  }
0x3ee: {  	v10 =	vor.u32 v11, v2;
	_ =	sdelay $0x1  }
0x3ef: {  	v9 =	vmul.f32 v9, v8;
	_ =	sdelay $0x1  }
0x3f0: {  	[tilespmem:v13+s21+$0x0] =	vst.idx.msk $0xffff, v9  }
0x3f1: {  	v9 =	vld.idx.msk [tilespmem:v10+s21+$0x0], $0xffff;
	_ =	sdelay $0x3  }
0x3f2: {  	v12 =	vor.u32 v12, v4;
	_ =	sdelay $0x1  }
0x3f3: {  	v9 =	vmul.f32 v9, v7;
	_ =	sdelay $0x1  }
0x3f4: {  	[tilespmem:v10+s21+$0x0] =	vst.idx.msk $0xffff, v9  }
0x3f5: {  	v9 =	vld.idx.msk [tilespmem:v12+s21+$0x0], $0xffff;
	_ =	sdelay $0x3  }
0x3f6: {  	v10 =	vor.u32 v11, v1;
	_ =	sdelay $0x1  }
0x3f7: {  	v9 =	vmul.f32 v9, v5;
	_ =	sdelay $0x1  }
0x3f8: {  	[tilespmem:v12+s21+$0x0] =	vst.idx.msk $0xffff, v9  }
0x3f9: {  	v9 =	vld.idx.msk [tilespmem:v10+s21+$0x0], $0xffff  }
0x3fa: {  	s15 =	sadd.s32 $0x2, s3  }
0x3fb: {  	v11 =	vadd.s32 s15, v0  }
0x3fc: {  	v12 =	vand.u32 $0x1F, v11  }
0x3fd: {  	v13 =	vor.u32 v3, v12;
	_ =	sdelay $0x1  }
0x3fe: {  	v9 =	vmul.f32 v9, v6;
	_ =	sdelay $0x1  }
0x3ff: {  	[tilespmem:v10+s21+$0x0] =	vst.idx.msk $0xffff, v9  }
0x400: {  	v9 =	vld.idx.msk [tilespmem:v13+s21+$0x0], $0xffff;
	_ =	sdelay $0x3  }
0x401: {  	v10 =	vor.u32 v11, v2;
	_ =	sdelay $0x1  }
0x402: {  	v9 =	vmul.f32 v9, v8;
	_ =	sdelay $0x1  }
0x403: {  	[tilespmem:v13+s21+$0x0] =	vst.idx.msk $0xffff, v9  }
0x404: {  	v9 =	vld.idx.msk [tilespmem:v10+s21+$0x0], $0xffff;
	_ =	sdelay $0x3  }
0x405: {  	v12 =	vor.u32 v12, v4;
	_ =	sdelay $0x1  }
0x406: {  	v9 =	vmul.f32 v9, v7;
	_ =	sdelay $0x1  }
0x407: {  	[tilespmem:v10+s21+$0x0] =	vst.idx.msk $0xffff, v9  }
0x408: {  	v9 =	vld.idx.msk [tilespmem:v12+s21+$0x0], $0xffff;
	_ =	sdelay $0x3  }
0x409: {  	v10 =	vor.u32 v11, v1;
	_ =	sdelay $0x1  }
0x40a: {  	v9 =	vmul.f32 v9, v5;
	_ =	sdelay $0x1  }
0x40b: {  	[tilespmem:v12+s21+$0x0] =	vst.idx.msk $0xffff, v9  }
0x40c: {  	v9 =	vld.idx.msk [tilespmem:v10+s21+$0x0], $0xffff  }
0x40d: {  	s15 =	sadd.s32 $0x3, s3;
	s3 =	smov.u32 s17  }
0x40e: {  	v11 =	vadd.s32 s15, v0  }
0x40f: {  	v12 =	vand.u32 $0x1F, v11  }
0x410: {  	v13 =	vor.u32 v3, v12;
	_ =	sdelay $0x1  }
0x411: {  	v9 =	vmul.f32 v9, v6;
	_ =	sdelay $0x1  }
0x412: {  	[tilespmem:v10+s21+$0x0] =	vst.idx.msk $0xffff, v9  }
0x413: {  	v9 =	vld.idx.msk [tilespmem:v13+s21+$0x0], $0xffff;
	_ =	sdelay $0x3  }
0x414: {  	v10 =	vor.u32 v11, v2;
	_ =	sdelay $0x1  }
0x415: {  	v9 =	vmul.f32 v9, v8;
	_ =	sdelay $0x1  }
0x416: {  	[tilespmem:v13+s21+$0x0] =	vst.idx.msk $0xffff, v9  }
0x417: {  	v9 =	vld.idx.msk [tilespmem:v10+s21+$0x0], $0xffff;
	_ =	sdelay $0x3  }
0x418: {  	v12 =	vor.u32 v12, v4;
	_ =	sdelay $0x1  }
0x419: {  	v9 =	vmul.f32 v9, v7;
	_ =	sdelay $0x1  }
0x41a: {  	[tilespmem:v10+s21+$0x0] =	vst.idx.msk $0xffff, v9  }
0x41b: {  	v9 =	vld.idx.msk [tilespmem:v12+s21+$0x0], $0xffff;
	_ =	sdelay $0x3  }
0x41c: {  	v11 =	vor.u32 v11, v1;
	_ =	sdelay $0x1  }
0x41d: {  	v9 =	vmul.f32 v9, v5;
	_ =	sdelay $0x1  }
0x41e: {  	[tilespmem:v12+s21+$0x0] =	vst.idx.msk $0xffff, v9  }
0x41f: {  	v13 =	vld.idx.msk [tilespmem:v11+s21+$0x0], $0xffff;
	_ =	sdelay $0x1  }
.Ltmp7:
0x420: {  	v9 =	vadd.s32 s3, v0;
	(pc) =	sbr.rel @p2 .LBB2_18-.Ltmp7, $3  }
0x421: {  	v10 =	vand.u32 $0x1F, v9  }
0x422: {  	v12 =	vor.u32 v3, v10;
	_ =	sdelay $0x1  }
0x423: {  	v13 =	vmul.f32 v13, v6  }
0x424: {  	_ =	sdelay $0x3  }
0x425: {  	[tilespmem:v11+s21+$0x0] =	vst.idx.msk $0xffff, v13  }
0x426: {  	v11 =	vld.idx.msk [tilespmem:v12+s21+$0x0], $0xffff;
	_ =	sdelay $0x2  }
0x427: {  	v48 =	vor.u32 v9, v2;
	_ =	sdelay $0x1  }
0x428: {  	v11 =	vmul.f32 v11, v8;
	_ =	sdelay $0x1  }
0x429: {  	[tilespmem:v12+s21+$0x0] =	vst.idx.msk $0xffff, v11  }
0x42a: {  	v11 =	vld.idx.msk [tilespmem:v48+s21+$0x0], $0xffff;
	_ =	sdelay $0x2  }
0x42b: {  	v10 =	vor.u32 v10, v4;
	_ =	sdelay $0x1  }
0x42c: {  	v11 =	vmul.f32 v11, v7;
	_ =	sdelay $0x1  }
0x42d: {  	[tilespmem:v48+s21+$0x0] =	vst.idx.msk $0xffff, v11  }
0x42e: {  	v11 =	vld.idx.msk [tilespmem:v10+s21+$0x0], $0xffff;
	_ =	sdelay $0x2  }
0x42f: {  	v49 =	vor.u32 v9, v1;
	_ =	sdelay $0x1  }
0x430: {  	v11 =	vmul.f32 v11, v5;
	_ =	sdelay $0x1  }
0x431: {  	[tilespmem:v10+s21+$0x0] =	vst.idx.msk $0xffff, v11  }
0x432: {  	s11 =	sadd.s32 $0x1, s3;
	v10 =	vld.idx.msk [tilespmem:v49+s21+$0x0], $0xffff  }
0x433: {  	v50 =	vadd.s32 s11, v0  }
0x434: {  	v51 =	vand.u32 $0x1F, v50  }
0x435: {  	v52 =	vor.u32 v3, v51;
	_ =	sdelay $0x1  }
0x436: {  	v10 =	vmul.f32 v10, v6;
	_ =	sdelay $0x1  }
0x437: {  	[tilespmem:v49+s21+$0x0] =	vst.idx.msk $0xffff, v10  }
0x438: {  	v9 =	vld.idx.msk [tilespmem:v52+s21+$0x0], $0xffff;
	_ =	sdelay $0x2  }
0x439: {  	v53 =	vor.u32 v50, v2;
	_ =	sdelay $0x1  }
0x43a: {  	v9 =	vmul.f32 v9, v8;
	_ =	sdelay $0x1  }
0x43b: {  	[tilespmem:v52+s21+$0x0] =	vst.idx.msk $0xffff, v9  }
0x43c: {  	v9 =	vld.idx.msk [tilespmem:v53+s21+$0x0], $0xffff;
	_ =	sdelay $0x2  }
0x43d: {  	v12 =	vor.u32 v51, v4;
	_ =	sdelay $0x1  }
0x43e: {  	v9 =	vmul.f32 v9, v7;
	_ =	sdelay $0x1  }
0x43f: {  	[tilespmem:v53+s21+$0x0] =	vst.idx.msk $0xffff, v9  }
0x440: {  	v9 =	vld.idx.msk [tilespmem:v12+s21+$0x0], $0xffff;
	_ =	sdelay $0x2  }
0x441: {  	v54 =	vor.u32 v50, v1;
	_ =	sdelay $0x1  }
0x442: {  	v9 =	vmul.f32 v9, v5;
	_ =	sdelay $0x1  }
0x443: {  	[tilespmem:v12+s21+$0x0] =	vst.idx.msk $0xffff, v9  }
0x444: {  	s17 =	sadd.s32 $0x2, s3;
	v9 =	vld.idx.msk [tilespmem:v54+s21+$0x0], $0xffff  }
0x445: {  	v55 =	vadd.s32 s17, v0  }
0x446: {  	v56 =	vand.u32 $0x1F, v55  }
0x447: {  	v57 =	vor.u32 v3, v56;
	_ =	sdelay $0x1  }
0x448: {  	v9 =	vmul.f32 v9, v6;
	_ =	sdelay $0x1  }
0x449: {  	[tilespmem:v54+s21+$0x0] =	vst.idx.msk $0xffff, v9  }
0x44a: {  	v9 =	vld.idx.msk [tilespmem:v57+s21+$0x0], $0xffff;
	_ =	sdelay $0x2  }
0x44b: {  	v58 =	vor.u32 v55, v2;
	_ =	sdelay $0x1  }
0x44c: {  	v9 =	vmul.f32 v9, v8;
	_ =	sdelay $0x1  }
0x44d: {  	[tilespmem:v57+s21+$0x0] =	vst.idx.msk $0xffff, v9  }
0x44e: {  	v9 =	vld.idx.msk [tilespmem:v58+s21+$0x0], $0xffff;
	_ =	sdelay $0x2  }
0x44f: {  	v12 =	vor.u32 v56, v4;
	_ =	sdelay $0x1  }
0x450: {  	v9 =	vmul.f32 v9, v7;
	_ =	sdelay $0x1  }
0x451: {  	[tilespmem:v58+s21+$0x0] =	vst.idx.msk $0xffff, v9  }
0x452: {  	v9 =	vld.idx.msk [tilespmem:v12+s21+$0x0], $0xffff;
	_ =	sdelay $0x2  }
0x453: {  	v59 =	vor.u32 v55, v1;
	_ =	sdelay $0x1  }
0x454: {  	v9 =	vmul.f32 v9, v5;
	_ =	sdelay $0x1  }
0x455: {  	[tilespmem:v12+s21+$0x0] =	vst.idx.msk $0xffff, v9  }
0x456: {  	s31 =	sadd.s32 $0x3, s3;
	v9 =	vld.idx.msk [tilespmem:v59+s21+$0x0], $0xffff  }
0x457: {  	v60 =	vadd.s32 s31, v0  }
0x458: {  	v61 =	vand.u32 $0x1F, v60  }
0x459: {  	v3 =	vor.u32 v3, v61;
	_ =	sdelay $0x1  }
0x45a: {  	v9 =	vmul.f32 v9, v6;
	_ =	sdelay $0x1  }
0x45b: {  	[tilespmem:v59+s21+$0x0] =	vst.idx.msk $0xffff, v9  }
0x45c: {  	v9 =	vld.idx.msk [tilespmem:v3+s21+$0x0], $0xffff;
	_ =	sdelay $0x2  }
0x45d: {  	v2 =	vor.u32 v60, v2;
	_ =	sdelay $0x1  }
0x45e: {  	v62 =	vmul.f32 v9, v8;
	_ =	sdelay $0x1  }
0x45f: {  	[tilespmem:v3+s21+$0x0] =	vst.idx.msk $0xffff, v62  }
0x460: {  	v3 =	vld.idx.msk [tilespmem:v2+s21+$0x0], $0xffff;
	_ =	sdelay $0x2  }
0x461: {  	v63 =	vor.u32 v61, v4;
	_ =	sdelay $0x1  }
0x462: {  	v3 =	vmul.f32 v3, v7;
	_ =	sdelay $0x1  }
0x463: {  	[tilespmem:v2+s21+$0x0] =	vst.idx.msk $0xffff, v3  }
0x464: {  	v2 =	vld.idx.msk [tilespmem:v63+s21+$0x0], $0xffff;
	_ =	sdelay $0x2  }
0x465: {  	v1 =	vor.u32 v60, v1;
	_ =	sdelay $0x1  }
0x466: {  	v2 =	vmul.f32 v2, v5;
	_ =	sdelay $0x1  }
0x467: {  	[tilespmem:v63+s21+$0x0] =	vst.idx.msk $0xffff, v2  }
0x468: {  	v2 =	vld.idx.msk [tilespmem:v1+s21+$0x0], $0xffff;
	_ =	sdelay $0x2  }
.Ltmp8:
0x469: {  	_ = 	snop;
	(pc) =	sbr.rel @p1 .LBB2_15-.Ltmp8, $3  }
0x46a: {  	_ = 	snop  }
0x46b: {  	v2 =	vmul.f32 v2, v6;
	_ =	sdelay $0x1  }
0x46c: {  	s3 =	simm.s32 $0x10;
	p2 =	por $0x0, $0x0;
	[tilespmem:v1+s21+$0x0] =	vst.idx.msk $0xffff, v2  }
0x46d: {  	s1 =	rddreg [dreg:$0x2];
	s3 =	simm.s32 $0xC0  }
0x46e: {  	[spmem:s1] =	stream.indirect.scatter.add.f32 [tilespmem:s12], [sflag:$0xB], $0x10, s3, s16, $0xb8;
	[tilespmem:$0x1C4D8] =	vst v63  }
0x46f: {  	s0 =	rddreg [dreg:$0x3]  }
0x470: {  	[spmem:s0] =	stream.indirect.scatter.add.f32 [tilespmem:s21], [sflag:$0xD], $0x80, s3, s16, $0xb8;
	[tilespmem:$0x1C4D8] =	vst v63  }
0x471: {  	s3 =	simm.s32 $0xB  }
0x472: {  	_ =	swait.ge [sflag:s3], $0x200  }
0x473: {  	[sflag:s3] =	ssyncset.done $0x0  }
0x474: {  	s10 =	simm.s32 $0xD;
	[sflag:s3] =	ssyncadd.s32 $0xFFFFFE00  }
0x475: {  	_ =	swait.ge [sflag:s10], $0x1000  }
0x476: {  	[sflag:s10] =	ssyncset.done $0x0  }
0x477: {  	[sflag:s10] =	ssyncadd.s32 $0xFFFFF000  }
0x478: {  	_ =	swait.ge [sflag:s18], $0x20  }
0x479: {  	[sflag:s18] =	ssyncset.done $0x0  }
0x47a: {  	[sflag:s18] =	ssyncadd.s32 $0xFFFFFFE0  }
0x47b: {  	_ =	swait.ge [sflag:s18], $0x20  }
0x47c: {  	[sflag:s18] =	ssyncset.done $0x0  }
0x47d: {  	s3 =	simm.s32 $0x0;
	s11 =	rddreg [dreg:$0x1a];
	[sflag:s18] =	ssyncadd.s32 $0xFFFFFFE0  }
0x47e: {  	[tilespmem:s19], [sflag:$0x5] =	stream.indirect.gather [hbm4b:s28+s16], $0x80, s3, s16, $0xb8;
	[tilespmem:$0x1C4D8] =	vst v63  }
0x47f: {  	s1 =	sadd.s32 s11, s2  }
0x480: {  	[tilespmem:s20], [sflag:$0x7] =	stream.indirect.gather [hbm4b:s6+s16], $0x80, s5, s16, $0xb8;
	[tilespmem:$0x1C4D8] =	vst v63  }
0x481: {  	s1 =	sshll.u32 s1, $0x2  }
0x482: {  	[tilespmem:s21], [sflag:$0x9] =	stream.indirect.gather [hbm4b:s7+s16], $0x80, s3, s16, $0xb8;
	[tilespmem:$0x1C4D8] =	vst v63  }
0x483: {  	s15 =	sadd.s32 s8, s1  }
0x484: {  	[tilespmem:s16], [sflag:$0x2] =	stream.linear.gather [hbm4b:s15+s3], $0x20, $0x38;
	[tilespmem:$0x1C4D8] =	vst v63  }
0x485: {  	s0 =	simm.s32 $0x6;
	s1 =	sadd.s32 s9, s1  }
0x486: {  	[tilespmem:s14], [sflag:$0x2] =	stream.linear.gather [hbm4b:s1+s3], $0x20, $0x38;
	[tilespmem:$0x1C4D8] =	vst v63  }
0x487: {  	_ =	swait.ge [sflag:s0], $0x1000  }
0x488: {  	[sflag:s0] =	ssyncset.done $0x0  }
0x489: {  	s17 =	simm.s32 $0x8;
	[sflag:s0] =	ssyncadd.s32 $0xFFFFF000  }
0x48a: {  	_ =	swait.ge [sflag:s17], $0x1000  }
0x48b: {  	s31 =	simm.s32 $0xC0;
	[sflag:s17] =	ssyncset.done $0x0  }
0x48c: {  	p2 =	por $0x1, $0x1;
	s1 =	simm.s32 $0x0;
	[sflag:s17] =	ssyncadd.s32 $0xFFFFF000  }
.LBB2_21:
0x48d: {  	v5 =	vor.u32 s1, v0;
	v4 =	vadd.s32 s3, v0  }
0x48e: {  	v3 =	vshll.u32 v5, $0x7;
	v21 =	vand.u32 $0x1F, v4  }
0x48f: {  	v28 =	vor.u32 v3, v21  }
0x490: {  	v2 =	vor.u32 $0x20, v3  }
0x491: {  	v7 =	vor.u32 v4, v2  }
0x492: {  	v1 =	vor.u32 $0x60, v3  }
0x493: {  	s11 =	simm.s32 $0x3;
	v10 =	vor.u32 v4, v1  }
0x494: {  	v16 =	vadd.s32 s11, v0;
	v26 =	vld.idx.msk [tilespmem:v28+s23+$0x0], $0xffff  }
0x495: {  	v13 =	vor.u32 v16, v2;
	v28 =	vld.idx.msk [tilespmem:v28+s24+$0x0], $0xffff  }
0x496: {  	v6 =	vld.idx.msk [tilespmem:v7+s23+$0x0], $0xffff  }
0x497: {  	s15 =	simm.s32 $0x2;
	v15 =	vor.u32 v16, v1;
	v8 =	vld.idx.msk [tilespmem:v7+s24+$0x0], $0xffff  }
0x498: {  	v18 =	vadd.s32 s15, v0;
	v9 =	vld.idx.msk [tilespmem:v10+s23+$0x0], $0xffff  }
0x499: {  	v17 =	vor.u32 v18, v2;
	v12 =	vld.idx.msk [tilespmem:v10+s24+$0x0], $0xffff  }
0x49a: {  	v11 =	vld.idx.msk [tilespmem:v13+s23+$0x0], $0xffff  }
0x49b: {  	s17 =	simm.s32 $0x1;
	v19 =	vor.u32 v18, v1;
	v14 =	vld.idx.msk [tilespmem:v13+s24+$0x0], $0xffff  }
0x49c: {  	v27 =	vadd.s32 s17, v0;
	v7 =	vld.idx.msk [tilespmem:v15+s23+$0x0], $0xffff  }
0x49d: {  	v23 =	vor.u32 v27, v1;
	v10 =	vld.idx.msk [tilespmem:v15+s24+$0x0], $0xffff  }
0x49e: {  	v4 =	vor.u32 $0x40, v3;
	v20 =	vld.idx.msk [tilespmem:v17+s23+$0x0], $0xffff  }
0x49f: {  	v30 =	vor.u32 v21, v4;
	v22 =	vld.idx.msk [tilespmem:v17+s24+$0x0], $0xffff  }
0x4a0: {  	v13 =	vor.u32 v27, v2;
	v15 =	vld.idx.msk [tilespmem:v19+s23+$0x0], $0xffff  }
0x4a1: {  	v17 =	vld.idx.msk [tilespmem:v19+s24+$0x0], $0xffff  }
0x4a2: {  	v29 =	vand.u32 $0x1F, v16;
	v21 =	vld.idx.msk [tilespmem:v23+s23+$0x0], $0xffff  }
0x4a3: {  	v33 =	vor.u32 v3, v29;
	v23 =	vld.idx.msk [tilespmem:v23+s24+$0x0], $0xffff  }
0x4a4: {  	v31 =	vand.u32 $0x1F, v18;
	v34 =	vand.u32 $0x1F, v27;
	v27 =	vld.idx.msk [tilespmem:v30+s23+$0x0], $0xffff  }
0x4a5: {  	v32 =	vor.u32 v3, v31;
	v18 =	vimm.f32 $0.0e+00;
	v24 =	vld.idx.msk [tilespmem:v13+s23+$0x0], $0xffff  }
0x4a6: {  	p1 =	por p2, p2;
	s1 =	simm.s32 $0x4;
	v16 =	vimm.f32 $0.0e+00;
	v19 =	vimm.f32 $0.0e+00;
	v25 =	vld.idx.msk [tilespmem:v13+s24+$0x0], $0xffff;
	v13 =	vimm.f32 $0.0e+00  }
.LBB2_22:
0x4a7: {  	p2 =	slt.u32 s1, $0x1C;
	v30 =	vld.idx.msk [tilespmem:v30+s24+$0x0], $0xffff;
	v35 =	vor.u32 v3, v34  }
0x4a8: {  	v36 =	vld.idx.msk [tilespmem:v33+s23+$0x0], $0xffff  }
0x4a9: {  	v34 =	vor.u32 v34, v4;
	v33 =	vld.idx.msk [tilespmem:v33+s24+$0x0], $0xffff  }
0x4aa: {  	v37 =	vld.idx.msk [tilespmem:v32+s23+$0x0], $0xffff  }
0x4ab: {  	v31 =	vor.u32 v31, v4;
	v32 =	vld.idx.msk [tilespmem:v32+s24+$0x0], $0xffff  }
0x4ac: {  	v38 =	vld.idx.msk [tilespmem:v35+s23+$0x0], $0xffff  }
0x4ad: {  	v39 =	vadd.s32 s1, v0;
	s2 =	sadd.s32 $0x2, s1;
	s11 =	sadd.s32 $0x3, s1;
	v29 =	vor.u32 v29, v4;
	v35 =	vld.idx.msk [tilespmem:v35+s24+$0x0], $0xffff  }
0x4ae: {  	v40 =	vor.u32 v39, v2;
	v41 =	vadd.s32 s2, v0;
	v42 =	vadd.s32 s11, v0;
	v43 =	vld.idx.msk [tilespmem:v34+s23+$0x0], $0xffff  }
0x4af: {  	v8 =	vmul.f32 v8, v6;
	v9 =	vmul.f32 v12, v9;
	v44 =	vor.u32 v39, v1;
	v12 =	vld.idx.msk [tilespmem:v34+s24+$0x0], $0xffff  }
0x4b0: {  	v46 =	vmul.f32 v14, v11;
	v47 =	vmul.f32 v10, v7;
	v34 =	vor.u32 v42, v2;
	v45 =	vld.idx.msk [tilespmem:v31+s23+$0x0], $0xffff  }
0x4b1: {  	v7 =	vmul.f32 v22, v20;
	v15 =	vmul.f32 v17, v15;
	v10 =	vor.u32 v42, v1;
	v11 =	vld.idx.msk [tilespmem:v31+s24+$0x0], $0xffff  }
0x4b2: {  	v20 =	vmul.f32 v25, v24;
	v17 =	vor.u32 v41, v2;
	v14 =	vmul.f32 v28, v26;
	v22 =	vld.idx.msk [tilespmem:v29+s23+$0x0], $0xffff  }
0x4b3: {  	v21 =	vmul.f32 v23, v21;
	v24 =	vor.u32 v41, v1;
	v25 =	vmul.f32 v30, v27;
	v23 =	vld.idx.msk [tilespmem:v29+s24+$0x0], $0xffff  }
0x4b4: {  	v13 =	vadd.f32 v14, v13;
	v14 =	vadd.f32 v8, v18;
	v18 =	vmul.f32 v35, v38;
	v6 =	vld.idx.msk [tilespmem:v40+s23+$0x0], $0xffff  }
0x4b5: {  	v16 =	vadd.f32 v9, v16;
	v19 =	vadd.f32 v25, v19;
	v25 =	vmul.f32 v12, v43;
	v8 =	vld.idx.msk [tilespmem:v40+s24+$0x0], $0xffff  }
0x4b6: {  	v14 =	vadd.f32 v20, v14;
	v13 =	vadd.f32 v18, v13;
	v18 =	vmul.f32 v32, v37;
	v9 =	vld.idx.msk [tilespmem:v44+s23+$0x0], $0xffff  }
0x4b7: {  	v16 =	vadd.f32 v21, v16;
	v19 =	vadd.f32 v25, v19;
	v20 =	vmul.f32 v11, v45;
	v12 =	vld.idx.msk [tilespmem:v44+s24+$0x0], $0xffff  }
0x4b8: {  	v21 =	vmul.f32 v33, v36;
	v13 =	vadd.f32 v18, v13;
	v18 =	vadd.f32 v7, v14;
	v11 =	vld.idx.msk [tilespmem:v34+s23+$0x0], $0xffff  }
0x4b9: {  	s2 =	sadd.s32 $0x1, s1;
	v15 =	vadd.f32 v15, v16;
	v19 =	vadd.f32 v20, v19;
	v16 =	vmul.f32 v23, v22;
	v14 =	vld.idx.msk [tilespmem:v34+s24+$0x0], $0xffff  }
0x4ba: {  	v13 =	vadd.f32 v21, v13;
	v18 =	vadd.f32 v46, v18;
	v34 =	vadd.s32 s2, v0;
	v7 =	vld.idx.msk [tilespmem:v10+s23+$0x0], $0xffff  }
0x4bb: {  	v21 =	vor.u32 v34, v2;
	v19 =	vadd.f32 v16, v19;
	v16 =	vadd.f32 v47, v15;
	v10 =	vld.idx.msk [tilespmem:v10+s24+$0x0], $0xffff  }
0x4bc: {  	v20 =	vld.idx.msk [tilespmem:v17+s23+$0x0], $0xffff  }
0x4bd: {  	v23 =	vor.u32 v34, v1;
	v22 =	vld.idx.msk [tilespmem:v17+s24+$0x0], $0xffff  }
0x4be: {  	v25 =	vand.u32 $0x1F, v39;
	v15 =	vld.idx.msk [tilespmem:v24+s23+$0x0], $0xffff  }
0x4bf: {  	v27 =	vor.u32 v3, v25;
	v17 =	vld.idx.msk [tilespmem:v24+s24+$0x0], $0xffff  }
0x4c0: {  	v24 =	vld.idx.msk [tilespmem:v21+s23+$0x0], $0xffff  }
0x4c1: {  	v30 =	vor.u32 v25, v4;
	v25 =	vld.idx.msk [tilespmem:v21+s24+$0x0], $0xffff  }
.Ltmp9:
0x4c2: {  	v29 =	vand.u32 $0x1F, v42;
	v21 =	vld.idx.msk [tilespmem:v23+s23+$0x0], $0xffff;
	(pc) =	sbr.rel @p2 .LBB2_22-.Ltmp9, $4  }
0x4c3: {  	v33 =	vor.u32 v3, v29;
	v23 =	vld.idx.msk [tilespmem:v23+s24+$0x0], $0xffff  }
0x4c4: {  	v31 =	vand.u32 $0x1F, v41;
	v26 =	vld.idx.msk [tilespmem:v27+s23+$0x0], $0xffff  }
0x4c5: {  	v32 =	vor.u32 v3, v31;
	v28 =	vld.idx.msk [tilespmem:v27+s24+$0x0], $0xffff  }
0x4c6: {  	s1 =	sadd.s32 $0x4, s1;
	v34 =	vand.u32 $0x1F, v34;
	v27 =	vld.idx.msk [tilespmem:v30+s23+$0x0], $0xffff  }
0x4c7: {  	_ =	sdelay $0x2  }
0x4c8: {  	v35 =	vor.u32 v3, v34  }
0x4c9: {  	v30 =	vld.idx.msk [tilespmem:v30+s24+$0x0], $0xffff  }
0x4ca: {  	v36 =	vld.idx.msk [tilespmem:v33+s23+$0x0], $0xffff;
	v54 =	vor.u32 v34, v4  }
0x4cb: {  	v37 =	vld.idx.msk [tilespmem:v32+s23+$0x0], $0xffff  }
0x4cc: {  	v31 =	vor.u32 v31, v4;
	v56 =	vld.idx.msk [tilespmem:v32+s24+$0x0], $0xffff  }
0x4cd: {  	v38 =	vld.idx.msk [tilespmem:v35+s23+$0x0], $0xffff  }
0x4ce: {  	v35 =	vld.idx.msk [tilespmem:v35+s24+$0x0], $0xffff  }
0x4cf: {  	v29 =	vor.u32 v29, v4;
	v39 =	vld.idx.msk [tilespmem:v54+s23+$0x0], $0xffff  }
0x4d0: {  	v34 =	vld.idx.msk [tilespmem:v54+s24+$0x0], $0xffff  }
0x4d1: {  	v6 =	vmul.f32 v8, v6;
	v8 =	vmul.f32 v12, v9;
	v9 =	vld.idx.msk [tilespmem:v31+s23+$0x0], $0xffff  }
0x4d2: {  	v11 =	vmul.f32 v14, v11;
	v12 =	vmul.f32 v28, v26;
	v57 =	vld.idx.msk [tilespmem:v31+s24+$0x0], $0xffff  }
0x4d3: {  	v55 =	vld.idx.msk [tilespmem:v33+s24+$0x0], $0xffff;
	v14 =	vmul.f32 v22, v20;
	v58 =	vmul.f32 v30, v27  }
0x4d4: {  	v24 =	vmul.f32 v25, v24;
	v59 =	vld.idx.msk [tilespmem:v29+s23+$0x0], $0xffff;
	v12 =	vadd.f32 v12, v13;
	v13 =	vmul.f32 v35, v38  }
0x4d5: {  	v63 =	vmul.f32 v23, v21;
	v6 =	vadd.f32 v6, v18;
	v60 =	vld.idx.msk [tilespmem:v29+s24+$0x0], $0xffff;
	v61 =	vadd.f32 v58, v19  }
0x4d6: {  	v62 =	vmul.f32 v34, v39;
	v12 =	vadd.f32 v13, v12;
	v13 =	vmul.f32 v56, v37  }
0x4d7: {  	v8 =	vadd.f32 v8, v16;
	v6 =	vadd.f32 v24, v6;
	v9 =	vmul.f32 v57, v9  }
0x4d8: {  	v18 =	vadd.f32 v62, v61;
	v12 =	vadd.f32 v13, v12;
	v13 =	vmul.f32 v55, v36  }
0x4d9: {  	v15 =	vmul.f32 v17, v15;
	v8 =	vadd.f32 v63, v8;
	v6 =	vadd.f32 v14, v6  }
0x4da: {  	v14 =	vmul.f32 v60, v59;
	v9 =	vadd.f32 v9, v18;
	v12 =	vadd.f32 v13, v12  }
0x4db: {  	v7 =	vmul.f32 v10, v7;
	v8 =	vadd.f32 v15, v8;
	v6 =	vadd.f32 v11, v6  }
0x4dc: {  	v9 =	vadd.f32 v14, v9;
	v10 =	vmul.f32 $1.442695020e+00, v12  }
0x4dd: {  	v7 =	vadd.f32 v7, v8;
	v6 =	vmul.f32 $1.442695020e+00, v6  }
0x4de: {  	v8 =	vmul.f32 $1.442695020e+00, v9;
	(erf) = vpow2.f32 v10  }
0x4df: {  	(erf) = vpow2.f32 v6;
	v6 =	vmul.f32 $1.442695020e+00, v7  }
0x4e0: {  	(erf) = vpow2.f32 v8  }
0x4e1: {  	(erf) = vpow2.f32 v6;
	_ =	sdelay $0x1  }
0x4e2: {  	v5 =	vshll.u32 v5, $0x4  }
0x4e3: {  	v6 =	vor.u32 $0x1, v5  }
0x4e4: {  	v9 =	vor.u32 $0x2, v5  }
0x4e5: {  	v10 =	vor.u32 $0x3, v5  }
0x4e6: {  	s1 =	simm.s32 $0x0;
	v8 =	vpop (erf)  }
0x4e7: {  	v11 =	vadd.s32 s1, v0;
	v7 =	vpop (erf);
	[tilespmem:v5+s13+$0x0] =	vst.idx.msk $0xffff, v8  }
0x4e8: {  	v12 =	vand.u32 $0x1F, v11;
	v5 =	vpop (erf);
	[tilespmem:v6+s13+$0x0] =	vst.idx.msk $0xffff, v7  }
0x4e9: {  	v6 =	vpop (erf);
	[tilespmem:v9+s13+$0x0] =	vst.idx.msk $0xffff, v5;
	v9 =	vor.u32 v3, v12  }
0x4ea: {  	s1 =	simm.s32 @p1 $0xA;
	[tilespmem:v10+s13+$0x0] =	vst.idx.msk $0xffff, v6  }
0x4eb: {  	_ =	swait.ge @p1 [sflag:s1], $0x1000  }
0x4ec: {  	[sflag:s1] =	ssyncset.done @p1 $0x0  }
0x4ed: {  	[sflag:s1] =	ssyncadd.s32 @p1 $0xFFFFF000  }
0x4ee: {  	v10 =	vld.idx.msk [tilespmem:v9+s25+$0x0], $0xffff;
	_ =	sdelay $0x2  }
0x4ef: {  	v13 =	vor.u32 v11, v2;
	_ =	sdelay $0x1  }
0x4f0: {  	v10 =	vmul.f32 v10, v8;
	_ =	sdelay $0x1  }
0x4f1: {  	[tilespmem:v9+s25+$0x0] =	vst.idx.msk $0xffff, v10  }
0x4f2: {  	v9 =	vld.idx.msk [tilespmem:v13+s25+$0x0], $0xffff;
	_ =	sdelay $0x2  }
0x4f3: {  	v10 =	vor.u32 v12, v4;
	_ =	sdelay $0x1  }
0x4f4: {  	v9 =	vmul.f32 v9, v7;
	_ =	sdelay $0x1  }
0x4f5: {  	[tilespmem:v13+s25+$0x0] =	vst.idx.msk $0xffff, v9  }
0x4f6: {  	v9 =	vld.idx.msk [tilespmem:v10+s25+$0x0], $0xffff;
	_ =	sdelay $0x2  }
0x4f7: {  	v11 =	vor.u32 v11, v1;
	_ =	sdelay $0x1  }
0x4f8: {  	v9 =	vmul.f32 v9, v5;
	_ =	sdelay $0x1  }
0x4f9: {  	[tilespmem:v10+s25+$0x0] =	vst.idx.msk $0xffff, v9  }
0x4fa: {  	s11 =	simm.s32 $0x1;
	v9 =	vld.idx.msk [tilespmem:v11+s25+$0x0], $0xffff  }
0x4fb: {  	v10 =	vadd.s32 s11, v0  }
0x4fc: {  	v12 =	vand.u32 $0x1F, v10  }
0x4fd: {  	v13 =	vor.u32 v3, v12;
	_ =	sdelay $0x1  }
0x4fe: {  	v9 =	vmul.f32 v9, v6;
	_ =	sdelay $0x1  }
0x4ff: {  	[tilespmem:v11+s25+$0x0] =	vst.idx.msk $0xffff, v9  }
0x500: {  	v9 =	vld.idx.msk [tilespmem:v13+s25+$0x0], $0xffff;
	_ =	sdelay $0x2  }
0x501: {  	v11 =	vor.u32 v10, v2;
	_ =	sdelay $0x1  }
0x502: {  	v9 =	vmul.f32 v9, v8;
	_ =	sdelay $0x1  }
0x503: {  	[tilespmem:v13+s25+$0x0] =	vst.idx.msk $0xffff, v9  }
0x504: {  	v9 =	vld.idx.msk [tilespmem:v11+s25+$0x0], $0xffff;
	_ =	sdelay $0x2  }
0x505: {  	v12 =	vor.u32 v12, v4;
	_ =	sdelay $0x1  }
0x506: {  	v9 =	vmul.f32 v9, v7;
	_ =	sdelay $0x1  }
0x507: {  	[tilespmem:v11+s25+$0x0] =	vst.idx.msk $0xffff, v9  }
0x508: {  	v9 =	vld.idx.msk [tilespmem:v12+s25+$0x0], $0xffff;
	_ =	sdelay $0x2  }
0x509: {  	v10 =	vor.u32 v10, v1;
	_ =	sdelay $0x1  }
0x50a: {  	v9 =	vmul.f32 v9, v5;
	_ =	sdelay $0x1  }
0x50b: {  	[tilespmem:v12+s25+$0x0] =	vst.idx.msk $0xffff, v9  }
0x50c: {  	s15 =	simm.s32 $0x2;
	v9 =	vld.idx.msk [tilespmem:v10+s25+$0x0], $0xffff  }
0x50d: {  	v11 =	vadd.s32 s15, v0  }
0x50e: {  	v12 =	vand.u32 $0x1F, v11  }
0x50f: {  	v13 =	vor.u32 v3, v12;
	_ =	sdelay $0x1  }
0x510: {  	v9 =	vmul.f32 v9, v6;
	_ =	sdelay $0x1  }
0x511: {  	[tilespmem:v10+s25+$0x0] =	vst.idx.msk $0xffff, v9  }
0x512: {  	v9 =	vld.idx.msk [tilespmem:v13+s25+$0x0], $0xffff;
	_ =	sdelay $0x2  }
0x513: {  	v10 =	vor.u32 v11, v2;
	_ =	sdelay $0x1  }
0x514: {  	v9 =	vmul.f32 v9, v8;
	_ =	sdelay $0x1  }
0x515: {  	[tilespmem:v13+s25+$0x0] =	vst.idx.msk $0xffff, v9  }
0x516: {  	v9 =	vld.idx.msk [tilespmem:v10+s25+$0x0], $0xffff;
	_ =	sdelay $0x2  }
0x517: {  	v12 =	vor.u32 v12, v4;
	_ =	sdelay $0x1  }
0x518: {  	v9 =	vmul.f32 v9, v7;
	_ =	sdelay $0x1  }
0x519: {  	[tilespmem:v10+s25+$0x0] =	vst.idx.msk $0xffff, v9  }
0x51a: {  	v9 =	vld.idx.msk [tilespmem:v12+s25+$0x0], $0xffff;
	_ =	sdelay $0x2  }
0x51b: {  	v10 =	vor.u32 v11, v1;
	_ =	sdelay $0x1  }
0x51c: {  	v9 =	vmul.f32 v9, v5;
	_ =	sdelay $0x1  }
0x51d: {  	[tilespmem:v12+s25+$0x0] =	vst.idx.msk $0xffff, v9  }
0x51e: {  	s17 =	simm.s32 $0x3;
	v9 =	vld.idx.msk [tilespmem:v10+s25+$0x0], $0xffff  }
0x51f: {  	v11 =	vadd.s32 s17, v0  }
0x520: {  	v12 =	vand.u32 $0x1F, v11  }
0x521: {  	v13 =	vor.u32 v3, v12;
	_ =	sdelay $0x1  }
0x522: {  	v9 =	vmul.f32 v9, v6;
	_ =	sdelay $0x1  }
0x523: {  	[tilespmem:v10+s25+$0x0] =	vst.idx.msk $0xffff, v9  }
0x524: {  	v9 =	vld.idx.msk [tilespmem:v13+s25+$0x0], $0xffff;
	_ =	sdelay $0x2  }
0x525: {  	v10 =	vor.u32 v11, v2;
	_ =	sdelay $0x1  }
0x526: {  	v9 =	vmul.f32 v9, v8;
	_ =	sdelay $0x1  }
0x527: {  	[tilespmem:v13+s25+$0x0] =	vst.idx.msk $0xffff, v9  }
0x528: {  	v9 =	vld.idx.msk [tilespmem:v10+s25+$0x0], $0xffff;
	_ =	sdelay $0x2  }
0x529: {  	v12 =	vor.u32 v12, v4;
	_ =	sdelay $0x1  }
0x52a: {  	v9 =	vmul.f32 v9, v7;
	_ =	sdelay $0x1  }
0x52b: {  	[tilespmem:v10+s25+$0x0] =	vst.idx.msk $0xffff, v9  }
0x52c: {  	v9 =	vld.idx.msk [tilespmem:v12+s25+$0x0], $0xffff;
	_ =	sdelay $0x2  }
0x52d: {  	v11 =	vor.u32 v11, v1;
	_ =	sdelay $0x1  }
0x52e: {  	v9 =	vmul.f32 v9, v5;
	_ =	sdelay $0x1  }
0x52f: {  	[tilespmem:v12+s25+$0x0] =	vst.idx.msk $0xffff, v9  }
0x530: {  	s1 =	simm.s32 $0x4;
	v13 =	vld.idx.msk [tilespmem:v11+s25+$0x0], $0xffff  }
0x531: {  	v9 =	vadd.s32 s1, v0  }
0x532: {  	v10 =	vand.u32 $0x1F, v9  }
0x533: {  	v12 =	vor.u32 v3, v10;
	_ =	sdelay $0x1  }
0x534: {  	s2 =	simm.s32 $0x8;
	v13 =	vmul.f32 v13, v6  }
.LBB2_24:
0x535: {  	_ = 	snop  }
0x536: {  	p2 =	slt.u32 s2, $0x1C;
	s11 =	smov.u32 s2;
	s2 =	sadd.s32 $0x4, s2;
	[tilespmem:v11+s25+$0x0] =	vst.idx.msk $0xffff, v13  }
0x537: {  	v11 =	vld.idx.msk [tilespmem:v12+s25+$0x0], $0xffff;
	_ =	sdelay $0x3  }
0x538: {  	v13 =	vor.u32 v9, v2;
	_ =	sdelay $0x1  }
0x539: {  	v11 =	vmul.f32 v11, v8;
	_ =	sdelay $0x1  }
0x53a: {  	[tilespmem:v12+s25+$0x0] =	vst.idx.msk $0xffff, v11  }
0x53b: {  	v11 =	vld.idx.msk [tilespmem:v13+s25+$0x0], $0xffff;
	_ =	sdelay $0x3  }
0x53c: {  	v10 =	vor.u32 v10, v4;
	_ =	sdelay $0x1  }
0x53d: {  	v11 =	vmul.f32 v11, v7;
	_ =	sdelay $0x1  }
0x53e: {  	[tilespmem:v13+s25+$0x0] =	vst.idx.msk $0xffff, v11  }
0x53f: {  	v11 =	vld.idx.msk [tilespmem:v10+s25+$0x0], $0xffff;
	_ =	sdelay $0x3  }
0x540: {  	v9 =	vor.u32 v9, v1;
	_ =	sdelay $0x1  }
0x541: {  	v11 =	vmul.f32 v11, v5;
	_ =	sdelay $0x1  }
0x542: {  	[tilespmem:v10+s25+$0x0] =	vst.idx.msk $0xffff, v11  }
0x543: {  	v10 =	vld.idx.msk [tilespmem:v9+s25+$0x0], $0xffff  }
0x544: {  	s15 =	sadd.s32 $0x1, s1  }
0x545: {  	v11 =	vadd.s32 s15, v0  }
0x546: {  	v12 =	vand.u32 $0x1F, v11  }
0x547: {  	v13 =	vor.u32 v3, v12;
	_ =	sdelay $0x1  }
0x548: {  	v10 =	vmul.f32 v10, v6;
	_ =	sdelay $0x1  }
0x549: {  	[tilespmem:v9+s25+$0x0] =	vst.idx.msk $0xffff, v10  }
0x54a: {  	v9 =	vld.idx.msk [tilespmem:v13+s25+$0x0], $0xffff;
	_ =	sdelay $0x3  }
0x54b: {  	v10 =	vor.u32 v11, v2;
	_ =	sdelay $0x1  }
0x54c: {  	v9 =	vmul.f32 v9, v8;
	_ =	sdelay $0x1  }
0x54d: {  	[tilespmem:v13+s25+$0x0] =	vst.idx.msk $0xffff, v9  }
0x54e: {  	v9 =	vld.idx.msk [tilespmem:v10+s25+$0x0], $0xffff;
	_ =	sdelay $0x3  }
0x54f: {  	v12 =	vor.u32 v12, v4;
	_ =	sdelay $0x1  }
0x550: {  	v9 =	vmul.f32 v9, v7;
	_ =	sdelay $0x1  }
0x551: {  	[tilespmem:v10+s25+$0x0] =	vst.idx.msk $0xffff, v9  }
0x552: {  	v9 =	vld.idx.msk [tilespmem:v12+s25+$0x0], $0xffff;
	_ =	sdelay $0x3  }
0x553: {  	v10 =	vor.u32 v11, v1;
	_ =	sdelay $0x1  }
0x554: {  	v9 =	vmul.f32 v9, v5;
	_ =	sdelay $0x1  }
0x555: {  	[tilespmem:v12+s25+$0x0] =	vst.idx.msk $0xffff, v9  }
0x556: {  	v9 =	vld.idx.msk [tilespmem:v10+s25+$0x0], $0xffff  }
0x557: {  	s15 =	sadd.s32 $0x2, s1  }
0x558: {  	v11 =	vadd.s32 s15, v0  }
0x559: {  	v12 =	vand.u32 $0x1F, v11  }
0x55a: {  	v13 =	vor.u32 v3, v12;
	_ =	sdelay $0x1  }
0x55b: {  	v9 =	vmul.f32 v9, v6;
	_ =	sdelay $0x1  }
0x55c: {  	[tilespmem:v10+s25+$0x0] =	vst.idx.msk $0xffff, v9  }
0x55d: {  	v9 =	vld.idx.msk [tilespmem:v13+s25+$0x0], $0xffff;
	_ =	sdelay $0x3  }
0x55e: {  	v10 =	vor.u32 v11, v2;
	_ =	sdelay $0x1  }
0x55f: {  	v9 =	vmul.f32 v9, v8;
	_ =	sdelay $0x1  }
0x560: {  	[tilespmem:v13+s25+$0x0] =	vst.idx.msk $0xffff, v9  }
0x561: {  	v9 =	vld.idx.msk [tilespmem:v10+s25+$0x0], $0xffff;
	_ =	sdelay $0x3  }
0x562: {  	v12 =	vor.u32 v12, v4;
	_ =	sdelay $0x1  }
0x563: {  	v9 =	vmul.f32 v9, v7;
	_ =	sdelay $0x1  }
0x564: {  	[tilespmem:v10+s25+$0x0] =	vst.idx.msk $0xffff, v9  }
0x565: {  	v9 =	vld.idx.msk [tilespmem:v12+s25+$0x0], $0xffff;
	_ =	sdelay $0x3  }
0x566: {  	v10 =	vor.u32 v11, v1;
	_ =	sdelay $0x1  }
0x567: {  	v9 =	vmul.f32 v9, v5;
	_ =	sdelay $0x1  }
0x568: {  	[tilespmem:v12+s25+$0x0] =	vst.idx.msk $0xffff, v9  }
0x569: {  	v9 =	vld.idx.msk [tilespmem:v10+s25+$0x0], $0xffff  }
0x56a: {  	s15 =	sadd.s32 $0x3, s1;
	s1 =	smov.u32 s11  }
0x56b: {  	v11 =	vadd.s32 s15, v0  }
0x56c: {  	v12 =	vand.u32 $0x1F, v11  }
0x56d: {  	v13 =	vor.u32 v3, v12;
	_ =	sdelay $0x1  }
0x56e: {  	v9 =	vmul.f32 v9, v6;
	_ =	sdelay $0x1  }
0x56f: {  	[tilespmem:v10+s25+$0x0] =	vst.idx.msk $0xffff, v9  }
0x570: {  	v9 =	vld.idx.msk [tilespmem:v13+s25+$0x0], $0xffff;
	_ =	sdelay $0x3  }
0x571: {  	v10 =	vor.u32 v11, v2;
	_ =	sdelay $0x1  }
0x572: {  	v9 =	vmul.f32 v9, v8;
	_ =	sdelay $0x1  }
0x573: {  	[tilespmem:v13+s25+$0x0] =	vst.idx.msk $0xffff, v9  }
0x574: {  	v9 =	vld.idx.msk [tilespmem:v10+s25+$0x0], $0xffff;
	_ =	sdelay $0x3  }
0x575: {  	v12 =	vor.u32 v12, v4;
	_ =	sdelay $0x1  }
0x576: {  	v9 =	vmul.f32 v9, v7;
	_ =	sdelay $0x1  }
0x577: {  	[tilespmem:v10+s25+$0x0] =	vst.idx.msk $0xffff, v9  }
0x578: {  	v9 =	vld.idx.msk [tilespmem:v12+s25+$0x0], $0xffff;
	_ =	sdelay $0x3  }
0x579: {  	v11 =	vor.u32 v11, v1;
	_ =	sdelay $0x1  }
0x57a: {  	v9 =	vmul.f32 v9, v5;
	_ =	sdelay $0x1  }
0x57b: {  	[tilespmem:v12+s25+$0x0] =	vst.idx.msk $0xffff, v9  }
0x57c: {  	v13 =	vld.idx.msk [tilespmem:v11+s25+$0x0], $0xffff;
	_ =	sdelay $0x1  }
.Ltmp10:
0x57d: {  	v9 =	vadd.s32 s1, v0;
	(pc) =	sbr.rel @p2 .LBB2_24-.Ltmp10, $3  }
0x57e: {  	v10 =	vand.u32 $0x1F, v9  }
0x57f: {  	v12 =	vor.u32 v3, v10;
	_ =	sdelay $0x1  }
0x580: {  	v13 =	vmul.f32 v13, v6  }
0x581: {  	_ =	sdelay $0x3  }
0x582: {  	[tilespmem:v11+s25+$0x0] =	vst.idx.msk $0xffff, v13  }
0x583: {  	v11 =	vld.idx.msk [tilespmem:v12+s25+$0x0], $0xffff;
	_ =	sdelay $0x2  }
0x584: {  	v48 =	vor.u32 v9, v2;
	_ =	sdelay $0x1  }
0x585: {  	v11 =	vmul.f32 v11, v8;
	_ =	sdelay $0x1  }
0x586: {  	[tilespmem:v12+s25+$0x0] =	vst.idx.msk $0xffff, v11  }
0x587: {  	v11 =	vld.idx.msk [tilespmem:v48+s25+$0x0], $0xffff;
	_ =	sdelay $0x2  }
0x588: {  	v10 =	vor.u32 v10, v4;
	_ =	sdelay $0x1  }
0x589: {  	v11 =	vmul.f32 v11, v7;
	_ =	sdelay $0x1  }
0x58a: {  	[tilespmem:v48+s25+$0x0] =	vst.idx.msk $0xffff, v11  }
0x58b: {  	v11 =	vld.idx.msk [tilespmem:v10+s25+$0x0], $0xffff;
	_ =	sdelay $0x2  }
0x58c: {  	v49 =	vor.u32 v9, v1;
	_ =	sdelay $0x1  }
0x58d: {  	v11 =	vmul.f32 v11, v5;
	_ =	sdelay $0x1  }
0x58e: {  	[tilespmem:v10+s25+$0x0] =	vst.idx.msk $0xffff, v11  }
0x58f: {  	s2 =	sadd.s32 $0x1, s1;
	v10 =	vld.idx.msk [tilespmem:v49+s25+$0x0], $0xffff  }
0x590: {  	v50 =	vadd.s32 s2, v0  }
0x591: {  	v51 =	vand.u32 $0x1F, v50  }
0x592: {  	v52 =	vor.u32 v3, v51;
	_ =	sdelay $0x1  }
0x593: {  	v10 =	vmul.f32 v10, v6;
	_ =	sdelay $0x1  }
0x594: {  	[tilespmem:v49+s25+$0x0] =	vst.idx.msk $0xffff, v10  }
0x595: {  	v9 =	vld.idx.msk [tilespmem:v52+s25+$0x0], $0xffff;
	_ =	sdelay $0x2  }
0x596: {  	v53 =	vor.u32 v50, v2;
	_ =	sdelay $0x1  }
0x597: {  	v9 =	vmul.f32 v9, v8;
	_ =	sdelay $0x1  }
0x598: {  	[tilespmem:v52+s25+$0x0] =	vst.idx.msk $0xffff, v9  }
0x599: {  	v9 =	vld.idx.msk [tilespmem:v53+s25+$0x0], $0xffff;
	_ =	sdelay $0x2  }
0x59a: {  	v12 =	vor.u32 v51, v4;
	_ =	sdelay $0x1  }
0x59b: {  	v9 =	vmul.f32 v9, v7;
	_ =	sdelay $0x1  }
0x59c: {  	[tilespmem:v53+s25+$0x0] =	vst.idx.msk $0xffff, v9  }
0x59d: {  	v9 =	vld.idx.msk [tilespmem:v12+s25+$0x0], $0xffff;
	_ =	sdelay $0x2  }
0x59e: {  	v54 =	vor.u32 v50, v1;
	_ =	sdelay $0x1  }
0x59f: {  	v9 =	vmul.f32 v9, v5;
	_ =	sdelay $0x1  }
0x5a0: {  	[tilespmem:v12+s25+$0x0] =	vst.idx.msk $0xffff, v9  }
0x5a1: {  	s15 =	sadd.s32 $0x2, s1;
	v9 =	vld.idx.msk [tilespmem:v54+s25+$0x0], $0xffff  }
0x5a2: {  	v55 =	vadd.s32 s15, v0  }
0x5a3: {  	v56 =	vand.u32 $0x1F, v55  }
0x5a4: {  	v57 =	vor.u32 v3, v56;
	_ =	sdelay $0x1  }
0x5a5: {  	v9 =	vmul.f32 v9, v6;
	_ =	sdelay $0x1  }
0x5a6: {  	[tilespmem:v54+s25+$0x0] =	vst.idx.msk $0xffff, v9  }
0x5a7: {  	v9 =	vld.idx.msk [tilespmem:v57+s25+$0x0], $0xffff;
	_ =	sdelay $0x2  }
0x5a8: {  	v58 =	vor.u32 v55, v2;
	_ =	sdelay $0x1  }
0x5a9: {  	v9 =	vmul.f32 v9, v8;
	_ =	sdelay $0x1  }
0x5aa: {  	[tilespmem:v57+s25+$0x0] =	vst.idx.msk $0xffff, v9  }
0x5ab: {  	v9 =	vld.idx.msk [tilespmem:v58+s25+$0x0], $0xffff;
	_ =	sdelay $0x2  }
0x5ac: {  	v12 =	vor.u32 v56, v4;
	_ =	sdelay $0x1  }
0x5ad: {  	v9 =	vmul.f32 v9, v7;
	_ =	sdelay $0x1  }
0x5ae: {  	[tilespmem:v58+s25+$0x0] =	vst.idx.msk $0xffff, v9  }
0x5af: {  	v9 =	vld.idx.msk [tilespmem:v12+s25+$0x0], $0xffff;
	_ =	sdelay $0x2  }
0x5b0: {  	v59 =	vor.u32 v55, v1;
	_ =	sdelay $0x1  }
0x5b1: {  	v9 =	vmul.f32 v9, v5;
	_ =	sdelay $0x1  }
0x5b2: {  	[tilespmem:v12+s25+$0x0] =	vst.idx.msk $0xffff, v9  }
0x5b3: {  	s17 =	sadd.s32 $0x3, s1;
	v9 =	vld.idx.msk [tilespmem:v59+s25+$0x0], $0xffff  }
0x5b4: {  	v60 =	vadd.s32 s17, v0  }
0x5b5: {  	v61 =	vand.u32 $0x1F, v60  }
0x5b6: {  	v3 =	vor.u32 v3, v61;
	_ =	sdelay $0x1  }
0x5b7: {  	v9 =	vmul.f32 v9, v6;
	_ =	sdelay $0x1  }
0x5b8: {  	[tilespmem:v59+s25+$0x0] =	vst.idx.msk $0xffff, v9  }
0x5b9: {  	v9 =	vld.idx.msk [tilespmem:v3+s25+$0x0], $0xffff;
	_ =	sdelay $0x2  }
0x5ba: {  	v2 =	vor.u32 v60, v2;
	_ =	sdelay $0x1  }
0x5bb: {  	v62 =	vmul.f32 v9, v8;
	_ =	sdelay $0x1  }
0x5bc: {  	[tilespmem:v3+s25+$0x0] =	vst.idx.msk $0xffff, v62  }
0x5bd: {  	v3 =	vld.idx.msk [tilespmem:v2+s25+$0x0], $0xffff;
	_ =	sdelay $0x2  }
0x5be: {  	v63 =	vor.u32 v61, v4;
	_ =	sdelay $0x1  }
0x5bf: {  	v3 =	vmul.f32 v3, v7;
	_ =	sdelay $0x1  }
0x5c0: {  	[tilespmem:v2+s25+$0x0] =	vst.idx.msk $0xffff, v3  }
0x5c1: {  	v2 =	vld.idx.msk [tilespmem:v63+s25+$0x0], $0xffff;
	_ =	sdelay $0x2  }
0x5c2: {  	v1 =	vor.u32 v60, v1;
	_ =	sdelay $0x1  }
0x5c3: {  	v2 =	vmul.f32 v2, v5;
	_ =	sdelay $0x1  }
0x5c4: {  	[tilespmem:v63+s25+$0x0] =	vst.idx.msk $0xffff, v2  }
0x5c5: {  	v2 =	vld.idx.msk [tilespmem:v1+s25+$0x0], $0xffff;
	_ =	sdelay $0x2  }
.Ltmp11:
0x5c6: {  	_ = 	snop;
	(pc) =	sbr.rel @p1 .LBB2_21-.Ltmp11, $3  }
0x5c7: {  	_ = 	snop  }
0x5c8: {  	v2 =	vmul.f32 v2, v6;
	_ =	sdelay $0x1  }
0x5c9: {  	s1 =	simm.s32 $0x10;
	p2 =	por $0x0, $0x0;
	[tilespmem:v1+s25+$0x0] =	vst.idx.msk $0xffff, v2  }
0x5ca: {  	s4 =	sadd.s32 $0x1, s4  }
0x5cb: {  	p1 =	sne.s32 s4, $0x4F  }
.Ltmp12:
0x5cc: {  	_ = 	snop;
	(pc) =	sbr.rel @p1 .LBB2_2-.Ltmp12, $4  }
0x5cd: {  	s1 =	rddreg [dreg:$0x2];
	s2 =	simm.s32 $0xE0  }
0x5ce: {  	[spmem:s1] =	stream.indirect.scatter.add.f32 [tilespmem:s13], [sflag:$0xC], $0x10, s2, s16, $0xb8;
	[tilespmem:$0x1C4D8] =	vst v63  }
0x5cf: {  	s17 =	rddreg [dreg:$0x3];
	s0 =	simm.s32 $0xE0  }
0x5d0: {  	[spmem:s17] =	stream.indirect.scatter.add.f32 [tilespmem:s25], [sflag:$0xE], $0x80, s2, s16, $0xb8;
	[tilespmem:$0x1C4D8] =	vst v63  }
0x5d1: {  	s1 =	simm.s32 $0xC  }
0x5d2: {  	_ =	swait.ge [sflag:s1], $0x200  }
0x5d3: {  	[sflag:s1] =	ssyncset.done $0x0  }
0x5d4: {  	s2 =	simm.s32 $0xE;
	[sflag:s1] =	ssyncadd.s32 $0xFFFFFE00  }
0x5d5: {  	_ =	swait.ge [sflag:s2], $0x1000  }
0x5d6: {  	[sflag:s2] =	ssyncset.done $0x0  }
0x5d7: {  	[sflag:s2] =	ssyncadd.s32 $0xFFFFF000  }
0x5d8: {  	_ =	swait.ge [sflag:s29], $0x1000  }
0x5d9: {  	[sflag:s29] =	ssyncset.done $0x0  }
0x5da: {  	[sflag:s29] =	ssyncadd.s32 $0xFFFFF000  }
0x5db: {  	_ =	swait.ge [sflag:s30], $0x1000  }
0x5dc: {  	[sflag:s30] =	ssyncset.done $0x0  }
0x5dd: {  	s3 =	simm.s32 $0x9;
	[sflag:s30] =	ssyncadd.s32 $0xFFFFF000  }
0x5de: {  	_ =	swait.ge [sflag:s3], $0x1000  }
0x5df: {  	[sflag:s3] =	ssyncset.done $0x0  }
0x5e0: {  	[sflag:s3] =	ssyncadd.s32 $0xFFFFF000  }
0x5e1: {  	_ =	swait.ge [sflag:s22], $0x20  }
0x5e2: {  	[sflag:s22] =	ssyncset.done $0x0  }
0x5e3: {  	[sflag:s22] =	ssyncadd.s32 $0xFFFFFFE0  }
0x5e4: {  	_ =	swait.ge [sflag:s22], $0x20  }
0x5e5: {  	[sflag:s22] =	ssyncset.done $0x0  }
0x5e6: {  	[sflag:s22] =	ssyncadd.s32 $0xFFFFFFE0  }
0x5e7: {  	[bflag:$0x0] =	sbarrier.arrive $0xFFFF  }
0x5e8: {  	s11 =	rddreg [dreg:$0x9]  }
0x5e9: {  	s4 =	rddreg [dreg:$0xe]  }
0x5ea: {  	s3 =	simm.s32 $0xF;
	s2 =	rddreg [dreg:$0x1c]  }
0x5eb: {  	[hbm:s4], [sflag:s11] =	dma.local [spmem:s2], $0x4E0  }
0x5ec: {  	_ =	swait.ge [sflag:s3], $0x4E0  }
0x5ed: {  	[sflag:s3] =	ssyncset.done $0x0;
	s5 =	rddreg [dreg:$0x10]  }
0x5ee: {  	s10 =	rddreg [dreg:$0x1d];
	[sflag:s3] =	ssyncadd.s32 $0xFFFFFB20  }
0x5ef: {  	[hbm:s5], [sflag:s11] =	dma.local [spmem:s10], $0x2700  }
0x5f0: {  	_ =	swait.ge [sflag:s3], $0x2700  }
0x5f1: {  	[sflag:s3] =	ssyncset.done $0x0;
	s1 =	rddreg [dreg:$0xf]  }
0x5f2: {  	s2 =	rddreg [dreg:$0x1e];
	[sflag:s3] =	ssyncadd.s32 $0xFFFFD900  }
0x5f3: {  	[hbm:s1], [sflag:s11] =	dma.local @!p0 [spmem:s2], $0x20  }
0x5f4: {  	s1 =	simm.s32 @!p0 $0xF  }
0x5f5: {  	_ =	swait.ge @!p0 [sflag:s1], $0x20  }
0x5f6: {  	[sflag:s1] =	ssyncset.done @!p0 $0x0;
	s2 =	rddreg [dreg:$0x11]  }
0x5f7: {  	s4 =	rddreg [dreg:$0x1f];
	[sflag:s1] =	ssyncadd.s32 @!p0 $0xFFFFFFE0  }
0x5f8: {  	[hbm:s2], [sflag:s11] =	dma.local @!p0 [spmem:s4], $0x100  }
0x5f9: {  	_ =	swait.ge @!p0 [sflag:s1], $0x100  }
0x5fa: {  	s15 =	rddreg [dreg:$0x1b]  }
0x5fb: {  	s17 =	rddreg [dreg:$0x16];
	s4 =	sadd.s32 $0x1, s15  }
0x5fc: {  	p1 =	sne.s32 s4, s17  }
.Ltmp13:
0x5fd: {  	_ = 	snop;
	(pc) =	sbr.rel @p1 .LBB2_1-.Ltmp13, $3  }
0x5fe: {  	_ =	sdelay $0x1  }
0x5ff: {  	[sflag:s1] =	ssyncset.done @!p0 $0x0  }
0x600: {  	[sflag:s1] =	ssyncadd.s32 @!p0 $0xFFFFFF00  }
0x601: {  	_ =	sfence.sel $0x180000  }
0x602: {  	[bflag:$0x0] =	sbarrier.arrive $0xFFFF  }
0x603: {  	_ =	strace $0x90000047  }
0x604: {  	s0 =	stileid.u32;
	[bflag:$0x2] =	sbarrier.arrive $0xFFFF  }
0x605: {  	p0 =	sne.s32 s0, $0x0;
	s0 =	rddreg [dreg:$0x4]  }
0x606: {  	s0 =	sadd.s32 @!p0 $0x100000, s0  }
0x607: {  	[sflag:s0] =	ssyncadd.tile.s32 @!p0 $0x1;
	_ =	shalt  }
.Lfunc_end2:
_tile_overlayer_lowered:
.L_overlay_start_2:
0x608: {  	(tag) =	ssettag $0x2  }
0x609: {  	s0 =	rddreg [dreg:$0x0];
	s2 =	stileid.u32  }
0x60a: {  	s1 =	rddreg [dreg:$0x1];
	p0 =	sne.s32 s2, $0x0  }
0x60b: {  	s3 =	rddreg [dreg:$0x2];
	[bflag:$0x3] =	sbarrier.arrive $0xFFFF;
	s2 =	simm.s32 @!p0 $0x1C0F  }
0x60c: {  	[timem:s3], [sflag:s2] =	dma.local @!p0 [hbm:s0], s1  }
0x60d: {  	s0 =	simm.s32 @!p0 $0xF  }
0x60e: {  	_ =	swait.ge @!p0 [sflag:s0], s1  }
0x60f: {  	s1 =	ssub.s32 @!p0 $0x0, s1;
	[sflag:s0] =	ssyncset.done @!p0 $0x0  }
0x610: {  	[sflag:s0] =	ssyncadd.s32 @!p0 s1  }
0x611: {  	[bflag:$0x3] =	sbarrier.arrive $0xFFFF  }
0x612: {  	_ =	shalt  }

</sc_bundles>
